<compile_context>
chip_gen: v7x
topology: tpu7x:2x2x1
jax: 0.10.2.dev20260603
libtpu: 0.0.44.dev20260713+nightly
codegen_flags: <defaults>
</compile_context>

<pallas_src>
import functools

import jax
import jax.numpy as jnp
from jax import lax
from jax.experimental import pallas as pl
from jax.experimental.pallas import tpu as pltpu
from jax.experimental.pallas import tpu_sc as plsc

USER_N = 1000000
MOVIE_N = 100000
K = 32
B = 16384

NC = 2
NS = 16
NW = NC * NS
BPW = B // NW
NGRP = BPW // 16

CH = 512
NBUF = 3
NBK = 64
BK_U = 48
NBK_M = 10
BK_M = 160
SENTINEL = 0x3FFFFFFF

SLAB_U = 31232
NCH_U = SLAB_U // CH
U_TAIL = (NW * SLAB_U, 512)
U_PART = USER_N - USER_N % 128
U_PART_SZ = USER_N - U_PART

SLAB_M = 3072
NCH_M = SLAB_M // CH
M_TAILS = [(98304, 512), (98816, 512), (99328, 512), (99840, 128)]
M_PART = MOVIE_N - MOVIE_N % 128
M_PART_SZ = MOVIE_N - M_PART


def _extract_table(wid, idx_hbm, tbl_hbm, tail_hbm, tail_buf, out1d,
                   idx_all, bufs, sems, hit_uj, hit_j, stage, cnt,
                   osem, slab, n_total, nch, tails, part_lo, nbk, bk_cap):
    lane = lax.iota(jnp.int32, 16)
    lane0 = lane == 0
    lo = wid * slab
    hi = jnp.where(wid == NW - 1, n_total, lo + slab)

    pltpu.sync_copy(idx_hbm, idx_all)
    cnt[0] = 0
    cnt[1] = 0

    def zero_bk(i, carry):
        cnt[8 + i] = 0
        return carry
    lax.fori_loop(0, nbk, zero_bk, 0)

    def init(v, carry):
        hit_uj[pl.ds(v * 16, 16)] = jnp.full((16,), SENTINEL, jnp.int32)
        return carry
    lax.fori_loop(0, (nbk * bk_cap) // 16, init, 0)

    def start_window(i, b):
        for r in range(K // 8):
            pltpu.make_async_copy(
                tbl_hbm.at[pl.ds(r * 8, 8), pl.ds(lo + i * CH, CH)],
                bufs[b].at[pl.ds(r * 8, 8)], sems[b]).start()

    for b in range(NBUF):
        if b < nch:
            start_window(b, b)

    def scanv(v, carry):
        uv = idx_all[pl.ds(v * 16, 16)]
        m_init = ((uv >= lo) & (uv < hi)).astype(jnp.int32)

        @pl.when(jnp.max(m_init) > 0)
        def _():
            def bit_body(m):
                l = plsc.all_reduce_ffs(m != 0)
                one = (lane == l).astype(jnp.int32)
                uj_s = jnp.sum(uv * one)
                l_s = jnp.max(l)
                bk = (uj_s - lo) >> 9
                cb = cnt[8 + bk]
                slot = bk * bk_cap + cb
                svec = jnp.full((16,), slot, jnp.int32)
                plsc.store_scatter(hit_uj, [svec],
                                   jnp.full((16,), uj_s, jnp.int32),
                                   mask=lane0)
                plsc.store_scatter(hit_j, [svec],
                                   jnp.full((16,), v * 16 + l_s, jnp.int32),
                                   mask=lane0)
                cnt[8 + bk] = cb + 1
                return m * (1 - one)

            lax.while_loop(lambda m: jnp.max(m) > 0, bit_body, m_init)
        return carry

    lax.fori_loop(0, B // 16, scanv, 0)

    def process_chunk(buf, clo, sz):
        bk_base = ((clo - lo) >> 9) * bk_cap

        def hscan(h, carry):
            huj = hit_uj[pl.ds(bk_base + h * 16, 16)]
            hjv = hit_j[pl.ds(bk_base + h * 16, 16)]
            m_init = ((huj >= clo) & (huj < clo + sz)).astype(jnp.int32)

            @pl.when(jnp.max(m_init) > 0)
            def _():
                def bit_body(m):
                    l = plsc.all_reduce_ffs(m != 0)
                    one = (lane == l).astype(jnp.int32)
                    uj_s = jnp.sum(huj * one)
                    j_s = jnp.sum(hjv * one)
                    loc = jnp.full((16,), uj_s - clo, jnp.int32)
                    u0 = plsc.load_gather(buf, [lane, loc])
                    u1 = plsc.load_gather(buf, [lane + 16, loc])
                    c2 = cnt[1]
                    stage[pl.ds(c2 * K, 16)] = u0
                    stage[pl.ds(c2 * K + 16, 16)] = u1
                    pltpu.make_async_copy(
                        stage.at[pl.ds(c2 * K, K)],
                        out1d.at[pl.ds(j_s * K, K)],
                        osem).start()
                    cnt[1] = c2 + 1
                    return m * (1 - one)

                lax.while_loop(lambda m: jnp.max(m) > 0, bit_body, m_init)
            return carry

        lax.fori_loop(0, bk_cap // 16, hscan, 0)

    nloop = nch // NBUF

    def ring(g, carry):
        for b in range(NBUF):
            i = g * NBUF + b
            pltpu.make_async_copy(
                tbl_hbm.at[:, pl.ds(0, CH)], bufs[b], sems[b]).wait()
            process_chunk(bufs[b], lo + i * CH, CH)
            nxt = i + NBUF

            @pl.when(nxt < nch)
            def _():
                start_window(nxt, b)
        return carry

    lax.fori_loop(0, nloop, ring, 0)

    for i in range(nloop * NBUF, nch):
        b = i % NBUF
        pltpu.make_async_copy(
            tbl_hbm.at[:, pl.ds(0, CH)], bufs[b], sems[b]).wait()
        process_chunk(bufs[b], lo + i * CH, CH)

    @pl.when(wid == NW - 1)
    def _tail():
        for off, sz in tails:
            pltpu.sync_copy(tbl_hbm.at[:, pl.ds(jnp.int32(off), sz)],
                            bufs[0].at[:, pl.ds(0, sz)])
            process_chunk(bufs[0], jnp.int32(off), sz)
        pltpu.sync_copy(tail_hbm, tail_buf)
        process_chunk(tail_buf, jnp.int32(part_lo), tail_buf.shape[1])

    def drain(i, carry):
        pltpu.make_async_copy(
            out1d.at[pl.ds(0, K)], stage.at[pl.ds(0, K)], osem).wait()
        return carry
    lax.fori_loop(0, cnt[1], drain, 0)


def _extract_body(u_idx, m_idx, ut_hbm, mt_hbm, ut_tail, mt_tail,
                  u_rows, m_rows, idx_all, cb0, cb1, cb2,
                  hit_uj, hit_j, stage, tail_u_buf, tail_m_buf, cnt,
                  sem0, sem1, sem2, osem):
    wid = lax.axis_index("s") * NC + lax.axis_index("c")
    bufs = (cb0, cb1, cb2)
    sems = (sem0, sem1, sem2)
    _extract_table(wid, u_idx, ut_hbm, ut_tail, tail_u_buf, u_rows,
                   idx_all, bufs, sems, hit_uj, hit_j, stage, cnt,
                   osem, SLAB_U, USER_N, NCH_U, [U_TAIL], U_PART, NBK, BK_U)
    _extract_table(wid, m_idx, mt_hbm, mt_tail, tail_m_buf, m_rows,
                   idx_all, bufs, sems, hit_uj, hit_j, stage, cnt,
                   osem, SLAB_M, MOVIE_N, NCH_M, M_TAILS, M_PART,
                   NBK_M, BK_M)


@functools.partial(
    pl.kernel,
    mesh=plsc.VectorSubcoreMesh(core_axis_name="c", subcore_axis_name="s"),
    out_type=(jax.ShapeDtypeStruct((B * K,), jnp.float32),
              jax.ShapeDtypeStruct((B * K,), jnp.float32)),
    scratch_types=[
        pltpu.VMEM((B,), jnp.int32),
        pltpu.VMEM((K, CH), jnp.float32),
        pltpu.VMEM((K, CH), jnp.float32),
        pltpu.VMEM((K, CH), jnp.float32),
        pltpu.VMEM((NBK * BK_U,), jnp.int32),
        pltpu.VMEM((NBK * BK_U,), jnp.int32),
        pltpu.VMEM((B * K // 16,), jnp.float32),
        pltpu.VMEM((K, U_PART_SZ), jnp.float32),
        pltpu.VMEM((K, M_PART_SZ), jnp.float32),
        pltpu.SMEM((8 + NBK,), jnp.int32),
        pltpu.SemaphoreType.DMA,
        pltpu.SemaphoreType.DMA,
        pltpu.SemaphoreType.DMA,
        pltpu.SemaphoreType.DMA,
    ],
    compiler_params=pltpu.CompilerParams(
        needs_layout_passes=False, use_tc_tiling_on_sc=True),
)
def _sc_extract(u_idx, m_idx, ut_hbm, mt_hbm, ut_tail, mt_tail,
                u_rows, m_rows, idx_all, cb0, cb1, cb2,
                hit_uj, hit_j, stage, tail_u_buf, tail_m_buf, cnt,
                sem0, sem1, sem2, osem):
    _extract_body(u_idx, m_idx, ut_hbm, mt_hbm, ut_tail, mt_tail,
                  u_rows, m_rows, idx_all, cb0, cb1, cb2,
                  hit_uj, hit_j, stage, tail_u_buf, tail_m_buf, cnt,
                  sem0, sem1, sem2, osem)


def _dot_body(u_rows, m_rows, out_hbm, ru, rm, out_v):
    wid = lax.axis_index("s") * NC + lax.axis_index("c")
    base_e = wid * BPW * K
    pltpu.sync_copy(u_rows.at[pl.ds(base_e, BPW * K)], ru)
    pltpu.sync_copy(m_rows.at[pl.ds(base_e, BPW * K)], rm)

    lane = lax.iota(jnp.int32, 16)

    def group(g, carry):
        base = pl.multiple_of(g * 16, 16)
        row = (base + lane) * K
        acc = jnp.zeros((16,), jnp.float32)
        for k in range(K):
            u = plsc.load_gather(ru, [row + k])
            m = plsc.load_gather(rm, [row + k])
            acc = acc + u * m
        out_v[pl.ds(base, 16)] = 1.0 / (1.0 + jnp.exp(jnp.minimum(-acc, 80.0)))
        return carry

    lax.fori_loop(0, NGRP, group, 0)
    pltpu.sync_copy(out_v, out_hbm.at[wid])


@functools.partial(
    pl.kernel,
    mesh=plsc.VectorSubcoreMesh(core_axis_name="c", subcore_axis_name="s"),
    out_type=jax.ShapeDtypeStruct((NW, BPW), jnp.float32),
    scratch_types=[
        pltpu.VMEM((BPW * K,), jnp.float32),
        pltpu.VMEM((BPW * K,), jnp.float32),
        pltpu.VMEM((BPW,), jnp.float32),
    ],
    compiler_params=pltpu.CompilerParams(
        needs_layout_passes=False, use_tc_tiling_on_sc=False),
)
def _sc_dot_sigmoid(u_rows, m_rows, out_hbm, ru, rm, out_v):
    _dot_body(u_rows, m_rows, out_hbm, ru, rm, out_v)



L1_BN = 16384


def _l1_body(n_total, x_ref, o_ref):
    i = pl.program_id(0)

    @pl.when(i == 0)
    def _init():
        o_ref[0, 0] = 0.0

    x = x_ref[...]
    lane = lax.broadcasted_iota(jnp.int32, x.shape, 1)
    x = jnp.where(lane < n_total - i * L1_BN, jnp.abs(x), 0.0)
    o_ref[0, 0] += jnp.sum(x)


def _l1_sum(x_t, n_total):
    grid = (n_total + L1_BN - 1) // L1_BN
    return pl.pallas_call(
        functools.partial(_l1_body, n_total),
        grid=(grid,),
        in_specs=[pl.BlockSpec((K, L1_BN), lambda i: (0, i))],
        out_specs=pl.BlockSpec((1, 1), lambda i: (0, 0),
                               memory_space=pltpu.SMEM),
        out_shape=jax.ShapeDtypeStruct((1, 1), jnp.float32),
        compiler_params=pltpu.CompilerParams(
            dimension_semantics=("arbitrary",)),
    )(x_t)


def kernel(user, movie, user_table, user_bias_table, movie_table,
           movie_bias_table):
    del user_bias_table, movie_bias_table
    ut_t = user_table.T
    mt_t = movie_table.T
    ut_tail = user_table[U_PART:].T
    mt_tail = movie_table[M_PART:].T
    u_rows, m_rows = _sc_extract(user, movie, ut_t, mt_t, ut_tail, mt_tail)
    sig = _sc_dot_sigmoid(u_rows, m_rows).reshape(B)
    l1 = _l1_sum(ut_t, USER_N)[0, 0] + _l1_sum(mt_t, MOVIE_N)[0, 0]
    return (sig, l1)

# --- scband reference (transcript-rebuilt; emitter-appended) ---
"""Pipeline reference for scband-dual-embedding-74655121539731 (READ-ONLY COPY).

The authoritative reference and input builder live on the scoring server;
editing this copy changes nothing except your own understanding.
"""

import jax, jax.numpy as jnp
import numpy as np

USER_N = 1000000
MOVIE_N = 100000
K = 32
B = 16384


def setup_inputs(seed: int = 0) -> dict:
    key = jax.random.key(seed)
    k1, k2, k3, k4, k5, k6 = jax.random.split(key, 6)
    user = jax.random.randint(k1, (B,), 0, USER_N, dtype=jnp.int32)
    movie = jax.random.randint(k2, (B,), 0, MOVIE_N, dtype=jnp.int32)
    user_table = jax.random.normal(k3, (USER_N, K), dtype=jnp.float32)
    user_bias_table = jax.random.normal(k4, (USER_N, 1), dtype=jnp.float32)
    movie_table = jax.random.normal(k5, (MOVIE_N, K), dtype=jnp.float32)
    movie_bias_table = jax.random.normal(k6, (MOVIE_N, 1), dtype=jnp.float32)
    return {
        "user": user,
        "movie": movie,
        "user_table": user_table,
        "user_bias_table": user_bias_table,
        "movie_table": movie_table,
        "movie_bias_table": movie_bias_table,
    }


def reference(user, movie, user_table, user_bias_table, movie_table, movie_bias_table):
    # embedding lookups (gather)
    user_feat = jnp.take(user_table, user, axis=0)
    movie_feat = jnp.take(movie_table, movie, axis=0)
    dot_product = jnp.sum(user_feat * movie_feat, axis=-1)
    user_bias = jnp.take(user_bias_table, user, axis=0).reshape(user.shape)
    movie_bias = jnp.take(movie_bias_table, movie, axis=0).reshape(movie.shape)
    result = dot_product + user_bias + movie_bias  # computed but unused, as in the original forward
    # l1_loss over user_embed and movie_embed parameters (torch.norm(cat, 1) == sum of abs)
    l1 = jnp.sum(jnp.abs(user_table)) + jnp.sum(jnp.abs(movie_table))
    return (jax.nn.sigmoid(dot_product), l1)

if __name__ == "__main__":
    import jax
    _d = setup_inputs()
    print(jax.jit(kernel)(*tuple(_d.values())))

</pallas_src>

<mosaic_0001>
#map = affine_map<(d0, d1) -> (0)>
#map1 = affine_map<(d0, d1) -> (0, 0)>
module attributes {stable_mosaic.version = 14 : i64} {
  func.func @_sc_dot_sigmoid(%arg0: i32, %arg1: i32, %arg2: memref<524288xf32, #tpu.memory_space<hbm>>, %arg3: memref<524288xf32, #tpu.memory_space<hbm>>, %arg4: memref<32x512xf32, #tpu.memory_space<hbm>>, %arg5: memref<16384xf32, #tpu.memory_space<vmem>>, %arg6: memref<16384xf32, #tpu.memory_space<vmem>>, %arg7: memref<512xf32, #tpu.memory_space<vmem>>) attributes {dimension_semantics = [#tpu.dimension_semantics<core_parallel>, #tpu.dimension_semantics<subcore_parallel>], iteration_bounds = array<i64: 2, 16>, scalar_prefetch = 0 : i64, scratch_operands = 3 : i64, tpu.core_type = #tpu.core_type<sc_vector_subcore>, window_params = [{transform_indices = #map}, {transform_indices = #map}, {transform_indices = #map1}]} {
    %mul3A = arith.constant 2 : i32
    %mul3A_0 = arith.muli %arg1, %mul3A : i32
    %add3A = arith.addi %mul3A_0, %arg0 : i32
    %mul3A_1 = arith.constant 512 : i32
    %mul3A_2 = arith.muli %add3A, %mul3A_1 : i32
    %mul3A_3 = arith.constant 32 : i32
    %mul3A_4 = arith.muli %mul3A_2, %mul3A_3 : i32
    "tpu.region"() ({
      %run_scoped3A = tpu.sem_alloc : memref<!tpu.dma_semaphore, #tpu.memory_space<semaphore_mem>>
      %dma_start3A = tpu.memref_slice %arg2[%mul3A_4] : memref<524288xf32, #tpu.memory_space<hbm>> -> memref<16384xf32, #tpu.memory_space<hbm>>
      %dma_start3A_10 = tpu.memref_slice %arg2[%mul3A_4] : memref<524288xf32, #tpu.memory_space<hbm>> -> memref<16384xf32, #tpu.memory_space<hbm>>
      tpu.enqueue_dma source(%dma_start3A_10 : memref<16384xf32, #tpu.memory_space<hbm>>) target(%arg5 : memref<16384xf32, #tpu.memory_space<vmem>>) target_semaphore(%run_scoped3A : memref<!tpu.dma_semaphore, #tpu.memory_space<semaphore_mem>>)
      %dma_wait3A = tpu.memref_slice %arg2[%mul3A_4] : memref<524288xf32, #tpu.memory_space<hbm>> -> memref<16384xf32, #tpu.memory_space<hbm>>
      %dma_wait3A_11 = tpu.memref_slice %arg2[%mul3A_4] : memref<524288xf32, #tpu.memory_space<hbm>> -> memref<16384xf32, #tpu.memory_space<hbm>>
      tpu.wait_dma2 semaphore(%run_scoped3A : memref<!tpu.dma_semaphore, #tpu.memory_space<semaphore_mem>>) src(%dma_wait3A_11 : memref<16384xf32, #tpu.memory_space<hbm>>) dst(%arg5 : memref<16384xf32, #tpu.memory_space<vmem>>)
      tpu.yield
    }) : () -> ()
    "tpu.region"() ({
      %run_scoped3A = tpu.sem_alloc : memref<!tpu.dma_semaphore, #tpu.memory_space<semaphore_mem>>
      %dma_start3A = tpu.memref_slice %arg3[%mul3A_4] : memref<524288xf32, #tpu.memory_space<hbm>> -> memref<16384xf32, #tpu.memory_space<hbm>>
      %dma_start3A_10 = tpu.memref_slice %arg3[%mul3A_4] : memref<524288xf32, #tpu.memory_space<hbm>> -> memref<16384xf32, #tpu.memory_space<hbm>>
      tpu.enqueue_dma source(%dma_start3A_10 : memref<16384xf32, #tpu.memory_space<hbm>>) target(%arg6 : memref<16384xf32, #tpu.memory_space<vmem>>) target_semaphore(%run_scoped3A : memref<!tpu.dma_semaphore, #tpu.memory_space<semaphore_mem>>)
      %dma_wait3A = tpu.memref_slice %arg3[%mul3A_4] : memref<524288xf32, #tpu.memory_space<hbm>> -> memref<16384xf32, #tpu.memory_space<hbm>>
      %dma_wait3A_11 = tpu.memref_slice %arg3[%mul3A_4] : memref<524288xf32, #tpu.memory_space<hbm>> -> memref<16384xf32, #tpu.memory_space<hbm>>
      tpu.wait_dma2 semaphore(%run_scoped3A : memref<!tpu.dma_semaphore, #tpu.memory_space<semaphore_mem>>) src(%dma_wait3A_11 : memref<16384xf32, #tpu.memory_space<hbm>>) dst(%arg6 : memref<16384xf32, #tpu.memory_space<vmem>>)
      tpu.yield
    }) : () -> ()
    %iota3A = tpu.iota {dimensions = array<i32: 0>} : vector<16xi32>
    %scan3A = arith.constant 0 : i32
    %scan3A_5 = arith.constant 0 : i32
    %scan3A_6 = arith.constant 32 : i32
    %scan3A_7 = arith.addi %scan3A_5, %scan3A_6 : i32
    %scan3A_8 = arith.constant 1 : i32
    scf.for %scan3A_10 = %scan3A_5 to %scan3A_7 step %scan3A_8  : i32 {
      %mul3A_11 = arith.constant 16 : i32
      %mul3A_12 = arith.muli %scan3A_10, %mul3A_11 : i32
      %multiple_of3A = tpu.assume_multiple %mul3A_12, 16 : i32
      %add3A_13 = vector.broadcast %multiple_of3A : i32 to vector<16xi32>
      %add3A_14 = arith.addi %add3A_13, %iota3A : vector<16xi32>
      %mul3A_15 = arith.constant 32 : i32
      %mul3A_16 = vector.broadcast %mul3A_15 : i32 to vector<16xi32>
      %mul3A_17 = arith.muli %add3A_14, %mul3A_16 : vector<16xi32>
      %broadcast_in_dim3A = arith.constant 0.000000e+00 : f32
      %broadcast_in_dim3A_18 = vector.broadcast %broadcast_in_dim3A : f32 to vector<16xf32>
      %add3A_19 = arith.constant 0 : i32
      %add3A_20 = vector.broadcast %add3A_19 : i32 to vector<16xi32>
      %add3A_21 = arith.addi %mul3A_17, %add3A_20 : vector<16xi32>
      %gather3A = tpu.vector_load_idx %arg5[%add3A_21] : memref<16384xf32, #tpu.memory_space<vmem>>[vector<16xi32>], vector<16xf32>,
      %add3A_22 = arith.constant 0 : i32
      %add3A_23 = vector.broadcast %add3A_22 : i32 to vector<16xi32>
      %add3A_24 = arith.addi %mul3A_17, %add3A_23 : vector<16xi32>
      %gather3A_25 = tpu.vector_load_idx %arg6[%add3A_24] : memref<16384xf32, #tpu.memory_space<vmem>>[vector<16xi32>], vector<16xf32>,
      %mul3A_26 = arith.mulf %gather3A, %gather3A_25 : vector<16xf32>
      %add3A_27 = arith.addf %broadcast_in_dim3A_18, %mul3A_26 : vector<16xf32>
      %add3A_28 = arith.constant 1 : i32
      %add3A_29 = vector.broadcast %add3A_28 : i32 to vector<16xi32>
      %add3A_30 = arith.addi %mul3A_17, %add3A_29 : vector<16xi32>
      %gather3A_31 = tpu.vector_load_idx %arg5[%add3A_30] : memref<16384xf32, #tpu.memory_space<vmem>>[vector<16xi32>], vector<16xf32>,
      %add3A_32 = arith.constant 1 : i32
      %add3A_33 = vector.broadcast %add3A_32 : i32 to vector<16xi32>
      %add3A_34 = arith.addi %mul3A_17, %add3A_33 : vector<16xi32>
      %gather3A_35 = tpu.vector_load_idx %arg6[%add3A_34] : memref<16384xf32, #tpu.memory_space<vmem>>[vector<16xi32>], vector<16xf32>,
      %mul3A_36 = arith.mulf %gather3A_31, %gather3A_35 : vector<16xf32>
      %add3A_37 = arith.addf %add3A_27, %mul3A_36 : vector<16xf32>
      %add3A_38 = arith.constant 2 : i32
      %add3A_39 = vector.broadcast %add3A_38 : i32 to vector<16xi32>
      %add3A_40 = arith.addi %mul3A_17, %add3A_39 : vector<16xi32>
      %gather3A_41 = tpu.vector_load_idx %arg5[%add3A_40] : memref<16384xf32, #tpu.memory_space<vmem>>[vector<16xi32>], vector<16xf32>,
      %add3A_42 = arith.constant 2 : i32
      %add3A_43 = vector.broadcast %add3A_42 : i32 to vector<16xi32>
      %add3A_44 = arith.addi %mul3A_17, %add3A_43 : vector<16xi32>
      %gather3A_45 = tpu.vector_load_idx %arg6[%add3A_44] : memref<16384xf32, #tpu.memory_space<vmem>>[vector<16xi32>], vector<16xf32>,
      %mul3A_46 = arith.mulf %gather3A_41, %gather3A_45 : vector<16xf32>
      %add3A_47 = arith.addf %add3A_37, %mul3A_46 : vector<16xf32>
      %add3A_48 = arith.constant 3 : i32
      %add3A_49 = vector.broadcast %add3A_48 : i32 to vector<16xi32>
      %add3A_50 = arith.addi %mul3A_17, %add3A_49 : vector<16xi32>
      %gather3A_51 = tpu.vector_load_idx %arg5[%add3A_50] : memref<16384xf32, #tpu.memory_space<vmem>>[vector<16xi32>], vector<16xf32>,
      %add3A_52 = arith.constant 3 : i32
      %add3A_53 = vector.broadcast %add3A_52 : i32 to vector<16xi32>
      %add3A_54 = arith.addi %mul3A_17, %add3A_53 : vector<16xi32>
      %gather3A_55 = tpu.vector_load_idx %arg6[%add3A_54] : memref<16384xf32, #tpu.memory_space<vmem>>[vector<16xi32>], vector<16xf32>,
      %mul3A_56 = arith.mulf %gather3A_51, %gather3A_55 : vector<16xf32>
      %add3A_57 = arith.addf %add3A_47, %mul3A_56 : vector<16xf32>
      %add3A_58 = arith.constant 4 : i32
      %add3A_59 = vector.broadcast %add3A_58 : i32 to vector<16xi32>
      %add3A_60 = arith.addi %mul3A_17, %add3A_59 : vector<16xi32>
      %gather3A_61 = tpu.vector_load_idx %arg5[%add3A_60] : memref<16384xf32, #tpu.memory_space<vmem>>[vector<16xi32>], vector<16xf32>,
      %add3A_62 = arith.constant 4 : i32
      %add3A_63 = vector.broadcast %add3A_62 : i32 to vector<16xi32>
      %add3A_64 = arith.addi %mul3A_17, %add3A_63 : vector<16xi32>
      %gather3A_65 = tpu.vector_load_idx %arg6[%add3A_64] : memref<16384xf32, #tpu.memory_space<vmem>>[vector<16xi32>], vector<16xf32>,
      %mul3A_66 = arith.mulf %gather3A_61, %gather3A_65 : vector<16xf32>
      %add3A_67 = arith.addf %add3A_57, %mul3A_66 : vector<16xf32>
      %add3A_68 = arith.constant 5 : i32
      %add3A_69 = vector.broadcast %add3A_68 : i32 to vector<16xi32>
      %add3A_70 = arith.addi %mul3A_17, %add3A_69 : vector<16xi32>
      %gather3A_71 = tpu.vector_load_idx %arg5[%add3A_70] : memref<16384xf32, #tpu.memory_space<vmem>>[vector<16xi32>], vector<16xf32>,
      %add3A_72 = arith.constant 5 : i32
      %add3A_73 = vector.broadcast %add3A_72 : i32 to vector<16xi32>
      %add3A_74 = arith.addi %mul3A_17, %add3A_73 : vector<16xi32>
      %gather3A_75 = tpu.vector_load_idx %arg6[%add3A_74] : memref<16384xf32, #tpu.memory_space<vmem>>[vector<16xi32>], vector<16xf32>,
      %mul3A_76 = arith.mulf %gather3A_71, %gather3A_75 : vector<16xf32>
      %add3A_77 = arith.addf %add3A_67, %mul3A_76 : vector<16xf32>
      %add3A_78 = arith.constant 6 : i32
      %add3A_79 = vector.broadcast %add3A_78 : i32 to vector<16xi32>
      %add3A_80 = arith.addi %mul3A_17, %add3A_79 : vector<16xi32>
      %gather3A_81 = tpu.vector_load_idx %arg5[%add3A_80] : memref<16384xf32, #tpu.memory_space<vmem>>[vector<16xi32>], vector<16xf32>,
      %add3A_82 = arith.constant 6 : i32
      %add3A_83 = vector.broadcast %add3A_82 : i32 to vector<16xi32>
      %add3A_84 = arith.addi %mul3A_17, %add3A_83 : vector<16xi32>
      %gather3A_85 = tpu.vector_load_idx %arg6[%add3A_84] : memref<16384xf32, #tpu.memory_space<vmem>>[vector<16xi32>], vector<16xf32>,
      %mul3A_86 = arith.mulf %gather3A_81, %gather3A_85 : vector<16xf32>
      %add3A_87 = arith.addf %add3A_77, %mul3A_86 : vector<16xf32>
      %add3A_88 = arith.constant 7 : i32
      %add3A_89 = vector.broadcast %add3A_88 : i32 to vector<16xi32>
      %add3A_90 = arith.addi %mul3A_17, %add3A_89 : vector<16xi32>
      %gather3A_91 = tpu.vector_load_idx %arg5[%add3A_90] : memref<16384xf32, #tpu.memory_space<vmem>>[vector<16xi32>], vector<16xf32>,
      %add3A_92 = arith.constant 7 : i32
      %add3A_93 = vector.broadcast %add3A_92 : i32 to vector<16xi32>
      %add3A_94 = arith.addi %mul3A_17, %add3A_93 : vector<16xi32>
      %gather3A_95 = tpu.vector_load_idx %arg6[%add3A_94] : memref<16384xf32, #tpu.memory_space<vmem>>[vector<16xi32>], vector<16xf32>,
      %mul3A_96 = arith.mulf %gather3A_91, %gather3A_95 : vector<16xf32>
      %add3A_97 = arith.addf %add3A_87, %mul3A_96 : vector<16xf32>
      %add3A_98 = arith.constant 8 : i32
      %add3A_99 = vector.broadcast %add3A_98 : i32 to vector<16xi32>
      %add3A_100 = arith.addi %mul3A_17, %add3A_99 : vector<16xi32>
      %gather3A_101 = tpu.vector_load_idx %arg5[%add3A_100] : memref<16384xf32, #tpu.memory_space<vmem>>[vector<16xi32>], vector<16xf32>,
      %add3A_102 = arith.constant 8 : i32
      %add3A_103 = vector.broadcast %add3A_102 : i32 to vector<16xi32>
      %add3A_104 = arith.addi %mul3A_17, %add3A_103 : vector<16xi32>
      %gather3A_105 = tpu.vector_load_idx %arg6[%add3A_104] : memref<16384xf32, #tpu.memory_space<vmem>>[vector<16xi32>], vector<16xf32>,
      %mul3A_106 = arith.mulf %gather3A_101, %gather3A_105 : vector<16xf32>
      %add3A_107 = arith.addf %add3A_97, %mul3A_106 : vector<16xf32>
      %add3A_108 = arith.constant 9 : i32
      %add3A_109 = vector.broadcast %add3A_108 : i32 to vector<16xi32>
      %add3A_110 = arith.addi %mul3A_17, %add3A_109 : vector<16xi32>
      %gather3A_111 = tpu.vector_load_idx %arg5[%add3A_110] : memref<16384xf32, #tpu.memory_space<vmem>>[vector<16xi32>], vector<16xf32>,
      %add3A_112 = arith.constant 9 : i32
      %add3A_113 = vector.broadcast %add3A_112 : i32 to vector<16xi32>
      %add3A_114 = arith.addi %mul3A_17, %add3A_113 : vector<16xi32>
      %gather3A_115 = tpu.vector_load_idx %arg6[%add3A_114] : memref<16384xf32, #tpu.memory_space<vmem>>[vector<16xi32>], vector<16xf32>,
      %mul3A_116 = arith.mulf %gather3A_111, %gather3A_115 : vector<16xf32>
      %add3A_117 = arith.addf %add3A_107, %mul3A_116 : vector<16xf32>
      %add3A_118 = arith.constant 10 : i32
      %add3A_119 = vector.broadcast %add3A_118 : i32 to vector<16xi32>
      %add3A_120 = arith.addi %mul3A_17, %add3A_119 : vector<16xi32>
      %gather3A_121 = tpu.vector_load_idx %arg5[%add3A_120] : memref<16384xf32, #tpu.memory_space<vmem>>[vector<16xi32>], vector<16xf32>,
      %add3A_122 = arith.constant 10 : i32
      %add3A_123 = vector.broadcast %add3A_122 : i32 to vector<16xi32>
      %add3A_124 = arith.addi %mul3A_17, %add3A_123 : vector<16xi32>
      %gather3A_125 = tpu.vector_load_idx %arg6[%add3A_124] : memref<16384xf32, #tpu.memory_space<vmem>>[vector<16xi32>], vector<16xf32>,
      %mul3A_126 = arith.mulf %gather3A_121, %gather3A_125 : vector<16xf32>
      %add3A_127 = arith.addf %add3A_117, %mul3A_126 : vector<16xf32>
      %add3A_128 = arith.constant 11 : i32
      %add3A_129 = vector.broadcast %add3A_128 : i32 to vector<16xi32>
      %add3A_130 = arith.addi %mul3A_17, %add3A_129 : vector<16xi32>
      %gather3A_131 = tpu.vector_load_idx %arg5[%add3A_130] : memref<16384xf32, #tpu.memory_space<vmem>>[vector<16xi32>], vector<16xf32>,
      %add3A_132 = arith.constant 11 : i32
      %add3A_133 = vector.broadcast %add3A_132 : i32 to vector<16xi32>
      %add3A_134 = arith.addi %mul3A_17, %add3A_133 : vector<16xi32>
      %gather3A_135 = tpu.vector_load_idx %arg6[%add3A_134] : memref<16384xf32, #tpu.memory_space<vmem>>[vector<16xi32>], vector<16xf32>,
      %mul3A_136 = arith.mulf %gather3A_131, %gather3A_135 : vector<16xf32>
      %add3A_137 = arith.addf %add3A_127, %mul3A_136 : vector<16xf32>
      %add3A_138 = arith.constant 12 : i32
      %add3A_139 = vector.broadcast %add3A_138 : i32 to vector<16xi32>
      %add3A_140 = arith.addi %mul3A_17, %add3A_139 : vector<16xi32>
      %gather3A_141 = tpu.vector_load_idx %arg5[%add3A_140] : memref<16384xf32, #tpu.memory_space<vmem>>[vector<16xi32>], vector<16xf32>,
      %add3A_142 = arith.constant 12 : i32
      %add3A_143 = vector.broadcast %add3A_142 : i32 to vector<16xi32>
      %add3A_144 = arith.addi %mul3A_17, %add3A_143 : vector<16xi32>
      %gather3A_145 = tpu.vector_load_idx %arg6[%add3A_144] : memref<16384xf32, #tpu.memory_space<vmem>>[vector<16xi32>], vector<16xf32>,
      %mul3A_146 = arith.mulf %gather3A_141, %gather3A_145 : vector<16xf32>
      %add3A_147 = arith.addf %add3A_137, %mul3A_146 : vector<16xf32>
      %add3A_148 = arith.constant 13 : i32
      %add3A_149 = vector.broadcast %add3A_148 : i32 to vector<16xi32>
      %add3A_150 = arith.addi %mul3A_17, %add3A_149 : vector<16xi32>
      %gather3A_151 = tpu.vector_load_idx %arg5[%add3A_150] : memref<16384xf32, #tpu.memory_space<vmem>>[vector<16xi32>], vector<16xf32>,
      %add3A_152 = arith.constant 13 : i32
      %add3A_153 = vector.broadcast %add3A_152 : i32 to vector<16xi32>
      %add3A_154 = arith.addi %mul3A_17, %add3A_153 : vector<16xi32>
      %gather3A_155 = tpu.vector_load_idx %arg6[%add3A_154] : memref<16384xf32, #tpu.memory_space<vmem>>[vector<16xi32>], vector<16xf32>,
      %mul3A_156 = arith.mulf %gather3A_151, %gather3A_155 : vector<16xf32>
      %add3A_157 = arith.addf %add3A_147, %mul3A_156 : vector<16xf32>
      %add3A_158 = arith.constant 14 : i32
      %add3A_159 = vector.broadcast %add3A_158 : i32 to vector<16xi32>
      %add3A_160 = arith.addi %mul3A_17, %add3A_159 : vector<16xi32>
      %gather3A_161 = tpu.vector_load_idx %arg5[%add3A_160] : memref<16384xf32, #tpu.memory_space<vmem>>[vector<16xi32>], vector<16xf32>,
      %add3A_162 = arith.constant 14 : i32
      %add3A_163 = vector.broadcast %add3A_162 : i32 to vector<16xi32>
      %add3A_164 = arith.addi %mul3A_17, %add3A_163 : vector<16xi32>
      %gather3A_165 = tpu.vector_load_idx %arg6[%add3A_164] : memref<16384xf32, #tpu.memory_space<vmem>>[vector<16xi32>], vector<16xf32>,
      %mul3A_166 = arith.mulf %gather3A_161, %gather3A_165 : vector<16xf32>
      %add3A_167 = arith.addf %add3A_157, %mul3A_166 : vector<16xf32>
      %add3A_168 = arith.constant 15 : i32
      %add3A_169 = vector.broadcast %add3A_168 : i32 to vector<16xi32>
      %add3A_170 = arith.addi %mul3A_17, %add3A_169 : vector<16xi32>
      %gather3A_171 = tpu.vector_load_idx %arg5[%add3A_170] : memref<16384xf32, #tpu.memory_space<vmem>>[vector<16xi32>], vector<16xf32>,
      %add3A_172 = arith.constant 15 : i32
      %add3A_173 = vector.broadcast %add3A_172 : i32 to vector<16xi32>
      %add3A_174 = arith.addi %mul3A_17, %add3A_173 : vector<16xi32>
      %gather3A_175 = tpu.vector_load_idx %arg6[%add3A_174] : memref<16384xf32, #tpu.memory_space<vmem>>[vector<16xi32>], vector<16xf32>,
      %mul3A_176 = arith.mulf %gather3A_171, %gather3A_175 : vector<16xf32>
      %add3A_177 = arith.addf %add3A_167, %mul3A_176 : vector<16xf32>
      %add3A_178 = arith.constant 16 : i32
      %add3A_179 = vector.broadcast %add3A_178 : i32 to vector<16xi32>
      %add3A_180 = arith.addi %mul3A_17, %add3A_179 : vector<16xi32>
      %gather3A_181 = tpu.vector_load_idx %arg5[%add3A_180] : memref<16384xf32, #tpu.memory_space<vmem>>[vector<16xi32>], vector<16xf32>,
      %add3A_182 = arith.constant 16 : i32
      %add3A_183 = vector.broadcast %add3A_182 : i32 to vector<16xi32>
      %add3A_184 = arith.addi %mul3A_17, %add3A_183 : vector<16xi32>
      %gather3A_185 = tpu.vector_load_idx %arg6[%add3A_184] : memref<16384xf32, #tpu.memory_space<vmem>>[vector<16xi32>], vector<16xf32>,
      %mul3A_186 = arith.mulf %gather3A_181, %gather3A_185 : vector<16xf32>
      %add3A_187 = arith.addf %add3A_177, %mul3A_186 : vector<16xf32>
      %add3A_188 = arith.constant 17 : i32
      %add3A_189 = vector.broadcast %add3A_188 : i32 to vector<16xi32>
      %add3A_190 = arith.addi %mul3A_17, %add3A_189 : vector<16xi32>
      %gather3A_191 = tpu.vector_load_idx %arg5[%add3A_190] : memref<16384xf32, #tpu.memory_space<vmem>>[vector<16xi32>], vector<16xf32>,
      %add3A_192 = arith.constant 17 : i32
      %add3A_193 = vector.broadcast %add3A_192 : i32 to vector<16xi32>
      %add3A_194 = arith.addi %mul3A_17, %add3A_193 : vector<16xi32>
      %gather3A_195 = tpu.vector_load_idx %arg6[%add3A_194] : memref<16384xf32, #tpu.memory_space<vmem>>[vector<16xi32>], vector<16xf32>,
      %mul3A_196 = arith.mulf %gather3A_191, %gather3A_195 : vector<16xf32>
      %add3A_197 = arith.addf %add3A_187, %mul3A_196 : vector<16xf32>
      %add3A_198 = arith.constant 18 : i32
      %add3A_199 = vector.broadcast %add3A_198 : i32 to vector<16xi32>
      %add3A_200 = arith.addi %mul3A_17, %add3A_199 : vector<16xi32>
      %gather3A_201 = tpu.vector_load_idx %arg5[%add3A_200] : memref<16384xf32, #tpu.memory_space<vmem>>[vector<16xi32>], vector<16xf32>,
      %add3A_202 = arith.constant 18 : i32
      %add3A_203 = vector.broadcast %add3A_202 : i32 to vector<16xi32>
      %add3A_204 = arith.addi %mul3A_17, %add3A_203 : vector<16xi32>
      %gather3A_205 = tpu.vector_load_idx %arg6[%add3A_204] : memref<16384xf32, #tpu.memory_space<vmem>>[vector<16xi32>], vector<16xf32>,
      %mul3A_206 = arith.mulf %gather3A_201, %gather3A_205 : vector<16xf32>
      %add3A_207 = arith.addf %add3A_197, %mul3A_206 : vector<16xf32>
      %add3A_208 = arith.constant 19 : i32
      %add3A_209 = vector.broadcast %add3A_208 : i32 to vector<16xi32>
      %add3A_210 = arith.addi %mul3A_17, %add3A_209 : vector<16xi32>
      %gather3A_211 = tpu.vector_load_idx %arg5[%add3A_210] : memref<16384xf32, #tpu.memory_space<vmem>>[vector<16xi32>], vector<16xf32>,
      %add3A_212 = arith.constant 19 : i32
      %add3A_213 = vector.broadcast %add3A_212 : i32 to vector<16xi32>
      %add3A_214 = arith.addi %mul3A_17, %add3A_213 : vector<16xi32>
      %gather3A_215 = tpu.vector_load_idx %arg6[%add3A_214] : memref<16384xf32, #tpu.memory_space<vmem>>[vector<16xi32>], vector<16xf32>,
      %mul3A_216 = arith.mulf %gather3A_211, %gather3A_215 : vector<16xf32>
      %add3A_217 = arith.addf %add3A_207, %mul3A_216 : vector<16xf32>
      %add3A_218 = arith.constant 20 : i32
      %add3A_219 = vector.broadcast %add3A_218 : i32 to vector<16xi32>
      %add3A_220 = arith.addi %mul3A_17, %add3A_219 : vector<16xi32>
      %gather3A_221 = tpu.vector_load_idx %arg5[%add3A_220] : memref<16384xf32, #tpu.memory_space<vmem>>[vector<16xi32>], vector<16xf32>,
      %add3A_222 = arith.constant 20 : i32
      %add3A_223 = vector.broadcast %add3A_222 : i32 to vector<16xi32>
      %add3A_224 = arith.addi %mul3A_17, %add3A_223 : vector<16xi32>
      %gather3A_225 = tpu.vector_load_idx %arg6[%add3A_224] : memref<16384xf32, #tpu.memory_space<vmem>>[vector<16xi32>], vector<16xf32>,
      %mul3A_226 = arith.mulf %gather3A_221, %gather3A_225 : vector<16xf32>
      %add3A_227 = arith.addf %add3A_217, %mul3A_226 : vector<16xf32>
      %add3A_228 = arith.constant 21 : i32
      %add3A_229 = vector.broadcast %add3A_228 : i32 to vector<16xi32>
      %add3A_230 = arith.addi %mul3A_17, %add3A_229 : vector<16xi32>
      %gather3A_231 = tpu.vector_load_idx %arg5[%add3A_230] : memref<16384xf32, #tpu.memory_space<vmem>>[vector<16xi32>], vector<16xf32>,
      %add3A_232 = arith.constant 21 : i32
      %add3A_233 = vector.broadcast %add3A_232 : i32 to vector<16xi32>
      %add3A_234 = arith.addi %mul3A_17, %add3A_233 : vector<16xi32>
      %gather3A_235 = tpu.vector_load_idx %arg6[%add3A_234] : memref<16384xf32, #tpu.memory_space<vmem>>[vector<16xi32>], vector<16xf32>,
      %mul3A_236 = arith.mulf %gather3A_231, %gather3A_235 : vector<16xf32>
      %add3A_237 = arith.addf %add3A_227, %mul3A_236 : vector<16xf32>
      %add3A_238 = arith.constant 22 : i32
      %add3A_239 = vector.broadcast %add3A_238 : i32 to vector<16xi32>
      %add3A_240 = arith.addi %mul3A_17, %add3A_239 : vector<16xi32>
      %gather3A_241 = tpu.vector_load_idx %arg5[%add3A_240] : memref<16384xf32, #tpu.memory_space<vmem>>[vector<16xi32>], vector<16xf32>,
      %add3A_242 = arith.constant 22 : i32
      %add3A_243 = vector.broadcast %add3A_242 : i32 to vector<16xi32>
      %add3A_244 = arith.addi %mul3A_17, %add3A_243 : vector<16xi32>
      %gather3A_245 = tpu.vector_load_idx %arg6[%add3A_244] : memref<16384xf32, #tpu.memory_space<vmem>>[vector<16xi32>], vector<16xf32>,
      %mul3A_246 = arith.mulf %gather3A_241, %gather3A_245 : vector<16xf32>
      %add3A_247 = arith.addf %add3A_237, %mul3A_246 : vector<16xf32>
      %add3A_248 = arith.constant 23 : i32
      %add3A_249 = vector.broadcast %add3A_248 : i32 to vector<16xi32>
      %add3A_250 = arith.addi %mul3A_17, %add3A_249 : vector<16xi32>
      %gather3A_251 = tpu.vector_load_idx %arg5[%add3A_250] : memref<16384xf32, #tpu.memory_space<vmem>>[vector<16xi32>], vector<16xf32>,
      %add3A_252 = arith.constant 23 : i32
      %add3A_253 = vector.broadcast %add3A_252 : i32 to vector<16xi32>
      %add3A_254 = arith.addi %mul3A_17, %add3A_253 : vector<16xi32>
      %gather3A_255 = tpu.vector_load_idx %arg6[%add3A_254] : memref<16384xf32, #tpu.memory_space<vmem>>[vector<16xi32>], vector<16xf32>,
      %mul3A_256 = arith.mulf %gather3A_251, %gather3A_255 : vector<16xf32>
      %add3A_257 = arith.addf %add3A_247, %mul3A_256 : vector<16xf32>
      %add3A_258 = arith.constant 24 : i32
      %add3A_259 = vector.broadcast %add3A_258 : i32 to vector<16xi32>
      %add3A_260 = arith.addi %mul3A_17, %add3A_259 : vector<16xi32>
      %gather3A_261 = tpu.vector_load_idx %arg5[%add3A_260] : memref<16384xf32, #tpu.memory_space<vmem>>[vector<16xi32>], vector<16xf32>,
      %add3A_262 = arith.constant 24 : i32
      %add3A_263 = vector.broadcast %add3A_262 : i32 to vector<16xi32>
      %add3A_264 = arith.addi %mul3A_17, %add3A_263 : vector<16xi32>
      %gather3A_265 = tpu.vector_load_idx %arg6[%add3A_264] : memref<16384xf32, #tpu.memory_space<vmem>>[vector<16xi32>], vector<16xf32>,
      %mul3A_266 = arith.mulf %gather3A_261, %gather3A_265 : vector<16xf32>
      %add3A_267 = arith.addf %add3A_257, %mul3A_266 : vector<16xf32>
      %add3A_268 = arith.constant 25 : i32
      %add3A_269 = vector.broadcast %add3A_268 : i32 to vector<16xi32>
      %add3A_270 = arith.addi %mul3A_17, %add3A_269 : vector<16xi32>
      %gather3A_271 = tpu.vector_load_idx %arg5[%add3A_270] : memref<16384xf32, #tpu.memory_space<vmem>>[vector<16xi32>], vector<16xf32>,
      %add3A_272 = arith.constant 25 : i32
      %add3A_273 = vector.broadcast %add3A_272 : i32 to vector<16xi32>
      %add3A_274 = arith.addi %mul3A_17, %add3A_273 : vector<16xi32>
      %gather3A_275 = tpu.vector_load_idx %arg6[%add3A_274] : memref<16384xf32, #tpu.memory_space<vmem>>[vector<16xi32>], vector<16xf32>,
      %mul3A_276 = arith.mulf %gather3A_271, %gather3A_275 : vector<16xf32>
      %add3A_277 = arith.addf %add3A_267, %mul3A_276 : vector<16xf32>
      %add3A_278 = arith.constant 26 : i32
      %add3A_279 = vector.broadcast %add3A_278 : i32 to vector<16xi32>
      %add3A_280 = arith.addi %mul3A_17, %add3A_279 : vector<16xi32>
      %gather3A_281 = tpu.vector_load_idx %arg5[%add3A_280] : memref<16384xf32, #tpu.memory_space<vmem>>[vector<16xi32>], vector<16xf32>,
      %add3A_282 = arith.constant 26 : i32
      %add3A_283 = vector.broadcast %add3A_282 : i32 to vector<16xi32>
      %add3A_284 = arith.addi %mul3A_17, %add3A_283 : vector<16xi32>
      %gather3A_285 = tpu.vector_load_idx %arg6[%add3A_284] : memref<16384xf32, #tpu.memory_space<vmem>>[vector<16xi32>], vector<16xf32>,
      %mul3A_286 = arith.mulf %gather3A_281, %gather3A_285 : vector<16xf32>
      %add3A_287 = arith.addf %add3A_277, %mul3A_286 : vector<16xf32>
      %add3A_288 = arith.constant 27 : i32
      %add3A_289 = vector.broadcast %add3A_288 : i32 to vector<16xi32>
      %add3A_290 = arith.addi %mul3A_17, %add3A_289 : vector<16xi32>
      %gather3A_291 = tpu.vector_load_idx %arg5[%add3A_290] : memref<16384xf32, #tpu.memory_space<vmem>>[vector<16xi32>], vector<16xf32>,
      %add3A_292 = arith.constant 27 : i32
      %add3A_293 = vector.broadcast %add3A_292 : i32 to vector<16xi32>
      %add3A_294 = arith.addi %mul3A_17, %add3A_293 : vector<16xi32>
      %gather3A_295 = tpu.vector_load_idx %arg6[%add3A_294] : memref<16384xf32, #tpu.memory_space<vmem>>[vector<16xi32>], vector<16xf32>,
      %mul3A_296 = arith.mulf %gather3A_291, %gather3A_295 : vector<16xf32>
      %add3A_297 = arith.addf %add3A_287, %mul3A_296 : vector<16xf32>
      %add3A_298 = arith.constant 28 : i32
      %add3A_299 = vector.broadcast %add3A_298 : i32 to vector<16xi32>
      %add3A_300 = arith.addi %mul3A_17, %add3A_299 : vector<16xi32>
      %gather3A_301 = tpu.vector_load_idx %arg5[%add3A_300] : memref<16384xf32, #tpu.memory_space<vmem>>[vector<16xi32>], vector<16xf32>,
      %add3A_302 = arith.constant 28 : i32
      %add3A_303 = vector.broadcast %add3A_302 : i32 to vector<16xi32>
      %add3A_304 = arith.addi %mul3A_17, %add3A_303 : vector<16xi32>
      %gather3A_305 = tpu.vector_load_idx %arg6[%add3A_304] : memref<16384xf32, #tpu.memory_space<vmem>>[vector<16xi32>], vector<16xf32>,
      %mul3A_306 = arith.mulf %gather3A_301, %gather3A_305 : vector<16xf32>
      %add3A_307 = arith.addf %add3A_297, %mul3A_306 : vector<16xf32>
      %add3A_308 = arith.constant 29 : i32
      %add3A_309 = vector.broadcast %add3A_308 : i32 to vector<16xi32>
      %add3A_310 = arith.addi %mul3A_17, %add3A_309 : vector<16xi32>
      %gather3A_311 = tpu.vector_load_idx %arg5[%add3A_310] : memref<16384xf32, #tpu.memory_space<vmem>>[vector<16xi32>], vector<16xf32>,
      %add3A_312 = arith.constant 29 : i32
      %add3A_313 = vector.broadcast %add3A_312 : i32 to vector<16xi32>
      %add3A_314 = arith.addi %mul3A_17, %add3A_313 : vector<16xi32>
      %gather3A_315 = tpu.vector_load_idx %arg6[%add3A_314] : memref<16384xf32, #tpu.memory_space<vmem>>[vector<16xi32>], vector<16xf32>,
      %mul3A_316 = arith.mulf %gather3A_311, %gather3A_315 : vector<16xf32>
      %add3A_317 = arith.addf %add3A_307, %mul3A_316 : vector<16xf32>
      %add3A_318 = arith.constant 30 : i32
      %add3A_319 = vector.broadcast %add3A_318 : i32 to vector<16xi32>
      %add3A_320 = arith.addi %mul3A_17, %add3A_319 : vector<16xi32>
      %gather3A_321 = tpu.vector_load_idx %arg5[%add3A_320] : memref<16384xf32, #tpu.memory_space<vmem>>[vector<16xi32>], vector<16xf32>,
      %add3A_322 = arith.constant 30 : i32
      %add3A_323 = vector.broadcast %add3A_322 : i32 to vector<16xi32>
      %add3A_324 = arith.addi %mul3A_17, %add3A_323 : vector<16xi32>
      %gather3A_325 = tpu.vector_load_idx %arg6[%add3A_324] : memref<16384xf32, #tpu.memory_space<vmem>>[vector<16xi32>], vector<16xf32>,
      %mul3A_326 = arith.mulf %gather3A_321, %gather3A_325 : vector<16xf32>
      %add3A_327 = arith.addf %add3A_317, %mul3A_326 : vector<16xf32>
      %add3A_328 = arith.constant 31 : i32
      %add3A_329 = vector.broadcast %add3A_328 : i32 to vector<16xi32>
      %add3A_330 = arith.addi %mul3A_17, %add3A_329 : vector<16xi32>
      %gather3A_331 = tpu.vector_load_idx %arg5[%add3A_330] : memref<16384xf32, #tpu.memory_space<vmem>>[vector<16xi32>], vector<16xf32>,
      %add3A_332 = arith.constant 31 : i32
      %add3A_333 = vector.broadcast %add3A_332 : i32 to vector<16xi32>
      %add3A_334 = arith.addi %mul3A_17, %add3A_333 : vector<16xi32>
      %gather3A_335 = tpu.vector_load_idx %arg6[%add3A_334] : memref<16384xf32, #tpu.memory_space<vmem>>[vector<16xi32>], vector<16xf32>,
      %mul3A_336 = arith.mulf %gather3A_331, %gather3A_335 : vector<16xf32>
      %add3A_337 = arith.addf %add3A_327, %mul3A_336 : vector<16xf32>
      %neg3A = arith.constant 0.000000e+00 : f32
      %neg3A_338 = vector.broadcast %neg3A : f32 to vector<16xf32>
      %neg3A_339 = arith.subf %neg3A_338, %add3A_337 : vector<16xf32>
      %min3A = arith.constant 8.000000e+01 : f32
      %min3A_340 = vector.broadcast %min3A : f32 to vector<16xf32>
      %min3A_341 = arith.minimumf %neg3A_339, %min3A_340 : vector<16xf32>
      %exp3A = math.exp %min3A_341 : vector<16xf32>
      %add3A_342 = arith.constant 1.000000e+00 : f32
      %add3A_343 = vector.broadcast %add3A_342 : f32 to vector<16xf32>
      %add3A_344 = arith.addf %add3A_343, %exp3A : vector<16xf32>
      %div3A = arith.constant 1.000000e+00 : f32
      %div3A_345 = vector.broadcast %div3A : f32 to vector<16xf32>
      %div3A_346 = arith.divf %div3A_345, %add3A_344 : vector<16xf32>
      %swap3A = arith.index_cast %multiple_of3A : i32 to index
      %swap3A_347 = tpu.vector_load %arg7[%swap3A] {strides = array<i32>} : memref<512xf32, #tpu.memory_space<vmem>>, vector<16xf32>,
      tpu.vector_store %arg7[%swap3A], %div3A_346 {strides = array<i32>} : memref<512xf32, #tpu.memory_space<vmem>>, vector<16xf32>,
    }
    %scan3A_9 = arith.constant 32 : i32
    "tpu.region"() ({
      %run_scoped3A = tpu.sem_alloc : memref<!tpu.dma_semaphore, #tpu.memory_space<semaphore_mem>>
      %dma_start3A = arith.constant 0 : i32
      %dma_start3A_10 = tpu.memref_slice %arg4[%add3A, %dma_start3A] : memref<32x512xf32, #tpu.memory_space<hbm>> -> memref<1x512xf32, #tpu.memory_space<hbm>>
      %dma_start3A_11 = tpu.memref_squeeze %dma_start3A_10 : memref<1x512xf32, #tpu.memory_space<hbm>> -> memref<512xf32, #tpu.memory_space<hbm>>
      %dma_start3A_12 = arith.constant 0 : i32
      %dma_start3A_13 = tpu.memref_slice %arg4[%add3A, %dma_start3A_12] : memref<32x512xf32, #tpu.memory_space<hbm>> -> memref<1x512xf32, #tpu.memory_space<hbm>>
      %dma_start3A_14 = tpu.memref_squeeze %dma_start3A_13 : memref<1x512xf32, #tpu.memory_space<hbm>> -> memref<512xf32, #tpu.memory_space<hbm>>
      tpu.enqueue_dma source(%arg7 : memref<512xf32, #tpu.memory_space<vmem>>) target(%dma_start3A_14 : memref<512xf32, #tpu.memory_space<hbm>>) target_semaphore(%run_scoped3A : memref<!tpu.dma_semaphore, #tpu.memory_space<semaphore_mem>>)
      %dma_wait3A = arith.constant 0 : i32
      %dma_wait3A_15 = tpu.memref_slice %arg4[%add3A, %dma_wait3A] : memref<32x512xf32, #tpu.memory_space<hbm>> -> memref<1x512xf32, #tpu.memory_space<hbm>>
      %dma_wait3A_16 = tpu.memref_squeeze %dma_wait3A_15 : memref<1x512xf32, #tpu.memory_space<hbm>> -> memref<512xf32, #tpu.memory_space<hbm>>
      %dma_wait3A_17 = arith.constant 0 : i32
      %dma_wait3A_18 = tpu.memref_slice %arg4[%add3A, %dma_wait3A_17] : memref<32x512xf32, #tpu.memory_space<hbm>> -> memref<1x512xf32, #tpu.memory_space<hbm>>
      %dma_wait3A_19 = tpu.memref_squeeze %dma_wait3A_18 : memref<1x512xf32, #tpu.memory_space<hbm>> -> memref<512xf32, #tpu.memory_space<hbm>>
      tpu.wait_dma2 semaphore(%run_scoped3A : memref<!tpu.dma_semaphore, #tpu.memory_space<semaphore_mem>>) src(%arg7 : memref<512xf32, #tpu.memory_space<vmem>>) dst(%dma_wait3A_19 : memref<512xf32, #tpu.memory_space<hbm>>)
      tpu.yield
    }) : () -> ()
    return
  }
}

#map = affine_map<(d0, d1) -> (0)>
#map1 = affine_map<(d0, d1) -> (0, 0)>
module attributes {stable_mosaic.version = 14 : i64} {
  func.func @_sc_extract(%arg0: i32, %arg1: i32, %arg2: memref<16384xi32, #tpu.memory_space<hbm>>, %arg3: memref<16384xi32, #tpu.memory_space<hbm>>, %arg4: memref<32x1000000xf32, #tpu.memory_space<hbm>>, %arg5: memref<32x100000xf32, #tpu.memory_space<hbm>>, %arg6: memref<32x64xf32, #tpu.memory_space<hbm>>, %arg7: memref<32x32xf32, #tpu.memory_space<hbm>>, %arg8: memref<524288xf32, #tpu.memory_space<hbm>>, %arg9: memref<524288xf32, #tpu.memory_space<hbm>>, %arg10: memref<16384xi32, #tpu.memory_space<vmem>>, %arg11: memref<32x512xf32, #tpu.memory_space<vmem>>, %arg12: memref<32x512xf32, #tpu.memory_space<vmem>>, %arg13: memref<32x512xf32, #tpu.memory_space<vmem>>, %arg14: memref<3072xi32, #tpu.memory_space<vmem>>, %arg15: memref<3072xi32, #tpu.memory_space<vmem>>, %arg16: memref<32768xf32, #tpu.memory_space<vmem>>, %arg17: memref<32x64xf32, #tpu.memory_space<vmem>>, %arg18: memref<32x32xf32, #tpu.memory_space<vmem>>, %arg19: memref<72xi32, #tpu.memory_space<smem>>, %arg20: memref<!tpu.dma_semaphore, #tpu.memory_space<semaphore_mem>>, %arg21: memref<!tpu.dma_semaphore, #tpu.memory_space<semaphore_mem>>, %arg22: memref<!tpu.dma_semaphore, #tpu.memory_space<semaphore_mem>>, %arg23: memref<!tpu.dma_semaphore, #tpu.memory_space<semaphore_mem>>) attributes {dimension_semantics = [#tpu.dimension_semantics<core_parallel>, #tpu.dimension_semantics<subcore_parallel>], iteration_bounds = array<i64: 2, 16>, scalar_prefetch = 0 : i64, scratch_operands = 14 : i64, tpu.core_type = #tpu.core_type<sc_vector_subcore>, window_params = [{transform_indices = #map}, {transform_indices = #map}, {transform_indices = #map1}, {transform_indices = #map1}, {transform_indices = #map1}, {transform_indices = #map1}, {transform_indices = #map}, {transform_indices = #map}]} {
    %mul3A = arith.constant 2 : i32
    %mul3A_0 = arith.muli %arg1, %mul3A : i32
    %add3A = arith.addi %mul3A_0, %arg0 : i32
    %iota3A = tpu.iota {dimensions = array<i32: 0>} : vector<16xi32>
    %eq3A = arith.constant 0 : i32
    %eq3A_1 = vector.broadcast %eq3A : i32 to vector<16xi32>
    %eq3A_2 = arith.cmpi eq, %iota3A, %eq3A_1 : vector<16xi32>
    %mul3A_3 = arith.constant 31232 : i32
    %mul3A_4 = arith.muli %add3A, %mul3A_3 : i32
    %eq3A_5 = arith.constant 31 : i32
    %eq3A_6 = arith.cmpi eq, %add3A, %eq3A_5 : i32
    %add3A_7 = arith.constant 31232 : i32
    %add3A_8 = arith.addi %mul3A_4, %add3A_7 : i32
    %jit3A = arith.constant 1000000 : i32
    %select_n3A = arith.select %eq3A_6, %jit3A, %add3A_8 : i32
    "tpu.region"() ({
      %run_scoped3A = tpu.sem_alloc : memref<!tpu.dma_semaphore, #tpu.memory_space<semaphore_mem>>
      tpu.enqueue_dma source(%arg2 : memref<16384xi32, #tpu.memory_space<hbm>>) target(%arg10 : memref<16384xi32, #tpu.memory_space<vmem>>) target_semaphore(%run_scoped3A : memref<!tpu.dma_semaphore, #tpu.memory_space<semaphore_mem>>)
      tpu.wait_dma2 semaphore(%run_scoped3A : memref<!tpu.dma_semaphore, #tpu.memory_space<semaphore_mem>>) src(%arg2 : memref<16384xi32, #tpu.memory_space<hbm>>) dst(%arg10 : memref<16384xi32, #tpu.memory_space<vmem>>)
      tpu.yield
    }) : () -> ()
    %swap3A = arith.constant 0 : i32
    %swap3A_9 = arith.constant 0 : i32
    %swap3A_10 = arith.index_cast %swap3A_9 : i32 to index
    %swap3A_11 = memref.load %arg19[%swap3A_10] : memref<72xi32, #tpu.memory_space<smem>>
    memref.store %swap3A, %arg19[%swap3A_10] : memref<72xi32, #tpu.memory_space<smem>>
    %swap3A_12 = arith.constant 0 : i32
    %swap3A_13 = arith.constant 1 : i32
    %swap3A_14 = arith.index_cast %swap3A_13 : i32 to index
    %swap3A_15 = memref.load %arg19[%swap3A_14] : memref<72xi32, #tpu.memory_space<smem>>
    memref.store %swap3A_12, %arg19[%swap3A_14] : memref<72xi32, #tpu.memory_space<smem>>
    %scan3A = arith.constant 0 : i32
    %scan3A_16 = arith.constant 0 : i32
    %scan3A_17 = arith.constant 64 : i32
    %scan3A_18 = arith.addi %scan3A_16, %scan3A_17 : i32
    %scan3A_19 = arith.constant 1 : i32
    scf.for %scan3A_418 = %scan3A_16 to %scan3A_18 step %scan3A_19  : i32 {
      %add3A_419 = arith.constant 8 : i32
      %add3A_420 = arith.addi %add3A_419, %scan3A_418 : i32
      %swap3A_421 = arith.constant 0 : i32
      %swap3A_422 = arith.index_cast %add3A_420 : i32 to index
      %swap3A_423 = memref.load %arg19[%swap3A_422] : memref<72xi32, #tpu.memory_space<smem>>
      memref.store %swap3A_421, %arg19[%swap3A_422] : memref<72xi32, #tpu.memory_space<smem>>
    }
    %scan3A_20 = arith.constant 64 : i32
    %scan3A_21 = arith.constant 0 : i32
    %scan3A_22 = arith.constant 0 : i32
    %scan3A_23 = arith.constant 192 : i32
    %scan3A_24 = arith.addi %scan3A_22, %scan3A_23 : i32
    %scan3A_25 = arith.constant 1 : i32
    scf.for %scan3A_418 = %scan3A_22 to %scan3A_24 step %scan3A_25  : i32 {
      %broadcast_in_dim3A = arith.constant 1073741823 : i32
      %broadcast_in_dim3A_419 = vector.broadcast %broadcast_in_dim3A : i32 to vector<16xi32>
      %mul3A_420 = arith.constant 16 : i32
      %mul3A_421 = arith.muli %scan3A_418, %mul3A_420 : i32
      %swap3A_422 = arith.index_cast %mul3A_421 : i32 to index
      %swap3A_423 = tpu.vector_load %arg14[%swap3A_422] {strides = array<i32>} : memref<3072xi32, #tpu.memory_space<vmem>>, vector<16xi32>,
      tpu.vector_store %arg14[%swap3A_422], %broadcast_in_dim3A_419 {strides = array<i32>} : memref<3072xi32, #tpu.memory_space<vmem>>, vector<16xi32>,
    }
    %scan3A_26 = arith.constant 192 : i32
    %add3A_27 = arith.constant 0 : i32
    %add3A_28 = arith.addi %mul3A_4, %add3A_27 : i32
    %dma_start3A = arith.constant 0 : i32
    %dma_start3A_29 = arith.constant 0 : i32
    %dma_start3A_30 = tpu.memref_slice %arg11[%dma_start3A, %dma_start3A_29] : memref<32x512xf32, #tpu.memory_space<vmem>> -> memref<8x512xf32, #tpu.memory_space<vmem>>
    %dma_start3A_31 = arith.constant 0 : i32
    %dma_start3A_32 = tpu.memref_slice %arg4[%dma_start3A_31, %add3A_28] : memref<32x1000000xf32, #tpu.memory_space<hbm>> -> memref<8x512xf32, #tpu.memory_space<hbm>>
    %dma_start3A_33 = arith.constant 0 : i32
    %dma_start3A_34 = arith.constant 0 : i32
    %dma_start3A_35 = tpu.memref_slice %arg11[%dma_start3A_33, %dma_start3A_34] : memref<32x512xf32, #tpu.memory_space<vmem>> -> memref<8x512xf32, #tpu.memory_space<vmem>>
    %dma_start3A_36 = arith.constant 0 : i32
    %dma_start3A_37 = tpu.memref_slice %arg4[%dma_start3A_36, %add3A_28] : memref<32x1000000xf32, #tpu.memory_space<hbm>> -> memref<8x512xf32, #tpu.memory_space<hbm>>
    tpu.enqueue_dma source(%dma_start3A_37 : memref<8x512xf32, #tpu.memory_space<hbm>>) target(%dma_start3A_35 : memref<8x512xf32, #tpu.memory_space<vmem>>) target_semaphore(%arg20 : memref<!tpu.dma_semaphore, #tpu.memory_space<semaphore_mem>>)
    %add3A_38 = arith.constant 0 : i32
    %add3A_39 = arith.addi %mul3A_4, %add3A_38 : i32
    %dma_start3A_40 = arith.constant 8 : i32
    %dma_start3A_41 = arith.constant 0 : i32
    %dma_start3A_42 = tpu.memref_slice %arg11[%dma_start3A_40, %dma_start3A_41] : memref<32x512xf32, #tpu.memory_space<vmem>> -> memref<8x512xf32, #tpu.memory_space<vmem>>
    %dma_start3A_43 = arith.constant 8 : i32
    %dma_start3A_44 = tpu.memref_slice %arg4[%dma_start3A_43, %add3A_39] : memref<32x1000000xf32, #tpu.memory_space<hbm>> -> memref<8x512xf32, #tpu.memory_space<hbm>>
    %dma_start3A_45 = arith.constant 8 : i32
    %dma_start3A_46 = arith.constant 0 : i32
    %dma_start3A_47 = tpu.memref_slice %arg11[%dma_start3A_45, %dma_start3A_46] : memref<32x512xf32, #tpu.memory_space<vmem>> -> memref<8x512xf32, #tpu.memory_space<vmem>>
    %dma_start3A_48 = arith.constant 8 : i32
    %dma_start3A_49 = tpu.memref_slice %arg4[%dma_start3A_48, %add3A_39] : memref<32x1000000xf32, #tpu.memory_space<hbm>> -> memref<8x512xf32, #tpu.memory_space<hbm>>
    tpu.enqueue_dma source(%dma_start3A_49 : memref<8x512xf32, #tpu.memory_space<hbm>>) target(%dma_start3A_47 : memref<8x512xf32, #tpu.memory_space<vmem>>) target_semaphore(%arg20 : memref<!tpu.dma_semaphore, #tpu.memory_space<semaphore_mem>>)
    %add3A_50 = arith.constant 0 : i32
    %add3A_51 = arith.addi %mul3A_4, %add3A_50 : i32
    %dma_start3A_52 = arith.constant 16 : i32
    %dma_start3A_53 = arith.constant 0 : i32
    %dma_start3A_54 = tpu.memref_slice %arg11[%dma_start3A_52, %dma_start3A_53] : memref<32x512xf32, #tpu.memory_space<vmem>> -> memref<8x512xf32, #tpu.memory_space<vmem>>
    %dma_start3A_55 = arith.constant 16 : i32
    %dma_start3A_56 = tpu.memref_slice %arg4[%dma_start3A_55, %add3A_51] : memref<32x1000000xf32, #tpu.memory_space<hbm>> -> memref<8x512xf32, #tpu.memory_space<hbm>>
    %dma_start3A_57 = arith.constant 16 : i32
    %dma_start3A_58 = arith.constant 0 : i32
    %dma_start3A_59 = tpu.memref_slice %arg11[%dma_start3A_57, %dma_start3A_58] : memref<32x512xf32, #tpu.memory_space<vmem>> -> memref<8x512xf32, #tpu.memory_space<vmem>>
    %dma_start3A_60 = arith.constant 16 : i32
    %dma_start3A_61 = tpu.memref_slice %arg4[%dma_start3A_60, %add3A_51] : memref<32x1000000xf32, #tpu.memory_space<hbm>> -> memref<8x512xf32, #tpu.memory_space<hbm>>
    tpu.enqueue_dma source(%dma_start3A_61 : memref<8x512xf32, #tpu.memory_space<hbm>>) target(%dma_start3A_59 : memref<8x512xf32, #tpu.memory_space<vmem>>) target_semaphore(%arg20 : memref<!tpu.dma_semaphore, #tpu.memory_space<semaphore_mem>>)
    %add3A_62 = arith.constant 0 : i32
    %add3A_63 = arith.addi %mul3A_4, %add3A_62 : i32
    %dma_start3A_64 = arith.constant 24 : i32
    %dma_start3A_65 = arith.constant 0 : i32
    %dma_start3A_66 = tpu.memref_slice %arg11[%dma_start3A_64, %dma_start3A_65] : memref<32x512xf32, #tpu.memory_space<vmem>> -> memref<8x512xf32, #tpu.memory_space<vmem>>
    %dma_start3A_67 = arith.constant 24 : i32
    %dma_start3A_68 = tpu.memref_slice %arg4[%dma_start3A_67, %add3A_63] : memref<32x1000000xf32, #tpu.memory_space<hbm>> -> memref<8x512xf32, #tpu.memory_space<hbm>>
    %dma_start3A_69 = arith.constant 24 : i32
    %dma_start3A_70 = arith.constant 0 : i32
    %dma_start3A_71 = tpu.memref_slice %arg11[%dma_start3A_69, %dma_start3A_70] : memref<32x512xf32, #tpu.memory_space<vmem>> -> memref<8x512xf32, #tpu.memory_space<vmem>>
    %dma_start3A_72 = arith.constant 24 : i32
    %dma_start3A_73 = tpu.memref_slice %arg4[%dma_start3A_72, %add3A_63] : memref<32x1000000xf32, #tpu.memory_space<hbm>> -> memref<8x512xf32, #tpu.memory_space<hbm>>
    tpu.enqueue_dma source(%dma_start3A_73 : memref<8x512xf32, #tpu.memory_space<hbm>>) target(%dma_start3A_71 : memref<8x512xf32, #tpu.memory_space<vmem>>) target_semaphore(%arg20 : memref<!tpu.dma_semaphore, #tpu.memory_space<semaphore_mem>>)
    %add3A_74 = arith.constant 512 : i32
    %add3A_75 = arith.addi %mul3A_4, %add3A_74 : i32
    %dma_start3A_76 = arith.constant 0 : i32
    %dma_start3A_77 = arith.constant 0 : i32
    %dma_start3A_78 = tpu.memref_slice %arg12[%dma_start3A_76, %dma_start3A_77] : memref<32x512xf32, #tpu.memory_space<vmem>> -> memref<8x512xf32, #tpu.memory_space<vmem>>
    %dma_start3A_79 = arith.constant 0 : i32
    %dma_start3A_80 = tpu.memref_slice %arg4[%dma_start3A_79, %add3A_75] : memref<32x1000000xf32, #tpu.memory_space<hbm>> -> memref<8x512xf32, #tpu.memory_space<hbm>>
    %dma_start3A_81 = arith.constant 0 : i32
    %dma_start3A_82 = arith.constant 0 : i32
    %dma_start3A_83 = tpu.memref_slice %arg12[%dma_start3A_81, %dma_start3A_82] : memref<32x512xf32, #tpu.memory_space<vmem>> -> memref<8x512xf32, #tpu.memory_space<vmem>>
    %dma_start3A_84 = arith.constant 0 : i32
    %dma_start3A_85 = tpu.memref_slice %arg4[%dma_start3A_84, %add3A_75] : memref<32x1000000xf32, #tpu.memory_space<hbm>> -> memref<8x512xf32, #tpu.memory_space<hbm>>
    tpu.enqueue_dma source(%dma_start3A_85 : memref<8x512xf32, #tpu.memory_space<hbm>>) target(%dma_start3A_83 : memref<8x512xf32, #tpu.memory_space<vmem>>) target_semaphore(%arg21 : memref<!tpu.dma_semaphore, #tpu.memory_space<semaphore_mem>>)
    %add3A_86 = arith.constant 512 : i32
    %add3A_87 = arith.addi %mul3A_4, %add3A_86 : i32
    %dma_start3A_88 = arith.constant 8 : i32
    %dma_start3A_89 = arith.constant 0 : i32
    %dma_start3A_90 = tpu.memref_slice %arg12[%dma_start3A_88, %dma_start3A_89] : memref<32x512xf32, #tpu.memory_space<vmem>> -> memref<8x512xf32, #tpu.memory_space<vmem>>
    %dma_start3A_91 = arith.constant 8 : i32
    %dma_start3A_92 = tpu.memref_slice %arg4[%dma_start3A_91, %add3A_87] : memref<32x1000000xf32, #tpu.memory_space<hbm>> -> memref<8x512xf32, #tpu.memory_space<hbm>>
    %dma_start3A_93 = arith.constant 8 : i32
    %dma_start3A_94 = arith.constant 0 : i32
    %dma_start3A_95 = tpu.memref_slice %arg12[%dma_start3A_93, %dma_start3A_94] : memref<32x512xf32, #tpu.memory_space<vmem>> -> memref<8x512xf32, #tpu.memory_space<vmem>>
    %dma_start3A_96 = arith.constant 8 : i32
    %dma_start3A_97 = tpu.memref_slice %arg4[%dma_start3A_96, %add3A_87] : memref<32x1000000xf32, #tpu.memory_space<hbm>> -> memref<8x512xf32, #tpu.memory_space<hbm>>
    tpu.enqueue_dma source(%dma_start3A_97 : memref<8x512xf32, #tpu.memory_space<hbm>>) target(%dma_start3A_95 : memref<8x512xf32, #tpu.memory_space<vmem>>) target_semaphore(%arg21 : memref<!tpu.dma_semaphore, #tpu.memory_space<semaphore_mem>>)
    %add3A_98 = arith.constant 512 : i32
    %add3A_99 = arith.addi %mul3A_4, %add3A_98 : i32
    %dma_start3A_100 = arith.constant 16 : i32
    %dma_start3A_101 = arith.constant 0 : i32
    %dma_start3A_102 = tpu.memref_slice %arg12[%dma_start3A_100, %dma_start3A_101] : memref<32x512xf32, #tpu.memory_space<vmem>> -> memref<8x512xf32, #tpu.memory_space<vmem>>
    %dma_start3A_103 = arith.constant 16 : i32
    %dma_start3A_104 = tpu.memref_slice %arg4[%dma_start3A_103, %add3A_99] : memref<32x1000000xf32, #tpu.memory_space<hbm>> -> memref<8x512xf32, #tpu.memory_space<hbm>>
    %dma_start3A_105 = arith.constant 16 : i32
    %dma_start3A_106 = arith.constant 0 : i32
    %dma_start3A_107 = tpu.memref_slice %arg12[%dma_start3A_105, %dma_start3A_106] : memref<32x512xf32, #tpu.memory_space<vmem>> -> memref<8x512xf32, #tpu.memory_space<vmem>>
    %dma_start3A_108 = arith.constant 16 : i32
    %dma_start3A_109 = tpu.memref_slice %arg4[%dma_start3A_108, %add3A_99] : memref<32x1000000xf32, #tpu.memory_space<hbm>> -> memref<8x512xf32, #tpu.memory_space<hbm>>
    tpu.enqueue_dma source(%dma_start3A_109 : memref<8x512xf32, #tpu.memory_space<hbm>>) target(%dma_start3A_107 : memref<8x512xf32, #tpu.memory_space<vmem>>) target_semaphore(%arg21 : memref<!tpu.dma_semaphore, #tpu.memory_space<semaphore_mem>>)
    %add3A_110 = arith.constant 512 : i32
    %add3A_111 = arith.addi %mul3A_4, %add3A_110 : i32
    %dma_start3A_112 = arith.constant 24 : i32
    %dma_start3A_113 = arith.constant 0 : i32
    %dma_start3A_114 = tpu.memref_slice %arg12[%dma_start3A_112, %dma_start3A_113] : memref<32x512xf32, #tpu.memory_space<vmem>> -> memref<8x512xf32, #tpu.memory_space<vmem>>
    %dma_start3A_115 = arith.constant 24 : i32
    %dma_start3A_116 = tpu.memref_slice %arg4[%dma_start3A_115, %add3A_111] : memref<32x1000000xf32, #tpu.memory_space<hbm>> -> memref<8x512xf32, #tpu.memory_space<hbm>>
    %dma_start3A_117 = arith.constant 24 : i32
    %dma_start3A_118 = arith.constant 0 : i32
    %dma_start3A_119 = tpu.memref_slice %arg12[%dma_start3A_117, %dma_start3A_118] : memref<32x512xf32, #tpu.memory_space<vmem>> -> memref<8x512xf32, #tpu.memory_space<vmem>>
    %dma_start3A_120 = arith.constant 24 : i32
    %dma_start3A_121 = tpu.memref_slice %arg4[%dma_start3A_120, %add3A_111] : memref<32x1000000xf32, #tpu.memory_space<hbm>> -> memref<8x512xf32, #tpu.memory_space<hbm>>
    tpu.enqueue_dma source(%dma_start3A_121 : memref<8x512xf32, #tpu.memory_space<hbm>>) target(%dma_start3A_119 : memref<8x512xf32, #tpu.memory_space<vmem>>) target_semaphore(%arg21 : memref<!tpu.dma_semaphore, #tpu.memory_space<semaphore_mem>>)
    %add3A_122 = arith.constant 1024 : i32
    %add3A_123 = arith.addi %mul3A_4, %add3A_122 : i32
    %dma_start3A_124 = arith.constant 0 : i32
    %dma_start3A_125 = arith.constant 0 : i32
    %dma_start3A_126 = tpu.memref_slice %arg13[%dma_start3A_124, %dma_start3A_125] : memref<32x512xf32, #tpu.memory_space<vmem>> -> memref<8x512xf32, #tpu.memory_space<vmem>>
    %dma_start3A_127 = arith.constant 0 : i32
    %dma_start3A_128 = tpu.memref_slice %arg4[%dma_start3A_127, %add3A_123] : memref<32x1000000xf32, #tpu.memory_space<hbm>> -> memref<8x512xf32, #tpu.memory_space<hbm>>
    %dma_start3A_129 = arith.constant 0 : i32
    %dma_start3A_130 = arith.constant 0 : i32
    %dma_start3A_131 = tpu.memref_slice %arg13[%dma_start3A_129, %dma_start3A_130] : memref<32x512xf32, #tpu.memory_space<vmem>> -> memref<8x512xf32, #tpu.memory_space<vmem>>
    %dma_start3A_132 = arith.constant 0 : i32
    %dma_start3A_133 = tpu.memref_slice %arg4[%dma_start3A_132, %add3A_123] : memref<32x1000000xf32, #tpu.memory_space<hbm>> -> memref<8x512xf32, #tpu.memory_space<hbm>>
    tpu.enqueue_dma source(%dma_start3A_133 : memref<8x512xf32, #tpu.memory_space<hbm>>) target(%dma_start3A_131 : memref<8x512xf32, #tpu.memory_space<vmem>>) target_semaphore(%arg22 : memref<!tpu.dma_semaphore, #tpu.memory_space<semaphore_mem>>)
    %add3A_134 = arith.constant 1024 : i32
    %add3A_135 = arith.addi %mul3A_4, %add3A_134 : i32
    %dma_start3A_136 = arith.constant 8 : i32
    %dma_start3A_137 = arith.constant 0 : i32
    %dma_start3A_138 = tpu.memref_slice %arg13[%dma_start3A_136, %dma_start3A_137] : memref<32x512xf32, #tpu.memory_space<vmem>> -> memref<8x512xf32, #tpu.memory_space<vmem>>
    %dma_start3A_139 = arith.constant 8 : i32
    %dma_start3A_140 = tpu.memref_slice %arg4[%dma_start3A_139, %add3A_135] : memref<32x1000000xf32, #tpu.memory_space<hbm>> -> memref<8x512xf32, #tpu.memory_space<hbm>>
    %dma_start3A_141 = arith.constant 8 : i32
    %dma_start3A_142 = arith.constant 0 : i32
    %dma_start3A_143 = tpu.memref_slice %arg13[%dma_start3A_141, %dma_start3A_142] : memref<32x512xf32, #tpu.memory_space<vmem>> -> memref<8x512xf32, #tpu.memory_space<vmem>>
    %dma_start3A_144 = arith.constant 8 : i32
    %dma_start3A_145 = tpu.memref_slice %arg4[%dma_start3A_144, %add3A_135] : memref<32x1000000xf32, #tpu.memory_space<hbm>> -> memref<8x512xf32, #tpu.memory_space<hbm>>
    tpu.enqueue_dma source(%dma_start3A_145 : memref<8x512xf32, #tpu.memory_space<hbm>>) target(%dma_start3A_143 : memref<8x512xf32, #tpu.memory_space<vmem>>) target_semaphore(%arg22 : memref<!tpu.dma_semaphore, #tpu.memory_space<semaphore_mem>>)
    %add3A_146 = arith.constant 1024 : i32
    %add3A_147 = arith.addi %mul3A_4, %add3A_146 : i32
    %dma_start3A_148 = arith.constant 16 : i32
    %dma_start3A_149 = arith.constant 0 : i32
    %dma_start3A_150 = tpu.memref_slice %arg13[%dma_start3A_148, %dma_start3A_149] : memref<32x512xf32, #tpu.memory_space<vmem>> -> memref<8x512xf32, #tpu.memory_space<vmem>>
    %dma_start3A_151 = arith.constant 16 : i32
    %dma_start3A_152 = tpu.memref_slice %arg4[%dma_start3A_151, %add3A_147] : memref<32x1000000xf32, #tpu.memory_space<hbm>> -> memref<8x512xf32, #tpu.memory_space<hbm>>
    %dma_start3A_153 = arith.constant 16 : i32
    %dma_start3A_154 = arith.constant 0 : i32
    %dma_start3A_155 = tpu.memref_slice %arg13[%dma_start3A_153, %dma_start3A_154] : memref<32x512xf32, #tpu.memory_space<vmem>> -> memref<8x512xf32, #tpu.memory_space<vmem>>
    %dma_start3A_156 = arith.constant 16 : i32
    %dma_start3A_157 = tpu.memref_slice %arg4[%dma_start3A_156, %add3A_147] : memref<32x1000000xf32, #tpu.memory_space<hbm>> -> memref<8x512xf32, #tpu.memory_space<hbm>>
    tpu.enqueue_dma source(%dma_start3A_157 : memref<8x512xf32, #tpu.memory_space<hbm>>) target(%dma_start3A_155 : memref<8x512xf32, #tpu.memory_space<vmem>>) target_semaphore(%arg22 : memref<!tpu.dma_semaphore, #tpu.memory_space<semaphore_mem>>)
    %add3A_158 = arith.constant 1024 : i32
    %add3A_159 = arith.addi %mul3A_4, %add3A_158 : i32
    %dma_start3A_160 = arith.constant 24 : i32
    %dma_start3A_161 = arith.constant 0 : i32
    %dma_start3A_162 = tpu.memref_slice %arg13[%dma_start3A_160, %dma_start3A_161] : memref<32x512xf32, #tpu.memory_space<vmem>> -> memref<8x512xf32, #tpu.memory_space<vmem>>
    %dma_start3A_163 = arith.constant 24 : i32
    %dma_start3A_164 = tpu.memref_slice %arg4[%dma_start3A_163, %add3A_159] : memref<32x1000000xf32, #tpu.memory_space<hbm>> -> memref<8x512xf32, #tpu.memory_space<hbm>>
    %dma_start3A_165 = arith.constant 24 : i32
    %dma_start3A_166 = arith.constant 0 : i32
    %dma_start3A_167 = tpu.memref_slice %arg13[%dma_start3A_165, %dma_start3A_166] : memref<32x512xf32, #tpu.memory_space<vmem>> -> memref<8x512xf32, #tpu.memory_space<vmem>>
    %dma_start3A_168 = arith.constant 24 : i32
    %dma_start3A_169 = tpu.memref_slice %arg4[%dma_start3A_168, %add3A_159] : memref<32x1000000xf32, #tpu.memory_space<hbm>> -> memref<8x512xf32, #tpu.memory_space<hbm>>
    tpu.enqueue_dma source(%dma_start3A_169 : memref<8x512xf32, #tpu.memory_space<hbm>>) target(%dma_start3A_167 : memref<8x512xf32, #tpu.memory_space<vmem>>) target_semaphore(%arg22 : memref<!tpu.dma_semaphore, #tpu.memory_space<semaphore_mem>>)
    %scan3A_170 = arith.constant 0 : i32
    %scan3A_171 = arith.constant 0 : i32
    %scan3A_172 = arith.constant 1024 : i32
    %scan3A_173 = arith.addi %scan3A_171, %scan3A_172 : i32
    %scan3A_174 = arith.constant 1 : i32
    scf.for %scan3A_418 = %scan3A_171 to %scan3A_173 step %scan3A_174  : i32 {
      %mul3A_419 = arith.constant 16 : i32
      %mul3A_420 = arith.muli %scan3A_418, %mul3A_419 : i32
      %get3A_421 = arith.index_cast %mul3A_420 : i32 to index
      %get3A_422 = tpu.vector_load %arg10[%get3A_421] {strides = array<i32>} : memref<16384xi32, #tpu.memory_space<vmem>>, vector<16xi32>,
      %ge3A = vector.broadcast %mul3A_4 : i32 to vector<16xi32>
      %ge3A_423 = arith.cmpi sge, %get3A_422, %ge3A : vector<16xi32>
      %lt3A = vector.broadcast %select_n3A : i32 to vector<16xi32>
      %lt3A_424 = arith.cmpi slt, %get3A_422, %lt3A : vector<16xi32>
      %and3A = arith.andi %ge3A_423, %lt3A_424 : vector<16xi1>
      %convert_element_type3A_425 = arith.extui %and3A : vector<16xi1> to vector<16xi32>
      %reduce_max3A = arith.constant true
      %reduce_max3A_426 = vector.broadcast %reduce_max3A : i1 to vector<16xi1>
      %reduce_max3A_427 = arith.constant -2147483648 : i32
      %reduce_max3A_428 = vector.broadcast %reduce_max3A_427 : i32 to vector<16xi32>
      %reduce_max3A_429 = arith.xori %convert_element_type3A_425, %reduce_max3A_428 : vector<16xi32>
      %reduce_max3A_430 = tpu.scan <max>, %reduce_max3A_429 masked %reduce_max3A_426 : vector<16xi32>, vector<16xi1> -> vector<16xi32>
      %reduce_max3A_431 = arith.xori %reduce_max3A_430, %reduce_max3A_428 : vector<16xi32>
      %reduce_max3A_432 = vector.extract %reduce_max3A_431[15] : i32 from vector<16xi32>
      %gt3A = arith.constant 0 : i32
      %gt3A_433 = arith.cmpi sgt, %reduce_max3A_432, %gt3A : i32
      %convert_element_type3A_434 = arith.extui %gt3A_433 : i1 to i32
      %cond3A_435 = arith.constant 0 : i32
      %cond3A_436 = arith.cmpi ne, %convert_element_type3A_434, %cond3A_435 : i32
      scf.if %cond3A_436 {
        %while3A_437 = scf.while (%while3A_438 = %convert_element_type3A_425) : (vector<16xi32>) -> vector<16xi32> {
          %reduce_max3A_439 = arith.constant true
          %reduce_max3A_440 = vector.broadcast %reduce_max3A_439 : i1 to vector<16xi1>
          %reduce_max3A_441 = arith.constant -2147483648 : i32
          %reduce_max3A_442 = vector.broadcast %reduce_max3A_441 : i32 to vector<16xi32>
          %reduce_max3A_443 = arith.xori %while3A_438, %reduce_max3A_442 : vector<16xi32>
          %reduce_max3A_444 = tpu.scan <max>, %reduce_max3A_443 masked %reduce_max3A_440 : vector<16xi32>, vector<16xi1> -> vector<16xi32>
          %reduce_max3A_445 = arith.xori %reduce_max3A_444, %reduce_max3A_442 : vector<16xi32>
          %reduce_max3A_446 = vector.extract %reduce_max3A_445[15] : i32 from vector<16xi32>
          %gt3A_447 = arith.constant 0 : i32
          %gt3A_448 = arith.cmpi sgt, %reduce_max3A_446, %gt3A_447 : i32
          scf.condition(%gt3A_448) %while3A_438 : vector<16xi32>
        } do {
        ^bb0(%while3A_438: vector<16xi32>):
          %ne3A = arith.constant 0 : i32
          %ne3A_439 = vector.broadcast %ne3A : i32 to vector<16xi32>
          %ne3A_440 = arith.cmpi ne, %while3A_438, %ne3A_439 : vector<16xi32>
          %all_reduce_ffs3A = tpu.all_reduce %ne3A_440 {dim = 0 : i64, kind = #tpu.reduction_kind<find_first_set>} : vector<16xi1> -> vector<16xi32>
          %eq3A_441 = arith.cmpi eq, %iota3A, %all_reduce_ffs3A : vector<16xi32>
          %convert_element_type3A_442 = arith.extui %eq3A_441 : vector<16xi1> to vector<16xi32>
          %mul3A_443 = arith.muli %get3A_422, %convert_element_type3A_442 : vector<16xi32>
          %reduce_sum3A = arith.constant true
          %reduce_sum3A_444 = vector.broadcast %reduce_sum3A : i1 to vector<16xi1>
          %reduce_sum3A_445 = tpu.scan <sum>, %mul3A_443 masked %reduce_sum3A_444 : vector<16xi32>, vector<16xi1> -> vector<16xi32>
          %reduce_sum3A_446 = vector.extract %reduce_sum3A_445[15] : i32 from vector<16xi32>
          %reduce_max3A_447 = arith.constant true
          %reduce_max3A_448 = vector.broadcast %reduce_max3A_447 : i1 to vector<16xi1>
          %reduce_max3A_449 = arith.constant -2147483648 : i32
          %reduce_max3A_450 = vector.broadcast %reduce_max3A_449 : i32 to vector<16xi32>
          %reduce_max3A_451 = arith.xori %all_reduce_ffs3A, %reduce_max3A_450 : vector<16xi32>
          %reduce_max3A_452 = tpu.scan <max>, %reduce_max3A_451 masked %reduce_max3A_448 : vector<16xi32>, vector<16xi1> -> vector<16xi32>
          %reduce_max3A_453 = arith.xori %reduce_max3A_452, %reduce_max3A_450 : vector<16xi32>
          %reduce_max3A_454 = vector.extract %reduce_max3A_453[15] : i32 from vector<16xi32>
          %sub3A_455 = arith.subi %reduce_sum3A_446, %mul3A_4 : i32
          %shift_right_arithmetic3A_456 = arith.constant 9 : i32
          %shift_right_arithmetic3A_457 = arith.shrsi %sub3A_455, %shift_right_arithmetic3A_456 : i32
          %add3A_458 = arith.constant 8 : i32
          %add3A_459 = arith.addi %add3A_458, %shift_right_arithmetic3A_457 : i32
          %get3A_460 = arith.index_cast %add3A_459 : i32 to index
          %get3A_461 = memref.load %arg19[%get3A_460] : memref<72xi32, #tpu.memory_space<smem>>
          %mul3A_462 = arith.constant 48 : i32
          %mul3A_463 = arith.muli %shift_right_arithmetic3A_457, %mul3A_462 : i32
          %add3A_464 = arith.addi %mul3A_463, %get3A_461 : i32
          %broadcast_in_dim3A = vector.broadcast %add3A_464 : i32 to vector<16xi32>
          %broadcast_in_dim3A_465 = vector.broadcast %reduce_sum3A_446 : i32 to vector<16xi32>
          tpu.vector_store_idx %arg14[%broadcast_in_dim3A], %broadcast_in_dim3A_465 masked %eq3A_2 : memref<3072xi32, #tpu.memory_space<vmem>>[vector<16xi32>], vector<16xi32>, vector<16xi1>
          %mul3A_466 = arith.constant 16 : i32
          %mul3A_467 = arith.muli %scan3A_418, %mul3A_466 : i32
          %add3A_468 = arith.addi %mul3A_467, %reduce_max3A_454 : i32
          %broadcast_in_dim3A_469 = vector.broadcast %add3A_468 : i32 to vector<16xi32>
          tpu.vector_store_idx %arg15[%broadcast_in_dim3A], %broadcast_in_dim3A_469 masked %eq3A_2 : memref<3072xi32, #tpu.memory_space<vmem>>[vector<16xi32>], vector<16xi32>, vector<16xi1>
          %add3A_470 = arith.constant 1 : i32
          %add3A_471 = arith.addi %get3A_461, %add3A_470 : i32
          %add3A_472 = arith.constant 8 : i32
          %add3A_473 = arith.addi %add3A_472, %shift_right_arithmetic3A_457 : i32
          %swap3A_474 = arith.index_cast %add3A_473 : i32 to index
          %swap3A_475 = memref.load %arg19[%swap3A_474] : memref<72xi32, #tpu.memory_space<smem>>
          memref.store %add3A_471, %arg19[%swap3A_474] : memref<72xi32, #tpu.memory_space<smem>>
          %sub3A_476 = arith.constant 1 : i32
          %sub3A_477 = vector.broadcast %sub3A_476 : i32 to vector<16xi32>
          %sub3A_478 = arith.subi %sub3A_477, %convert_element_type3A_442 : vector<16xi32>
          %mul3A_479 = arith.muli %while3A_438, %sub3A_478 : vector<16xi32>
          scf.yield %mul3A_479 : vector<16xi32>
        }
      } else {
      }
    }
    %scan3A_175 = arith.constant 1024 : i32
    %scan3A_176 = arith.constant 0 : i32
    %scan3A_177 = arith.constant 0 : i32
    %scan3A_178 = arith.constant 20 : i32
    %scan3A_179 = arith.addi %scan3A_177, %scan3A_178 : i32
    %scan3A_180 = arith.constant 1 : i32
    scf.for %scan3A_418 = %scan3A_177 to %scan3A_179 step %scan3A_180  : i32 {
      %mul3A_419 = arith.constant 3 : i32
      %mul3A_420 = arith.muli %scan3A_418, %mul3A_419 : i32
      %add3A_421 = arith.constant 0 : i32
      %add3A_422 = arith.addi %mul3A_420, %add3A_421 : i32
      %dma_wait3A_423 = arith.constant 0 : i32
      %dma_wait3A_424 = arith.constant 0 : i32
      %dma_wait3A_425 = tpu.memref_slice %arg4[%dma_wait3A_423, %dma_wait3A_424] : memref<32x1000000xf32, #tpu.memory_space<hbm>> -> memref<32x512xf32, #tpu.memory_space<hbm>>
      %dma_wait3A_426 = arith.constant 0 : i32
      %dma_wait3A_427 = arith.constant 0 : i32
      %dma_wait3A_428 = tpu.memref_slice %arg4[%dma_wait3A_426, %dma_wait3A_427] : memref<32x1000000xf32, #tpu.memory_space<hbm>> -> memref<32x512xf32, #tpu.memory_space<hbm>>
      tpu.wait_dma2 semaphore(%arg20 : memref<!tpu.dma_semaphore, #tpu.memory_space<semaphore_mem>>) src(%dma_wait3A_428 : memref<32x512xf32, #tpu.memory_space<hbm>>) dst(%arg11 : memref<32x512xf32, #tpu.memory_space<vmem>>)
      %mul3A_429 = arith.constant 512 : i32
      %mul3A_430 = arith.muli %add3A_422, %mul3A_429 : i32
      %add3A_431 = arith.addi %mul3A_4, %mul3A_430 : i32
      %sub3A_432 = arith.subi %add3A_431, %mul3A_4 : i32
      %shift_right_arithmetic3A_433 = arith.constant 9 : i32
      %shift_right_arithmetic3A_434 = arith.shrsi %sub3A_432, %shift_right_arithmetic3A_433 : i32
      %mul3A_435 = arith.constant 48 : i32
      %mul3A_436 = arith.muli %shift_right_arithmetic3A_434, %mul3A_435 : i32
      %scan3A_437 = arith.constant 0 : i32
      %scan3A_438 = arith.constant 0 : i32
      %scan3A_439 = arith.constant 3 : i32
      %scan3A_440 = arith.addi %scan3A_438, %scan3A_439 : i32
      %scan3A_441 = arith.constant 1 : i32
      scf.for %scan3A_511 = %scan3A_438 to %scan3A_440 step %scan3A_441  : i32 {
        %mul3A_512 = arith.constant 16 : i32
        %mul3A_513 = arith.muli %scan3A_511, %mul3A_512 : i32
        %add3A_514 = arith.addi %mul3A_436, %mul3A_513 : i32
        %get3A_515 = arith.index_cast %add3A_514 : i32 to index
        %get3A_516 = tpu.vector_load %arg14[%get3A_515] {strides = array<i32>} : memref<3072xi32, #tpu.memory_space<vmem>>, vector<16xi32>,
        %mul3A_517 = arith.constant 16 : i32
        %mul3A_518 = arith.muli %scan3A_511, %mul3A_517 : i32
        %add3A_519 = arith.addi %mul3A_436, %mul3A_518 : i32
        %get3A_520 = arith.index_cast %add3A_519 : i32 to index
        %get3A_521 = tpu.vector_load %arg15[%get3A_520] {strides = array<i32>} : memref<3072xi32, #tpu.memory_space<vmem>>, vector<16xi32>,
        %ge3A = vector.broadcast %add3A_431 : i32 to vector<16xi32>
        %ge3A_522 = arith.cmpi sge, %get3A_516, %ge3A : vector<16xi32>
        %add3A_523 = arith.constant 512 : i32
        %add3A_524 = arith.addi %add3A_431, %add3A_523 : i32
        %lt3A_525 = vector.broadcast %add3A_524 : i32 to vector<16xi32>
        %lt3A_526 = arith.cmpi slt, %get3A_516, %lt3A_525 : vector<16xi32>
        %and3A = arith.andi %ge3A_522, %lt3A_526 : vector<16xi1>
        %convert_element_type3A_527 = arith.extui %and3A : vector<16xi1> to vector<16xi32>
        %reduce_max3A = arith.constant true
        %reduce_max3A_528 = vector.broadcast %reduce_max3A : i1 to vector<16xi1>
        %reduce_max3A_529 = arith.constant -2147483648 : i32
        %reduce_max3A_530 = vector.broadcast %reduce_max3A_529 : i32 to vector<16xi32>
        %reduce_max3A_531 = arith.xori %convert_element_type3A_527, %reduce_max3A_530 : vector<16xi32>
        %reduce_max3A_532 = tpu.scan <max>, %reduce_max3A_531 masked %reduce_max3A_528 : vector<16xi32>, vector<16xi1> -> vector<16xi32>
        %reduce_max3A_533 = arith.xori %reduce_max3A_532, %reduce_max3A_530 : vector<16xi32>
        %reduce_max3A_534 = vector.extract %reduce_max3A_533[15] : i32 from vector<16xi32>
        %gt3A = arith.constant 0 : i32
        %gt3A_535 = arith.cmpi sgt, %reduce_max3A_534, %gt3A : i32
        %convert_element_type3A_536 = arith.extui %gt3A_535 : i1 to i32
        %cond3A_537 = arith.constant 0 : i32
        %cond3A_538 = arith.cmpi ne, %convert_element_type3A_536, %cond3A_537 : i32
        scf.if %cond3A_538 {
          %while3A_539 = scf.while (%while3A_540 = %convert_element_type3A_527) : (vector<16xi32>) -> vector<16xi32> {
            %reduce_max3A_541 = arith.constant true
            %reduce_max3A_542 = vector.broadcast %reduce_max3A_541 : i1 to vector<16xi1>
            %reduce_max3A_543 = arith.constant -2147483648 : i32
            %reduce_max3A_544 = vector.broadcast %reduce_max3A_543 : i32 to vector<16xi32>
            %reduce_max3A_545 = arith.xori %while3A_540, %reduce_max3A_544 : vector<16xi32>
            %reduce_max3A_546 = tpu.scan <max>, %reduce_max3A_545 masked %reduce_max3A_542 : vector<16xi32>, vector<16xi1> -> vector<16xi32>
            %reduce_max3A_547 = arith.xori %reduce_max3A_546, %reduce_max3A_544 : vector<16xi32>
            %reduce_max3A_548 = vector.extract %reduce_max3A_547[15] : i32 from vector<16xi32>
            %gt3A_549 = arith.constant 0 : i32
            %gt3A_550 = arith.cmpi sgt, %reduce_max3A_548, %gt3A_549 : i32
            scf.condition(%gt3A_550) %while3A_540 : vector<16xi32>
          } do {
          ^bb0(%while3A_540: vector<16xi32>):
            %ne3A = arith.constant 0 : i32
            %ne3A_541 = vector.broadcast %ne3A : i32 to vector<16xi32>
            %ne3A_542 = arith.cmpi ne, %while3A_540, %ne3A_541 : vector<16xi32>
            %all_reduce_ffs3A = tpu.all_reduce %ne3A_542 {dim = 0 : i64, kind = #tpu.reduction_kind<find_first_set>} : vector<16xi1> -> vector<16xi32>
            %eq3A_543 = arith.cmpi eq, %iota3A, %all_reduce_ffs3A : vector<16xi32>
            %convert_element_type3A_544 = arith.extui %eq3A_543 : vector<16xi1> to vector<16xi32>
            %mul3A_545 = arith.muli %get3A_516, %convert_element_type3A_544 : vector<16xi32>
            %reduce_sum3A = arith.constant true
            %reduce_sum3A_546 = vector.broadcast %reduce_sum3A : i1 to vector<16xi1>
            %reduce_sum3A_547 = tpu.scan <sum>, %mul3A_545 masked %reduce_sum3A_546 : vector<16xi32>, vector<16xi1> -> vector<16xi32>
            %reduce_sum3A_548 = vector.extract %reduce_sum3A_547[15] : i32 from vector<16xi32>
            %mul3A_549 = arith.muli %get3A_521, %convert_element_type3A_544 : vector<16xi32>
            %reduce_sum3A_550 = arith.constant true
            %reduce_sum3A_551 = vector.broadcast %reduce_sum3A_550 : i1 to vector<16xi1>
            %reduce_sum3A_552 = tpu.scan <sum>, %mul3A_549 masked %reduce_sum3A_551 : vector<16xi32>, vector<16xi1> -> vector<16xi32>
            %reduce_sum3A_553 = vector.extract %reduce_sum3A_552[15] : i32 from vector<16xi32>
            %sub3A_554 = arith.subi %reduce_sum3A_548, %add3A_431 : i32
            %broadcast_in_dim3A = vector.broadcast %sub3A_554 : i32 to vector<16xi32>
            %gather3A = tpu.vector_load_idx %arg11[%iota3A, %broadcast_in_dim3A] : memref<32x512xf32, #tpu.memory_space<vmem>>[vector<16xi32>, vector<16xi32>], vector<16xf32>,
            %add3A_555 = arith.constant 16 : i32
            %add3A_556 = vector.broadcast %add3A_555 : i32 to vector<16xi32>
            %add3A_557 = arith.addi %iota3A, %add3A_556 : vector<16xi32>
            %gather3A_558 = tpu.vector_load_idx %arg11[%add3A_557, %broadcast_in_dim3A] : memref<32x512xf32, #tpu.memory_space<vmem>>[vector<16xi32>, vector<16xi32>], vector<16xf32>,
            %get3A_559 = arith.constant 1 : i32
            %get3A_560 = arith.index_cast %get3A_559 : i32 to index
            %get3A_561 = memref.load %arg19[%get3A_560] : memref<72xi32, #tpu.memory_space<smem>>
            %mul3A_562 = arith.constant 32 : i32
            %mul3A_563 = arith.muli %get3A_561, %mul3A_562 : i32
            %swap3A_564 = arith.index_cast %mul3A_563 : i32 to index
            %swap3A_565 = tpu.vector_load %arg16[%swap3A_564] {strides = array<i32>} : memref<32768xf32, #tpu.memory_space<vmem>>, vector<16xf32>,
            tpu.vector_store %arg16[%swap3A_564], %gather3A {strides = array<i32>} : memref<32768xf32, #tpu.memory_space<vmem>>, vector<16xf32>,
            %mul3A_566 = arith.constant 32 : i32
            %mul3A_567 = arith.muli %get3A_561, %mul3A_566 : i32
            %add3A_568 = arith.constant 16 : i32
            %add3A_569 = arith.addi %mul3A_567, %add3A_568 : i32
            %swap3A_570 = arith.index_cast %add3A_569 : i32 to index
            %swap3A_571 = tpu.vector_load %arg16[%swap3A_570] {strides = array<i32>} : memref<32768xf32, #tpu.memory_space<vmem>>, vector<16xf32>,
            tpu.vector_store %arg16[%swap3A_570], %gather3A_558 {strides = array<i32>} : memref<32768xf32, #tpu.memory_space<vmem>>, vector<16xf32>,
            %mul3A_572 = arith.constant 32 : i32
            %mul3A_573 = arith.muli %get3A_561, %mul3A_572 : i32
            %mul3A_574 = arith.constant 32 : i32
            %mul3A_575 = arith.muli %reduce_sum3A_553, %mul3A_574 : i32
            %dma_start3A_576 = tpu.memref_slice %arg16[%mul3A_573] : memref<32768xf32, #tpu.memory_space<vmem>> -> memref<32xf32, #tpu.memory_space<vmem>>
            %dma_start3A_577 = tpu.memref_slice %arg8[%mul3A_575] : memref<524288xf32, #tpu.memory_space<hbm>> -> memref<32xf32, #tpu.memory_space<hbm>>
            %dma_start3A_578 = tpu.memref_slice %arg8[%mul3A_575] : memref<524288xf32, #tpu.memory_space<hbm>> -> memref<32xf32, #tpu.memory_space<hbm>>
            %dma_start3A_579 = tpu.memref_slice %arg16[%mul3A_573] : memref<32768xf32, #tpu.memory_space<vmem>> -> memref<32xf32, #tpu.memory_space<vmem>>
            tpu.enqueue_dma source(%dma_start3A_579 : memref<32xf32, #tpu.memory_space<vmem>>) target(%dma_start3A_578 : memref<32xf32, #tpu.memory_space<hbm>>) target_semaphore(%arg23 : memref<!tpu.dma_semaphore, #tpu.memory_space<semaphore_mem>>)
            %add3A_580 = arith.constant 1 : i32
            %add3A_581 = arith.addi %get3A_561, %add3A_580 : i32
            %swap3A_582 = arith.constant 1 : i32
            %swap3A_583 = arith.index_cast %swap3A_582 : i32 to index
            %swap3A_584 = memref.load %arg19[%swap3A_583] : memref<72xi32, #tpu.memory_space<smem>>
            memref.store %add3A_581, %arg19[%swap3A_583] : memref<72xi32, #tpu.memory_space<smem>>
            %sub3A_585 = arith.constant 1 : i32
            %sub3A_586 = vector.broadcast %sub3A_585 : i32 to vector<16xi32>
            %sub3A_587 = arith.subi %sub3A_586, %convert_element_type3A_544 : vector<16xi32>
            %mul3A_588 = arith.muli %while3A_540, %sub3A_587 : vector<16xi32>
            scf.yield %mul3A_588 : vector<16xi32>
          }
        } else {
        }
      }
      %scan3A_442 = arith.constant 3 : i32
      %add3A_443 = arith.constant 3 : i32
      %add3A_444 = arith.addi %add3A_422, %add3A_443 : i32
      %lt3A = arith.constant 61 : i32
      %lt3A_445 = arith.cmpi slt, %add3A_444, %lt3A : i32
      %convert_element_type3A_446 = arith.extui %lt3A_445 : i1 to i32
      %cond3A_447 = arith.constant 0 : i32
      %cond3A_448 = arith.cmpi ne, %convert_element_type3A_446, %cond3A_447 : i32
      scf.if %cond3A_448 {
        %mul3A_511 = arith.constant 512 : i32
        %mul3A_512 = arith.muli %add3A_444, %mul3A_511 : i32
        %add3A_513 = arith.addi %mul3A_4, %mul3A_512 : i32
        %dma_start3A_514 = arith.constant 0 : i32
        %dma_start3A_515 = arith.constant 0 : i32
        %dma_start3A_516 = tpu.memref_slice %arg11[%dma_start3A_514, %dma_start3A_515] : memref<32x512xf32, #tpu.memory_space<vmem>> -> memref<8x512xf32, #tpu.memory_space<vmem>>
        %dma_start3A_517 = arith.constant 0 : i32
        %dma_start3A_518 = tpu.memref_slice %arg4[%dma_start3A_517, %add3A_513] : memref<32x1000000xf32, #tpu.memory_space<hbm>> -> memref<8x512xf32, #tpu.memory_space<hbm>>
        %dma_start3A_519 = arith.constant 0 : i32
        %dma_start3A_520 = arith.constant 0 : i32
        %dma_start3A_521 = tpu.memref_slice %arg11[%dma_start3A_519, %dma_start3A_520] : memref<32x512xf32, #tpu.memory_space<vmem>> -> memref<8x512xf32, #tpu.memory_space<vmem>>
        %dma_start3A_522 = arith.constant 0 : i32
        %dma_start3A_523 = tpu.memref_slice %arg4[%dma_start3A_522, %add3A_513] : memref<32x1000000xf32, #tpu.memory_space<hbm>> -> memref<8x512xf32, #tpu.memory_space<hbm>>
        tpu.enqueue_dma source(%dma_start3A_523 : memref<8x512xf32, #tpu.memory_space<hbm>>) target(%dma_start3A_521 : memref<8x512xf32, #tpu.memory_space<vmem>>) target_semaphore(%arg20 : memref<!tpu.dma_semaphore, #tpu.memory_space<semaphore_mem>>)
        %mul3A_524 = arith.constant 512 : i32
        %mul3A_525 = arith.muli %add3A_444, %mul3A_524 : i32
        %add3A_526 = arith.addi %mul3A_4, %mul3A_525 : i32
        %dma_start3A_527 = arith.constant 8 : i32
        %dma_start3A_528 = arith.constant 0 : i32
        %dma_start3A_529 = tpu.memref_slice %arg11[%dma_start3A_527, %dma_start3A_528] : memref<32x512xf32, #tpu.memory_space<vmem>> -> memref<8x512xf32, #tpu.memory_space<vmem>>
        %dma_start3A_530 = arith.constant 8 : i32
        %dma_start3A_531 = tpu.memref_slice %arg4[%dma_start3A_530, %add3A_526] : memref<32x1000000xf32, #tpu.memory_space<hbm>> -> memref<8x512xf32, #tpu.memory_space<hbm>>
        %dma_start3A_532 = arith.constant 8 : i32
        %dma_start3A_533 = arith.constant 0 : i32
        %dma_start3A_534 = tpu.memref_slice %arg11[%dma_start3A_532, %dma_start3A_533] : memref<32x512xf32, #tpu.memory_space<vmem>> -> memref<8x512xf32, #tpu.memory_space<vmem>>
        %dma_start3A_535 = arith.constant 8 : i32
        %dma_start3A_536 = tpu.memref_slice %arg4[%dma_start3A_535, %add3A_526] : memref<32x1000000xf32, #tpu.memory_space<hbm>> -> memref<8x512xf32, #tpu.memory_space<hbm>>
        tpu.enqueue_dma source(%dma_start3A_536 : memref<8x512xf32, #tpu.memory_space<hbm>>) target(%dma_start3A_534 : memref<8x512xf32, #tpu.memory_space<vmem>>) target_semaphore(%arg20 : memref<!tpu.dma_semaphore, #tpu.memory_space<semaphore_mem>>)
        %mul3A_537 = arith.constant 512 : i32
        %mul3A_538 = arith.muli %add3A_444, %mul3A_537 : i32
        %add3A_539 = arith.addi %mul3A_4, %mul3A_538 : i32
        %dma_start3A_540 = arith.constant 16 : i32
        %dma_start3A_541 = arith.constant 0 : i32
        %dma_start3A_542 = tpu.memref_slice %arg11[%dma_start3A_540, %dma_start3A_541] : memref<32x512xf32, #tpu.memory_space<vmem>> -> memref<8x512xf32, #tpu.memory_space<vmem>>
        %dma_start3A_543 = arith.constant 16 : i32
        %dma_start3A_544 = tpu.memref_slice %arg4[%dma_start3A_543, %add3A_539] : memref<32x1000000xf32, #tpu.memory_space<hbm>> -> memref<8x512xf32, #tpu.memory_space<hbm>>
        %dma_start3A_545 = arith.constant 16 : i32
        %dma_start3A_546 = arith.constant 0 : i32
        %dma_start3A_547 = tpu.memref_slice %arg11[%dma_start3A_545, %dma_start3A_546] : memref<32x512xf32, #tpu.memory_space<vmem>> -> memref<8x512xf32, #tpu.memory_space<vmem>>
        %dma_start3A_548 = arith.constant 16 : i32
        %dma_start3A_549 = tpu.memref_slice %arg4[%dma_start3A_548, %add3A_539] : memref<32x1000000xf32, #tpu.memory_space<hbm>> -> memref<8x512xf32, #tpu.memory_space<hbm>>
        tpu.enqueue_dma source(%dma_start3A_549 : memref<8x512xf32, #tpu.memory_space<hbm>>) target(%dma_start3A_547 : memref<8x512xf32, #tpu.memory_space<vmem>>) target_semaphore(%arg20 : memref<!tpu.dma_semaphore, #tpu.memory_space<semaphore_mem>>)
        %mul3A_550 = arith.constant 512 : i32
        %mul3A_551 = arith.muli %add3A_444, %mul3A_550 : i32
        %add3A_552 = arith.addi %mul3A_4, %mul3A_551 : i32
        %dma_start3A_553 = arith.constant 24 : i32
        %dma_start3A_554 = arith.constant 0 : i32
        %dma_start3A_555 = tpu.memref_slice %arg11[%dma_start3A_553, %dma_start3A_554] : memref<32x512xf32, #tpu.memory_space<vmem>> -> memref<8x512xf32, #tpu.memory_space<vmem>>
        %dma_start3A_556 = arith.constant 24 : i32
        %dma_start3A_557 = tpu.memref_slice %arg4[%dma_start3A_556, %add3A_552] : memref<32x1000000xf32, #tpu.memory_space<hbm>> -> memref<8x512xf32, #tpu.memory_space<hbm>>
        %dma_start3A_558 = arith.constant 24 : i32
        %dma_start3A_559 = arith.constant 0 : i32
        %dma_start3A_560 = tpu.memref_slice %arg11[%dma_start3A_558, %dma_start3A_559] : memref<32x512xf32, #tpu.memory_space<vmem>> -> memref<8x512xf32, #tpu.memory_space<vmem>>
        %dma_start3A_561 = arith.constant 24 : i32
        %dma_start3A_562 = tpu.memref_slice %arg4[%dma_start3A_561, %add3A_552] : memref<32x1000000xf32, #tpu.memory_space<hbm>> -> memref<8x512xf32, #tpu.memory_space<hbm>>
        tpu.enqueue_dma source(%dma_start3A_562 : memref<8x512xf32, #tpu.memory_space<hbm>>) target(%dma_start3A_560 : memref<8x512xf32, #tpu.memory_space<vmem>>) target_semaphore(%arg20 : memref<!tpu.dma_semaphore, #tpu.memory_space<semaphore_mem>>)
      } else {
      }
      %mul3A_449 = arith.constant 3 : i32
      %mul3A_450 = arith.muli %scan3A_418, %mul3A_449 : i32
      %add3A_451 = arith.constant 1 : i32
      %add3A_452 = arith.addi %mul3A_450, %add3A_451 : i32
      %dma_wait3A_453 = arith.constant 0 : i32
      %dma_wait3A_454 = arith.constant 0 : i32
      %dma_wait3A_455 = tpu.memref_slice %arg4[%dma_wait3A_453, %dma_wait3A_454] : memref<32x1000000xf32, #tpu.memory_space<hbm>> -> memref<32x512xf32, #tpu.memory_space<hbm>>
      %dma_wait3A_456 = arith.constant 0 : i32
      %dma_wait3A_457 = arith.constant 0 : i32
      %dma_wait3A_458 = tpu.memref_slice %arg4[%dma_wait3A_456, %dma_wait3A_457] : memref<32x1000000xf32, #tpu.memory_space<hbm>> -> memref<32x512xf32, #tpu.memory_space<hbm>>
      tpu.wait_dma2 semaphore(%arg21 : memref<!tpu.dma_semaphore, #tpu.memory_space<semaphore_mem>>) src(%dma_wait3A_458 : memref<32x512xf32, #tpu.memory_space<hbm>>) dst(%arg12 : memref<32x512xf32, #tpu.memory_space<vmem>>)
      %mul3A_459 = arith.constant 512 : i32
      %mul3A_460 = arith.muli %add3A_452, %mul3A_459 : i32
      %add3A_461 = arith.addi %mul3A_4, %mul3A_460 : i32
      %sub3A_462 = arith.subi %add3A_461, %mul3A_4 : i32
      %shift_right_arithmetic3A_463 = arith.constant 9 : i32
      %shift_right_arithmetic3A_464 = arith.shrsi %sub3A_462, %shift_right_arithmetic3A_463 : i32
      %mul3A_465 = arith.constant 48 : i32
      %mul3A_466 = arith.muli %shift_right_arithmetic3A_464, %mul3A_465 : i32
      %scan3A_467 = arith.constant 0 : i32
      %scan3A_468 = arith.constant 0 : i32
      %scan3A_469 = arith.constant 3 : i32
      %scan3A_470 = arith.addi %scan3A_468, %scan3A_469 : i32
      %scan3A_471 = arith.constant 1 : i32
      scf.for %scan3A_511 = %scan3A_468 to %scan3A_470 step %scan3A_471  : i32 {
        %mul3A_512 = arith.constant 16 : i32
        %mul3A_513 = arith.muli %scan3A_511, %mul3A_512 : i32
        %add3A_514 = arith.addi %mul3A_466, %mul3A_513 : i32
        %get3A_515 = arith.index_cast %add3A_514 : i32 to index
        %get3A_516 = tpu.vector_load %arg14[%get3A_515] {strides = array<i32>} : memref<3072xi32, #tpu.memory_space<vmem>>, vector<16xi32>,
        %mul3A_517 = arith.constant 16 : i32
        %mul3A_518 = arith.muli %scan3A_511, %mul3A_517 : i32
        %add3A_519 = arith.addi %mul3A_466, %mul3A_518 : i32
        %get3A_520 = arith.index_cast %add3A_519 : i32 to index
        %get3A_521 = tpu.vector_load %arg15[%get3A_520] {strides = array<i32>} : memref<3072xi32, #tpu.memory_space<vmem>>, vector<16xi32>,
        %ge3A = vector.broadcast %add3A_461 : i32 to vector<16xi32>
        %ge3A_522 = arith.cmpi sge, %get3A_516, %ge3A : vector<16xi32>
        %add3A_523 = arith.constant 512 : i32
        %add3A_524 = arith.addi %add3A_461, %add3A_523 : i32
        %lt3A_525 = vector.broadcast %add3A_524 : i32 to vector<16xi32>
        %lt3A_526 = arith.cmpi slt, %get3A_516, %lt3A_525 : vector<16xi32>
        %and3A = arith.andi %ge3A_522, %lt3A_526 : vector<16xi1>
        %convert_element_type3A_527 = arith.extui %and3A : vector<16xi1> to vector<16xi32>
        %reduce_max3A = arith.constant true
        %reduce_max3A_528 = vector.broadcast %reduce_max3A : i1 to vector<16xi1>
        %reduce_max3A_529 = arith.constant -2147483648 : i32
        %reduce_max3A_530 = vector.broadcast %reduce_max3A_529 : i32 to vector<16xi32>
        %reduce_max3A_531 = arith.xori %convert_element_type3A_527, %reduce_max3A_530 : vector<16xi32>
        %reduce_max3A_532 = tpu.scan <max>, %reduce_max3A_531 masked %reduce_max3A_528 : vector<16xi32>, vector<16xi1> -> vector<16xi32>
        %reduce_max3A_533 = arith.xori %reduce_max3A_532, %reduce_max3A_530 : vector<16xi32>
        %reduce_max3A_534 = vector.extract %reduce_max3A_533[15] : i32 from vector<16xi32>
        %gt3A = arith.constant 0 : i32
        %gt3A_535 = arith.cmpi sgt, %reduce_max3A_534, %gt3A : i32
        %convert_element_type3A_536 = arith.extui %gt3A_535 : i1 to i32
        %cond3A_537 = arith.constant 0 : i32
        %cond3A_538 = arith.cmpi ne, %convert_element_type3A_536, %cond3A_537 : i32
        scf.if %cond3A_538 {
          %while3A_539 = scf.while (%while3A_540 = %convert_element_type3A_527) : (vector<16xi32>) -> vector<16xi32> {
            %reduce_max3A_541 = arith.constant true
            %reduce_max3A_542 = vector.broadcast %reduce_max3A_541 : i1 to vector<16xi1>
            %reduce_max3A_543 = arith.constant -2147483648 : i32
            %reduce_max3A_544 = vector.broadcast %reduce_max3A_543 : i32 to vector<16xi32>
            %reduce_max3A_545 = arith.xori %while3A_540, %reduce_max3A_544 : vector<16xi32>
            %reduce_max3A_546 = tpu.scan <max>, %reduce_max3A_545 masked %reduce_max3A_542 : vector<16xi32>, vector<16xi1> -> vector<16xi32>
            %reduce_max3A_547 = arith.xori %reduce_max3A_546, %reduce_max3A_544 : vector<16xi32>
            %reduce_max3A_548 = vector.extract %reduce_max3A_547[15] : i32 from vector<16xi32>
            %gt3A_549 = arith.constant 0 : i32
            %gt3A_550 = arith.cmpi sgt, %reduce_max3A_548, %gt3A_549 : i32
            scf.condition(%gt3A_550) %while3A_540 : vector<16xi32>
          } do {
          ^bb0(%while3A_540: vector<16xi32>):
            %ne3A = arith.constant 0 : i32
            %ne3A_541 = vector.broadcast %ne3A : i32 to vector<16xi32>
            %ne3A_542 = arith.cmpi ne, %while3A_540, %ne3A_541 : vector<16xi32>
            %all_reduce_ffs3A = tpu.all_reduce %ne3A_542 {dim = 0 : i64, kind = #tpu.reduction_kind<find_first_set>} : vector<16xi1> -> vector<16xi32>
            %eq3A_543 = arith.cmpi eq, %iota3A, %all_reduce_ffs3A : vector<16xi32>
            %convert_element_type3A_544 = arith.extui %eq3A_543 : vector<16xi1> to vector<16xi32>
            %mul3A_545 = arith.muli %get3A_516, %convert_element_type3A_544 : vector<16xi32>
            %reduce_sum3A = arith.constant true
            %reduce_sum3A_546 = vector.broadcast %reduce_sum3A : i1 to vector<16xi1>
            %reduce_sum3A_547 = tpu.scan <sum>, %mul3A_545 masked %reduce_sum3A_546 : vector<16xi32>, vector<16xi1> -> vector<16xi32>
            %reduce_sum3A_548 = vector.extract %reduce_sum3A_547[15] : i32 from vector<16xi32>
            %mul3A_549 = arith.muli %get3A_521, %convert_element_type3A_544 : vector<16xi32>
            %reduce_sum3A_550 = arith.constant true
            %reduce_sum3A_551 = vector.broadcast %reduce_sum3A_550 : i1 to vector<16xi1>
            %reduce_sum3A_552 = tpu.scan <sum>, %mul3A_549 masked %reduce_sum3A_551 : vector<16xi32>, vector<16xi1> -> vector<16xi32>
            %reduce_sum3A_553 = vector.extract %reduce_sum3A_552[15] : i32 from vector<16xi32>
            %sub3A_554 = arith.subi %reduce_sum3A_548, %add3A_461 : i32
            %broadcast_in_dim3A = vector.broadcast %sub3A_554 : i32 to vector<16xi32>
            %gather3A = tpu.vector_load_idx %arg12[%iota3A, %broadcast_in_dim3A] : memref<32x512xf32, #tpu.memory_space<vmem>>[vector<16xi32>, vector<16xi32>], vector<16xf32>,
            %add3A_555 = arith.constant 16 : i32
            %add3A_556 = vector.broadcast %add3A_555 : i32 to vector<16xi32>
            %add3A_557 = arith.addi %iota3A, %add3A_556 : vector<16xi32>
            %gather3A_558 = tpu.vector_load_idx %arg12[%add3A_557, %broadcast_in_dim3A] : memref<32x512xf32, #tpu.memory_space<vmem>>[vector<16xi32>, vector<16xi32>], vector<16xf32>,
            %get3A_559 = arith.constant 1 : i32
            %get3A_560 = arith.index_cast %get3A_559 : i32 to index
            %get3A_561 = memref.load %arg19[%get3A_560] : memref<72xi32, #tpu.memory_space<smem>>
            %mul3A_562 = arith.constant 32 : i32
            %mul3A_563 = arith.muli %get3A_561, %mul3A_562 : i32
            %swap3A_564 = arith.index_cast %mul3A_563 : i32 to index
            %swap3A_565 = tpu.vector_load %arg16[%swap3A_564] {strides = array<i32>} : memref<32768xf32, #tpu.memory_space<vmem>>, vector<16xf32>,
            tpu.vector_store %arg16[%swap3A_564], %gather3A {strides = array<i32>} : memref<32768xf32, #tpu.memory_space<vmem>>, vector<16xf32>,
            %mul3A_566 = arith.constant 32 : i32
            %mul3A_567 = arith.muli %get3A_561, %mul3A_566 : i32
            %add3A_568 = arith.constant 16 : i32
            %add3A_569 = arith.addi %mul3A_567, %add3A_568 : i32
            %swap3A_570 = arith.index_cast %add3A_569 : i32 to index
            %swap3A_571 = tpu.vector_load %arg16[%swap3A_570] {strides = array<i32>} : memref<32768xf32, #tpu.memory_space<vmem>>, vector<16xf32>,
            tpu.vector_store %arg16[%swap3A_570], %gather3A_558 {strides = array<i32>} : memref<32768xf32, #tpu.memory_space<vmem>>, vector<16xf32>,
            %mul3A_572 = arith.constant 32 : i32
            %mul3A_573 = arith.muli %get3A_561, %mul3A_572 : i32
            %mul3A_574 = arith.constant 32 : i32
            %mul3A_575 = arith.muli %reduce_sum3A_553, %mul3A_574 : i32
            %dma_start3A_576 = tpu.memref_slice %arg16[%mul3A_573] : memref<32768xf32, #tpu.memory_space<vmem>> -> memref<32xf32, #tpu.memory_space<vmem>>
            %dma_start3A_577 = tpu.memref_slice %arg8[%mul3A_575] : memref<524288xf32, #tpu.memory_space<hbm>> -> memref<32xf32, #tpu.memory_space<hbm>>
            %dma_start3A_578 = tpu.memref_slice %arg8[%mul3A_575] : memref<524288xf32, #tpu.memory_space<hbm>> -> memref<32xf32, #tpu.memory_space<hbm>>
            %dma_start3A_579 = tpu.memref_slice %arg16[%mul3A_573] : memref<32768xf32, #tpu.memory_space<vmem>> -> memref<32xf32, #tpu.memory_space<vmem>>
            tpu.enqueue_dma source(%dma_start3A_579 : memref<32xf32, #tpu.memory_space<vmem>>) target(%dma_start3A_578 : memref<32xf32, #tpu.memory_space<hbm>>) target_semaphore(%arg23 : memref<!tpu.dma_semaphore, #tpu.memory_space<semaphore_mem>>)
            %add3A_580 = arith.constant 1 : i32
            %add3A_581 = arith.addi %get3A_561, %add3A_580 : i32
            %swap3A_582 = arith.constant 1 : i32
            %swap3A_583 = arith.index_cast %swap3A_582 : i32 to index
            %swap3A_584 = memref.load %arg19[%swap3A_583] : memref<72xi32, #tpu.memory_space<smem>>
            memref.store %add3A_581, %arg19[%swap3A_583] : memref<72xi32, #tpu.memory_space<smem>>
            %sub3A_585 = arith.constant 1 : i32
            %sub3A_586 = vector.broadcast %sub3A_585 : i32 to vector<16xi32>
            %sub3A_587 = arith.subi %sub3A_586, %convert_element_type3A_544 : vector<16xi32>
            %mul3A_588 = arith.muli %while3A_540, %sub3A_587 : vector<16xi32>
            scf.yield %mul3A_588 : vector<16xi32>
          }
        } else {
        }
      }
      %scan3A_472 = arith.constant 3 : i32
      %add3A_473 = arith.constant 3 : i32
      %add3A_474 = arith.addi %add3A_452, %add3A_473 : i32
      %lt3A_475 = arith.constant 61 : i32
      %lt3A_476 = arith.cmpi slt, %add3A_474, %lt3A_475 : i32
      %convert_element_type3A_477 = arith.extui %lt3A_476 : i1 to i32
      %cond3A_478 = arith.constant 0 : i32
      %cond3A_479 = arith.cmpi ne, %convert_element_type3A_477, %cond3A_478 : i32
      scf.if %cond3A_479 {
        %mul3A_511 = arith.constant 512 : i32
        %mul3A_512 = arith.muli %add3A_474, %mul3A_511 : i32
        %add3A_513 = arith.addi %mul3A_4, %mul3A_512 : i32
        %dma_start3A_514 = arith.constant 0 : i32
        %dma_start3A_515 = arith.constant 0 : i32
        %dma_start3A_516 = tpu.memref_slice %arg12[%dma_start3A_514, %dma_start3A_515] : memref<32x512xf32, #tpu.memory_space<vmem>> -> memref<8x512xf32, #tpu.memory_space<vmem>>
        %dma_start3A_517 = arith.constant 0 : i32
        %dma_start3A_518 = tpu.memref_slice %arg4[%dma_start3A_517, %add3A_513] : memref<32x1000000xf32, #tpu.memory_space<hbm>> -> memref<8x512xf32, #tpu.memory_space<hbm>>
        %dma_start3A_519 = arith.constant 0 : i32
        %dma_start3A_520 = arith.constant 0 : i32
        %dma_start3A_521 = tpu.memref_slice %arg12[%dma_start3A_519, %dma_start3A_520] : memref<32x512xf32, #tpu.memory_space<vmem>> -> memref<8x512xf32, #tpu.memory_space<vmem>>
        %dma_start3A_522 = arith.constant 0 : i32
        %dma_start3A_523 = tpu.memref_slice %arg4[%dma_start3A_522, %add3A_513] : memref<32x1000000xf32, #tpu.memory_space<hbm>> -> memref<8x512xf32, #tpu.memory_space<hbm>>
        tpu.enqueue_dma source(%dma_start3A_523 : memref<8x512xf32, #tpu.memory_space<hbm>>) target(%dma_start3A_521 : memref<8x512xf32, #tpu.memory_space<vmem>>) target_semaphore(%arg21 : memref<!tpu.dma_semaphore, #tpu.memory_space<semaphore_mem>>)
        %mul3A_524 = arith.constant 512 : i32
        %mul3A_525 = arith.muli %add3A_474, %mul3A_524 : i32
        %add3A_526 = arith.addi %mul3A_4, %mul3A_525 : i32
        %dma_start3A_527 = arith.constant 8 : i32
        %dma_start3A_528 = arith.constant 0 : i32
        %dma_start3A_529 = tpu.memref_slice %arg12[%dma_start3A_527, %dma_start3A_528] : memref<32x512xf32, #tpu.memory_space<vmem>> -> memref<8x512xf32, #tpu.memory_space<vmem>>
        %dma_start3A_530 = arith.constant 8 : i32
        %dma_start3A_531 = tpu.memref_slice %arg4[%dma_start3A_530, %add3A_526] : memref<32x1000000xf32, #tpu.memory_space<hbm>> -> memref<8x512xf32, #tpu.memory_space<hbm>>
        %dma_start3A_532 = arith.constant 8 : i32
        %dma_start3A_533 = arith.constant 0 : i32
        %dma_start3A_534 = tpu.memref_slice %arg12[%dma_start3A_532, %dma_start3A_533] : memref<32x512xf32, #tpu.memory_space<vmem>> -> memref<8x512xf32, #tpu.memory_space<vmem>>
        %dma_start3A_535 = arith.constant 8 : i32
        %dma_start3A_536 = tpu.memref_slice %arg4[%dma_start3A_535, %add3A_526] : memref<32x1000000xf32, #tpu.memory_space<hbm>> -> memref<8x512xf32, #tpu.memory_space<hbm>>
        tpu.enqueue_dma source(%dma_start3A_536 : memref<8x512xf32, #tpu.memory_space<hbm>>) target(%dma_start3A_534 : memref<8x512xf32, #tpu.memory_space<vmem>>) target_semaphore(%arg21 : memref<!tpu.dma_semaphore, #tpu.memory_space<semaphore_mem>>)
        %mul3A_537 = arith.constant 512 : i32
        %mul3A_538 = arith.muli %add3A_474, %mul3A_537 : i32
        %add3A_539 = arith.addi %mul3A_4, %mul3A_538 : i32
        %dma_start3A_540 = arith.constant 16 : i32
        %dma_start3A_541 = arith.constant 0 : i32
        %dma_start3A_542 = tpu.memref_slice %arg12[%dma_start3A_540, %dma_start3A_541] : memref<32x512xf32, #tpu.memory_space<vmem>> -> memref<8x512xf32, #tpu.memory_space<vmem>>
        %dma_start3A_543 = arith.constant 16 : i32
        %dma_start3A_544 = tpu.memref_slice %arg4[%dma_start3A_543, %add3A_539] : memref<32x1000000xf32, #tpu.memory_space<hbm>> -> memref<8x512xf32, #tpu.memory_space<hbm>>
        %dma_start3A_545 = arith.constant 16 : i32
        %dma_start3A_546 = arith.constant 0 : i32
        %dma_start3A_547 = tpu.memref_slice %arg12[%dma_start3A_545, %dma_start3A_546] : memref<32x512xf32, #tpu.memory_space<vmem>> -> memref<8x512xf32, #tpu.memory_space<vmem>>
        %dma_start3A_548 = arith.constant 16 : i32
        %dma_start3A_549 = tpu.memref_slice %arg4[%dma_start3A_548, %add3A_539] : memref<32x1000000xf32, #tpu.memory_space<hbm>> -> memref<8x512xf32, #tpu.memory_space<hbm>>
        tpu.enqueue_dma source(%dma_start3A_549 : memref<8x512xf32, #tpu.memory_space<hbm>>) target(%dma_start3A_547 : memref<8x512xf32, #tpu.memory_space<vmem>>) target_semaphore(%arg21 : memref<!tpu.dma_semaphore, #tpu.memory_space<semaphore_mem>>)
        %mul3A_550 = arith.constant 512 : i32
        %mul3A_551 = arith.muli %add3A_474, %mul3A_550 : i32
        %add3A_552 = arith.addi %mul3A_4, %mul3A_551 : i32
        %dma_start3A_553 = arith.constant 24 : i32
        %dma_start3A_554 = arith.constant 0 : i32
        %dma_start3A_555 = tpu.memref_slice %arg12[%dma_start3A_553, %dma_start3A_554] : memref<32x512xf32, #tpu.memory_space<vmem>> -> memref<8x512xf32, #tpu.memory_space<vmem>>
        %dma_start3A_556 = arith.constant 24 : i32
        %dma_start3A_557 = tpu.memref_slice %arg4[%dma_start3A_556, %add3A_552] : memref<32x1000000xf32, #tpu.memory_space<hbm>> -> memref<8x512xf32, #tpu.memory_space<hbm>>
        %dma_start3A_558 = arith.constant 24 : i32
        %dma_start3A_559 = arith.constant 0 : i32
        %dma_start3A_560 = tpu.memref_slice %arg12[%dma_start3A_558, %dma_start3A_559] : memref<32x512xf32, #tpu.memory_space<vmem>> -> memref<8x512xf32, #tpu.memory_space<vmem>>
        %dma_start3A_561 = arith.constant 24 : i32
        %dma_start3A_562 = tpu.memref_slice %arg4[%dma_start3A_561, %add3A_552] : memref<32x1000000xf32, #tpu.memory_space<hbm>> -> memref<8x512xf32, #tpu.memory_space<hbm>>
        tpu.enqueue_dma source(%dma_start3A_562 : memref<8x512xf32, #tpu.memory_space<hbm>>) target(%dma_start3A_560 : memref<8x512xf32, #tpu.memory_space<vmem>>) target_semaphore(%arg21 : memref<!tpu.dma_semaphore, #tpu.memory_space<semaphore_mem>>)
      } else {
      }
      %mul3A_480 = arith.constant 3 : i32
      %mul3A_481 = arith.muli %scan3A_418, %mul3A_480 : i32
      %add3A_482 = arith.constant 2 : i32
      %add3A_483 = arith.addi %mul3A_481, %add3A_482 : i32
      %dma_wait3A_484 = arith.constant 0 : i32
      %dma_wait3A_485 = arith.constant 0 : i32
      %dma_wait3A_486 = tpu.memref_slice %arg4[%dma_wait3A_484, %dma_wait3A_485] : memref<32x1000000xf32, #tpu.memory_space<hbm>> -> memref<32x512xf32, #tpu.memory_space<hbm>>
      %dma_wait3A_487 = arith.constant 0 : i32
      %dma_wait3A_488 = arith.constant 0 : i32
      %dma_wait3A_489 = tpu.memref_slice %arg4[%dma_wait3A_487, %dma_wait3A_488] : memref<32x1000000xf32, #tpu.memory_space<hbm>> -> memref<32x512xf32, #tpu.memory_space<hbm>>
      tpu.wait_dma2 semaphore(%arg22 : memref<!tpu.dma_semaphore, #tpu.memory_space<semaphore_mem>>) src(%dma_wait3A_489 : memref<32x512xf32, #tpu.memory_space<hbm>>) dst(%arg13 : memref<32x512xf32, #tpu.memory_space<vmem>>)
      %mul3A_490 = arith.constant 512 : i32
      %mul3A_491 = arith.muli %add3A_483, %mul3A_490 : i32
      %add3A_492 = arith.addi %mul3A_4, %mul3A_491 : i32
      %sub3A_493 = arith.subi %add3A_492, %mul3A_4 : i32
      %shift_right_arithmetic3A_494 = arith.constant 9 : i32
      %shift_right_arithmetic3A_495 = arith.shrsi %sub3A_493, %shift_right_arithmetic3A_494 : i32
      %mul3A_496 = arith.constant 48 : i32
      %mul3A_497 = arith.muli %shift_right_arithmetic3A_495, %mul3A_496 : i32
      %scan3A_498 = arith.constant 0 : i32
      %scan3A_499 = arith.constant 0 : i32
      %scan3A_500 = arith.constant 3 : i32
      %scan3A_501 = arith.addi %scan3A_499, %scan3A_500 : i32
      %scan3A_502 = arith.constant 1 : i32
      scf.for %scan3A_511 = %scan3A_499 to %scan3A_501 step %scan3A_502  : i32 {
        %mul3A_512 = arith.constant 16 : i32
        %mul3A_513 = arith.muli %scan3A_511, %mul3A_512 : i32
        %add3A_514 = arith.addi %mul3A_497, %mul3A_513 : i32
        %get3A_515 = arith.index_cast %add3A_514 : i32 to index
        %get3A_516 = tpu.vector_load %arg14[%get3A_515] {strides = array<i32>} : memref<3072xi32, #tpu.memory_space<vmem>>, vector<16xi32>,
        %mul3A_517 = arith.constant 16 : i32
        %mul3A_518 = arith.muli %scan3A_511, %mul3A_517 : i32
        %add3A_519 = arith.addi %mul3A_497, %mul3A_518 : i32
        %get3A_520 = arith.index_cast %add3A_519 : i32 to index
        %get3A_521 = tpu.vector_load %arg15[%get3A_520] {strides = array<i32>} : memref<3072xi32, #tpu.memory_space<vmem>>, vector<16xi32>,
        %ge3A = vector.broadcast %add3A_492 : i32 to vector<16xi32>
        %ge3A_522 = arith.cmpi sge, %get3A_516, %ge3A : vector<16xi32>
        %add3A_523 = arith.constant 512 : i32
        %add3A_524 = arith.addi %add3A_492, %add3A_523 : i32
        %lt3A_525 = vector.broadcast %add3A_524 : i32 to vector<16xi32>
        %lt3A_526 = arith.cmpi slt, %get3A_516, %lt3A_525 : vector<16xi32>
        %and3A = arith.andi %ge3A_522, %lt3A_526 : vector<16xi1>
        %convert_element_type3A_527 = arith.extui %and3A : vector<16xi1> to vector<16xi32>
        %reduce_max3A = arith.constant true
        %reduce_max3A_528 = vector.broadcast %reduce_max3A : i1 to vector<16xi1>
        %reduce_max3A_529 = arith.constant -2147483648 : i32
        %reduce_max3A_530 = vector.broadcast %reduce_max3A_529 : i32 to vector<16xi32>
        %reduce_max3A_531 = arith.xori %convert_element_type3A_527, %reduce_max3A_530 : vector<16xi32>
        %reduce_max3A_532 = tpu.scan <max>, %reduce_max3A_531 masked %reduce_max3A_528 : vector<16xi32>, vector<16xi1> -> vector<16xi32>
        %reduce_max3A_533 = arith.xori %reduce_max3A_532, %reduce_max3A_530 : vector<16xi32>
        %reduce_max3A_534 = vector.extract %reduce_max3A_533[15] : i32 from vector<16xi32>
        %gt3A = arith.constant 0 : i32
        %gt3A_535 = arith.cmpi sgt, %reduce_max3A_534, %gt3A : i32
        %convert_element_type3A_536 = arith.extui %gt3A_535 : i1 to i32
        %cond3A_537 = arith.constant 0 : i32
        %cond3A_538 = arith.cmpi ne, %convert_element_type3A_536, %cond3A_537 : i32
        scf.if %cond3A_538 {
          %while3A_539 = scf.while (%while3A_540 = %convert_element_type3A_527) : (vector<16xi32>) -> vector<16xi32> {
            %reduce_max3A_541 = arith.constant true
            %reduce_max3A_542 = vector.broadcast %reduce_max3A_541 : i1 to vector<16xi1>
            %reduce_max3A_543 = arith.constant -2147483648 : i32
            %reduce_max3A_544 = vector.broadcast %reduce_max3A_543 : i32 to vector<16xi32>
            %reduce_max3A_545 = arith.xori %while3A_540, %reduce_max3A_544 : vector<16xi32>
            %reduce_max3A_546 = tpu.scan <max>, %reduce_max3A_545 masked %reduce_max3A_542 : vector<16xi32>, vector<16xi1> -> vector<16xi32>
            %reduce_max3A_547 = arith.xori %reduce_max3A_546, %reduce_max3A_544 : vector<16xi32>
            %reduce_max3A_548 = vector.extract %reduce_max3A_547[15] : i32 from vector<16xi32>
            %gt3A_549 = arith.constant 0 : i32
            %gt3A_550 = arith.cmpi sgt, %reduce_max3A_548, %gt3A_549 : i32
            scf.condition(%gt3A_550) %while3A_540 : vector<16xi32>
          } do {
          ^bb0(%while3A_540: vector<16xi32>):
            %ne3A = arith.constant 0 : i32
            %ne3A_541 = vector.broadcast %ne3A : i32 to vector<16xi32>
            %ne3A_542 = arith.cmpi ne, %while3A_540, %ne3A_541 : vector<16xi32>
            %all_reduce_ffs3A = tpu.all_reduce %ne3A_542 {dim = 0 : i64, kind = #tpu.reduction_kind<find_first_set>} : vector<16xi1> -> vector<16xi32>
            %eq3A_543 = arith.cmpi eq, %iota3A, %all_reduce_ffs3A : vector<16xi32>
            %convert_element_type3A_544 = arith.extui %eq3A_543 : vector<16xi1> to vector<16xi32>
            %mul3A_545 = arith.muli %get3A_516, %convert_element_type3A_544 : vector<16xi32>
            %reduce_sum3A = arith.constant true
            %reduce_sum3A_546 = vector.broadcast %reduce_sum3A : i1 to vector<16xi1>
            %reduce_sum3A_547 = tpu.scan <sum>, %mul3A_545 masked %reduce_sum3A_546 : vector<16xi32>, vector<16xi1> -> vector<16xi32>
            %reduce_sum3A_548 = vector.extract %reduce_sum3A_547[15] : i32 from vector<16xi32>
            %mul3A_549 = arith.muli %get3A_521, %convert_element_type3A_544 : vector<16xi32>
            %reduce_sum3A_550 = arith.constant true
            %reduce_sum3A_551 = vector.broadcast %reduce_sum3A_550 : i1 to vector<16xi1>
            %reduce_sum3A_552 = tpu.scan <sum>, %mul3A_549 masked %reduce_sum3A_551 : vector<16xi32>, vector<16xi1> -> vector<16xi32>
            %reduce_sum3A_553 = vector.extract %reduce_sum3A_552[15] : i32 from vector<16xi32>
            %sub3A_554 = arith.subi %reduce_sum3A_548, %add3A_492 : i32
            %broadcast_in_dim3A = vector.broadcast %sub3A_554 : i32 to vector<16xi32>
            %gather3A = tpu.vector_load_idx %arg13[%iota3A, %broadcast_in_dim3A] : memref<32x512xf32, #tpu.memory_space<vmem>>[vector<16xi32>, vector<16xi32>], vector<16xf32>,
            %add3A_555 = arith.constant 16 : i32
            %add3A_556 = vector.broadcast %add3A_555 : i32 to vector<16xi32>
            %add3A_557 = arith.addi %iota3A, %add3A_556 : vector<16xi32>
            %gather3A_558 = tpu.vector_load_idx %arg13[%add3A_557, %broadcast_in_dim3A] : memref<32x512xf32, #tpu.memory_space<vmem>>[vector<16xi32>, vector<16xi32>], vector<16xf32>,
            %get3A_559 = arith.constant 1 : i32
            %get3A_560 = arith.index_cast %get3A_559 : i32 to index
            %get3A_561 = memref.load %arg19[%get3A_560] : memref<72xi32, #tpu.memory_space<smem>>
            %mul3A_562 = arith.constant 32 : i32
            %mul3A_563 = arith.muli %get3A_561, %mul3A_562 : i32
            %swap3A_564 = arith.index_cast %mul3A_563 : i32 to index
            %swap3A_565 = tpu.vector_load %arg16[%swap3A_564] {strides = array<i32>} : memref<32768xf32, #tpu.memory_space<vmem>>, vector<16xf32>,
            tpu.vector_store %arg16[%swap3A_564], %gather3A {strides = array<i32>} : memref<32768xf32, #tpu.memory_space<vmem>>, vector<16xf32>,
            %mul3A_566 = arith.constant 32 : i32
            %mul3A_567 = arith.muli %get3A_561, %mul3A_566 : i32
            %add3A_568 = arith.constant 16 : i32
            %add3A_569 = arith.addi %mul3A_567, %add3A_568 : i32
            %swap3A_570 = arith.index_cast %add3A_569 : i32 to index
            %swap3A_571 = tpu.vector_load %arg16[%swap3A_570] {strides = array<i32>} : memref<32768xf32, #tpu.memory_space<vmem>>, vector<16xf32>,
            tpu.vector_store %arg16[%swap3A_570], %gather3A_558 {strides = array<i32>} : memref<32768xf32, #tpu.memory_space<vmem>>, vector<16xf32>,
            %mul3A_572 = arith.constant 32 : i32
            %mul3A_573 = arith.muli %get3A_561, %mul3A_572 : i32
            %mul3A_574 = arith.constant 32 : i32
            %mul3A_575 = arith.muli %reduce_sum3A_553, %mul3A_574 : i32
            %dma_start3A_576 = tpu.memref_slice %arg16[%mul3A_573] : memref<32768xf32, #tpu.memory_space<vmem>> -> memref<32xf32, #tpu.memory_space<vmem>>
            %dma_start3A_577 = tpu.memref_slice %arg8[%mul3A_575] : memref<524288xf32, #tpu.memory_space<hbm>> -> memref<32xf32, #tpu.memory_space<hbm>>
            %dma_start3A_578 = tpu.memref_slice %arg8[%mul3A_575] : memref<524288xf32, #tpu.memory_space<hbm>> -> memref<32xf32, #tpu.memory_space<hbm>>
            %dma_start3A_579 = tpu.memref_slice %arg16[%mul3A_573] : memref<32768xf32, #tpu.memory_space<vmem>> -> memref<32xf32, #tpu.memory_space<vmem>>
            tpu.enqueue_dma source(%dma_start3A_579 : memref<32xf32, #tpu.memory_space<vmem>>) target(%dma_start3A_578 : memref<32xf32, #tpu.memory_space<hbm>>) target_semaphore(%arg23 : memref<!tpu.dma_semaphore, #tpu.memory_space<semaphore_mem>>)
            %add3A_580 = arith.constant 1 : i32
            %add3A_581 = arith.addi %get3A_561, %add3A_580 : i32
            %swap3A_582 = arith.constant 1 : i32
            %swap3A_583 = arith.index_cast %swap3A_582 : i32 to index
            %swap3A_584 = memref.load %arg19[%swap3A_583] : memref<72xi32, #tpu.memory_space<smem>>
            memref.store %add3A_581, %arg19[%swap3A_583] : memref<72xi32, #tpu.memory_space<smem>>
            %sub3A_585 = arith.constant 1 : i32
            %sub3A_586 = vector.broadcast %sub3A_585 : i32 to vector<16xi32>
            %sub3A_587 = arith.subi %sub3A_586, %convert_element_type3A_544 : vector<16xi32>
            %mul3A_588 = arith.muli %while3A_540, %sub3A_587 : vector<16xi32>
            scf.yield %mul3A_588 : vector<16xi32>
          }
        } else {
        }
      }
      %scan3A_503 = arith.constant 3 : i32
      %add3A_504 = arith.constant 3 : i32
      %add3A_505 = arith.addi %add3A_483, %add3A_504 : i32
      %lt3A_506 = arith.constant 61 : i32
      %lt3A_507 = arith.cmpi slt, %add3A_505, %lt3A_506 : i32
      %convert_element_type3A_508 = arith.extui %lt3A_507 : i1 to i32
      %cond3A_509 = arith.constant 0 : i32
      %cond3A_510 = arith.cmpi ne, %convert_element_type3A_508, %cond3A_509 : i32
      scf.if %cond3A_510 {
        %mul3A_511 = arith.constant 512 : i32
        %mul3A_512 = arith.muli %add3A_505, %mul3A_511 : i32
        %add3A_513 = arith.addi %mul3A_4, %mul3A_512 : i32
        %dma_start3A_514 = arith.constant 0 : i32
        %dma_start3A_515 = arith.constant 0 : i32
        %dma_start3A_516 = tpu.memref_slice %arg13[%dma_start3A_514, %dma_start3A_515] : memref<32x512xf32, #tpu.memory_space<vmem>> -> memref<8x512xf32, #tpu.memory_space<vmem>>
        %dma_start3A_517 = arith.constant 0 : i32
        %dma_start3A_518 = tpu.memref_slice %arg4[%dma_start3A_517, %add3A_513] : memref<32x1000000xf32, #tpu.memory_space<hbm>> -> memref<8x512xf32, #tpu.memory_space<hbm>>
        %dma_start3A_519 = arith.constant 0 : i32
        %dma_start3A_520 = arith.constant 0 : i32
        %dma_start3A_521 = tpu.memref_slice %arg13[%dma_start3A_519, %dma_start3A_520] : memref<32x512xf32, #tpu.memory_space<vmem>> -> memref<8x512xf32, #tpu.memory_space<vmem>>
        %dma_start3A_522 = arith.constant 0 : i32
        %dma_start3A_523 = tpu.memref_slice %arg4[%dma_start3A_522, %add3A_513] : memref<32x1000000xf32, #tpu.memory_space<hbm>> -> memref<8x512xf32, #tpu.memory_space<hbm>>
        tpu.enqueue_dma source(%dma_start3A_523 : memref<8x512xf32, #tpu.memory_space<hbm>>) target(%dma_start3A_521 : memref<8x512xf32, #tpu.memory_space<vmem>>) target_semaphore(%arg22 : memref<!tpu.dma_semaphore, #tpu.memory_space<semaphore_mem>>)
        %mul3A_524 = arith.constant 512 : i32
        %mul3A_525 = arith.muli %add3A_505, %mul3A_524 : i32
        %add3A_526 = arith.addi %mul3A_4, %mul3A_525 : i32
        %dma_start3A_527 = arith.constant 8 : i32
        %dma_start3A_528 = arith.constant 0 : i32
        %dma_start3A_529 = tpu.memref_slice %arg13[%dma_start3A_527, %dma_start3A_528] : memref<32x512xf32, #tpu.memory_space<vmem>> -> memref<8x512xf32, #tpu.memory_space<vmem>>
        %dma_start3A_530 = arith.constant 8 : i32
        %dma_start3A_531 = tpu.memref_slice %arg4[%dma_start3A_530, %add3A_526] : memref<32x1000000xf32, #tpu.memory_space<hbm>> -> memref<8x512xf32, #tpu.memory_space<hbm>>
        %dma_start3A_532 = arith.constant 8 : i32
        %dma_start3A_533 = arith.constant 0 : i32
        %dma_start3A_534 = tpu.memref_slice %arg13[%dma_start3A_532, %dma_start3A_533] : memref<32x512xf32, #tpu.memory_space<vmem>> -> memref<8x512xf32, #tpu.memory_space<vmem>>
        %dma_start3A_535 = arith.constant 8 : i32
        %dma_start3A_536 = tpu.memref_slice %arg4[%dma_start3A_535, %add3A_526] : memref<32x1000000xf32, #tpu.memory_space<hbm>> -> memref<8x512xf32, #tpu.memory_space<hbm>>
        tpu.enqueue_dma source(%dma_start3A_536 : memref<8x512xf32, #tpu.memory_space<hbm>>) target(%dma_start3A_534 : memref<8x512xf32, #tpu.memory_space<vmem>>) target_semaphore(%arg22 : memref<!tpu.dma_semaphore, #tpu.memory_space<semaphore_mem>>)
        %mul3A_537 = arith.constant 512 : i32
        %mul3A_538 = arith.muli %add3A_505, %mul3A_537 : i32
        %add3A_539 = arith.addi %mul3A_4, %mul3A_538 : i32
        %dma_start3A_540 = arith.constant 16 : i32
        %dma_start3A_541 = arith.constant 0 : i32
        %dma_start3A_542 = tpu.memref_slice %arg13[%dma_start3A_540, %dma_start3A_541] : memref<32x512xf32, #tpu.memory_space<vmem>> -> memref<8x512xf32, #tpu.memory_space<vmem>>
        %dma_start3A_543 = arith.constant 16 : i32
        %dma_start3A_544 = tpu.memref_slice %arg4[%dma_start3A_543, %add3A_539] : memref<32x1000000xf32, #tpu.memory_space<hbm>> -> memref<8x512xf32, #tpu.memory_space<hbm>>
        %dma_start3A_545 = arith.constant 16 : i32
        %dma_start3A_546 = arith.constant 0 : i32
        %dma_start3A_547 = tpu.memref_slice %arg13[%dma_start3A_545, %dma_start3A_546] : memref<32x512xf32, #tpu.memory_space<vmem>> -> memref<8x512xf32, #tpu.memory_space<vmem>>
        %dma_start3A_548 = arith.constant 16 : i32
        %dma_start3A_549 = tpu.memref_slice %arg4[%dma_start3A_548, %add3A_539] : memref<32x1000000xf32, #tpu.memory_space<hbm>> -> memref<8x512xf32, #tpu.memory_space<hbm>>
        tpu.enqueue_dma source(%dma_start3A_549 : memref<8x512xf32, #tpu.memory_space<hbm>>) target(%dma_start3A_547 : memref<8x512xf32, #tpu.memory_space<vmem>>) target_semaphore(%arg22 : memref<!tpu.dma_semaphore, #tpu.memory_space<semaphore_mem>>)
        %mul3A_550 = arith.constant 512 : i32
        %mul3A_551 = arith.muli %add3A_505, %mul3A_550 : i32
        %add3A_552 = arith.addi %mul3A_4, %mul3A_551 : i32
        %dma_start3A_553 = arith.constant 24 : i32
        %dma_start3A_554 = arith.constant 0 : i32
        %dma_start3A_555 = tpu.memref_slice %arg13[%dma_start3A_553, %dma_start3A_554] : memref<32x512xf32, #tpu.memory_space<vmem>> -> memref<8x512xf32, #tpu.memory_space<vmem>>
        %dma_start3A_556 = arith.constant 24 : i32
        %dma_start3A_557 = tpu.memref_slice %arg4[%dma_start3A_556, %add3A_552] : memref<32x1000000xf32, #tpu.memory_space<hbm>> -> memref<8x512xf32, #tpu.memory_space<hbm>>
        %dma_start3A_558 = arith.constant 24 : i32
        %dma_start3A_559 = arith.constant 0 : i32
        %dma_start3A_560 = tpu.memref_slice %arg13[%dma_start3A_558, %dma_start3A_559] : memref<32x512xf32, #tpu.memory_space<vmem>> -> memref<8x512xf32, #tpu.memory_space<vmem>>
        %dma_start3A_561 = arith.constant 24 : i32
        %dma_start3A_562 = tpu.memref_slice %arg4[%dma_start3A_561, %add3A_552] : memref<32x1000000xf32, #tpu.memory_space<hbm>> -> memref<8x512xf32, #tpu.memory_space<hbm>>
        tpu.enqueue_dma source(%dma_start3A_562 : memref<8x512xf32, #tpu.memory_space<hbm>>) target(%dma_start3A_560 : memref<8x512xf32, #tpu.memory_space<vmem>>) target_semaphore(%arg22 : memref<!tpu.dma_semaphore, #tpu.memory_space<semaphore_mem>>)
      } else {
      }
    }
    %scan3A_181 = arith.constant 20 : i32
    %dma_wait3A = arith.constant 0 : i32
    %dma_wait3A_182 = arith.constant 0 : i32
    %dma_wait3A_183 = tpu.memref_slice %arg4[%dma_wait3A, %dma_wait3A_182] : memref<32x1000000xf32, #tpu.memory_space<hbm>> -> memref<32x512xf32, #tpu.memory_space<hbm>>
    %dma_wait3A_184 = arith.constant 0 : i32
    %dma_wait3A_185 = arith.constant 0 : i32
    %dma_wait3A_186 = tpu.memref_slice %arg4[%dma_wait3A_184, %dma_wait3A_185] : memref<32x1000000xf32, #tpu.memory_space<hbm>> -> memref<32x512xf32, #tpu.memory_space<hbm>>
    tpu.wait_dma2 semaphore(%arg20 : memref<!tpu.dma_semaphore, #tpu.memory_space<semaphore_mem>>) src(%dma_wait3A_186 : memref<32x512xf32, #tpu.memory_space<hbm>>) dst(%arg11 : memref<32x512xf32, #tpu.memory_space<vmem>>)
    %add3A_187 = arith.constant 30720 : i32
    %add3A_188 = arith.addi %mul3A_4, %add3A_187 : i32
    %sub3A = arith.subi %add3A_188, %mul3A_4 : i32
    %shift_right_arithmetic3A = arith.constant 9 : i32
    %shift_right_arithmetic3A_189 = arith.shrsi %sub3A, %shift_right_arithmetic3A : i32
    %mul3A_190 = arith.constant 48 : i32
    %mul3A_191 = arith.muli %shift_right_arithmetic3A_189, %mul3A_190 : i32
    %scan3A_192 = arith.constant 0 : i32
    %scan3A_193 = arith.constant 0 : i32
    %scan3A_194 = arith.constant 3 : i32
    %scan3A_195 = arith.addi %scan3A_193, %scan3A_194 : i32
    %scan3A_196 = arith.constant 1 : i32
    scf.for %scan3A_418 = %scan3A_193 to %scan3A_195 step %scan3A_196  : i32 {
      %mul3A_419 = arith.constant 16 : i32
      %mul3A_420 = arith.muli %scan3A_418, %mul3A_419 : i32
      %add3A_421 = arith.addi %mul3A_191, %mul3A_420 : i32
      %get3A_422 = arith.index_cast %add3A_421 : i32 to index
      %get3A_423 = tpu.vector_load %arg14[%get3A_422] {strides = array<i32>} : memref<3072xi32, #tpu.memory_space<vmem>>, vector<16xi32>,
      %mul3A_424 = arith.constant 16 : i32
      %mul3A_425 = arith.muli %scan3A_418, %mul3A_424 : i32
      %add3A_426 = arith.addi %mul3A_191, %mul3A_425 : i32
      %get3A_427 = arith.index_cast %add3A_426 : i32 to index
      %get3A_428 = tpu.vector_load %arg15[%get3A_427] {strides = array<i32>} : memref<3072xi32, #tpu.memory_space<vmem>>, vector<16xi32>,
      %ge3A = vector.broadcast %add3A_188 : i32 to vector<16xi32>
      %ge3A_429 = arith.cmpi sge, %get3A_423, %ge3A : vector<16xi32>
      %add3A_430 = arith.constant 512 : i32
      %add3A_431 = arith.addi %add3A_188, %add3A_430 : i32
      %lt3A = vector.broadcast %add3A_431 : i32 to vector<16xi32>
      %lt3A_432 = arith.cmpi slt, %get3A_423, %lt3A : vector<16xi32>
      %and3A = arith.andi %ge3A_429, %lt3A_432 : vector<16xi1>
      %convert_element_type3A_433 = arith.extui %and3A : vector<16xi1> to vector<16xi32>
      %reduce_max3A = arith.constant true
      %reduce_max3A_434 = vector.broadcast %reduce_max3A : i1 to vector<16xi1>
      %reduce_max3A_435 = arith.constant -2147483648 : i32
      %reduce_max3A_436 = vector.broadcast %reduce_max3A_435 : i32 to vector<16xi32>
      %reduce_max3A_437 = arith.xori %convert_element_type3A_433, %reduce_max3A_436 : vector<16xi32>
      %reduce_max3A_438 = tpu.scan <max>, %reduce_max3A_437 masked %reduce_max3A_434 : vector<16xi32>, vector<16xi1> -> vector<16xi32>
      %reduce_max3A_439 = arith.xori %reduce_max3A_438, %reduce_max3A_436 : vector<16xi32>
      %reduce_max3A_440 = vector.extract %reduce_max3A_439[15] : i32 from vector<16xi32>
      %gt3A = arith.constant 0 : i32
      %gt3A_441 = arith.cmpi sgt, %reduce_max3A_440, %gt3A : i32
      %convert_element_type3A_442 = arith.extui %gt3A_441 : i1 to i32
      %cond3A_443 = arith.constant 0 : i32
      %cond3A_444 = arith.cmpi ne, %convert_element_type3A_442, %cond3A_443 : i32
      scf.if %cond3A_444 {
        %while3A_445 = scf.while (%while3A_446 = %convert_element_type3A_433) : (vector<16xi32>) -> vector<16xi32> {
          %reduce_max3A_447 = arith.constant true
          %reduce_max3A_448 = vector.broadcast %reduce_max3A_447 : i1 to vector<16xi1>
          %reduce_max3A_449 = arith.constant -2147483648 : i32
          %reduce_max3A_450 = vector.broadcast %reduce_max3A_449 : i32 to vector<16xi32>
          %reduce_max3A_451 = arith.xori %while3A_446, %reduce_max3A_450 : vector<16xi32>
          %reduce_max3A_452 = tpu.scan <max>, %reduce_max3A_451 masked %reduce_max3A_448 : vector<16xi32>, vector<16xi1> -> vector<16xi32>
          %reduce_max3A_453 = arith.xori %reduce_max3A_452, %reduce_max3A_450 : vector<16xi32>
          %reduce_max3A_454 = vector.extract %reduce_max3A_453[15] : i32 from vector<16xi32>
          %gt3A_455 = arith.constant 0 : i32
          %gt3A_456 = arith.cmpi sgt, %reduce_max3A_454, %gt3A_455 : i32
          scf.condition(%gt3A_456) %while3A_446 : vector<16xi32>
        } do {
        ^bb0(%while3A_446: vector<16xi32>):
          %ne3A = arith.constant 0 : i32
          %ne3A_447 = vector.broadcast %ne3A : i32 to vector<16xi32>
          %ne3A_448 = arith.cmpi ne, %while3A_446, %ne3A_447 : vector<16xi32>
          %all_reduce_ffs3A = tpu.all_reduce %ne3A_448 {dim = 0 : i64, kind = #tpu.reduction_kind<find_first_set>} : vector<16xi1> -> vector<16xi32>
          %eq3A_449 = arith.cmpi eq, %iota3A, %all_reduce_ffs3A : vector<16xi32>
          %convert_element_type3A_450 = arith.extui %eq3A_449 : vector<16xi1> to vector<16xi32>
          %mul3A_451 = arith.muli %get3A_423, %convert_element_type3A_450 : vector<16xi32>
          %reduce_sum3A = arith.constant true
          %reduce_sum3A_452 = vector.broadcast %reduce_sum3A : i1 to vector<16xi1>
          %reduce_sum3A_453 = tpu.scan <sum>, %mul3A_451 masked %reduce_sum3A_452 : vector<16xi32>, vector<16xi1> -> vector<16xi32>
          %reduce_sum3A_454 = vector.extract %reduce_sum3A_453[15] : i32 from vector<16xi32>
          %mul3A_455 = arith.muli %get3A_428, %convert_element_type3A_450 : vector<16xi32>
          %reduce_sum3A_456 = arith.constant true
          %reduce_sum3A_457 = vector.broadcast %reduce_sum3A_456 : i1 to vector<16xi1>
          %reduce_sum3A_458 = tpu.scan <sum>, %mul3A_455 masked %reduce_sum3A_457 : vector<16xi32>, vector<16xi1> -> vector<16xi32>
          %reduce_sum3A_459 = vector.extract %reduce_sum3A_458[15] : i32 from vector<16xi32>
          %sub3A_460 = arith.subi %reduce_sum3A_454, %add3A_188 : i32
          %broadcast_in_dim3A = vector.broadcast %sub3A_460 : i32 to vector<16xi32>
          %gather3A = tpu.vector_load_idx %arg11[%iota3A, %broadcast_in_dim3A] : memref<32x512xf32, #tpu.memory_space<vmem>>[vector<16xi32>, vector<16xi32>], vector<16xf32>,
          %add3A_461 = arith.constant 16 : i32
          %add3A_462 = vector.broadcast %add3A_461 : i32 to vector<16xi32>
          %add3A_463 = arith.addi %iota3A, %add3A_462 : vector<16xi32>
          %gather3A_464 = tpu.vector_load_idx %arg11[%add3A_463, %broadcast_in_dim3A] : memref<32x512xf32, #tpu.memory_space<vmem>>[vector<16xi32>, vector<16xi32>], vector<16xf32>,
          %get3A_465 = arith.constant 1 : i32
          %get3A_466 = arith.index_cast %get3A_465 : i32 to index
          %get3A_467 = memref.load %arg19[%get3A_466] : memref<72xi32, #tpu.memory_space<smem>>
          %mul3A_468 = arith.constant 32 : i32
          %mul3A_469 = arith.muli %get3A_467, %mul3A_468 : i32
          %swap3A_470 = arith.index_cast %mul3A_469 : i32 to index
          %swap3A_471 = tpu.vector_load %arg16[%swap3A_470] {strides = array<i32>} : memref<32768xf32, #tpu.memory_space<vmem>>, vector<16xf32>,
          tpu.vector_store %arg16[%swap3A_470], %gather3A {strides = array<i32>} : memref<32768xf32, #tpu.memory_space<vmem>>, vector<16xf32>,
          %mul3A_472 = arith.constant 32 : i32
          %mul3A_473 = arith.muli %get3A_467, %mul3A_472 : i32
          %add3A_474 = arith.constant 16 : i32
          %add3A_475 = arith.addi %mul3A_473, %add3A_474 : i32
          %swap3A_476 = arith.index_cast %add3A_475 : i32 to index
          %swap3A_477 = tpu.vector_load %arg16[%swap3A_476] {strides = array<i32>} : memref<32768xf32, #tpu.memory_space<vmem>>, vector<16xf32>,
          tpu.vector_store %arg16[%swap3A_476], %gather3A_464 {strides = array<i32>} : memref<32768xf32, #tpu.memory_space<vmem>>, vector<16xf32>,
          %mul3A_478 = arith.constant 32 : i32
          %mul3A_479 = arith.muli %get3A_467, %mul3A_478 : i32
          %mul3A_480 = arith.constant 32 : i32
          %mul3A_481 = arith.muli %reduce_sum3A_459, %mul3A_480 : i32
          %dma_start3A_482 = tpu.memref_slice %arg16[%mul3A_479] : memref<32768xf32, #tpu.memory_space<vmem>> -> memref<32xf32, #tpu.memory_space<vmem>>
          %dma_start3A_483 = tpu.memref_slice %arg8[%mul3A_481] : memref<524288xf32, #tpu.memory_space<hbm>> -> memref<32xf32, #tpu.memory_space<hbm>>
          %dma_start3A_484 = tpu.memref_slice %arg8[%mul3A_481] : memref<524288xf32, #tpu.memory_space<hbm>> -> memref<32xf32, #tpu.memory_space<hbm>>
          %dma_start3A_485 = tpu.memref_slice %arg16[%mul3A_479] : memref<32768xf32, #tpu.memory_space<vmem>> -> memref<32xf32, #tpu.memory_space<vmem>>
          tpu.enqueue_dma source(%dma_start3A_485 : memref<32xf32, #tpu.memory_space<vmem>>) target(%dma_start3A_484 : memref<32xf32, #tpu.memory_space<hbm>>) target_semaphore(%arg23 : memref<!tpu.dma_semaphore, #tpu.memory_space<semaphore_mem>>)
          %add3A_486 = arith.constant 1 : i32
          %add3A_487 = arith.addi %get3A_467, %add3A_486 : i32
          %swap3A_488 = arith.constant 1 : i32
          %swap3A_489 = arith.index_cast %swap3A_488 : i32 to index
          %swap3A_490 = memref.load %arg19[%swap3A_489] : memref<72xi32, #tpu.memory_space<smem>>
          memref.store %add3A_487, %arg19[%swap3A_489] : memref<72xi32, #tpu.memory_space<smem>>
          %sub3A_491 = arith.constant 1 : i32
          %sub3A_492 = vector.broadcast %sub3A_491 : i32 to vector<16xi32>
          %sub3A_493 = arith.subi %sub3A_492, %convert_element_type3A_450 : vector<16xi32>
          %mul3A_494 = arith.muli %while3A_446, %sub3A_493 : vector<16xi32>
          scf.yield %mul3A_494 : vector<16xi32>
        }
      } else {
      }
    }
    %scan3A_197 = arith.constant 3 : i32
    %eq3A_198 = arith.constant 31 : i32
    %eq3A_199 = arith.cmpi eq, %add3A, %eq3A_198 : i32
    %convert_element_type3A = arith.extui %eq3A_199 : i1 to i32
    %cond3A = arith.constant 0 : i32
    %cond3A_200 = arith.cmpi ne, %convert_element_type3A, %cond3A : i32
    scf.if %cond3A_200 {
      %run_scoped3A = arith.constant 999424 : i32
      "tpu.region"() ({
        %run_scoped3A_444 = tpu.sem_alloc : memref<!tpu.dma_semaphore, #tpu.memory_space<semaphore_mem>>
        %dma_start3A_445 = arith.constant 0 : i32
        %dma_start3A_446 = arith.constant 0 : i32
        %dma_start3A_447 = tpu.memref_slice %arg11[%dma_start3A_445, %dma_start3A_446] : memref<32x512xf32, #tpu.memory_space<vmem>> -> memref<32x512xf32, #tpu.memory_space<vmem>>
        %dma_start3A_448 = arith.constant 0 : i32
        %dma_start3A_449 = tpu.memref_slice %arg4[%dma_start3A_448, %run_scoped3A] : memref<32x1000000xf32, #tpu.memory_space<hbm>> -> memref<32x512xf32, #tpu.memory_space<hbm>>
        %dma_start3A_450 = arith.constant 0 : i32
        %dma_start3A_451 = arith.constant 0 : i32
        %dma_start3A_452 = tpu.memref_slice %arg11[%dma_start3A_450, %dma_start3A_451] : memref<32x512xf32, #tpu.memory_space<vmem>> -> memref<32x512xf32, #tpu.memory_space<vmem>>
        %dma_start3A_453 = arith.constant 0 : i32
        %dma_start3A_454 = tpu.memref_slice %arg4[%dma_start3A_453, %run_scoped3A] : memref<32x1000000xf32, #tpu.memory_space<hbm>> -> memref<32x512xf32, #tpu.memory_space<hbm>>
        tpu.enqueue_dma source(%dma_start3A_454 : memref<32x512xf32, #tpu.memory_space<hbm>>) target(%dma_start3A_452 : memref<32x512xf32, #tpu.memory_space<vmem>>) target_semaphore(%run_scoped3A_444 : memref<!tpu.dma_semaphore, #tpu.memory_space<semaphore_mem>>)
        %dma_wait3A_455 = arith.constant 0 : i32
        %dma_wait3A_456 = arith.constant 0 : i32
        %dma_wait3A_457 = tpu.memref_slice %arg11[%dma_wait3A_455, %dma_wait3A_456] : memref<32x512xf32, #tpu.memory_space<vmem>> -> memref<32x512xf32, #tpu.memory_space<vmem>>
        %dma_wait3A_458 = arith.constant 0 : i32
        %dma_wait3A_459 = tpu.memref_slice %arg4[%dma_wait3A_458, %run_scoped3A] : memref<32x1000000xf32, #tpu.memory_space<hbm>> -> memref<32x512xf32, #tpu.memory_space<hbm>>
        %dma_wait3A_460 = arith.constant 0 : i32
        %dma_wait3A_461 = arith.constant 0 : i32
        %dma_wait3A_462 = tpu.memref_slice %arg11[%dma_wait3A_460, %dma_wait3A_461] : memref<32x512xf32, #tpu.memory_space<vmem>> -> memref<32x512xf32, #tpu.memory_space<vmem>>
        %dma_wait3A_463 = arith.constant 0 : i32
        %dma_wait3A_464 = tpu.memref_slice %arg4[%dma_wait3A_463, %run_scoped3A] : memref<32x1000000xf32, #tpu.memory_space<hbm>> -> memref<32x512xf32, #tpu.memory_space<hbm>>
        tpu.wait_dma2 semaphore(%run_scoped3A_444 : memref<!tpu.dma_semaphore, #tpu.memory_space<semaphore_mem>>) src(%dma_wait3A_464 : memref<32x512xf32, #tpu.memory_space<hbm>>) dst(%dma_wait3A_462 : memref<32x512xf32, #tpu.memory_space<vmem>>)
        tpu.yield
      }) : () -> ()
      %sub3A_418 = arith.constant 999424 : i32
      %sub3A_419 = arith.subi %sub3A_418, %mul3A_4 : i32
      %shift_right_arithmetic3A_420 = arith.constant 9 : i32
      %shift_right_arithmetic3A_421 = arith.shrsi %sub3A_419, %shift_right_arithmetic3A_420 : i32
      %mul3A_422 = arith.constant 48 : i32
      %mul3A_423 = arith.muli %shift_right_arithmetic3A_421, %mul3A_422 : i32
      %scan3A_424 = arith.constant 0 : i32
      %scan3A_425 = arith.constant 999424 : i32
      %scan3A_426 = arith.constant 0 : i32
      %scan3A_427 = arith.constant 3 : i32
      %scan3A_428 = arith.addi %scan3A_426, %scan3A_427 : i32
      %scan3A_429 = arith.constant 1 : i32
      scf.for %scan3A_444 = %scan3A_426 to %scan3A_428 step %scan3A_429  : i32 {
        %mul3A_445 = arith.constant 16 : i32
        %mul3A_446 = arith.muli %scan3A_444, %mul3A_445 : i32
        %add3A_447 = arith.addi %mul3A_423, %mul3A_446 : i32
        %get3A_448 = arith.index_cast %add3A_447 : i32 to index
        %get3A_449 = tpu.vector_load %arg14[%get3A_448] {strides = array<i32>} : memref<3072xi32, #tpu.memory_space<vmem>>, vector<16xi32>,
        %mul3A_450 = arith.constant 16 : i32
        %mul3A_451 = arith.muli %scan3A_444, %mul3A_450 : i32
        %add3A_452 = arith.addi %mul3A_423, %mul3A_451 : i32
        %get3A_453 = arith.index_cast %add3A_452 : i32 to index
        %get3A_454 = tpu.vector_load %arg15[%get3A_453] {strides = array<i32>} : memref<3072xi32, #tpu.memory_space<vmem>>, vector<16xi32>,
        %ge3A = vector.broadcast %scan3A_425 : i32 to vector<16xi32>
        %ge3A_455 = arith.cmpi sge, %get3A_449, %ge3A : vector<16xi32>
        %add3A_456 = arith.constant 512 : i32
        %add3A_457 = arith.addi %scan3A_425, %add3A_456 : i32
        %lt3A = vector.broadcast %add3A_457 : i32 to vector<16xi32>
        %lt3A_458 = arith.cmpi slt, %get3A_449, %lt3A : vector<16xi32>
        %and3A = arith.andi %ge3A_455, %lt3A_458 : vector<16xi1>
        %convert_element_type3A_459 = arith.extui %and3A : vector<16xi1> to vector<16xi32>
        %reduce_max3A = arith.constant true
        %reduce_max3A_460 = vector.broadcast %reduce_max3A : i1 to vector<16xi1>
        %reduce_max3A_461 = arith.constant -2147483648 : i32
        %reduce_max3A_462 = vector.broadcast %reduce_max3A_461 : i32 to vector<16xi32>
        %reduce_max3A_463 = arith.xori %convert_element_type3A_459, %reduce_max3A_462 : vector<16xi32>
        %reduce_max3A_464 = tpu.scan <max>, %reduce_max3A_463 masked %reduce_max3A_460 : vector<16xi32>, vector<16xi1> -> vector<16xi32>
        %reduce_max3A_465 = arith.xori %reduce_max3A_464, %reduce_max3A_462 : vector<16xi32>
        %reduce_max3A_466 = vector.extract %reduce_max3A_465[15] : i32 from vector<16xi32>
        %gt3A = arith.constant 0 : i32
        %gt3A_467 = arith.cmpi sgt, %reduce_max3A_466, %gt3A : i32
        %convert_element_type3A_468 = arith.extui %gt3A_467 : i1 to i32
        %cond3A_469 = arith.constant 0 : i32
        %cond3A_470 = arith.cmpi ne, %convert_element_type3A_468, %cond3A_469 : i32
        scf.if %cond3A_470 {
          %while3A_471 = scf.while (%while3A_472 = %convert_element_type3A_459) : (vector<16xi32>) -> vector<16xi32> {
            %reduce_max3A_473 = arith.constant true
            %reduce_max3A_474 = vector.broadcast %reduce_max3A_473 : i1 to vector<16xi1>
            %reduce_max3A_475 = arith.constant -2147483648 : i32
            %reduce_max3A_476 = vector.broadcast %reduce_max3A_475 : i32 to vector<16xi32>
            %reduce_max3A_477 = arith.xori %while3A_472, %reduce_max3A_476 : vector<16xi32>
            %reduce_max3A_478 = tpu.scan <max>, %reduce_max3A_477 masked %reduce_max3A_474 : vector<16xi32>, vector<16xi1> -> vector<16xi32>
            %reduce_max3A_479 = arith.xori %reduce_max3A_478, %reduce_max3A_476 : vector<16xi32>
            %reduce_max3A_480 = vector.extract %reduce_max3A_479[15] : i32 from vector<16xi32>
            %gt3A_481 = arith.constant 0 : i32
            %gt3A_482 = arith.cmpi sgt, %reduce_max3A_480, %gt3A_481 : i32
            scf.condition(%gt3A_482) %while3A_472 : vector<16xi32>
          } do {
          ^bb0(%while3A_472: vector<16xi32>):
            %ne3A = arith.constant 0 : i32
            %ne3A_473 = vector.broadcast %ne3A : i32 to vector<16xi32>
            %ne3A_474 = arith.cmpi ne, %while3A_472, %ne3A_473 : vector<16xi32>
            %all_reduce_ffs3A = tpu.all_reduce %ne3A_474 {dim = 0 : i64, kind = #tpu.reduction_kind<find_first_set>} : vector<16xi1> -> vector<16xi32>
            %eq3A_475 = arith.cmpi eq, %iota3A, %all_reduce_ffs3A : vector<16xi32>
            %convert_element_type3A_476 = arith.extui %eq3A_475 : vector<16xi1> to vector<16xi32>
            %mul3A_477 = arith.muli %get3A_449, %convert_element_type3A_476 : vector<16xi32>
            %reduce_sum3A = arith.constant true
            %reduce_sum3A_478 = vector.broadcast %reduce_sum3A : i1 to vector<16xi1>
            %reduce_sum3A_479 = tpu.scan <sum>, %mul3A_477 masked %reduce_sum3A_478 : vector<16xi32>, vector<16xi1> -> vector<16xi32>
            %reduce_sum3A_480 = vector.extract %reduce_sum3A_479[15] : i32 from vector<16xi32>
            %mul3A_481 = arith.muli %get3A_454, %convert_element_type3A_476 : vector<16xi32>
            %reduce_sum3A_482 = arith.constant true
            %reduce_sum3A_483 = vector.broadcast %reduce_sum3A_482 : i1 to vector<16xi1>
            %reduce_sum3A_484 = tpu.scan <sum>, %mul3A_481 masked %reduce_sum3A_483 : vector<16xi32>, vector<16xi1> -> vector<16xi32>
            %reduce_sum3A_485 = vector.extract %reduce_sum3A_484[15] : i32 from vector<16xi32>
            %sub3A_486 = arith.subi %reduce_sum3A_480, %scan3A_425 : i32
            %broadcast_in_dim3A = vector.broadcast %sub3A_486 : i32 to vector<16xi32>
            %gather3A = tpu.vector_load_idx %arg11[%iota3A, %broadcast_in_dim3A] : memref<32x512xf32, #tpu.memory_space<vmem>>[vector<16xi32>, vector<16xi32>], vector<16xf32>,
            %add3A_487 = arith.constant 16 : i32
            %add3A_488 = vector.broadcast %add3A_487 : i32 to vector<16xi32>
            %add3A_489 = arith.addi %iota3A, %add3A_488 : vector<16xi32>
            %gather3A_490 = tpu.vector_load_idx %arg11[%add3A_489, %broadcast_in_dim3A] : memref<32x512xf32, #tpu.memory_space<vmem>>[vector<16xi32>, vector<16xi32>], vector<16xf32>,
            %get3A_491 = arith.constant 1 : i32
            %get3A_492 = arith.index_cast %get3A_491 : i32 to index
            %get3A_493 = memref.load %arg19[%get3A_492] : memref<72xi32, #tpu.memory_space<smem>>
            %mul3A_494 = arith.constant 32 : i32
            %mul3A_495 = arith.muli %get3A_493, %mul3A_494 : i32
            %swap3A_496 = arith.index_cast %mul3A_495 : i32 to index
            %swap3A_497 = tpu.vector_load %arg16[%swap3A_496] {strides = array<i32>} : memref<32768xf32, #tpu.memory_space<vmem>>, vector<16xf32>,
            tpu.vector_store %arg16[%swap3A_496], %gather3A {strides = array<i32>} : memref<32768xf32, #tpu.memory_space<vmem>>, vector<16xf32>,
            %mul3A_498 = arith.constant 32 : i32
            %mul3A_499 = arith.muli %get3A_493, %mul3A_498 : i32
            %add3A_500 = arith.constant 16 : i32
            %add3A_501 = arith.addi %mul3A_499, %add3A_500 : i32
            %swap3A_502 = arith.index_cast %add3A_501 : i32 to index
            %swap3A_503 = tpu.vector_load %arg16[%swap3A_502] {strides = array<i32>} : memref<32768xf32, #tpu.memory_space<vmem>>, vector<16xf32>,
            tpu.vector_store %arg16[%swap3A_502], %gather3A_490 {strides = array<i32>} : memref<32768xf32, #tpu.memory_space<vmem>>, vector<16xf32>,
            %mul3A_504 = arith.constant 32 : i32
            %mul3A_505 = arith.muli %get3A_493, %mul3A_504 : i32
            %mul3A_506 = arith.constant 32 : i32
            %mul3A_507 = arith.muli %reduce_sum3A_485, %mul3A_506 : i32
            %dma_start3A_508 = tpu.memref_slice %arg16[%mul3A_505] : memref<32768xf32, #tpu.memory_space<vmem>> -> memref<32xf32, #tpu.memory_space<vmem>>
            %dma_start3A_509 = tpu.memref_slice %arg8[%mul3A_507] : memref<524288xf32, #tpu.memory_space<hbm>> -> memref<32xf32, #tpu.memory_space<hbm>>
            %dma_start3A_510 = tpu.memref_slice %arg8[%mul3A_507] : memref<524288xf32, #tpu.memory_space<hbm>> -> memref<32xf32, #tpu.memory_space<hbm>>
            %dma_start3A_511 = tpu.memref_slice %arg16[%mul3A_505] : memref<32768xf32, #tpu.memory_space<vmem>> -> memref<32xf32, #tpu.memory_space<vmem>>
            tpu.enqueue_dma source(%dma_start3A_511 : memref<32xf32, #tpu.memory_space<vmem>>) target(%dma_start3A_510 : memref<32xf32, #tpu.memory_space<hbm>>) target_semaphore(%arg23 : memref<!tpu.dma_semaphore, #tpu.memory_space<semaphore_mem>>)
            %add3A_512 = arith.constant 1 : i32
            %add3A_513 = arith.addi %get3A_493, %add3A_512 : i32
            %swap3A_514 = arith.constant 1 : i32
            %swap3A_515 = arith.index_cast %swap3A_514 : i32 to index
            %swap3A_516 = memref.load %arg19[%swap3A_515] : memref<72xi32, #tpu.memory_space<smem>>
            memref.store %add3A_513, %arg19[%swap3A_515] : memref<72xi32, #tpu.memory_space<smem>>
            %sub3A_517 = arith.constant 1 : i32
            %sub3A_518 = vector.broadcast %sub3A_517 : i32 to vector<16xi32>
            %sub3A_519 = arith.subi %sub3A_518, %convert_element_type3A_476 : vector<16xi32>
            %mul3A_520 = arith.muli %while3A_472, %sub3A_519 : vector<16xi32>
            scf.yield %mul3A_520 : vector<16xi32>
          }
        } else {
        }
      }
      %scan3A_430 = arith.constant 3 : i32
      "tpu.region"() ({
        %run_scoped3A_444 = tpu.sem_alloc : memref<!tpu.dma_semaphore, #tpu.memory_space<semaphore_mem>>
        tpu.enqueue_dma source(%arg6 : memref<32x64xf32, #tpu.memory_space<hbm>>) target(%arg17 : memref<32x64xf32, #tpu.memory_space<vmem>>) target_semaphore(%run_scoped3A_444 : memref<!tpu.dma_semaphore, #tpu.memory_space<semaphore_mem>>)
        tpu.wait_dma2 semaphore(%run_scoped3A_444 : memref<!tpu.dma_semaphore, #tpu.memory_space<semaphore_mem>>) src(%arg6 : memref<32x64xf32, #tpu.memory_space<hbm>>) dst(%arg17 : memref<32x64xf32, #tpu.memory_space<vmem>>)
        tpu.yield
      }) : () -> ()
      %sub3A_431 = arith.constant 999936 : i32
      %sub3A_432 = arith.subi %sub3A_431, %mul3A_4 : i32
      %shift_right_arithmetic3A_433 = arith.constant 9 : i32
      %shift_right_arithmetic3A_434 = arith.shrsi %sub3A_432, %shift_right_arithmetic3A_433 : i32
      %mul3A_435 = arith.constant 48 : i32
      %mul3A_436 = arith.muli %shift_right_arithmetic3A_434, %mul3A_435 : i32
      %scan3A_437 = arith.constant 0 : i32
      %scan3A_438 = arith.constant 999936 : i32
      %scan3A_439 = arith.constant 0 : i32
      %scan3A_440 = arith.constant 3 : i32
      %scan3A_441 = arith.addi %scan3A_439, %scan3A_440 : i32
      %scan3A_442 = arith.constant 1 : i32
      scf.for %scan3A_444 = %scan3A_439 to %scan3A_441 step %scan3A_442  : i32 {
        %mul3A_445 = arith.constant 16 : i32
        %mul3A_446 = arith.muli %scan3A_444, %mul3A_445 : i32
        %add3A_447 = arith.addi %mul3A_436, %mul3A_446 : i32
        %get3A_448 = arith.index_cast %add3A_447 : i32 to index
        %get3A_449 = tpu.vector_load %arg14[%get3A_448] {strides = array<i32>} : memref<3072xi32, #tpu.memory_space<vmem>>, vector<16xi32>,
        %mul3A_450 = arith.constant 16 : i32
        %mul3A_451 = arith.muli %scan3A_444, %mul3A_450 : i32
        %add3A_452 = arith.addi %mul3A_436, %mul3A_451 : i32
        %get3A_453 = arith.index_cast %add3A_452 : i32 to index
        %get3A_454 = tpu.vector_load %arg15[%get3A_453] {strides = array<i32>} : memref<3072xi32, #tpu.memory_space<vmem>>, vector<16xi32>,
        %ge3A = vector.broadcast %scan3A_438 : i32 to vector<16xi32>
        %ge3A_455 = arith.cmpi sge, %get3A_449, %ge3A : vector<16xi32>
        %add3A_456 = arith.constant 64 : i32
        %add3A_457 = arith.addi %scan3A_438, %add3A_456 : i32
        %lt3A = vector.broadcast %add3A_457 : i32 to vector<16xi32>
        %lt3A_458 = arith.cmpi slt, %get3A_449, %lt3A : vector<16xi32>
        %and3A = arith.andi %ge3A_455, %lt3A_458 : vector<16xi1>
        %convert_element_type3A_459 = arith.extui %and3A : vector<16xi1> to vector<16xi32>
        %reduce_max3A = arith.constant true
        %reduce_max3A_460 = vector.broadcast %reduce_max3A : i1 to vector<16xi1>
        %reduce_max3A_461 = arith.constant -2147483648 : i32
        %reduce_max3A_462 = vector.broadcast %reduce_max3A_461 : i32 to vector<16xi32>
        %reduce_max3A_463 = arith.xori %convert_element_type3A_459, %reduce_max3A_462 : vector<16xi32>
        %reduce_max3A_464 = tpu.scan <max>, %reduce_max3A_463 masked %reduce_max3A_460 : vector<16xi32>, vector<16xi1> -> vector<16xi32>
        %reduce_max3A_465 = arith.xori %reduce_max3A_464, %reduce_max3A_462 : vector<16xi32>
        %reduce_max3A_466 = vector.extract %reduce_max3A_465[15] : i32 from vector<16xi32>
        %gt3A = arith.constant 0 : i32
        %gt3A_467 = arith.cmpi sgt, %reduce_max3A_466, %gt3A : i32
        %convert_element_type3A_468 = arith.extui %gt3A_467 : i1 to i32
        %cond3A_469 = arith.constant 0 : i32
        %cond3A_470 = arith.cmpi ne, %convert_element_type3A_468, %cond3A_469 : i32
        scf.if %cond3A_470 {
          %while3A_471 = scf.while (%while3A_472 = %convert_element_type3A_459) : (vector<16xi32>) -> vector<16xi32> {
            %reduce_max3A_473 = arith.constant true
            %reduce_max3A_474 = vector.broadcast %reduce_max3A_473 : i1 to vector<16xi1>
            %reduce_max3A_475 = arith.constant -2147483648 : i32
            %reduce_max3A_476 = vector.broadcast %reduce_max3A_475 : i32 to vector<16xi32>
            %reduce_max3A_477 = arith.xori %while3A_472, %reduce_max3A_476 : vector<16xi32>
            %reduce_max3A_478 = tpu.scan <max>, %reduce_max3A_477 masked %reduce_max3A_474 : vector<16xi32>, vector<16xi1> -> vector<16xi32>
            %reduce_max3A_479 = arith.xori %reduce_max3A_478, %reduce_max3A_476 : vector<16xi32>
            %reduce_max3A_480 = vector.extract %reduce_max3A_479[15] : i32 from vector<16xi32>
            %gt3A_481 = arith.constant 0 : i32
            %gt3A_482 = arith.cmpi sgt, %reduce_max3A_480, %gt3A_481 : i32
            scf.condition(%gt3A_482) %while3A_472 : vector<16xi32>
          } do {
          ^bb0(%while3A_472: vector<16xi32>):
            %ne3A = arith.constant 0 : i32
            %ne3A_473 = vector.broadcast %ne3A : i32 to vector<16xi32>
            %ne3A_474 = arith.cmpi ne, %while3A_472, %ne3A_473 : vector<16xi32>
            %all_reduce_ffs3A = tpu.all_reduce %ne3A_474 {dim = 0 : i64, kind = #tpu.reduction_kind<find_first_set>} : vector<16xi1> -> vector<16xi32>
            %eq3A_475 = arith.cmpi eq, %iota3A, %all_reduce_ffs3A : vector<16xi32>
            %convert_element_type3A_476 = arith.extui %eq3A_475 : vector<16xi1> to vector<16xi32>
            %mul3A_477 = arith.muli %get3A_449, %convert_element_type3A_476 : vector<16xi32>
            %reduce_sum3A = arith.constant true
            %reduce_sum3A_478 = vector.broadcast %reduce_sum3A : i1 to vector<16xi1>
            %reduce_sum3A_479 = tpu.scan <sum>, %mul3A_477 masked %reduce_sum3A_478 : vector<16xi32>, vector<16xi1> -> vector<16xi32>
            %reduce_sum3A_480 = vector.extract %reduce_sum3A_479[15] : i32 from vector<16xi32>
            %mul3A_481 = arith.muli %get3A_454, %convert_element_type3A_476 : vector<16xi32>
            %reduce_sum3A_482 = arith.constant true
            %reduce_sum3A_483 = vector.broadcast %reduce_sum3A_482 : i1 to vector<16xi1>
            %reduce_sum3A_484 = tpu.scan <sum>, %mul3A_481 masked %reduce_sum3A_483 : vector<16xi32>, vector<16xi1> -> vector<16xi32>
            %reduce_sum3A_485 = vector.extract %reduce_sum3A_484[15] : i32 from vector<16xi32>
            %sub3A_486 = arith.subi %reduce_sum3A_480, %scan3A_438 : i32
            %broadcast_in_dim3A = vector.broadcast %sub3A_486 : i32 to vector<16xi32>
            %gather3A = tpu.vector_load_idx %arg17[%iota3A, %broadcast_in_dim3A] : memref<32x64xf32, #tpu.memory_space<vmem>>[vector<16xi32>, vector<16xi32>], vector<16xf32>,
            %add3A_487 = arith.constant 16 : i32
            %add3A_488 = vector.broadcast %add3A_487 : i32 to vector<16xi32>
            %add3A_489 = arith.addi %iota3A, %add3A_488 : vector<16xi32>
            %gather3A_490 = tpu.vector_load_idx %arg17[%add3A_489, %broadcast_in_dim3A] : memref<32x64xf32, #tpu.memory_space<vmem>>[vector<16xi32>, vector<16xi32>], vector<16xf32>,
            %get3A_491 = arith.constant 1 : i32
            %get3A_492 = arith.index_cast %get3A_491 : i32 to index
            %get3A_493 = memref.load %arg19[%get3A_492] : memref<72xi32, #tpu.memory_space<smem>>
            %mul3A_494 = arith.constant 32 : i32
            %mul3A_495 = arith.muli %get3A_493, %mul3A_494 : i32
            %swap3A_496 = arith.index_cast %mul3A_495 : i32 to index
            %swap3A_497 = tpu.vector_load %arg16[%swap3A_496] {strides = array<i32>} : memref<32768xf32, #tpu.memory_space<vmem>>, vector<16xf32>,
            tpu.vector_store %arg16[%swap3A_496], %gather3A {strides = array<i32>} : memref<32768xf32, #tpu.memory_space<vmem>>, vector<16xf32>,
            %mul3A_498 = arith.constant 32 : i32
            %mul3A_499 = arith.muli %get3A_493, %mul3A_498 : i32
            %add3A_500 = arith.constant 16 : i32
            %add3A_501 = arith.addi %mul3A_499, %add3A_500 : i32
            %swap3A_502 = arith.index_cast %add3A_501 : i32 to index
            %swap3A_503 = tpu.vector_load %arg16[%swap3A_502] {strides = array<i32>} : memref<32768xf32, #tpu.memory_space<vmem>>, vector<16xf32>,
            tpu.vector_store %arg16[%swap3A_502], %gather3A_490 {strides = array<i32>} : memref<32768xf32, #tpu.memory_space<vmem>>, vector<16xf32>,
            %mul3A_504 = arith.constant 32 : i32
            %mul3A_505 = arith.muli %get3A_493, %mul3A_504 : i32
            %mul3A_506 = arith.constant 32 : i32
            %mul3A_507 = arith.muli %reduce_sum3A_485, %mul3A_506 : i32
            %dma_start3A_508 = tpu.memref_slice %arg16[%mul3A_505] : memref<32768xf32, #tpu.memory_space<vmem>> -> memref<32xf32, #tpu.memory_space<vmem>>
            %dma_start3A_509 = tpu.memref_slice %arg8[%mul3A_507] : memref<524288xf32, #tpu.memory_space<hbm>> -> memref<32xf32, #tpu.memory_space<hbm>>
            %dma_start3A_510 = tpu.memref_slice %arg8[%mul3A_507] : memref<524288xf32, #tpu.memory_space<hbm>> -> memref<32xf32, #tpu.memory_space<hbm>>
            %dma_start3A_511 = tpu.memref_slice %arg16[%mul3A_505] : memref<32768xf32, #tpu.memory_space<vmem>> -> memref<32xf32, #tpu.memory_space<vmem>>
            tpu.enqueue_dma source(%dma_start3A_511 : memref<32xf32, #tpu.memory_space<vmem>>) target(%dma_start3A_510 : memref<32xf32, #tpu.memory_space<hbm>>) target_semaphore(%arg23 : memref<!tpu.dma_semaphore, #tpu.memory_space<semaphore_mem>>)
            %add3A_512 = arith.constant 1 : i32
            %add3A_513 = arith.addi %get3A_493, %add3A_512 : i32
            %swap3A_514 = arith.constant 1 : i32
            %swap3A_515 = arith.index_cast %swap3A_514 : i32 to index
            %swap3A_516 = memref.load %arg19[%swap3A_515] : memref<72xi32, #tpu.memory_space<smem>>
            memref.store %add3A_513, %arg19[%swap3A_515] : memref<72xi32, #tpu.memory_space<smem>>
            %sub3A_517 = arith.constant 1 : i32
            %sub3A_518 = vector.broadcast %sub3A_517 : i32 to vector<16xi32>
            %sub3A_519 = arith.subi %sub3A_518, %convert_element_type3A_476 : vector<16xi32>
            %mul3A_520 = arith.muli %while3A_472, %sub3A_519 : vector<16xi32>
            scf.yield %mul3A_520 : vector<16xi32>
          }
        } else {
        }
      }
      %scan3A_443 = arith.constant 3 : i32
    } else {
    }
    %get3A = arith.constant 1 : i32
    %get3A_201 = arith.index_cast %get3A : i32 to index
    %get3A_202 = memref.load %arg19[%get3A_201] : memref<72xi32, #tpu.memory_space<smem>>
    %while3A = arith.constant 0 : i32
    %while3A_203 = arith.constant 0 : i32
    %while3A_204 = arith.subi %get3A_202, %while3A_203 : i32
    %while3A_205 = arith.addi %while3A_203, %while3A_204 : i32
    %while3A_206 = arith.constant 1 : i32
    %while3A_207 = arith.divsi %while3A_204, %while3A_206 : i32
    %while3A_208 = arith.muli %while3A_207, %while3A_206 : i32
    %while3A_209 = arith.addi %while3A_203, %while3A_208 : i32
    %while3A_210 = arith.constant 1 : i32
    scf.for %while3A_418 = %while3A_203 to %while3A_209 step %while3A_210  : i32 {
      %dma_wait3A_419 = arith.constant 0 : i32
      %dma_wait3A_420 = tpu.memref_slice %arg16[%dma_wait3A_419] : memref<32768xf32, #tpu.memory_space<vmem>> -> memref<32xf32, #tpu.memory_space<vmem>>
      %dma_wait3A_421 = arith.constant 0 : i32
      %dma_wait3A_422 = tpu.memref_slice %arg8[%dma_wait3A_421] : memref<524288xf32, #tpu.memory_space<hbm>> -> memref<32xf32, #tpu.memory_space<hbm>>
      %dma_wait3A_423 = arith.constant 0 : i32
      %dma_wait3A_424 = tpu.memref_slice %arg16[%dma_wait3A_423] : memref<32768xf32, #tpu.memory_space<vmem>> -> memref<32xf32, #tpu.memory_space<vmem>>
      %dma_wait3A_425 = arith.constant 0 : i32
      %dma_wait3A_426 = tpu.memref_slice %arg8[%dma_wait3A_425] : memref<524288xf32, #tpu.memory_space<hbm>> -> memref<32xf32, #tpu.memory_space<hbm>>
      tpu.wait_dma2 semaphore(%arg23 : memref<!tpu.dma_semaphore, #tpu.memory_space<semaphore_mem>>) src(%dma_wait3A_426 : memref<32xf32, #tpu.memory_space<hbm>>) dst(%dma_wait3A_424 : memref<32xf32, #tpu.memory_space<vmem>>)
    }
    %while3A_211 = arith.constant 1 : i32
    scf.for %while3A_418 = %while3A_209 to %while3A_205 step %while3A_211  : i32 {
      %dma_wait3A_419 = arith.constant 0 : i32
      %dma_wait3A_420 = tpu.memref_slice %arg16[%dma_wait3A_419] : memref<32768xf32, #tpu.memory_space<vmem>> -> memref<32xf32, #tpu.memory_space<vmem>>
      %dma_wait3A_421 = arith.constant 0 : i32
      %dma_wait3A_422 = tpu.memref_slice %arg8[%dma_wait3A_421] : memref<524288xf32, #tpu.memory_space<hbm>> -> memref<32xf32, #tpu.memory_space<hbm>>
      %dma_wait3A_423 = arith.constant 0 : i32
      %dma_wait3A_424 = tpu.memref_slice %arg16[%dma_wait3A_423] : memref<32768xf32, #tpu.memory_space<vmem>> -> memref<32xf32, #tpu.memory_space<vmem>>
      %dma_wait3A_425 = arith.constant 0 : i32
      %dma_wait3A_426 = tpu.memref_slice %arg8[%dma_wait3A_425] : memref<524288xf32, #tpu.memory_space<hbm>> -> memref<32xf32, #tpu.memory_space<hbm>>
      tpu.wait_dma2 semaphore(%arg23 : memref<!tpu.dma_semaphore, #tpu.memory_space<semaphore_mem>>) src(%dma_wait3A_426 : memref<32xf32, #tpu.memory_space<hbm>>) dst(%dma_wait3A_424 : memref<32xf32, #tpu.memory_space<vmem>>)
    }
    %iota3A_212 = tpu.iota {dimensions = array<i32: 0>} : vector<16xi32>
    %eq3A_213 = arith.constant 0 : i32
    %eq3A_214 = vector.broadcast %eq3A_213 : i32 to vector<16xi32>
    %eq3A_215 = arith.cmpi eq, %iota3A_212, %eq3A_214 : vector<16xi32>
    %mul3A_216 = arith.constant 3072 : i32
    %mul3A_217 = arith.muli %add3A, %mul3A_216 : i32
    %eq3A_218 = arith.constant 31 : i32
    %eq3A_219 = arith.cmpi eq, %add3A, %eq3A_218 : i32
    %add3A_220 = arith.constant 3072 : i32
    %add3A_221 = arith.addi %mul3A_217, %add3A_220 : i32
    %jit3A_222 = arith.constant 100000 : i32
    %select_n3A_223 = arith.select %eq3A_219, %jit3A_222, %add3A_221 : i32
    "tpu.region"() ({
      %run_scoped3A = tpu.sem_alloc : memref<!tpu.dma_semaphore, #tpu.memory_space<semaphore_mem>>
      tpu.enqueue_dma source(%arg3 : memref<16384xi32, #tpu.memory_space<hbm>>) target(%arg10 : memref<16384xi32, #tpu.memory_space<vmem>>) target_semaphore(%run_scoped3A : memref<!tpu.dma_semaphore, #tpu.memory_space<semaphore_mem>>)
      tpu.wait_dma2 semaphore(%run_scoped3A : memref<!tpu.dma_semaphore, #tpu.memory_space<semaphore_mem>>) src(%arg3 : memref<16384xi32, #tpu.memory_space<hbm>>) dst(%arg10 : memref<16384xi32, #tpu.memory_space<vmem>>)
      tpu.yield
    }) : () -> ()
    %swap3A_224 = arith.constant 0 : i32
    %swap3A_225 = arith.constant 0 : i32
    %swap3A_226 = arith.index_cast %swap3A_225 : i32 to index
    %swap3A_227 = memref.load %arg19[%swap3A_226] : memref<72xi32, #tpu.memory_space<smem>>
    memref.store %swap3A_224, %arg19[%swap3A_226] : memref<72xi32, #tpu.memory_space<smem>>
    %swap3A_228 = arith.constant 0 : i32
    %swap3A_229 = arith.constant 1 : i32
    %swap3A_230 = arith.index_cast %swap3A_229 : i32 to index
    %swap3A_231 = memref.load %arg19[%swap3A_230] : memref<72xi32, #tpu.memory_space<smem>>
    memref.store %swap3A_228, %arg19[%swap3A_230] : memref<72xi32, #tpu.memory_space<smem>>
    %scan3A_232 = arith.constant 0 : i32
    %scan3A_233 = arith.constant 0 : i32
    %scan3A_234 = arith.constant 10 : i32
    %scan3A_235 = arith.addi %scan3A_233, %scan3A_234 : i32
    %scan3A_236 = arith.constant 1 : i32
    scf.for %scan3A_418 = %scan3A_233 to %scan3A_235 step %scan3A_236  : i32 {
      %add3A_419 = arith.constant 8 : i32
      %add3A_420 = arith.addi %add3A_419, %scan3A_418 : i32
      %swap3A_421 = arith.constant 0 : i32
      %swap3A_422 = arith.index_cast %add3A_420 : i32 to index
      %swap3A_423 = memref.load %arg19[%swap3A_422] : memref<72xi32, #tpu.memory_space<smem>>
      memref.store %swap3A_421, %arg19[%swap3A_422] : memref<72xi32, #tpu.memory_space<smem>>
    }
    %scan3A_237 = arith.constant 10 : i32
    %scan3A_238 = arith.constant 0 : i32
    %scan3A_239 = arith.constant 0 : i32
    %scan3A_240 = arith.constant 100 : i32
    %scan3A_241 = arith.addi %scan3A_239, %scan3A_240 : i32
    %scan3A_242 = arith.constant 1 : i32
    scf.for %scan3A_418 = %scan3A_239 to %scan3A_241 step %scan3A_242  : i32 {
      %broadcast_in_dim3A = arith.constant 1073741823 : i32
      %broadcast_in_dim3A_419 = vector.broadcast %broadcast_in_dim3A : i32 to vector<16xi32>
      %mul3A_420 = arith.constant 16 : i32
      %mul3A_421 = arith.muli %scan3A_418, %mul3A_420 : i32
      %swap3A_422 = arith.index_cast %mul3A_421 : i32 to index
      %swap3A_423 = tpu.vector_load %arg14[%swap3A_422] {strides = array<i32>} : memref<3072xi32, #tpu.memory_space<vmem>>, vector<16xi32>,
      tpu.vector_store %arg14[%swap3A_422], %broadcast_in_dim3A_419 {strides = array<i32>} : memref<3072xi32, #tpu.memory_space<vmem>>, vector<16xi32>,
    }
    %scan3A_243 = arith.constant 100 : i32
    %add3A_244 = arith.constant 0 : i32
    %add3A_245 = arith.addi %mul3A_217, %add3A_244 : i32
    %dma_start3A_246 = arith.constant 0 : i32
    %dma_start3A_247 = arith.constant 0 : i32
    %dma_start3A_248 = tpu.memref_slice %arg11[%dma_start3A_246, %dma_start3A_247] : memref<32x512xf32, #tpu.memory_space<vmem>> -> memref<8x512xf32, #tpu.memory_space<vmem>>
    %dma_start3A_249 = arith.constant 0 : i32
    %dma_start3A_250 = tpu.memref_slice %arg5[%dma_start3A_249, %add3A_245] : memref<32x100000xf32, #tpu.memory_space<hbm>> -> memref<8x512xf32, #tpu.memory_space<hbm>>
    %dma_start3A_251 = arith.constant 0 : i32
    %dma_start3A_252 = arith.constant 0 : i32
    %dma_start3A_253 = tpu.memref_slice %arg11[%dma_start3A_251, %dma_start3A_252] : memref<32x512xf32, #tpu.memory_space<vmem>> -> memref<8x512xf32, #tpu.memory_space<vmem>>
    %dma_start3A_254 = arith.constant 0 : i32
    %dma_start3A_255 = tpu.memref_slice %arg5[%dma_start3A_254, %add3A_245] : memref<32x100000xf32, #tpu.memory_space<hbm>> -> memref<8x512xf32, #tpu.memory_space<hbm>>
    tpu.enqueue_dma source(%dma_start3A_255 : memref<8x512xf32, #tpu.memory_space<hbm>>) target(%dma_start3A_253 : memref<8x512xf32, #tpu.memory_space<vmem>>) target_semaphore(%arg20 : memref<!tpu.dma_semaphore, #tpu.memory_space<semaphore_mem>>)
    %add3A_256 = arith.constant 0 : i32
    %add3A_257 = arith.addi %mul3A_217, %add3A_256 : i32
    %dma_start3A_258 = arith.constant 8 : i32
    %dma_start3A_259 = arith.constant 0 : i32
    %dma_start3A_260 = tpu.memref_slice %arg11[%dma_start3A_258, %dma_start3A_259] : memref<32x512xf32, #tpu.memory_space<vmem>> -> memref<8x512xf32, #tpu.memory_space<vmem>>
    %dma_start3A_261 = arith.constant 8 : i32
    %dma_start3A_262 = tpu.memref_slice %arg5[%dma_start3A_261, %add3A_257] : memref<32x100000xf32, #tpu.memory_space<hbm>> -> memref<8x512xf32, #tpu.memory_space<hbm>>
    %dma_start3A_263 = arith.constant 8 : i32
    %dma_start3A_264 = arith.constant 0 : i32
    %dma_start3A_265 = tpu.memref_slice %arg11[%dma_start3A_263, %dma_start3A_264] : memref<32x512xf32, #tpu.memory_space<vmem>> -> memref<8x512xf32, #tpu.memory_space<vmem>>
    %dma_start3A_266 = arith.constant 8 : i32
    %dma_start3A_267 = tpu.memref_slice %arg5[%dma_start3A_266, %add3A_257] : memref<32x100000xf32, #tpu.memory_space<hbm>> -> memref<8x512xf32, #tpu.memory_space<hbm>>
    tpu.enqueue_dma source(%dma_start3A_267 : memref<8x512xf32, #tpu.memory_space<hbm>>) target(%dma_start3A_265 : memref<8x512xf32, #tpu.memory_space<vmem>>) target_semaphore(%arg20 : memref<!tpu.dma_semaphore, #tpu.memory_space<semaphore_mem>>)
    %add3A_268 = arith.constant 0 : i32
    %add3A_269 = arith.addi %mul3A_217, %add3A_268 : i32
    %dma_start3A_270 = arith.constant 16 : i32
    %dma_start3A_271 = arith.constant 0 : i32
    %dma_start3A_272 = tpu.memref_slice %arg11[%dma_start3A_270, %dma_start3A_271] : memref<32x512xf32, #tpu.memory_space<vmem>> -> memref<8x512xf32, #tpu.memory_space<vmem>>
    %dma_start3A_273 = arith.constant 16 : i32
    %dma_start3A_274 = tpu.memref_slice %arg5[%dma_start3A_273, %add3A_269] : memref<32x100000xf32, #tpu.memory_space<hbm>> -> memref<8x512xf32, #tpu.memory_space<hbm>>
    %dma_start3A_275 = arith.constant 16 : i32
    %dma_start3A_276 = arith.constant 0 : i32
    %dma_start3A_277 = tpu.memref_slice %arg11[%dma_start3A_275, %dma_start3A_276] : memref<32x512xf32, #tpu.memory_space<vmem>> -> memref<8x512xf32, #tpu.memory_space<vmem>>
    %dma_start3A_278 = arith.constant 16 : i32
    %dma_start3A_279 = tpu.memref_slice %arg5[%dma_start3A_278, %add3A_269] : memref<32x100000xf32, #tpu.memory_space<hbm>> -> memref<8x512xf32, #tpu.memory_space<hbm>>
    tpu.enqueue_dma source(%dma_start3A_279 : memref<8x512xf32, #tpu.memory_space<hbm>>) target(%dma_start3A_277 : memref<8x512xf32, #tpu.memory_space<vmem>>) target_semaphore(%arg20 : memref<!tpu.dma_semaphore, #tpu.memory_space<semaphore_mem>>)
    %add3A_280 = arith.constant 0 : i32
    %add3A_281 = arith.addi %mul3A_217, %add3A_280 : i32
    %dma_start3A_282 = arith.constant 24 : i32
    %dma_start3A_283 = arith.constant 0 : i32
    %dma_start3A_284 = tpu.memref_slice %arg11[%dma_start3A_282, %dma_start3A_283] : memref<32x512xf32, #tpu.memory_space<vmem>> -> memref<8x512xf32, #tpu.memory_space<vmem>>
    %dma_start3A_285 = arith.constant 24 : i32
    %dma_start3A_286 = tpu.memref_slice %arg5[%dma_start3A_285, %add3A_281] : memref<32x100000xf32, #tpu.memory_space<hbm>> -> memref<8x512xf32, #tpu.memory_space<hbm>>
    %dma_start3A_287 = arith.constant 24 : i32
    %dma_start3A_288 = arith.constant 0 : i32
    %dma_start3A_289 = tpu.memref_slice %arg11[%dma_start3A_287, %dma_start3A_288] : memref<32x512xf32, #tpu.memory_space<vmem>> -> memref<8x512xf32, #tpu.memory_space<vmem>>
    %dma_start3A_290 = arith.constant 24 : i32
    %dma_start3A_291 = tpu.memref_slice %arg5[%dma_start3A_290, %add3A_281] : memref<32x100000xf32, #tpu.memory_space<hbm>> -> memref<8x512xf32, #tpu.memory_space<hbm>>
    tpu.enqueue_dma source(%dma_start3A_291 : memref<8x512xf32, #tpu.memory_space<hbm>>) target(%dma_start3A_289 : memref<8x512xf32, #tpu.memory_space<vmem>>) target_semaphore(%arg20 : memref<!tpu.dma_semaphore, #tpu.memory_space<semaphore_mem>>)
    %add3A_292 = arith.constant 512 : i32
    %add3A_293 = arith.addi %mul3A_217, %add3A_292 : i32
    %dma_start3A_294 = arith.constant 0 : i32
    %dma_start3A_295 = arith.constant 0 : i32
    %dma_start3A_296 = tpu.memref_slice %arg12[%dma_start3A_294, %dma_start3A_295] : memref<32x512xf32, #tpu.memory_space<vmem>> -> memref<8x512xf32, #tpu.memory_space<vmem>>
    %dma_start3A_297 = arith.constant 0 : i32
    %dma_start3A_298 = tpu.memref_slice %arg5[%dma_start3A_297, %add3A_293] : memref<32x100000xf32, #tpu.memory_space<hbm>> -> memref<8x512xf32, #tpu.memory_space<hbm>>
    %dma_start3A_299 = arith.constant 0 : i32
    %dma_start3A_300 = arith.constant 0 : i32
    %dma_start3A_301 = tpu.memref_slice %arg12[%dma_start3A_299, %dma_start3A_300] : memref<32x512xf32, #tpu.memory_space<vmem>> -> memref<8x512xf32, #tpu.memory_space<vmem>>
    %dma_start3A_302 = arith.constant 0 : i32
    %dma_start3A_303 = tpu.memref_slice %arg5[%dma_start3A_302, %add3A_293] : memref<32x100000xf32, #tpu.memory_space<hbm>> -> memref<8x512xf32, #tpu.memory_space<hbm>>
    tpu.enqueue_dma source(%dma_start3A_303 : memref<8x512xf32, #tpu.memory_space<hbm>>) target(%dma_start3A_301 : memref<8x512xf32, #tpu.memory_space<vmem>>) target_semaphore(%arg21 : memref<!tpu.dma_semaphore, #tpu.memory_space<semaphore_mem>>)
    %add3A_304 = arith.constant 512 : i32
    %add3A_305 = arith.addi %mul3A_217, %add3A_304 : i32
    %dma_start3A_306 = arith.constant 8 : i32
    %dma_start3A_307 = arith.constant 0 : i32
    %dma_start3A_308 = tpu.memref_slice %arg12[%dma_start3A_306, %dma_start3A_307] : memref<32x512xf32, #tpu.memory_space<vmem>> -> memref<8x512xf32, #tpu.memory_space<vmem>>
    %dma_start3A_309 = arith.constant 8 : i32
    %dma_start3A_310 = tpu.memref_slice %arg5[%dma_start3A_309, %add3A_305] : memref<32x100000xf32, #tpu.memory_space<hbm>> -> memref<8x512xf32, #tpu.memory_space<hbm>>
    %dma_start3A_311 = arith.constant 8 : i32
    %dma_start3A_312 = arith.constant 0 : i32
    %dma_start3A_313 = tpu.memref_slice %arg12[%dma_start3A_311, %dma_start3A_312] : memref<32x512xf32, #tpu.memory_space<vmem>> -> memref<8x512xf32, #tpu.memory_space<vmem>>
    %dma_start3A_314 = arith.constant 8 : i32
    %dma_start3A_315 = tpu.memref_slice %arg5[%dma_start3A_314, %add3A_305] : memref<32x100000xf32, #tpu.memory_space<hbm>> -> memref<8x512xf32, #tpu.memory_space<hbm>>
    tpu.enqueue_dma source(%dma_start3A_315 : memref<8x512xf32, #tpu.memory_space<hbm>>) target(%dma_start3A_313 : memref<8x512xf32, #tpu.memory_space<vmem>>) target_semaphore(%arg21 : memref<!tpu.dma_semaphore, #tpu.memory_space<semaphore_mem>>)
    %add3A_316 = arith.constant 512 : i32
    %add3A_317 = arith.addi %mul3A_217, %add3A_316 : i32
    %dma_start3A_318 = arith.constant 16 : i32
    %dma_start3A_319 = arith.constant 0 : i32
    %dma_start3A_320 = tpu.memref_slice %arg12[%dma_start3A_318, %dma_start3A_319] : memref<32x512xf32, #tpu.memory_space<vmem>> -> memref<8x512xf32, #tpu.memory_space<vmem>>
    %dma_start3A_321 = arith.constant 16 : i32
    %dma_start3A_322 = tpu.memref_slice %arg5[%dma_start3A_321, %add3A_317] : memref<32x100000xf32, #tpu.memory_space<hbm>> -> memref<8x512xf32, #tpu.memory_space<hbm>>
    %dma_start3A_323 = arith.constant 16 : i32
    %dma_start3A_324 = arith.constant 0 : i32
    %dma_start3A_325 = tpu.memref_slice %arg12[%dma_start3A_323, %dma_start3A_324] : memref<32x512xf32, #tpu.memory_space<vmem>> -> memref<8x512xf32, #tpu.memory_space<vmem>>
    %dma_start3A_326 = arith.constant 16 : i32
    %dma_start3A_327 = tpu.memref_slice %arg5[%dma_start3A_326, %add3A_317] : memref<32x100000xf32, #tpu.memory_space<hbm>> -> memref<8x512xf32, #tpu.memory_space<hbm>>
    tpu.enqueue_dma source(%dma_start3A_327 : memref<8x512xf32, #tpu.memory_space<hbm>>) target(%dma_start3A_325 : memref<8x512xf32, #tpu.memory_space<vmem>>) target_semaphore(%arg21 : memref<!tpu.dma_semaphore, #tpu.memory_space<semaphore_mem>>)
    %add3A_328 = arith.constant 512 : i32
    %add3A_329 = arith.addi %mul3A_217, %add3A_328 : i32
    %dma_start3A_330 = arith.constant 24 : i32
    %dma_start3A_331 = arith.constant 0 : i32
    %dma_start3A_332 = tpu.memref_slice %arg12[%dma_start3A_330, %dma_start3A_331] : memref<32x512xf32, #tpu.memory_space<vmem>> -> memref<8x512xf32, #tpu.memory_space<vmem>>
    %dma_start3A_333 = arith.constant 24 : i32
    %dma_start3A_334 = tpu.memref_slice %arg5[%dma_start3A_333, %add3A_329] : memref<32x100000xf32, #tpu.memory_space<hbm>> -> memref<8x512xf32, #tpu.memory_space<hbm>>
    %dma_start3A_335 = arith.constant 24 : i32
    %dma_start3A_336 = arith.constant 0 : i32
    %dma_start3A_337 = tpu.memref_slice %arg12[%dma_start3A_335, %dma_start3A_336] : memref<32x512xf32, #tpu.memory_space<vmem>> -> memref<8x512xf32, #tpu.memory_space<vmem>>
    %dma_start3A_338 = arith.constant 24 : i32
    %dma_start3A_339 = tpu.memref_slice %arg5[%dma_start3A_338, %add3A_329] : memref<32x100000xf32, #tpu.memory_space<hbm>> -> memref<8x512xf32, #tpu.memory_space<hbm>>
    tpu.enqueue_dma source(%dma_start3A_339 : memref<8x512xf32, #tpu.memory_space<hbm>>) target(%dma_start3A_337 : memref<8x512xf32, #tpu.memory_space<vmem>>) target_semaphore(%arg21 : memref<!tpu.dma_semaphore, #tpu.memory_space<semaphore_mem>>)
    %add3A_340 = arith.constant 1024 : i32
    %add3A_341 = arith.addi %mul3A_217, %add3A_340 : i32
    %dma_start3A_342 = arith.constant 0 : i32
    %dma_start3A_343 = arith.constant 0 : i32
    %dma_start3A_344 = tpu.memref_slice %arg13[%dma_start3A_342, %dma_start3A_343] : memref<32x512xf32, #tpu.memory_space<vmem>> -> memref<8x512xf32, #tpu.memory_space<vmem>>
    %dma_start3A_345 = arith.constant 0 : i32
    %dma_start3A_346 = tpu.memref_slice %arg5[%dma_start3A_345, %add3A_341] : memref<32x100000xf32, #tpu.memory_space<hbm>> -> memref<8x512xf32, #tpu.memory_space<hbm>>
    %dma_start3A_347 = arith.constant 0 : i32
    %dma_start3A_348 = arith.constant 0 : i32
    %dma_start3A_349 = tpu.memref_slice %arg13[%dma_start3A_347, %dma_start3A_348] : memref<32x512xf32, #tpu.memory_space<vmem>> -> memref<8x512xf32, #tpu.memory_space<vmem>>
    %dma_start3A_350 = arith.constant 0 : i32
    %dma_start3A_351 = tpu.memref_slice %arg5[%dma_start3A_350, %add3A_341] : memref<32x100000xf32, #tpu.memory_space<hbm>> -> memref<8x512xf32, #tpu.memory_space<hbm>>
    tpu.enqueue_dma source(%dma_start3A_351 : memref<8x512xf32, #tpu.memory_space<hbm>>) target(%dma_start3A_349 : memref<8x512xf32, #tpu.memory_space<vmem>>) target_semaphore(%arg22 : memref<!tpu.dma_semaphore, #tpu.memory_space<semaphore_mem>>)
    %add3A_352 = arith.constant 1024 : i32
    %add3A_353 = arith.addi %mul3A_217, %add3A_352 : i32
    %dma_start3A_354 = arith.constant 8 : i32
    %dma_start3A_355 = arith.constant 0 : i32
    %dma_start3A_356 = tpu.memref_slice %arg13[%dma_start3A_354, %dma_start3A_355] : memref<32x512xf32, #tpu.memory_space<vmem>> -> memref<8x512xf32, #tpu.memory_space<vmem>>
    %dma_start3A_357 = arith.constant 8 : i32
    %dma_start3A_358 = tpu.memref_slice %arg5[%dma_start3A_357, %add3A_353] : memref<32x100000xf32, #tpu.memory_space<hbm>> -> memref<8x512xf32, #tpu.memory_space<hbm>>
    %dma_start3A_359 = arith.constant 8 : i32
    %dma_start3A_360 = arith.constant 0 : i32
    %dma_start3A_361 = tpu.memref_slice %arg13[%dma_start3A_359, %dma_start3A_360] : memref<32x512xf32, #tpu.memory_space<vmem>> -> memref<8x512xf32, #tpu.memory_space<vmem>>
    %dma_start3A_362 = arith.constant 8 : i32
    %dma_start3A_363 = tpu.memref_slice %arg5[%dma_start3A_362, %add3A_353] : memref<32x100000xf32, #tpu.memory_space<hbm>> -> memref<8x512xf32, #tpu.memory_space<hbm>>
    tpu.enqueue_dma source(%dma_start3A_363 : memref<8x512xf32, #tpu.memory_space<hbm>>) target(%dma_start3A_361 : memref<8x512xf32, #tpu.memory_space<vmem>>) target_semaphore(%arg22 : memref<!tpu.dma_semaphore, #tpu.memory_space<semaphore_mem>>)
    %add3A_364 = arith.constant 1024 : i32
    %add3A_365 = arith.addi %mul3A_217, %add3A_364 : i32
    %dma_start3A_366 = arith.constant 16 : i32
    %dma_start3A_367 = arith.constant 0 : i32
    %dma_start3A_368 = tpu.memref_slice %arg13[%dma_start3A_366, %dma_start3A_367] : memref<32x512xf32, #tpu.memory_space<vmem>> -> memref<8x512xf32, #tpu.memory_space<vmem>>
    %dma_start3A_369 = arith.constant 16 : i32
    %dma_start3A_370 = tpu.memref_slice %arg5[%dma_start3A_369, %add3A_365] : memref<32x100000xf32, #tpu.memory_space<hbm>> -> memref<8x512xf32, #tpu.memory_space<hbm>>
    %dma_start3A_371 = arith.constant 16 : i32
    %dma_start3A_372 = arith.constant 0 : i32
    %dma_start3A_373 = tpu.memref_slice %arg13[%dma_start3A_371, %dma_start3A_372] : memref<32x512xf32, #tpu.memory_space<vmem>> -> memref<8x512xf32, #tpu.memory_space<vmem>>
    %dma_start3A_374 = arith.constant 16 : i32
    %dma_start3A_375 = tpu.memref_slice %arg5[%dma_start3A_374, %add3A_365] : memref<32x100000xf32, #tpu.memory_space<hbm>> -> memref<8x512xf32, #tpu.memory_space<hbm>>
    tpu.enqueue_dma source(%dma_start3A_375 : memref<8x512xf32, #tpu.memory_space<hbm>>) target(%dma_start3A_373 : memref<8x512xf32, #tpu.memory_space<vmem>>) target_semaphore(%arg22 : memref<!tpu.dma_semaphore, #tpu.memory_space<semaphore_mem>>)
    %add3A_376 = arith.constant 1024 : i32
    %add3A_377 = arith.addi %mul3A_217, %add3A_376 : i32
    %dma_start3A_378 = arith.constant 24 : i32
    %dma_start3A_379 = arith.constant 0 : i32
    %dma_start3A_380 = tpu.memref_slice %arg13[%dma_start3A_378, %dma_start3A_379] : memref<32x512xf32, #tpu.memory_space<vmem>> -> memref<8x512xf32, #tpu.memory_space<vmem>>
    %dma_start3A_381 = arith.constant 24 : i32
    %dma_start3A_382 = tpu.memref_slice %arg5[%dma_start3A_381, %add3A_377] : memref<32x100000xf32, #tpu.memory_space<hbm>> -> memref<8x512xf32, #tpu.memory_space<hbm>>
    %dma_start3A_383 = arith.constant 24 : i32
    %dma_start3A_384 = arith.constant 0 : i32
    %dma_start3A_385 = tpu.memref_slice %arg13[%dma_start3A_383, %dma_start3A_384] : memref<32x512xf32, #tpu.memory_space<vmem>> -> memref<8x512xf32, #tpu.memory_space<vmem>>
    %dma_start3A_386 = arith.constant 24 : i32
    %dma_start3A_387 = tpu.memref_slice %arg5[%dma_start3A_386, %add3A_377] : memref<32x100000xf32, #tpu.memory_space<hbm>> -> memref<8x512xf32, #tpu.memory_space<hbm>>
    tpu.enqueue_dma source(%dma_start3A_387 : memref<8x512xf32, #tpu.memory_space<hbm>>) target(%dma_start3A_385 : memref<8x512xf32, #tpu.memory_space<vmem>>) target_semaphore(%arg22 : memref<!tpu.dma_semaphore, #tpu.memory_space<semaphore_mem>>)
    %scan3A_388 = arith.constant 0 : i32
    %scan3A_389 = arith.constant 0 : i32
    %scan3A_390 = arith.constant 1024 : i32
    %scan3A_391 = arith.addi %scan3A_389, %scan3A_390 : i32
    %scan3A_392 = arith.constant 1 : i32
    scf.for %scan3A_418 = %scan3A_389 to %scan3A_391 step %scan3A_392  : i32 {
      %mul3A_419 = arith.constant 16 : i32
      %mul3A_420 = arith.muli %scan3A_418, %mul3A_419 : i32
      %get3A_421 = arith.index_cast %mul3A_420 : i32 to index
      %get3A_422 = tpu.vector_load %arg10[%get3A_421] {strides = array<i32>} : memref<16384xi32, #tpu.memory_space<vmem>>, vector<16xi32>,
      %ge3A = vector.broadcast %mul3A_217 : i32 to vector<16xi32>
      %ge3A_423 = arith.cmpi sge, %get3A_422, %ge3A : vector<16xi32>
      %lt3A = vector.broadcast %select_n3A_223 : i32 to vector<16xi32>
      %lt3A_424 = arith.cmpi slt, %get3A_422, %lt3A : vector<16xi32>
      %and3A = arith.andi %ge3A_423, %lt3A_424 : vector<16xi1>
      %convert_element_type3A_425 = arith.extui %and3A : vector<16xi1> to vector<16xi32>
      %reduce_max3A = arith.constant true
      %reduce_max3A_426 = vector.broadcast %reduce_max3A : i1 to vector<16xi1>
      %reduce_max3A_427 = arith.constant -2147483648 : i32
      %reduce_max3A_428 = vector.broadcast %reduce_max3A_427 : i32 to vector<16xi32>
      %reduce_max3A_429 = arith.xori %convert_element_type3A_425, %reduce_max3A_428 : vector<16xi32>
      %reduce_max3A_430 = tpu.scan <max>, %reduce_max3A_429 masked %reduce_max3A_426 : vector<16xi32>, vector<16xi1> -> vector<16xi32>
      %reduce_max3A_431 = arith.xori %reduce_max3A_430, %reduce_max3A_428 : vector<16xi32>
      %reduce_max3A_432 = vector.extract %reduce_max3A_431[15] : i32 from vector<16xi32>
      %gt3A = arith.constant 0 : i32
      %gt3A_433 = arith.cmpi sgt, %reduce_max3A_432, %gt3A : i32
      %convert_element_type3A_434 = arith.extui %gt3A_433 : i1 to i32
      %cond3A_435 = arith.constant 0 : i32
      %cond3A_436 = arith.cmpi ne, %convert_element_type3A_434, %cond3A_435 : i32
      scf.if %cond3A_436 {
        %while3A_437 = scf.while (%while3A_438 = %convert_element_type3A_425) : (vector<16xi32>) -> vector<16xi32> {
          %reduce_max3A_439 = arith.constant true
          %reduce_max3A_440 = vector.broadcast %reduce_max3A_439 : i1 to vector<16xi1>
          %reduce_max3A_441 = arith.constant -2147483648 : i32
          %reduce_max3A_442 = vector.broadcast %reduce_max3A_441 : i32 to vector<16xi32>
          %reduce_max3A_443 = arith.xori %while3A_438, %reduce_max3A_442 : vector<16xi32>
          %reduce_max3A_444 = tpu.scan <max>, %reduce_max3A_443 masked %reduce_max3A_440 : vector<16xi32>, vector<16xi1> -> vector<16xi32>
          %reduce_max3A_445 = arith.xori %reduce_max3A_444, %reduce_max3A_442 : vector<16xi32>
          %reduce_max3A_446 = vector.extract %reduce_max3A_445[15] : i32 from vector<16xi32>
          %gt3A_447 = arith.constant 0 : i32
          %gt3A_448 = arith.cmpi sgt, %reduce_max3A_446, %gt3A_447 : i32
          scf.condition(%gt3A_448) %while3A_438 : vector<16xi32>
        } do {
        ^bb0(%while3A_438: vector<16xi32>):
          %ne3A = arith.constant 0 : i32
          %ne3A_439 = vector.broadcast %ne3A : i32 to vector<16xi32>
          %ne3A_440 = arith.cmpi ne, %while3A_438, %ne3A_439 : vector<16xi32>
          %all_reduce_ffs3A = tpu.all_reduce %ne3A_440 {dim = 0 : i64, kind = #tpu.reduction_kind<find_first_set>} : vector<16xi1> -> vector<16xi32>
          %eq3A_441 = arith.cmpi eq, %iota3A_212, %all_reduce_ffs3A : vector<16xi32>
          %convert_element_type3A_442 = arith.extui %eq3A_441 : vector<16xi1> to vector<16xi32>
          %mul3A_443 = arith.muli %get3A_422, %convert_element_type3A_442 : vector<16xi32>
          %reduce_sum3A = arith.constant true
          %reduce_sum3A_444 = vector.broadcast %reduce_sum3A : i1 to vector<16xi1>
          %reduce_sum3A_445 = tpu.scan <sum>, %mul3A_443 masked %reduce_sum3A_444 : vector<16xi32>, vector<16xi1> -> vector<16xi32>
          %reduce_sum3A_446 = vector.extract %reduce_sum3A_445[15] : i32 from vector<16xi32>
          %reduce_max3A_447 = arith.constant true
          %reduce_max3A_448 = vector.broadcast %reduce_max3A_447 : i1 to vector<16xi1>
          %reduce_max3A_449 = arith.constant -2147483648 : i32
          %reduce_max3A_450 = vector.broadcast %reduce_max3A_449 : i32 to vector<16xi32>
          %reduce_max3A_451 = arith.xori %all_reduce_ffs3A, %reduce_max3A_450 : vector<16xi32>
          %reduce_max3A_452 = tpu.scan <max>, %reduce_max3A_451 masked %reduce_max3A_448 : vector<16xi32>, vector<16xi1> -> vector<16xi32>
          %reduce_max3A_453 = arith.xori %reduce_max3A_452, %reduce_max3A_450 : vector<16xi32>
          %reduce_max3A_454 = vector.extract %reduce_max3A_453[15] : i32 from vector<16xi32>
          %sub3A_455 = arith.subi %reduce_sum3A_446, %mul3A_217 : i32
          %shift_right_arithmetic3A_456 = arith.constant 9 : i32
          %shift_right_arithmetic3A_457 = arith.shrsi %sub3A_455, %shift_right_arithmetic3A_456 : i32
          %add3A_458 = arith.constant 8 : i32
          %add3A_459 = arith.addi %add3A_458, %shift_right_arithmetic3A_457 : i32
          %get3A_460 = arith.index_cast %add3A_459 : i32 to index
          %get3A_461 = memref.load %arg19[%get3A_460] : memref<72xi32, #tpu.memory_space<smem>>
          %mul3A_462 = arith.constant 160 : i32
          %mul3A_463 = arith.muli %shift_right_arithmetic3A_457, %mul3A_462 : i32
          %add3A_464 = arith.addi %mul3A_463, %get3A_461 : i32
          %broadcast_in_dim3A = vector.broadcast %add3A_464 : i32 to vector<16xi32>
          %broadcast_in_dim3A_465 = vector.broadcast %reduce_sum3A_446 : i32 to vector<16xi32>
          tpu.vector_store_idx %arg14[%broadcast_in_dim3A], %broadcast_in_dim3A_465 masked %eq3A_215 : memref<3072xi32, #tpu.memory_space<vmem>>[vector<16xi32>], vector<16xi32>, vector<16xi1>
          %mul3A_466 = arith.constant 16 : i32
          %mul3A_467 = arith.muli %scan3A_418, %mul3A_466 : i32
          %add3A_468 = arith.addi %mul3A_467, %reduce_max3A_454 : i32
          %broadcast_in_dim3A_469 = vector.broadcast %add3A_468 : i32 to vector<16xi32>
          tpu.vector_store_idx %arg15[%broadcast_in_dim3A], %broadcast_in_dim3A_469 masked %eq3A_215 : memref<3072xi32, #tpu.memory_space<vmem>>[vector<16xi32>], vector<16xi32>, vector<16xi1>
          %add3A_470 = arith.constant 1 : i32
          %add3A_471 = arith.addi %get3A_461, %add3A_470 : i32
          %add3A_472 = arith.constant 8 : i32
          %add3A_473 = arith.addi %add3A_472, %shift_right_arithmetic3A_457 : i32
          %swap3A_474 = arith.index_cast %add3A_473 : i32 to index
          %swap3A_475 = memref.load %arg19[%swap3A_474] : memref<72xi32, #tpu.memory_space<smem>>
          memref.store %add3A_471, %arg19[%swap3A_474] : memref<72xi32, #tpu.memory_space<smem>>
          %sub3A_476 = arith.constant 1 : i32
          %sub3A_477 = vector.broadcast %sub3A_476 : i32 to vector<16xi32>
          %sub3A_478 = arith.subi %sub3A_477, %convert_element_type3A_442 : vector<16xi32>
          %mul3A_479 = arith.muli %while3A_438, %sub3A_478 : vector<16xi32>
          scf.yield %mul3A_479 : vector<16xi32>
        }
      } else {
      }
    }
    %scan3A_393 = arith.constant 1024 : i32
    %scan3A_394 = arith.constant 0 : i32
    %scan3A_395 = arith.constant 0 : i32
    %scan3A_396 = arith.constant 2 : i32
    %scan3A_397 = arith.addi %scan3A_395, %scan3A_396 : i32
    %scan3A_398 = arith.constant 1 : i32
    scf.for %scan3A_418 = %scan3A_395 to %scan3A_397 step %scan3A_398  : i32 {
      %mul3A_419 = arith.constant 3 : i32
      %mul3A_420 = arith.muli %scan3A_418, %mul3A_419 : i32
      %add3A_421 = arith.constant 0 : i32
      %add3A_422 = arith.addi %mul3A_420, %add3A_421 : i32
      %dma_wait3A_423 = arith.constant 0 : i32
      %dma_wait3A_424 = arith.constant 0 : i32
      %dma_wait3A_425 = tpu.memref_slice %arg5[%dma_wait3A_423, %dma_wait3A_424] : memref<32x100000xf32, #tpu.memory_space<hbm>> -> memref<32x512xf32, #tpu.memory_space<hbm>>
      %dma_wait3A_426 = arith.constant 0 : i32
      %dma_wait3A_427 = arith.constant 0 : i32
      %dma_wait3A_428 = tpu.memref_slice %arg5[%dma_wait3A_426, %dma_wait3A_427] : memref<32x100000xf32, #tpu.memory_space<hbm>> -> memref<32x512xf32, #tpu.memory_space<hbm>>
      tpu.wait_dma2 semaphore(%arg20 : memref<!tpu.dma_semaphore, #tpu.memory_space<semaphore_mem>>) src(%dma_wait3A_428 : memref<32x512xf32, #tpu.memory_space<hbm>>) dst(%arg11 : memref<32x512xf32, #tpu.memory_space<vmem>>)
      %mul3A_429 = arith.constant 512 : i32
      %mul3A_430 = arith.muli %add3A_422, %mul3A_429 : i32
      %add3A_431 = arith.addi %mul3A_217, %mul3A_430 : i32
      %sub3A_432 = arith.subi %add3A_431, %mul3A_217 : i32
      %shift_right_arithmetic3A_433 = arith.constant 9 : i32
      %shift_right_arithmetic3A_434 = arith.shrsi %sub3A_432, %shift_right_arithmetic3A_433 : i32
      %mul3A_435 = arith.constant 160 : i32
      %mul3A_436 = arith.muli %shift_right_arithmetic3A_434, %mul3A_435 : i32
      %scan3A_437 = arith.constant 0 : i32
      %scan3A_438 = arith.constant 0 : i32
      %scan3A_439 = arith.constant 10 : i32
      %scan3A_440 = arith.addi %scan3A_438, %scan3A_439 : i32
      %scan3A_441 = arith.constant 1 : i32
      scf.for %scan3A_511 = %scan3A_438 to %scan3A_440 step %scan3A_441  : i32 {
        %mul3A_512 = arith.constant 16 : i32
        %mul3A_513 = arith.muli %scan3A_511, %mul3A_512 : i32
        %add3A_514 = arith.addi %mul3A_436, %mul3A_513 : i32
        %get3A_515 = arith.index_cast %add3A_514 : i32 to index
        %get3A_516 = tpu.vector_load %arg14[%get3A_515] {strides = array<i32>} : memref<3072xi32, #tpu.memory_space<vmem>>, vector<16xi32>,
        %mul3A_517 = arith.constant 16 : i32
        %mul3A_518 = arith.muli %scan3A_511, %mul3A_517 : i32
        %add3A_519 = arith.addi %mul3A_436, %mul3A_518 : i32
        %get3A_520 = arith.index_cast %add3A_519 : i32 to index
        %get3A_521 = tpu.vector_load %arg15[%get3A_520] {strides = array<i32>} : memref<3072xi32, #tpu.memory_space<vmem>>, vector<16xi32>,
        %ge3A = vector.broadcast %add3A_431 : i32 to vector<16xi32>
        %ge3A_522 = arith.cmpi sge, %get3A_516, %ge3A : vector<16xi32>
        %add3A_523 = arith.constant 512 : i32
        %add3A_524 = arith.addi %add3A_431, %add3A_523 : i32
        %lt3A_525 = vector.broadcast %add3A_524 : i32 to vector<16xi32>
        %lt3A_526 = arith.cmpi slt, %get3A_516, %lt3A_525 : vector<16xi32>
        %and3A = arith.andi %ge3A_522, %lt3A_526 : vector<16xi1>
        %convert_element_type3A_527 = arith.extui %and3A : vector<16xi1> to vector<16xi32>
        %reduce_max3A = arith.constant true
        %reduce_max3A_528 = vector.broadcast %reduce_max3A : i1 to vector<16xi1>
        %reduce_max3A_529 = arith.constant -2147483648 : i32
        %reduce_max3A_530 = vector.broadcast %reduce_max3A_529 : i32 to vector<16xi32>
        %reduce_max3A_531 = arith.xori %convert_element_type3A_527, %reduce_max3A_530 : vector<16xi32>
        %reduce_max3A_532 = tpu.scan <max>, %reduce_max3A_531 masked %reduce_max3A_528 : vector<16xi32>, vector<16xi1> -> vector<16xi32>
        %reduce_max3A_533 = arith.xori %reduce_max3A_532, %reduce_max3A_530 : vector<16xi32>
        %reduce_max3A_534 = vector.extract %reduce_max3A_533[15] : i32 from vector<16xi32>
        %gt3A = arith.constant 0 : i32
        %gt3A_535 = arith.cmpi sgt, %reduce_max3A_534, %gt3A : i32
        %convert_element_type3A_536 = arith.extui %gt3A_535 : i1 to i32
        %cond3A_537 = arith.constant 0 : i32
        %cond3A_538 = arith.cmpi ne, %convert_element_type3A_536, %cond3A_537 : i32
        scf.if %cond3A_538 {
          %while3A_539 = scf.while (%while3A_540 = %convert_element_type3A_527) : (vector<16xi32>) -> vector<16xi32> {
            %reduce_max3A_541 = arith.constant true
            %reduce_max3A_542 = vector.broadcast %reduce_max3A_541 : i1 to vector<16xi1>
            %reduce_max3A_543 = arith.constant -2147483648 : i32
            %reduce_max3A_544 = vector.broadcast %reduce_max3A_543 : i32 to vector<16xi32>
            %reduce_max3A_545 = arith.xori %while3A_540, %reduce_max3A_544 : vector<16xi32>
            %reduce_max3A_546 = tpu.scan <max>, %reduce_max3A_545 masked %reduce_max3A_542 : vector<16xi32>, vector<16xi1> -> vector<16xi32>
            %reduce_max3A_547 = arith.xori %reduce_max3A_546, %reduce_max3A_544 : vector<16xi32>
            %reduce_max3A_548 = vector.extract %reduce_max3A_547[15] : i32 from vector<16xi32>
            %gt3A_549 = arith.constant 0 : i32
            %gt3A_550 = arith.cmpi sgt, %reduce_max3A_548, %gt3A_549 : i32
            scf.condition(%gt3A_550) %while3A_540 : vector<16xi32>
          } do {
          ^bb0(%while3A_540: vector<16xi32>):
            %ne3A = arith.constant 0 : i32
            %ne3A_541 = vector.broadcast %ne3A : i32 to vector<16xi32>
            %ne3A_542 = arith.cmpi ne, %while3A_540, %ne3A_541 : vector<16xi32>
            %all_reduce_ffs3A = tpu.all_reduce %ne3A_542 {dim = 0 : i64, kind = #tpu.reduction_kind<find_first_set>} : vector<16xi1> -> vector<16xi32>
            %eq3A_543 = arith.cmpi eq, %iota3A_212, %all_reduce_ffs3A : vector<16xi32>
            %convert_element_type3A_544 = arith.extui %eq3A_543 : vector<16xi1> to vector<16xi32>
            %mul3A_545 = arith.muli %get3A_516, %convert_element_type3A_544 : vector<16xi32>
            %reduce_sum3A = arith.constant true
            %reduce_sum3A_546 = vector.broadcast %reduce_sum3A : i1 to vector<16xi1>
            %reduce_sum3A_547 = tpu.scan <sum>, %mul3A_545 masked %reduce_sum3A_546 : vector<16xi32>, vector<16xi1> -> vector<16xi32>
            %reduce_sum3A_548 = vector.extract %reduce_sum3A_547[15] : i32 from vector<16xi32>
            %mul3A_549 = arith.muli %get3A_521, %convert_element_type3A_544 : vector<16xi32>
            %reduce_sum3A_550 = arith.constant true
            %reduce_sum3A_551 = vector.broadcast %reduce_sum3A_550 : i1 to vector<16xi1>
            %reduce_sum3A_552 = tpu.scan <sum>, %mul3A_549 masked %reduce_sum3A_551 : vector<16xi32>, vector<16xi1> -> vector<16xi32>
            %reduce_sum3A_553 = vector.extract %reduce_sum3A_552[15] : i32 from vector<16xi32>
            %sub3A_554 = arith.subi %reduce_sum3A_548, %add3A_431 : i32
            %broadcast_in_dim3A = vector.broadcast %sub3A_554 : i32 to vector<16xi32>
            %gather3A = tpu.vector_load_idx %arg11[%iota3A_212, %broadcast_in_dim3A] : memref<32x512xf32, #tpu.memory_space<vmem>>[vector<16xi32>, vector<16xi32>], vector<16xf32>,
            %add3A_555 = arith.constant 16 : i32
            %add3A_556 = vector.broadcast %add3A_555 : i32 to vector<16xi32>
            %add3A_557 = arith.addi %iota3A_212, %add3A_556 : vector<16xi32>
            %gather3A_558 = tpu.vector_load_idx %arg11[%add3A_557, %broadcast_in_dim3A] : memref<32x512xf32, #tpu.memory_space<vmem>>[vector<16xi32>, vector<16xi32>], vector<16xf32>,
            %get3A_559 = arith.constant 1 : i32
            %get3A_560 = arith.index_cast %get3A_559 : i32 to index
            %get3A_561 = memref.load %arg19[%get3A_560] : memref<72xi32, #tpu.memory_space<smem>>
            %mul3A_562 = arith.constant 32 : i32
            %mul3A_563 = arith.muli %get3A_561, %mul3A_562 : i32
            %swap3A_564 = arith.index_cast %mul3A_563 : i32 to index
            %swap3A_565 = tpu.vector_load %arg16[%swap3A_564] {strides = array<i32>} : memref<32768xf32, #tpu.memory_space<vmem>>, vector<16xf32>,
            tpu.vector_store %arg16[%swap3A_564], %gather3A {strides = array<i32>} : memref<32768xf32, #tpu.memory_space<vmem>>, vector<16xf32>,
            %mul3A_566 = arith.constant 32 : i32
            %mul3A_567 = arith.muli %get3A_561, %mul3A_566 : i32
            %add3A_568 = arith.constant 16 : i32
            %add3A_569 = arith.addi %mul3A_567, %add3A_568 : i32
            %swap3A_570 = arith.index_cast %add3A_569 : i32 to index
            %swap3A_571 = tpu.vector_load %arg16[%swap3A_570] {strides = array<i32>} : memref<32768xf32, #tpu.memory_space<vmem>>, vector<16xf32>,
            tpu.vector_store %arg16[%swap3A_570], %gather3A_558 {strides = array<i32>} : memref<32768xf32, #tpu.memory_space<vmem>>, vector<16xf32>,
            %mul3A_572 = arith.constant 32 : i32
            %mul3A_573 = arith.muli %get3A_561, %mul3A_572 : i32
            %mul3A_574 = arith.constant 32 : i32
            %mul3A_575 = arith.muli %reduce_sum3A_553, %mul3A_574 : i32
            %dma_start3A_576 = tpu.memref_slice %arg16[%mul3A_573] : memref<32768xf32, #tpu.memory_space<vmem>> -> memref<32xf32, #tpu.memory_space<vmem>>
            %dma_start3A_577 = tpu.memref_slice %arg9[%mul3A_575] : memref<524288xf32, #tpu.memory_space<hbm>> -> memref<32xf32, #tpu.memory_space<hbm>>
            %dma_start3A_578 = tpu.memref_slice %arg9[%mul3A_575] : memref<524288xf32, #tpu.memory_space<hbm>> -> memref<32xf32, #tpu.memory_space<hbm>>
            %dma_start3A_579 = tpu.memref_slice %arg16[%mul3A_573] : memref<32768xf32, #tpu.memory_space<vmem>> -> memref<32xf32, #tpu.memory_space<vmem>>
            tpu.enqueue_dma source(%dma_start3A_579 : memref<32xf32, #tpu.memory_space<vmem>>) target(%dma_start3A_578 : memref<32xf32, #tpu.memory_space<hbm>>) target_semaphore(%arg23 : memref<!tpu.dma_semaphore, #tpu.memory_space<semaphore_mem>>)
            %add3A_580 = arith.constant 1 : i32
            %add3A_581 = arith.addi %get3A_561, %add3A_580 : i32
            %swap3A_582 = arith.constant 1 : i32
            %swap3A_583 = arith.index_cast %swap3A_582 : i32 to index
            %swap3A_584 = memref.load %arg19[%swap3A_583] : memref<72xi32, #tpu.memory_space<smem>>
            memref.store %add3A_581, %arg19[%swap3A_583] : memref<72xi32, #tpu.memory_space<smem>>
            %sub3A_585 = arith.constant 1 : i32
            %sub3A_586 = vector.broadcast %sub3A_585 : i32 to vector<16xi32>
            %sub3A_587 = arith.subi %sub3A_586, %convert_element_type3A_544 : vector<16xi32>
            %mul3A_588 = arith.muli %while3A_540, %sub3A_587 : vector<16xi32>
            scf.yield %mul3A_588 : vector<16xi32>
          }
        } else {
        }
      }
      %scan3A_442 = arith.constant 10 : i32
      %add3A_443 = arith.constant 3 : i32
      %add3A_444 = arith.addi %add3A_422, %add3A_443 : i32
      %lt3A = arith.constant 6 : i32
      %lt3A_445 = arith.cmpi slt, %add3A_444, %lt3A : i32
      %convert_element_type3A_446 = arith.extui %lt3A_445 : i1 to i32
      %cond3A_447 = arith.constant 0 : i32
      %cond3A_448 = arith.cmpi ne, %convert_element_type3A_446, %cond3A_447 : i32
      scf.if %cond3A_448 {
        %mul3A_511 = arith.constant 512 : i32
        %mul3A_512 = arith.muli %add3A_444, %mul3A_511 : i32
        %add3A_513 = arith.addi %mul3A_217, %mul3A_512 : i32
        %dma_start3A_514 = arith.constant 0 : i32
        %dma_start3A_515 = arith.constant 0 : i32
        %dma_start3A_516 = tpu.memref_slice %arg11[%dma_start3A_514, %dma_start3A_515] : memref<32x512xf32, #tpu.memory_space<vmem>> -> memref<8x512xf32, #tpu.memory_space<vmem>>
        %dma_start3A_517 = arith.constant 0 : i32
        %dma_start3A_518 = tpu.memref_slice %arg5[%dma_start3A_517, %add3A_513] : memref<32x100000xf32, #tpu.memory_space<hbm>> -> memref<8x512xf32, #tpu.memory_space<hbm>>
        %dma_start3A_519 = arith.constant 0 : i32
        %dma_start3A_520 = arith.constant 0 : i32
        %dma_start3A_521 = tpu.memref_slice %arg11[%dma_start3A_519, %dma_start3A_520] : memref<32x512xf32, #tpu.memory_space<vmem>> -> memref<8x512xf32, #tpu.memory_space<vmem>>
        %dma_start3A_522 = arith.constant 0 : i32
        %dma_start3A_523 = tpu.memref_slice %arg5[%dma_start3A_522, %add3A_513] : memref<32x100000xf32, #tpu.memory_space<hbm>> -> memref<8x512xf32, #tpu.memory_space<hbm>>
        tpu.enqueue_dma source(%dma_start3A_523 : memref<8x512xf32, #tpu.memory_space<hbm>>) target(%dma_start3A_521 : memref<8x512xf32, #tpu.memory_space<vmem>>) target_semaphore(%arg20 : memref<!tpu.dma_semaphore, #tpu.memory_space<semaphore_mem>>)
        %mul3A_524 = arith.constant 512 : i32
        %mul3A_525 = arith.muli %add3A_444, %mul3A_524 : i32
        %add3A_526 = arith.addi %mul3A_217, %mul3A_525 : i32
        %dma_start3A_527 = arith.constant 8 : i32
        %dma_start3A_528 = arith.constant 0 : i32
        %dma_start3A_529 = tpu.memref_slice %arg11[%dma_start3A_527, %dma_start3A_528] : memref<32x512xf32, #tpu.memory_space<vmem>> -> memref<8x512xf32, #tpu.memory_space<vmem>>
        %dma_start3A_530 = arith.constant 8 : i32
        %dma_start3A_531 = tpu.memref_slice %arg5[%dma_start3A_530, %add3A_526] : memref<32x100000xf32, #tpu.memory_space<hbm>> -> memref<8x512xf32, #tpu.memory_space<hbm>>
        %dma_start3A_532 = arith.constant 8 : i32
        %dma_start3A_533 = arith.constant 0 : i32
        %dma_start3A_534 = tpu.memref_slice %arg11[%dma_start3A_532, %dma_start3A_533] : memref<32x512xf32, #tpu.memory_space<vmem>> -> memref<8x512xf32, #tpu.memory_space<vmem>>
        %dma_start3A_535 = arith.constant 8 : i32
        %dma_start3A_536 = tpu.memref_slice %arg5[%dma_start3A_535, %add3A_526] : memref<32x100000xf32, #tpu.memory_space<hbm>> -> memref<8x512xf32, #tpu.memory_space<hbm>>
        tpu.enqueue_dma source(%dma_start3A_536 : memref<8x512xf32, #tpu.memory_space<hbm>>) target(%dma_start3A_534 : memref<8x512xf32, #tpu.memory_space<vmem>>) target_semaphore(%arg20 : memref<!tpu.dma_semaphore, #tpu.memory_space<semaphore_mem>>)
        %mul3A_537 = arith.constant 512 : i32
        %mul3A_538 = arith.muli %add3A_444, %mul3A_537 : i32
        %add3A_539 = arith.addi %mul3A_217, %mul3A_538 : i32
        %dma_start3A_540 = arith.constant 16 : i32
        %dma_start3A_541 = arith.constant 0 : i32
        %dma_start3A_542 = tpu.memref_slice %arg11[%dma_start3A_540, %dma_start3A_541] : memref<32x512xf32, #tpu.memory_space<vmem>> -> memref<8x512xf32, #tpu.memory_space<vmem>>
        %dma_start3A_543 = arith.constant 16 : i32
        %dma_start3A_544 = tpu.memref_slice %arg5[%dma_start3A_543, %add3A_539] : memref<32x100000xf32, #tpu.memory_space<hbm>> -> memref<8x512xf32, #tpu.memory_space<hbm>>
        %dma_start3A_545 = arith.constant 16 : i32
        %dma_start3A_546 = arith.constant 0 : i32
        %dma_start3A_547 = tpu.memref_slice %arg11[%dma_start3A_545, %dma_start3A_546] : memref<32x512xf32, #tpu.memory_space<vmem>> -> memref<8x512xf32, #tpu.memory_space<vmem>>
        %dma_start3A_548 = arith.constant 16 : i32
        %dma_start3A_549 = tpu.memref_slice %arg5[%dma_start3A_548, %add3A_539] : memref<32x100000xf32, #tpu.memory_space<hbm>> -> memref<8x512xf32, #tpu.memory_space<hbm>>
        tpu.enqueue_dma source(%dma_start3A_549 : memref<8x512xf32, #tpu.memory_space<hbm>>) target(%dma_start3A_547 : memref<8x512xf32, #tpu.memory_space<vmem>>) target_semaphore(%arg20 : memref<!tpu.dma_semaphore, #tpu.memory_space<semaphore_mem>>)
        %mul3A_550 = arith.constant 512 : i32
        %mul3A_551 = arith.muli %add3A_444, %mul3A_550 : i32
        %add3A_552 = arith.addi %mul3A_217, %mul3A_551 : i32
        %dma_start3A_553 = arith.constant 24 : i32
        %dma_start3A_554 = arith.constant 0 : i32
        %dma_start3A_555 = tpu.memref_slice %arg11[%dma_start3A_553, %dma_start3A_554] : memref<32x512xf32, #tpu.memory_space<vmem>> -> memref<8x512xf32, #tpu.memory_space<vmem>>
        %dma_start3A_556 = arith.constant 24 : i32
        %dma_start3A_557 = tpu.memref_slice %arg5[%dma_start3A_556, %add3A_552] : memref<32x100000xf32, #tpu.memory_space<hbm>> -> memref<8x512xf32, #tpu.memory_space<hbm>>
        %dma_start3A_558 = arith.constant 24 : i32
        %dma_start3A_559 = arith.constant 0 : i32
        %dma_start3A_560 = tpu.memref_slice %arg11[%dma_start3A_558, %dma_start3A_559] : memref<32x512xf32, #tpu.memory_space<vmem>> -> memref<8x512xf32, #tpu.memory_space<vmem>>
        %dma_start3A_561 = arith.constant 24 : i32
        %dma_start3A_562 = tpu.memref_slice %arg5[%dma_start3A_561, %add3A_552] : memref<32x100000xf32, #tpu.memory_space<hbm>> -> memref<8x512xf32, #tpu.memory_space<hbm>>
        tpu.enqueue_dma source(%dma_start3A_562 : memref<8x512xf32, #tpu.memory_space<hbm>>) target(%dma_start3A_560 : memref<8x512xf32, #tpu.memory_space<vmem>>) target_semaphore(%arg20 : memref<!tpu.dma_semaphore, #tpu.memory_space<semaphore_mem>>)
      } else {
      }
      %mul3A_449 = arith.constant 3 : i32
      %mul3A_450 = arith.muli %scan3A_418, %mul3A_449 : i32
      %add3A_451 = arith.constant 1 : i32
      %add3A_452 = arith.addi %mul3A_450, %add3A_451 : i32
      %dma_wait3A_453 = arith.constant 0 : i32
      %dma_wait3A_454 = arith.constant 0 : i32
      %dma_wait3A_455 = tpu.memref_slice %arg5[%dma_wait3A_453, %dma_wait3A_454] : memref<32x100000xf32, #tpu.memory_space<hbm>> -> memref<32x512xf32, #tpu.memory_space<hbm>>
      %dma_wait3A_456 = arith.constant 0 : i32
      %dma_wait3A_457 = arith.constant 0 : i32
      %dma_wait3A_458 = tpu.memref_slice %arg5[%dma_wait3A_456, %dma_wait3A_457] : memref<32x100000xf32, #tpu.memory_space<hbm>> -> memref<32x512xf32, #tpu.memory_space<hbm>>
      tpu.wait_dma2 semaphore(%arg21 : memref<!tpu.dma_semaphore, #tpu.memory_space<semaphore_mem>>) src(%dma_wait3A_458 : memref<32x512xf32, #tpu.memory_space<hbm>>) dst(%arg12 : memref<32x512xf32, #tpu.memory_space<vmem>>)
      %mul3A_459 = arith.constant 512 : i32
      %mul3A_460 = arith.muli %add3A_452, %mul3A_459 : i32
      %add3A_461 = arith.addi %mul3A_217, %mul3A_460 : i32
      %sub3A_462 = arith.subi %add3A_461, %mul3A_217 : i32
      %shift_right_arithmetic3A_463 = arith.constant 9 : i32
      %shift_right_arithmetic3A_464 = arith.shrsi %sub3A_462, %shift_right_arithmetic3A_463 : i32
      %mul3A_465 = arith.constant 160 : i32
      %mul3A_466 = arith.muli %shift_right_arithmetic3A_464, %mul3A_465 : i32
      %scan3A_467 = arith.constant 0 : i32
      %scan3A_468 = arith.constant 0 : i32
      %scan3A_469 = arith.constant 10 : i32
      %scan3A_470 = arith.addi %scan3A_468, %scan3A_469 : i32
      %scan3A_471 = arith.constant 1 : i32
      scf.for %scan3A_511 = %scan3A_468 to %scan3A_470 step %scan3A_471  : i32 {
        %mul3A_512 = arith.constant 16 : i32
        %mul3A_513 = arith.muli %scan3A_511, %mul3A_512 : i32
        %add3A_514 = arith.addi %mul3A_466, %mul3A_513 : i32
        %get3A_515 = arith.index_cast %add3A_514 : i32 to index
        %get3A_516 = tpu.vector_load %arg14[%get3A_515] {strides = array<i32>} : memref<3072xi32, #tpu.memory_space<vmem>>, vector<16xi32>,
        %mul3A_517 = arith.constant 16 : i32
        %mul3A_518 = arith.muli %scan3A_511, %mul3A_517 : i32
        %add3A_519 = arith.addi %mul3A_466, %mul3A_518 : i32
        %get3A_520 = arith.index_cast %add3A_519 : i32 to index
        %get3A_521 = tpu.vector_load %arg15[%get3A_520] {strides = array<i32>} : memref<3072xi32, #tpu.memory_space<vmem>>, vector<16xi32>,
        %ge3A = vector.broadcast %add3A_461 : i32 to vector<16xi32>
        %ge3A_522 = arith.cmpi sge, %get3A_516, %ge3A : vector<16xi32>
        %add3A_523 = arith.constant 512 : i32
        %add3A_524 = arith.addi %add3A_461, %add3A_523 : i32
        %lt3A_525 = vector.broadcast %add3A_524 : i32 to vector<16xi32>
        %lt3A_526 = arith.cmpi slt, %get3A_516, %lt3A_525 : vector<16xi32>
        %and3A = arith.andi %ge3A_522, %lt3A_526 : vector<16xi1>
        %convert_element_type3A_527 = arith.extui %and3A : vector<16xi1> to vector<16xi32>
        %reduce_max3A = arith.constant true
        %reduce_max3A_528 = vector.broadcast %reduce_max3A : i1 to vector<16xi1>
        %reduce_max3A_529 = arith.constant -2147483648 : i32
        %reduce_max3A_530 = vector.broadcast %reduce_max3A_529 : i32 to vector<16xi32>
        %reduce_max3A_531 = arith.xori %convert_element_type3A_527, %reduce_max3A_530 : vector<16xi32>
        %reduce_max3A_532 = tpu.scan <max>, %reduce_max3A_531 masked %reduce_max3A_528 : vector<16xi32>, vector<16xi1> -> vector<16xi32>
        %reduce_max3A_533 = arith.xori %reduce_max3A_532, %reduce_max3A_530 : vector<16xi32>
        %reduce_max3A_534 = vector.extract %reduce_max3A_533[15] : i32 from vector<16xi32>
        %gt3A = arith.constant 0 : i32
        %gt3A_535 = arith.cmpi sgt, %reduce_max3A_534, %gt3A : i32
        %convert_element_type3A_536 = arith.extui %gt3A_535 : i1 to i32
        %cond3A_537 = arith.constant 0 : i32
        %cond3A_538 = arith.cmpi ne, %convert_element_type3A_536, %cond3A_537 : i32
        scf.if %cond3A_538 {
          %while3A_539 = scf.while (%while3A_540 = %convert_element_type3A_527) : (vector<16xi32>) -> vector<16xi32> {
            %reduce_max3A_541 = arith.constant true
            %reduce_max3A_542 = vector.broadcast %reduce_max3A_541 : i1 to vector<16xi1>
            %reduce_max3A_543 = arith.constant -2147483648 : i32
            %reduce_max3A_544 = vector.broadcast %reduce_max3A_543 : i32 to vector<16xi32>
            %reduce_max3A_545 = arith.xori %while3A_540, %reduce_max3A_544 : vector<16xi32>
            %reduce_max3A_546 = tpu.scan <max>, %reduce_max3A_545 masked %reduce_max3A_542 : vector<16xi32>, vector<16xi1> -> vector<16xi32>
            %reduce_max3A_547 = arith.xori %reduce_max3A_546, %reduce_max3A_544 : vector<16xi32>
            %reduce_max3A_548 = vector.extract %reduce_max3A_547[15] : i32 from vector<16xi32>
            %gt3A_549 = arith.constant 0 : i32
            %gt3A_550 = arith.cmpi sgt, %reduce_max3A_548, %gt3A_549 : i32
            scf.condition(%gt3A_550) %while3A_540 : vector<16xi32>
          } do {
          ^bb0(%while3A_540: vector<16xi32>):
            %ne3A = arith.constant 0 : i32
            %ne3A_541 = vector.broadcast %ne3A : i32 to vector<16xi32>
            %ne3A_542 = arith.cmpi ne, %while3A_540, %ne3A_541 : vector<16xi32>
            %all_reduce_ffs3A = tpu.all_reduce %ne3A_542 {dim = 0 : i64, kind = #tpu.reduction_kind<find_first_set>} : vector<16xi1> -> vector<16xi32>
            %eq3A_543 = arith.cmpi eq, %iota3A_212, %all_reduce_ffs3A : vector<16xi32>
            %convert_element_type3A_544 = arith.extui %eq3A_543 : vector<16xi1> to vector<16xi32>
            %mul3A_545 = arith.muli %get3A_516, %convert_element_type3A_544 : vector<16xi32>
            %reduce_sum3A = arith.constant true
            %reduce_sum3A_546 = vector.broadcast %reduce_sum3A : i1 to vector<16xi1>
            %reduce_sum3A_547 = tpu.scan <sum>, %mul3A_545 masked %reduce_sum3A_546 : vector<16xi32>, vector<16xi1> -> vector<16xi32>
            %reduce_sum3A_548 = vector.extract %reduce_sum3A_547[15] : i32 from vector<16xi32>
            %mul3A_549 = arith.muli %get3A_521, %convert_element_type3A_544 : vector<16xi32>
            %reduce_sum3A_550 = arith.constant true
            %reduce_sum3A_551 = vector.broadcast %reduce_sum3A_550 : i1 to vector<16xi1>
            %reduce_sum3A_552 = tpu.scan <sum>, %mul3A_549 masked %reduce_sum3A_551 : vector<16xi32>, vector<16xi1> -> vector<16xi32>
            %reduce_sum3A_553 = vector.extract %reduce_sum3A_552[15] : i32 from vector<16xi32>
            %sub3A_554 = arith.subi %reduce_sum3A_548, %add3A_461 : i32
            %broadcast_in_dim3A = vector.broadcast %sub3A_554 : i32 to vector<16xi32>
            %gather3A = tpu.vector_load_idx %arg12[%iota3A_212, %broadcast_in_dim3A] : memref<32x512xf32, #tpu.memory_space<vmem>>[vector<16xi32>, vector<16xi32>], vector<16xf32>,
            %add3A_555 = arith.constant 16 : i32
            %add3A_556 = vector.broadcast %add3A_555 : i32 to vector<16xi32>
            %add3A_557 = arith.addi %iota3A_212, %add3A_556 : vector<16xi32>
            %gather3A_558 = tpu.vector_load_idx %arg12[%add3A_557, %broadcast_in_dim3A] : memref<32x512xf32, #tpu.memory_space<vmem>>[vector<16xi32>, vector<16xi32>], vector<16xf32>,
            %get3A_559 = arith.constant 1 : i32
            %get3A_560 = arith.index_cast %get3A_559 : i32 to index
            %get3A_561 = memref.load %arg19[%get3A_560] : memref<72xi32, #tpu.memory_space<smem>>
            %mul3A_562 = arith.constant 32 : i32
            %mul3A_563 = arith.muli %get3A_561, %mul3A_562 : i32
            %swap3A_564 = arith.index_cast %mul3A_563 : i32 to index
            %swap3A_565 = tpu.vector_load %arg16[%swap3A_564] {strides = array<i32>} : memref<32768xf32, #tpu.memory_space<vmem>>, vector<16xf32>,
            tpu.vector_store %arg16[%swap3A_564], %gather3A {strides = array<i32>} : memref<32768xf32, #tpu.memory_space<vmem>>, vector<16xf32>,
            %mul3A_566 = arith.constant 32 : i32
            %mul3A_567 = arith.muli %get3A_561, %mul3A_566 : i32
            %add3A_568 = arith.constant 16 : i32
            %add3A_569 = arith.addi %mul3A_567, %add3A_568 : i32
            %swap3A_570 = arith.index_cast %add3A_569 : i32 to index
            %swap3A_571 = tpu.vector_load %arg16[%swap3A_570] {strides = array<i32>} : memref<32768xf32, #tpu.memory_space<vmem>>, vector<16xf32>,
            tpu.vector_store %arg16[%swap3A_570], %gather3A_558 {strides = array<i32>} : memref<32768xf32, #tpu.memory_space<vmem>>, vector<16xf32>,
            %mul3A_572 = arith.constant 32 : i32
            %mul3A_573 = arith.muli %get3A_561, %mul3A_572 : i32
            %mul3A_574 = arith.constant 32 : i32
            %mul3A_575 = arith.muli %reduce_sum3A_553, %mul3A_574 : i32
            %dma_start3A_576 = tpu.memref_slice %arg16[%mul3A_573] : memref<32768xf32, #tpu.memory_space<vmem>> -> memref<32xf32, #tpu.memory_space<vmem>>
            %dma_start3A_577 = tpu.memref_slice %arg9[%mul3A_575] : memref<524288xf32, #tpu.memory_space<hbm>> -> memref<32xf32, #tpu.memory_space<hbm>>
            %dma_start3A_578 = tpu.memref_slice %arg9[%mul3A_575] : memref<524288xf32, #tpu.memory_space<hbm>> -> memref<32xf32, #tpu.memory_space<hbm>>
            %dma_start3A_579 = tpu.memref_slice %arg16[%mul3A_573] : memref<32768xf32, #tpu.memory_space<vmem>> -> memref<32xf32, #tpu.memory_space<vmem>>
            tpu.enqueue_dma source(%dma_start3A_579 : memref<32xf32, #tpu.memory_space<vmem>>) target(%dma_start3A_578 : memref<32xf32, #tpu.memory_space<hbm>>) target_semaphore(%arg23 : memref<!tpu.dma_semaphore, #tpu.memory_space<semaphore_mem>>)
            %add3A_580 = arith.constant 1 : i32
            %add3A_581 = arith.addi %get3A_561, %add3A_580 : i32
            %swap3A_582 = arith.constant 1 : i32
            %swap3A_583 = arith.index_cast %swap3A_582 : i32 to index
            %swap3A_584 = memref.load %arg19[%swap3A_583] : memref<72xi32, #tpu.memory_space<smem>>
            memref.store %add3A_581, %arg19[%swap3A_583] : memref<72xi32, #tpu.memory_space<smem>>
            %sub3A_585 = arith.constant 1 : i32
            %sub3A_586 = vector.broadcast %sub3A_585 : i32 to vector<16xi32>
            %sub3A_587 = arith.subi %sub3A_586, %convert_element_type3A_544 : vector<16xi32>
            %mul3A_588 = arith.muli %while3A_540, %sub3A_587 : vector<16xi32>
            scf.yield %mul3A_588 : vector<16xi32>
          }
        } else {
        }
      }
      %scan3A_472 = arith.constant 10 : i32
      %add3A_473 = arith.constant 3 : i32
      %add3A_474 = arith.addi %add3A_452, %add3A_473 : i32
      %lt3A_475 = arith.constant 6 : i32
      %lt3A_476 = arith.cmpi slt, %add3A_474, %lt3A_475 : i32
      %convert_element_type3A_477 = arith.extui %lt3A_476 : i1 to i32
      %cond3A_478 = arith.constant 0 : i32
      %cond3A_479 = arith.cmpi ne, %convert_element_type3A_477, %cond3A_478 : i32
      scf.if %cond3A_479 {
        %mul3A_511 = arith.constant 512 : i32
        %mul3A_512 = arith.muli %add3A_474, %mul3A_511 : i32
        %add3A_513 = arith.addi %mul3A_217, %mul3A_512 : i32
        %dma_start3A_514 = arith.constant 0 : i32
        %dma_start3A_515 = arith.constant 0 : i32
        %dma_start3A_516 = tpu.memref_slice %arg12[%dma_start3A_514, %dma_start3A_515] : memref<32x512xf32, #tpu.memory_space<vmem>> -> memref<8x512xf32, #tpu.memory_space<vmem>>
        %dma_start3A_517 = arith.constant 0 : i32
        %dma_start3A_518 = tpu.memref_slice %arg5[%dma_start3A_517, %add3A_513] : memref<32x100000xf32, #tpu.memory_space<hbm>> -> memref<8x512xf32, #tpu.memory_space<hbm>>
        %dma_start3A_519 = arith.constant 0 : i32
        %dma_start3A_520 = arith.constant 0 : i32
        %dma_start3A_521 = tpu.memref_slice %arg12[%dma_start3A_519, %dma_start3A_520] : memref<32x512xf32, #tpu.memory_space<vmem>> -> memref<8x512xf32, #tpu.memory_space<vmem>>
        %dma_start3A_522 = arith.constant 0 : i32
        %dma_start3A_523 = tpu.memref_slice %arg5[%dma_start3A_522, %add3A_513] : memref<32x100000xf32, #tpu.memory_space<hbm>> -> memref<8x512xf32, #tpu.memory_space<hbm>>
        tpu.enqueue_dma source(%dma_start3A_523 : memref<8x512xf32, #tpu.memory_space<hbm>>) target(%dma_start3A_521 : memref<8x512xf32, #tpu.memory_space<vmem>>) target_semaphore(%arg21 : memref<!tpu.dma_semaphore, #tpu.memory_space<semaphore_mem>>)
        %mul3A_524 = arith.constant 512 : i32
        %mul3A_525 = arith.muli %add3A_474, %mul3A_524 : i32
        %add3A_526 = arith.addi %mul3A_217, %mul3A_525 : i32
        %dma_start3A_527 = arith.constant 8 : i32
        %dma_start3A_528 = arith.constant 0 : i32
        %dma_start3A_529 = tpu.memref_slice %arg12[%dma_start3A_527, %dma_start3A_528] : memref<32x512xf32, #tpu.memory_space<vmem>> -> memref<8x512xf32, #tpu.memory_space<vmem>>
        %dma_start3A_530 = arith.constant 8 : i32
        %dma_start3A_531 = tpu.memref_slice %arg5[%dma_start3A_530, %add3A_526] : memref<32x100000xf32, #tpu.memory_space<hbm>> -> memref<8x512xf32, #tpu.memory_space<hbm>>
        %dma_start3A_532 = arith.constant 8 : i32
        %dma_start3A_533 = arith.constant 0 : i32
        %dma_start3A_534 = tpu.memref_slice %arg12[%dma_start3A_532, %dma_start3A_533] : memref<32x512xf32, #tpu.memory_space<vmem>> -> memref<8x512xf32, #tpu.memory_space<vmem>>
        %dma_start3A_535 = arith.constant 8 : i32
        %dma_start3A_536 = tpu.memref_slice %arg5[%dma_start3A_535, %add3A_526] : memref<32x100000xf32, #tpu.memory_space<hbm>> -> memref<8x512xf32, #tpu.memory_space<hbm>>
        tpu.enqueue_dma source(%dma_start3A_536 : memref<8x512xf32, #tpu.memory_space<hbm>>) target(%dma_start3A_534 : memref<8x512xf32, #tpu.memory_space<vmem>>) target_semaphore(%arg21 : memref<!tpu.dma_semaphore, #tpu.memory_space<semaphore_mem>>)
        %mul3A_537 = arith.constant 512 : i32
        %mul3A_538 = arith.muli %add3A_474, %mul3A_537 : i32
        %add3A_539 = arith.addi %mul3A_217, %mul3A_538 : i32
        %dma_start3A_540 = arith.constant 16 : i32
        %dma_start3A_541 = arith.constant 0 : i32
        %dma_start3A_542 = tpu.memref_slice %arg12[%dma_start3A_540, %dma_start3A_541] : memref<32x512xf32, #tpu.memory_space<vmem>> -> memref<8x512xf32, #tpu.memory_space<vmem>>
        %dma_start3A_543 = arith.constant 16 : i32
        %dma_start3A_544 = tpu.memref_slice %arg5[%dma_start3A_543, %add3A_539] : memref<32x100000xf32, #tpu.memory_space<hbm>> -> memref<8x512xf32, #tpu.memory_space<hbm>>
        %dma_start3A_545 = arith.constant 16 : i32
        %dma_start3A_546 = arith.constant 0 : i32
        %dma_start3A_547 = tpu.memref_slice %arg12[%dma_start3A_545, %dma_start3A_546] : memref<32x512xf32, #tpu.memory_space<vmem>> -> memref<8x512xf32, #tpu.memory_space<vmem>>
        %dma_start3A_548 = arith.constant 16 : i32
        %dma_start3A_549 = tpu.memref_slice %arg5[%dma_start3A_548, %add3A_539] : memref<32x100000xf32, #tpu.memory_space<hbm>> -> memref<8x512xf32, #tpu.memory_space<hbm>>
        tpu.enqueue_dma source(%dma_start3A_549 : memref<8x512xf32, #tpu.memory_space<hbm>>) target(%dma_start3A_547 : memref<8x512xf32, #tpu.memory_space<vmem>>) target_semaphore(%arg21 : memref<!tpu.dma_semaphore, #tpu.memory_space<semaphore_mem>>)
        %mul3A_550 = arith.constant 512 : i32
        %mul3A_551 = arith.muli %add3A_474, %mul3A_550 : i32
        %add3A_552 = arith.addi %mul3A_217, %mul3A_551 : i32
        %dma_start3A_553 = arith.constant 24 : i32
        %dma_start3A_554 = arith.constant 0 : i32
        %dma_start3A_555 = tpu.memref_slice %arg12[%dma_start3A_553, %dma_start3A_554] : memref<32x512xf32, #tpu.memory_space<vmem>> -> memref<8x512xf32, #tpu.memory_space<vmem>>
        %dma_start3A_556 = arith.constant 24 : i32
        %dma_start3A_557 = tpu.memref_slice %arg5[%dma_start3A_556, %add3A_552] : memref<32x100000xf32, #tpu.memory_space<hbm>> -> memref<8x512xf32, #tpu.memory_space<hbm>>
        %dma_start3A_558 = arith.constant 24 : i32
        %dma_start3A_559 = arith.constant 0 : i32
        %dma_start3A_560 = tpu.memref_slice %arg12[%dma_start3A_558, %dma_start3A_559] : memref<32x512xf32, #tpu.memory_space<vmem>> -> memref<8x512xf32, #tpu.memory_space<vmem>>
        %dma_start3A_561 = arith.constant 24 : i32
        %dma_start3A_562 = tpu.memref_slice %arg5[%dma_start3A_561, %add3A_552] : memref<32x100000xf32, #tpu.memory_space<hbm>> -> memref<8x512xf32, #tpu.memory_space<hbm>>
        tpu.enqueue_dma source(%dma_start3A_562 : memref<8x512xf32, #tpu.memory_space<hbm>>) target(%dma_start3A_560 : memref<8x512xf32, #tpu.memory_space<vmem>>) target_semaphore(%arg21 : memref<!tpu.dma_semaphore, #tpu.memory_space<semaphore_mem>>)
      } else {
      }
      %mul3A_480 = arith.constant 3 : i32
      %mul3A_481 = arith.muli %scan3A_418, %mul3A_480 : i32
      %add3A_482 = arith.constant 2 : i32
      %add3A_483 = arith.addi %mul3A_481, %add3A_482 : i32
      %dma_wait3A_484 = arith.constant 0 : i32
      %dma_wait3A_485 = arith.constant 0 : i32
      %dma_wait3A_486 = tpu.memref_slice %arg5[%dma_wait3A_484, %dma_wait3A_485] : memref<32x100000xf32, #tpu.memory_space<hbm>> -> memref<32x512xf32, #tpu.memory_space<hbm>>
      %dma_wait3A_487 = arith.constant 0 : i32
      %dma_wait3A_488 = arith.constant 0 : i32
      %dma_wait3A_489 = tpu.memref_slice %arg5[%dma_wait3A_487, %dma_wait3A_488] : memref<32x100000xf32, #tpu.memory_space<hbm>> -> memref<32x512xf32, #tpu.memory_space<hbm>>
      tpu.wait_dma2 semaphore(%arg22 : memref<!tpu.dma_semaphore, #tpu.memory_space<semaphore_mem>>) src(%dma_wait3A_489 : memref<32x512xf32, #tpu.memory_space<hbm>>) dst(%arg13 : memref<32x512xf32, #tpu.memory_space<vmem>>)
      %mul3A_490 = arith.constant 512 : i32
      %mul3A_491 = arith.muli %add3A_483, %mul3A_490 : i32
      %add3A_492 = arith.addi %mul3A_217, %mul3A_491 : i32
      %sub3A_493 = arith.subi %add3A_492, %mul3A_217 : i32
      %shift_right_arithmetic3A_494 = arith.constant 9 : i32
      %shift_right_arithmetic3A_495 = arith.shrsi %sub3A_493, %shift_right_arithmetic3A_494 : i32
      %mul3A_496 = arith.constant 160 : i32
      %mul3A_497 = arith.muli %shift_right_arithmetic3A_495, %mul3A_496 : i32
      %scan3A_498 = arith.constant 0 : i32
      %scan3A_499 = arith.constant 0 : i32
      %scan3A_500 = arith.constant 10 : i32
      %scan3A_501 = arith.addi %scan3A_499, %scan3A_500 : i32
      %scan3A_502 = arith.constant 1 : i32
      scf.for %scan3A_511 = %scan3A_499 to %scan3A_501 step %scan3A_502  : i32 {
        %mul3A_512 = arith.constant 16 : i32
        %mul3A_513 = arith.muli %scan3A_511, %mul3A_512 : i32
        %add3A_514 = arith.addi %mul3A_497, %mul3A_513 : i32
        %get3A_515 = arith.index_cast %add3A_514 : i32 to index
        %get3A_516 = tpu.vector_load %arg14[%get3A_515] {strides = array<i32>} : memref<3072xi32, #tpu.memory_space<vmem>>, vector<16xi32>,
        %mul3A_517 = arith.constant 16 : i32
        %mul3A_518 = arith.muli %scan3A_511, %mul3A_517 : i32
        %add3A_519 = arith.addi %mul3A_497, %mul3A_518 : i32
        %get3A_520 = arith.index_cast %add3A_519 : i32 to index
        %get3A_521 = tpu.vector_load %arg15[%get3A_520] {strides = array<i32>} : memref<3072xi32, #tpu.memory_space<vmem>>, vector<16xi32>,
        %ge3A = vector.broadcast %add3A_492 : i32 to vector<16xi32>
        %ge3A_522 = arith.cmpi sge, %get3A_516, %ge3A : vector<16xi32>
        %add3A_523 = arith.constant 512 : i32
        %add3A_524 = arith.addi %add3A_492, %add3A_523 : i32
        %lt3A_525 = vector.broadcast %add3A_524 : i32 to vector<16xi32>
        %lt3A_526 = arith.cmpi slt, %get3A_516, %lt3A_525 : vector<16xi32>
        %and3A = arith.andi %ge3A_522, %lt3A_526 : vector<16xi1>
        %convert_element_type3A_527 = arith.extui %and3A : vector<16xi1> to vector<16xi32>
        %reduce_max3A = arith.constant true
        %reduce_max3A_528 = vector.broadcast %reduce_max3A : i1 to vector<16xi1>
        %reduce_max3A_529 = arith.constant -2147483648 : i32
        %reduce_max3A_530 = vector.broadcast %reduce_max3A_529 : i32 to vector<16xi32>
        %reduce_max3A_531 = arith.xori %convert_element_type3A_527, %reduce_max3A_530 : vector<16xi32>
        %reduce_max3A_532 = tpu.scan <max>, %reduce_max3A_531 masked %reduce_max3A_528 : vector<16xi32>, vector<16xi1> -> vector<16xi32>
        %reduce_max3A_533 = arith.xori %reduce_max3A_532, %reduce_max3A_530 : vector<16xi32>
        %reduce_max3A_534 = vector.extract %reduce_max3A_533[15] : i32 from vector<16xi32>
        %gt3A = arith.constant 0 : i32
        %gt3A_535 = arith.cmpi sgt, %reduce_max3A_534, %gt3A : i32
        %convert_element_type3A_536 = arith.extui %gt3A_535 : i1 to i32
        %cond3A_537 = arith.constant 0 : i32
        %cond3A_538 = arith.cmpi ne, %convert_element_type3A_536, %cond3A_537 : i32
        scf.if %cond3A_538 {
          %while3A_539 = scf.while (%while3A_540 = %convert_element_type3A_527) : (vector<16xi32>) -> vector<16xi32> {
            %reduce_max3A_541 = arith.constant true
            %reduce_max3A_542 = vector.broadcast %reduce_max3A_541 : i1 to vector<16xi1>
            %reduce_max3A_543 = arith.constant -2147483648 : i32
            %reduce_max3A_544 = vector.broadcast %reduce_max3A_543 : i32 to vector<16xi32>
            %reduce_max3A_545 = arith.xori %while3A_540, %reduce_max3A_544 : vector<16xi32>
            %reduce_max3A_546 = tpu.scan <max>, %reduce_max3A_545 masked %reduce_max3A_542 : vector<16xi32>, vector<16xi1> -> vector<16xi32>
            %reduce_max3A_547 = arith.xori %reduce_max3A_546, %reduce_max3A_544 : vector<16xi32>
            %reduce_max3A_548 = vector.extract %reduce_max3A_547[15] : i32 from vector<16xi32>
            %gt3A_549 = arith.constant 0 : i32
            %gt3A_550 = arith.cmpi sgt, %reduce_max3A_548, %gt3A_549 : i32
            scf.condition(%gt3A_550) %while3A_540 : vector<16xi32>
          } do {
          ^bb0(%while3A_540: vector<16xi32>):
            %ne3A = arith.constant 0 : i32
            %ne3A_541 = vector.broadcast %ne3A : i32 to vector<16xi32>
            %ne3A_542 = arith.cmpi ne, %while3A_540, %ne3A_541 : vector<16xi32>
            %all_reduce_ffs3A = tpu.all_reduce %ne3A_542 {dim = 0 : i64, kind = #tpu.reduction_kind<find_first_set>} : vector<16xi1> -> vector<16xi32>
            %eq3A_543 = arith.cmpi eq, %iota3A_212, %all_reduce_ffs3A : vector<16xi32>
            %convert_element_type3A_544 = arith.extui %eq3A_543 : vector<16xi1> to vector<16xi32>
            %mul3A_545 = arith.muli %get3A_516, %convert_element_type3A_544 : vector<16xi32>
            %reduce_sum3A = arith.constant true
            %reduce_sum3A_546 = vector.broadcast %reduce_sum3A : i1 to vector<16xi1>
            %reduce_sum3A_547 = tpu.scan <sum>, %mul3A_545 masked %reduce_sum3A_546 : vector<16xi32>, vector<16xi1> -> vector<16xi32>
            %reduce_sum3A_548 = vector.extract %reduce_sum3A_547[15] : i32 from vector<16xi32>
            %mul3A_549 = arith.muli %get3A_521, %convert_element_type3A_544 : vector<16xi32>
            %reduce_sum3A_550 = arith.constant true
            %reduce_sum3A_551 = vector.broadcast %reduce_sum3A_550 : i1 to vector<16xi1>
            %reduce_sum3A_552 = tpu.scan <sum>, %mul3A_549 masked %reduce_sum3A_551 : vector<16xi32>, vector<16xi1> -> vector<16xi32>
            %reduce_sum3A_553 = vector.extract %reduce_sum3A_552[15] : i32 from vector<16xi32>
            %sub3A_554 = arith.subi %reduce_sum3A_548, %add3A_492 : i32
            %broadcast_in_dim3A = vector.broadcast %sub3A_554 : i32 to vector<16xi32>
            %gather3A = tpu.vector_load_idx %arg13[%iota3A_212, %broadcast_in_dim3A] : memref<32x512xf32, #tpu.memory_space<vmem>>[vector<16xi32>, vector<16xi32>], vector<16xf32>,
            %add3A_555 = arith.constant 16 : i32
            %add3A_556 = vector.broadcast %add3A_555 : i32 to vector<16xi32>
            %add3A_557 = arith.addi %iota3A_212, %add3A_556 : vector<16xi32>
            %gather3A_558 = tpu.vector_load_idx %arg13[%add3A_557, %broadcast_in_dim3A] : memref<32x512xf32, #tpu.memory_space<vmem>>[vector<16xi32>, vector<16xi32>], vector<16xf32>,
            %get3A_559 = arith.constant 1 : i32
            %get3A_560 = arith.index_cast %get3A_559 : i32 to index
            %get3A_561 = memref.load %arg19[%get3A_560] : memref<72xi32, #tpu.memory_space<smem>>
            %mul3A_562 = arith.constant 32 : i32
            %mul3A_563 = arith.muli %get3A_561, %mul3A_562 : i32
            %swap3A_564 = arith.index_cast %mul3A_563 : i32 to index
            %swap3A_565 = tpu.vector_load %arg16[%swap3A_564] {strides = array<i32>} : memref<32768xf32, #tpu.memory_space<vmem>>, vector<16xf32>,
            tpu.vector_store %arg16[%swap3A_564], %gather3A {strides = array<i32>} : memref<32768xf32, #tpu.memory_space<vmem>>, vector<16xf32>,
            %mul3A_566 = arith.constant 32 : i32
            %mul3A_567 = arith.muli %get3A_561, %mul3A_566 : i32
            %add3A_568 = arith.constant 16 : i32
            %add3A_569 = arith.addi %mul3A_567, %add3A_568 : i32
            %swap3A_570 = arith.index_cast %add3A_569 : i32 to index
            %swap3A_571 = tpu.vector_load %arg16[%swap3A_570] {strides = array<i32>} : memref<32768xf32, #tpu.memory_space<vmem>>, vector<16xf32>,
            tpu.vector_store %arg16[%swap3A_570], %gather3A_558 {strides = array<i32>} : memref<32768xf32, #tpu.memory_space<vmem>>, vector<16xf32>,
            %mul3A_572 = arith.constant 32 : i32
            %mul3A_573 = arith.muli %get3A_561, %mul3A_572 : i32
            %mul3A_574 = arith.constant 32 : i32
            %mul3A_575 = arith.muli %reduce_sum3A_553, %mul3A_574 : i32
            %dma_start3A_576 = tpu.memref_slice %arg16[%mul3A_573] : memref<32768xf32, #tpu.memory_space<vmem>> -> memref<32xf32, #tpu.memory_space<vmem>>
            %dma_start3A_577 = tpu.memref_slice %arg9[%mul3A_575] : memref<524288xf32, #tpu.memory_space<hbm>> -> memref<32xf32, #tpu.memory_space<hbm>>
            %dma_start3A_578 = tpu.memref_slice %arg9[%mul3A_575] : memref<524288xf32, #tpu.memory_space<hbm>> -> memref<32xf32, #tpu.memory_space<hbm>>
            %dma_start3A_579 = tpu.memref_slice %arg16[%mul3A_573] : memref<32768xf32, #tpu.memory_space<vmem>> -> memref<32xf32, #tpu.memory_space<vmem>>
            tpu.enqueue_dma source(%dma_start3A_579 : memref<32xf32, #tpu.memory_space<vmem>>) target(%dma_start3A_578 : memref<32xf32, #tpu.memory_space<hbm>>) target_semaphore(%arg23 : memref<!tpu.dma_semaphore, #tpu.memory_space<semaphore_mem>>)
            %add3A_580 = arith.constant 1 : i32
            %add3A_581 = arith.addi %get3A_561, %add3A_580 : i32
            %swap3A_582 = arith.constant 1 : i32
            %swap3A_583 = arith.index_cast %swap3A_582 : i32 to index
            %swap3A_584 = memref.load %arg19[%swap3A_583] : memref<72xi32, #tpu.memory_space<smem>>
            memref.store %add3A_581, %arg19[%swap3A_583] : memref<72xi32, #tpu.memory_space<smem>>
            %sub3A_585 = arith.constant 1 : i32
            %sub3A_586 = vector.broadcast %sub3A_585 : i32 to vector<16xi32>
            %sub3A_587 = arith.subi %sub3A_586, %convert_element_type3A_544 : vector<16xi32>
            %mul3A_588 = arith.muli %while3A_540, %sub3A_587 : vector<16xi32>
            scf.yield %mul3A_588 : vector<16xi32>
          }
        } else {
        }
      }
      %scan3A_503 = arith.constant 10 : i32
      %add3A_504 = arith.constant 3 : i32
      %add3A_505 = arith.addi %add3A_483, %add3A_504 : i32
      %lt3A_506 = arith.constant 6 : i32
      %lt3A_507 = arith.cmpi slt, %add3A_505, %lt3A_506 : i32
      %convert_element_type3A_508 = arith.extui %lt3A_507 : i1 to i32
      %cond3A_509 = arith.constant 0 : i32
      %cond3A_510 = arith.cmpi ne, %convert_element_type3A_508, %cond3A_509 : i32
      scf.if %cond3A_510 {
        %mul3A_511 = arith.constant 512 : i32
        %mul3A_512 = arith.muli %add3A_505, %mul3A_511 : i32
        %add3A_513 = arith.addi %mul3A_217, %mul3A_512 : i32
        %dma_start3A_514 = arith.constant 0 : i32
        %dma_start3A_515 = arith.constant 0 : i32
        %dma_start3A_516 = tpu.memref_slice %arg13[%dma_start3A_514, %dma_start3A_515] : memref<32x512xf32, #tpu.memory_space<vmem>> -> memref<8x512xf32, #tpu.memory_space<vmem>>
        %dma_start3A_517 = arith.constant 0 : i32
        %dma_start3A_518 = tpu.memref_slice %arg5[%dma_start3A_517, %add3A_513] : memref<32x100000xf32, #tpu.memory_space<hbm>> -> memref<8x512xf32, #tpu.memory_space<hbm>>
        %dma_start3A_519 = arith.constant 0 : i32
        %dma_start3A_520 = arith.constant 0 : i32
        %dma_start3A_521 = tpu.memref_slice %arg13[%dma_start3A_519, %dma_start3A_520] : memref<32x512xf32, #tpu.memory_space<vmem>> -> memref<8x512xf32, #tpu.memory_space<vmem>>
        %dma_start3A_522 = arith.constant 0 : i32
        %dma_start3A_523 = tpu.memref_slice %arg5[%dma_start3A_522, %add3A_513] : memref<32x100000xf32, #tpu.memory_space<hbm>> -> memref<8x512xf32, #tpu.memory_space<hbm>>
        tpu.enqueue_dma source(%dma_start3A_523 : memref<8x512xf32, #tpu.memory_space<hbm>>) target(%dma_start3A_521 : memref<8x512xf32, #tpu.memory_space<vmem>>) target_semaphore(%arg22 : memref<!tpu.dma_semaphore, #tpu.memory_space<semaphore_mem>>)
        %mul3A_524 = arith.constant 512 : i32
        %mul3A_525 = arith.muli %add3A_505, %mul3A_524 : i32
        %add3A_526 = arith.addi %mul3A_217, %mul3A_525 : i32
        %dma_start3A_527 = arith.constant 8 : i32
        %dma_start3A_528 = arith.constant 0 : i32
        %dma_start3A_529 = tpu.memref_slice %arg13[%dma_start3A_527, %dma_start3A_528] : memref<32x512xf32, #tpu.memory_space<vmem>> -> memref<8x512xf32, #tpu.memory_space<vmem>>
        %dma_start3A_530 = arith.constant 8 : i32
        %dma_start3A_531 = tpu.memref_slice %arg5[%dma_start3A_530, %add3A_526] : memref<32x100000xf32, #tpu.memory_space<hbm>> -> memref<8x512xf32, #tpu.memory_space<hbm>>
        %dma_start3A_532 = arith.constant 8 : i32
        %dma_start3A_533 = arith.constant 0 : i32
        %dma_start3A_534 = tpu.memref_slice %arg13[%dma_start3A_532, %dma_start3A_533] : memref<32x512xf32, #tpu.memory_space<vmem>> -> memref<8x512xf32, #tpu.memory_space<vmem>>
        %dma_start3A_535 = arith.constant 8 : i32
        %dma_start3A_536 = tpu.memref_slice %arg5[%dma_start3A_535, %add3A_526] : memref<32x100000xf32, #tpu.memory_space<hbm>> -> memref<8x512xf32, #tpu.memory_space<hbm>>
        tpu.enqueue_dma source(%dma_start3A_536 : memref<8x512xf32, #tpu.memory_space<hbm>>) target(%dma_start3A_534 : memref<8x512xf32, #tpu.memory_space<vmem>>) target_semaphore(%arg22 : memref<!tpu.dma_semaphore, #tpu.memory_space<semaphore_mem>>)
        %mul3A_537 = arith.constant 512 : i32
        %mul3A_538 = arith.muli %add3A_505, %mul3A_537 : i32
        %add3A_539 = arith.addi %mul3A_217, %mul3A_538 : i32
        %dma_start3A_540 = arith.constant 16 : i32
        %dma_start3A_541 = arith.constant 0 : i32
        %dma_start3A_542 = tpu.memref_slice %arg13[%dma_start3A_540, %dma_start3A_541] : memref<32x512xf32, #tpu.memory_space<vmem>> -> memref<8x512xf32, #tpu.memory_space<vmem>>
        %dma_start3A_543 = arith.constant 16 : i32
        %dma_start3A_544 = tpu.memref_slice %arg5[%dma_start3A_543, %add3A_539] : memref<32x100000xf32, #tpu.memory_space<hbm>> -> memref<8x512xf32, #tpu.memory_space<hbm>>
        %dma_start3A_545 = arith.constant 16 : i32
        %dma_start3A_546 = arith.constant 0 : i32
        %dma_start3A_547 = tpu.memref_slice %arg13[%dma_start3A_545, %dma_start3A_546] : memref<32x512xf32, #tpu.memory_space<vmem>> -> memref<8x512xf32, #tpu.memory_space<vmem>>
        %dma_start3A_548 = arith.constant 16 : i32
        %dma_start3A_549 = tpu.memref_slice %arg5[%dma_start3A_548, %add3A_539] : memref<32x100000xf32, #tpu.memory_space<hbm>> -> memref<8x512xf32, #tpu.memory_space<hbm>>
        tpu.enqueue_dma source(%dma_start3A_549 : memref<8x512xf32, #tpu.memory_space<hbm>>) target(%dma_start3A_547 : memref<8x512xf32, #tpu.memory_space<vmem>>) target_semaphore(%arg22 : memref<!tpu.dma_semaphore, #tpu.memory_space<semaphore_mem>>)
        %mul3A_550 = arith.constant 512 : i32
        %mul3A_551 = arith.muli %add3A_505, %mul3A_550 : i32
        %add3A_552 = arith.addi %mul3A_217, %mul3A_551 : i32
        %dma_start3A_553 = arith.constant 24 : i32
        %dma_start3A_554 = arith.constant 0 : i32
        %dma_start3A_555 = tpu.memref_slice %arg13[%dma_start3A_553, %dma_start3A_554] : memref<32x512xf32, #tpu.memory_space<vmem>> -> memref<8x512xf32, #tpu.memory_space<vmem>>
        %dma_start3A_556 = arith.constant 24 : i32
        %dma_start3A_557 = tpu.memref_slice %arg5[%dma_start3A_556, %add3A_552] : memref<32x100000xf32, #tpu.memory_space<hbm>> -> memref<8x512xf32, #tpu.memory_space<hbm>>
        %dma_start3A_558 = arith.constant 24 : i32
        %dma_start3A_559 = arith.constant 0 : i32
        %dma_start3A_560 = tpu.memref_slice %arg13[%dma_start3A_558, %dma_start3A_559] : memref<32x512xf32, #tpu.memory_space<vmem>> -> memref<8x512xf32, #tpu.memory_space<vmem>>
        %dma_start3A_561 = arith.constant 24 : i32
        %dma_start3A_562 = tpu.memref_slice %arg5[%dma_start3A_561, %add3A_552] : memref<32x100000xf32, #tpu.memory_space<hbm>> -> memref<8x512xf32, #tpu.memory_space<hbm>>
        tpu.enqueue_dma source(%dma_start3A_562 : memref<8x512xf32, #tpu.memory_space<hbm>>) target(%dma_start3A_560 : memref<8x512xf32, #tpu.memory_space<vmem>>) target_semaphore(%arg22 : memref<!tpu.dma_semaphore, #tpu.memory_space<semaphore_mem>>)
      } else {
      }
    }
    %scan3A_399 = arith.constant 2 : i32
    %eq3A_400 = arith.constant 31 : i32
    %eq3A_401 = arith.cmpi eq, %add3A, %eq3A_400 : i32
    %convert_element_type3A_402 = arith.extui %eq3A_401 : i1 to i32
    %cond3A_403 = arith.constant 0 : i32
    %cond3A_404 = arith.cmpi ne, %convert_element_type3A_402, %cond3A_403 : i32
    scf.if %cond3A_404 {
      %run_scoped3A = arith.constant 98304 : i32
      "tpu.region"() ({
        %run_scoped3A_486 = tpu.sem_alloc : memref<!tpu.dma_semaphore, #tpu.memory_space<semaphore_mem>>
        %dma_start3A_487 = arith.constant 0 : i32
        %dma_start3A_488 = arith.constant 0 : i32
        %dma_start3A_489 = tpu.memref_slice %arg11[%dma_start3A_487, %dma_start3A_488] : memref<32x512xf32, #tpu.memory_space<vmem>> -> memref<32x512xf32, #tpu.memory_space<vmem>>
        %dma_start3A_490 = arith.constant 0 : i32
        %dma_start3A_491 = tpu.memref_slice %arg5[%dma_start3A_490, %run_scoped3A] : memref<32x100000xf32, #tpu.memory_space<hbm>> -> memref<32x512xf32, #tpu.memory_space<hbm>>
        %dma_start3A_492 = arith.constant 0 : i32
        %dma_start3A_493 = arith.constant 0 : i32
        %dma_start3A_494 = tpu.memref_slice %arg11[%dma_start3A_492, %dma_start3A_493] : memref<32x512xf32, #tpu.memory_space<vmem>> -> memref<32x512xf32, #tpu.memory_space<vmem>>
        %dma_start3A_495 = arith.constant 0 : i32
        %dma_start3A_496 = tpu.memref_slice %arg5[%dma_start3A_495, %run_scoped3A] : memref<32x100000xf32, #tpu.memory_space<hbm>> -> memref<32x512xf32, #tpu.memory_space<hbm>>
        tpu.enqueue_dma source(%dma_start3A_496 : memref<32x512xf32, #tpu.memory_space<hbm>>) target(%dma_start3A_494 : memref<32x512xf32, #tpu.memory_space<vmem>>) target_semaphore(%run_scoped3A_486 : memref<!tpu.dma_semaphore, #tpu.memory_space<semaphore_mem>>)
        %dma_wait3A_497 = arith.constant 0 : i32
        %dma_wait3A_498 = arith.constant 0 : i32
        %dma_wait3A_499 = tpu.memref_slice %arg11[%dma_wait3A_497, %dma_wait3A_498] : memref<32x512xf32, #tpu.memory_space<vmem>> -> memref<32x512xf32, #tpu.memory_space<vmem>>
        %dma_wait3A_500 = arith.constant 0 : i32
        %dma_wait3A_501 = tpu.memref_slice %arg5[%dma_wait3A_500, %run_scoped3A] : memref<32x100000xf32, #tpu.memory_space<hbm>> -> memref<32x512xf32, #tpu.memory_space<hbm>>
        %dma_wait3A_502 = arith.constant 0 : i32
        %dma_wait3A_503 = arith.constant 0 : i32
        %dma_wait3A_504 = tpu.memref_slice %arg11[%dma_wait3A_502, %dma_wait3A_503] : memref<32x512xf32, #tpu.memory_space<vmem>> -> memref<32x512xf32, #tpu.memory_space<vmem>>
        %dma_wait3A_505 = arith.constant 0 : i32
        %dma_wait3A_506 = tpu.memref_slice %arg5[%dma_wait3A_505, %run_scoped3A] : memref<32x100000xf32, #tpu.memory_space<hbm>> -> memref<32x512xf32, #tpu.memory_space<hbm>>
        tpu.wait_dma2 semaphore(%run_scoped3A_486 : memref<!tpu.dma_semaphore, #tpu.memory_space<semaphore_mem>>) src(%dma_wait3A_506 : memref<32x512xf32, #tpu.memory_space<hbm>>) dst(%dma_wait3A_504 : memref<32x512xf32, #tpu.memory_space<vmem>>)
        tpu.yield
      }) : () -> ()
      %sub3A_418 = arith.constant 98304 : i32
      %sub3A_419 = arith.subi %sub3A_418, %mul3A_217 : i32
      %shift_right_arithmetic3A_420 = arith.constant 9 : i32
      %shift_right_arithmetic3A_421 = arith.shrsi %sub3A_419, %shift_right_arithmetic3A_420 : i32
      %mul3A_422 = arith.constant 160 : i32
      %mul3A_423 = arith.muli %shift_right_arithmetic3A_421, %mul3A_422 : i32
      %scan3A_424 = arith.constant 0 : i32
      %scan3A_425 = arith.constant 98304 : i32
      %scan3A_426 = arith.constant 0 : i32
      %scan3A_427 = arith.constant 10 : i32
      %scan3A_428 = arith.addi %scan3A_426, %scan3A_427 : i32
      %scan3A_429 = arith.constant 1 : i32
      scf.for %scan3A_486 = %scan3A_426 to %scan3A_428 step %scan3A_429  : i32 {
        %mul3A_487 = arith.constant 16 : i32
        %mul3A_488 = arith.muli %scan3A_486, %mul3A_487 : i32
        %add3A_489 = arith.addi %mul3A_423, %mul3A_488 : i32
        %get3A_490 = arith.index_cast %add3A_489 : i32 to index
        %get3A_491 = tpu.vector_load %arg14[%get3A_490] {strides = array<i32>} : memref<3072xi32, #tpu.memory_space<vmem>>, vector<16xi32>,
        %mul3A_492 = arith.constant 16 : i32
        %mul3A_493 = arith.muli %scan3A_486, %mul3A_492 : i32
        %add3A_494 = arith.addi %mul3A_423, %mul3A_493 : i32
        %get3A_495 = arith.index_cast %add3A_494 : i32 to index
        %get3A_496 = tpu.vector_load %arg15[%get3A_495] {strides = array<i32>} : memref<3072xi32, #tpu.memory_space<vmem>>, vector<16xi32>,
        %ge3A = vector.broadcast %scan3A_425 : i32 to vector<16xi32>
        %ge3A_497 = arith.cmpi sge, %get3A_491, %ge3A : vector<16xi32>
        %add3A_498 = arith.constant 512 : i32
        %add3A_499 = arith.addi %scan3A_425, %add3A_498 : i32
        %lt3A = vector.broadcast %add3A_499 : i32 to vector<16xi32>
        %lt3A_500 = arith.cmpi slt, %get3A_491, %lt3A : vector<16xi32>
        %and3A = arith.andi %ge3A_497, %lt3A_500 : vector<16xi1>
        %convert_element_type3A_501 = arith.extui %and3A : vector<16xi1> to vector<16xi32>
        %reduce_max3A = arith.constant true
        %reduce_max3A_502 = vector.broadcast %reduce_max3A : i1 to vector<16xi1>
        %reduce_max3A_503 = arith.constant -2147483648 : i32
        %reduce_max3A_504 = vector.broadcast %reduce_max3A_503 : i32 to vector<16xi32>
        %reduce_max3A_505 = arith.xori %convert_element_type3A_501, %reduce_max3A_504 : vector<16xi32>
        %reduce_max3A_506 = tpu.scan <max>, %reduce_max3A_505 masked %reduce_max3A_502 : vector<16xi32>, vector<16xi1> -> vector<16xi32>
        %reduce_max3A_507 = arith.xori %reduce_max3A_506, %reduce_max3A_504 : vector<16xi32>
        %reduce_max3A_508 = vector.extract %reduce_max3A_507[15] : i32 from vector<16xi32>
        %gt3A = arith.constant 0 : i32
        %gt3A_509 = arith.cmpi sgt, %reduce_max3A_508, %gt3A : i32
        %convert_element_type3A_510 = arith.extui %gt3A_509 : i1 to i32
        %cond3A_511 = arith.constant 0 : i32
        %cond3A_512 = arith.cmpi ne, %convert_element_type3A_510, %cond3A_511 : i32
        scf.if %cond3A_512 {
          %while3A_513 = scf.while (%while3A_514 = %convert_element_type3A_501) : (vector<16xi32>) -> vector<16xi32> {
            %reduce_max3A_515 = arith.constant true
            %reduce_max3A_516 = vector.broadcast %reduce_max3A_515 : i1 to vector<16xi1>
            %reduce_max3A_517 = arith.constant -2147483648 : i32
            %reduce_max3A_518 = vector.broadcast %reduce_max3A_517 : i32 to vector<16xi32>
            %reduce_max3A_519 = arith.xori %while3A_514, %reduce_max3A_518 : vector<16xi32>
            %reduce_max3A_520 = tpu.scan <max>, %reduce_max3A_519 masked %reduce_max3A_516 : vector<16xi32>, vector<16xi1> -> vector<16xi32>
            %reduce_max3A_521 = arith.xori %reduce_max3A_520, %reduce_max3A_518 : vector<16xi32>
            %reduce_max3A_522 = vector.extract %reduce_max3A_521[15] : i32 from vector<16xi32>
            %gt3A_523 = arith.constant 0 : i32
            %gt3A_524 = arith.cmpi sgt, %reduce_max3A_522, %gt3A_523 : i32
            scf.condition(%gt3A_524) %while3A_514 : vector<16xi32>
          } do {
          ^bb0(%while3A_514: vector<16xi32>):
            %ne3A = arith.constant 0 : i32
            %ne3A_515 = vector.broadcast %ne3A : i32 to vector<16xi32>
            %ne3A_516 = arith.cmpi ne, %while3A_514, %ne3A_515 : vector<16xi32>
            %all_reduce_ffs3A = tpu.all_reduce %ne3A_516 {dim = 0 : i64, kind = #tpu.reduction_kind<find_first_set>} : vector<16xi1> -> vector<16xi32>
            %eq3A_517 = arith.cmpi eq, %iota3A_212, %all_reduce_ffs3A : vector<16xi32>
            %convert_element_type3A_518 = arith.extui %eq3A_517 : vector<16xi1> to vector<16xi32>
            %mul3A_519 = arith.muli %get3A_491, %convert_element_type3A_518 : vector<16xi32>
            %reduce_sum3A = arith.constant true
            %reduce_sum3A_520 = vector.broadcast %reduce_sum3A : i1 to vector<16xi1>
            %reduce_sum3A_521 = tpu.scan <sum>, %mul3A_519 masked %reduce_sum3A_520 : vector<16xi32>, vector<16xi1> -> vector<16xi32>
            %reduce_sum3A_522 = vector.extract %reduce_sum3A_521[15] : i32 from vector<16xi32>
            %mul3A_523 = arith.muli %get3A_496, %convert_element_type3A_518 : vector<16xi32>
            %reduce_sum3A_524 = arith.constant true
            %reduce_sum3A_525 = vector.broadcast %reduce_sum3A_524 : i1 to vector<16xi1>
            %reduce_sum3A_526 = tpu.scan <sum>, %mul3A_523 masked %reduce_sum3A_525 : vector<16xi32>, vector<16xi1> -> vector<16xi32>
            %reduce_sum3A_527 = vector.extract %reduce_sum3A_526[15] : i32 from vector<16xi32>
            %sub3A_528 = arith.subi %reduce_sum3A_522, %scan3A_425 : i32
            %broadcast_in_dim3A = vector.broadcast %sub3A_528 : i32 to vector<16xi32>
            %gather3A = tpu.vector_load_idx %arg11[%iota3A_212, %broadcast_in_dim3A] : memref<32x512xf32, #tpu.memory_space<vmem>>[vector<16xi32>, vector<16xi32>], vector<16xf32>,
            %add3A_529 = arith.constant 16 : i32
            %add3A_530 = vector.broadcast %add3A_529 : i32 to vector<16xi32>
            %add3A_531 = arith.addi %iota3A_212, %add3A_530 : vector<16xi32>
            %gather3A_532 = tpu.vector_load_idx %arg11[%add3A_531, %broadcast_in_dim3A] : memref<32x512xf32, #tpu.memory_space<vmem>>[vector<16xi32>, vector<16xi32>], vector<16xf32>,
            %get3A_533 = arith.constant 1 : i32
            %get3A_534 = arith.index_cast %get3A_533 : i32 to index
            %get3A_535 = memref.load %arg19[%get3A_534] : memref<72xi32, #tpu.memory_space<smem>>
            %mul3A_536 = arith.constant 32 : i32
            %mul3A_537 = arith.muli %get3A_535, %mul3A_536 : i32
            %swap3A_538 = arith.index_cast %mul3A_537 : i32 to index
            %swap3A_539 = tpu.vector_load %arg16[%swap3A_538] {strides = array<i32>} : memref<32768xf32, #tpu.memory_space<vmem>>, vector<16xf32>,
            tpu.vector_store %arg16[%swap3A_538], %gather3A {strides = array<i32>} : memref<32768xf32, #tpu.memory_space<vmem>>, vector<16xf32>,
            %mul3A_540 = arith.constant 32 : i32
            %mul3A_541 = arith.muli %get3A_535, %mul3A_540 : i32
            %add3A_542 = arith.constant 16 : i32
            %add3A_543 = arith.addi %mul3A_541, %add3A_542 : i32
            %swap3A_544 = arith.index_cast %add3A_543 : i32 to index
            %swap3A_545 = tpu.vector_load %arg16[%swap3A_544] {strides = array<i32>} : memref<32768xf32, #tpu.memory_space<vmem>>, vector<16xf32>,
            tpu.vector_store %arg16[%swap3A_544], %gather3A_532 {strides = array<i32>} : memref<32768xf32, #tpu.memory_space<vmem>>, vector<16xf32>,
            %mul3A_546 = arith.constant 32 : i32
            %mul3A_547 = arith.muli %get3A_535, %mul3A_546 : i32
            %mul3A_548 = arith.constant 32 : i32
            %mul3A_549 = arith.muli %reduce_sum3A_527, %mul3A_548 : i32
            %dma_start3A_550 = tpu.memref_slice %arg16[%mul3A_547] : memref<32768xf32, #tpu.memory_space<vmem>> -> memref<32xf32, #tpu.memory_space<vmem>>
            %dma_start3A_551 = tpu.memref_slice %arg9[%mul3A_549] : memref<524288xf32, #tpu.memory_space<hbm>> -> memref<32xf32, #tpu.memory_space<hbm>>
            %dma_start3A_552 = tpu.memref_slice %arg9[%mul3A_549] : memref<524288xf32, #tpu.memory_space<hbm>> -> memref<32xf32, #tpu.memory_space<hbm>>
            %dma_start3A_553 = tpu.memref_slice %arg16[%mul3A_547] : memref<32768xf32, #tpu.memory_space<vmem>> -> memref<32xf32, #tpu.memory_space<vmem>>
            tpu.enqueue_dma source(%dma_start3A_553 : memref<32xf32, #tpu.memory_space<vmem>>) target(%dma_start3A_552 : memref<32xf32, #tpu.memory_space<hbm>>) target_semaphore(%arg23 : memref<!tpu.dma_semaphore, #tpu.memory_space<semaphore_mem>>)
            %add3A_554 = arith.constant 1 : i32
            %add3A_555 = arith.addi %get3A_535, %add3A_554 : i32
            %swap3A_556 = arith.constant 1 : i32
            %swap3A_557 = arith.index_cast %swap3A_556 : i32 to index
            %swap3A_558 = memref.load %arg19[%swap3A_557] : memref<72xi32, #tpu.memory_space<smem>>
            memref.store %add3A_555, %arg19[%swap3A_557] : memref<72xi32, #tpu.memory_space<smem>>
            %sub3A_559 = arith.constant 1 : i32
            %sub3A_560 = vector.broadcast %sub3A_559 : i32 to vector<16xi32>
            %sub3A_561 = arith.subi %sub3A_560, %convert_element_type3A_518 : vector<16xi32>
            %mul3A_562 = arith.muli %while3A_514, %sub3A_561 : vector<16xi32>
            scf.yield %mul3A_562 : vector<16xi32>
          }
        } else {
        }
      }
      %scan3A_430 = arith.constant 10 : i32
      %run_scoped3A_431 = arith.constant 98816 : i32
      "tpu.region"() ({
        %run_scoped3A_486 = tpu.sem_alloc : memref<!tpu.dma_semaphore, #tpu.memory_space<semaphore_mem>>
        %dma_start3A_487 = arith.constant 0 : i32
        %dma_start3A_488 = arith.constant 0 : i32
        %dma_start3A_489 = tpu.memref_slice %arg11[%dma_start3A_487, %dma_start3A_488] : memref<32x512xf32, #tpu.memory_space<vmem>> -> memref<32x512xf32, #tpu.memory_space<vmem>>
        %dma_start3A_490 = arith.constant 0 : i32
        %dma_start3A_491 = tpu.memref_slice %arg5[%dma_start3A_490, %run_scoped3A_431] : memref<32x100000xf32, #tpu.memory_space<hbm>> -> memref<32x512xf32, #tpu.memory_space<hbm>>
        %dma_start3A_492 = arith.constant 0 : i32
        %dma_start3A_493 = arith.constant 0 : i32
        %dma_start3A_494 = tpu.memref_slice %arg11[%dma_start3A_492, %dma_start3A_493] : memref<32x512xf32, #tpu.memory_space<vmem>> -> memref<32x512xf32, #tpu.memory_space<vmem>>
        %dma_start3A_495 = arith.constant 0 : i32
        %dma_start3A_496 = tpu.memref_slice %arg5[%dma_start3A_495, %run_scoped3A_431] : memref<32x100000xf32, #tpu.memory_space<hbm>> -> memref<32x512xf32, #tpu.memory_space<hbm>>
        tpu.enqueue_dma source(%dma_start3A_496 : memref<32x512xf32, #tpu.memory_space<hbm>>) target(%dma_start3A_494 : memref<32x512xf32, #tpu.memory_space<vmem>>) target_semaphore(%run_scoped3A_486 : memref<!tpu.dma_semaphore, #tpu.memory_space<semaphore_mem>>)
        %dma_wait3A_497 = arith.constant 0 : i32
        %dma_wait3A_498 = arith.constant 0 : i32
        %dma_wait3A_499 = tpu.memref_slice %arg11[%dma_wait3A_497, %dma_wait3A_498] : memref<32x512xf32, #tpu.memory_space<vmem>> -> memref<32x512xf32, #tpu.memory_space<vmem>>
        %dma_wait3A_500 = arith.constant 0 : i32
        %dma_wait3A_501 = tpu.memref_slice %arg5[%dma_wait3A_500, %run_scoped3A_431] : memref<32x100000xf32, #tpu.memory_space<hbm>> -> memref<32x512xf32, #tpu.memory_space<hbm>>
        %dma_wait3A_502 = arith.constant 0 : i32
        %dma_wait3A_503 = arith.constant 0 : i32
        %dma_wait3A_504 = tpu.memref_slice %arg11[%dma_wait3A_502, %dma_wait3A_503] : memref<32x512xf32, #tpu.memory_space<vmem>> -> memref<32x512xf32, #tpu.memory_space<vmem>>
        %dma_wait3A_505 = arith.constant 0 : i32
        %dma_wait3A_506 = tpu.memref_slice %arg5[%dma_wait3A_505, %run_scoped3A_431] : memref<32x100000xf32, #tpu.memory_space<hbm>> -> memref<32x512xf32, #tpu.memory_space<hbm>>
        tpu.wait_dma2 semaphore(%run_scoped3A_486 : memref<!tpu.dma_semaphore, #tpu.memory_space<semaphore_mem>>) src(%dma_wait3A_506 : memref<32x512xf32, #tpu.memory_space<hbm>>) dst(%dma_wait3A_504 : memref<32x512xf32, #tpu.memory_space<vmem>>)
        tpu.yield
      }) : () -> ()
      %sub3A_432 = arith.constant 98816 : i32
      %sub3A_433 = arith.subi %sub3A_432, %mul3A_217 : i32
      %shift_right_arithmetic3A_434 = arith.constant 9 : i32
      %shift_right_arithmetic3A_435 = arith.shrsi %sub3A_433, %shift_right_arithmetic3A_434 : i32
      %mul3A_436 = arith.constant 160 : i32
      %mul3A_437 = arith.muli %shift_right_arithmetic3A_435, %mul3A_436 : i32
      %scan3A_438 = arith.constant 0 : i32
      %scan3A_439 = arith.constant 98816 : i32
      %scan3A_440 = arith.constant 0 : i32
      %scan3A_441 = arith.constant 10 : i32
      %scan3A_442 = arith.addi %scan3A_440, %scan3A_441 : i32
      %scan3A_443 = arith.constant 1 : i32
      scf.for %scan3A_486 = %scan3A_440 to %scan3A_442 step %scan3A_443  : i32 {
        %mul3A_487 = arith.constant 16 : i32
        %mul3A_488 = arith.muli %scan3A_486, %mul3A_487 : i32
        %add3A_489 = arith.addi %mul3A_437, %mul3A_488 : i32
        %get3A_490 = arith.index_cast %add3A_489 : i32 to index
        %get3A_491 = tpu.vector_load %arg14[%get3A_490] {strides = array<i32>} : memref<3072xi32, #tpu.memory_space<vmem>>, vector<16xi32>,
        %mul3A_492 = arith.constant 16 : i32
        %mul3A_493 = arith.muli %scan3A_486, %mul3A_492 : i32
        %add3A_494 = arith.addi %mul3A_437, %mul3A_493 : i32
        %get3A_495 = arith.index_cast %add3A_494 : i32 to index
        %get3A_496 = tpu.vector_load %arg15[%get3A_495] {strides = array<i32>} : memref<3072xi32, #tpu.memory_space<vmem>>, vector<16xi32>,
        %ge3A = vector.broadcast %scan3A_439 : i32 to vector<16xi32>
        %ge3A_497 = arith.cmpi sge, %get3A_491, %ge3A : vector<16xi32>
        %add3A_498 = arith.constant 512 : i32
        %add3A_499 = arith.addi %scan3A_439, %add3A_498 : i32
        %lt3A = vector.broadcast %add3A_499 : i32 to vector<16xi32>
        %lt3A_500 = arith.cmpi slt, %get3A_491, %lt3A : vector<16xi32>
        %and3A = arith.andi %ge3A_497, %lt3A_500 : vector<16xi1>
        %convert_element_type3A_501 = arith.extui %and3A : vector<16xi1> to vector<16xi32>
        %reduce_max3A = arith.constant true
        %reduce_max3A_502 = vector.broadcast %reduce_max3A : i1 to vector<16xi1>
        %reduce_max3A_503 = arith.constant -2147483648 : i32
        %reduce_max3A_504 = vector.broadcast %reduce_max3A_503 : i32 to vector<16xi32>
        %reduce_max3A_505 = arith.xori %convert_element_type3A_501, %reduce_max3A_504 : vector<16xi32>
        %reduce_max3A_506 = tpu.scan <max>, %reduce_max3A_505 masked %reduce_max3A_502 : vector<16xi32>, vector<16xi1> -> vector<16xi32>
        %reduce_max3A_507 = arith.xori %reduce_max3A_506, %reduce_max3A_504 : vector<16xi32>
        %reduce_max3A_508 = vector.extract %reduce_max3A_507[15] : i32 from vector<16xi32>
        %gt3A = arith.constant 0 : i32
        %gt3A_509 = arith.cmpi sgt, %reduce_max3A_508, %gt3A : i32
        %convert_element_type3A_510 = arith.extui %gt3A_509 : i1 to i32
        %cond3A_511 = arith.constant 0 : i32
        %cond3A_512 = arith.cmpi ne, %convert_element_type3A_510, %cond3A_511 : i32
        scf.if %cond3A_512 {
          %while3A_513 = scf.while (%while3A_514 = %convert_element_type3A_501) : (vector<16xi32>) -> vector<16xi32> {
            %reduce_max3A_515 = arith.constant true
            %reduce_max3A_516 = vector.broadcast %reduce_max3A_515 : i1 to vector<16xi1>
            %reduce_max3A_517 = arith.constant -2147483648 : i32
            %reduce_max3A_518 = vector.broadcast %reduce_max3A_517 : i32 to vector<16xi32>
            %reduce_max3A_519 = arith.xori %while3A_514, %reduce_max3A_518 : vector<16xi32>
            %reduce_max3A_520 = tpu.scan <max>, %reduce_max3A_519 masked %reduce_max3A_516 : vector<16xi32>, vector<16xi1> -> vector<16xi32>
            %reduce_max3A_521 = arith.xori %reduce_max3A_520, %reduce_max3A_518 : vector<16xi32>
            %reduce_max3A_522 = vector.extract %reduce_max3A_521[15] : i32 from vector<16xi32>
            %gt3A_523 = arith.constant 0 : i32
            %gt3A_524 = arith.cmpi sgt, %reduce_max3A_522, %gt3A_523 : i32
            scf.condition(%gt3A_524) %while3A_514 : vector<16xi32>
          } do {
          ^bb0(%while3A_514: vector<16xi32>):
            %ne3A = arith.constant 0 : i32
            %ne3A_515 = vector.broadcast %ne3A : i32 to vector<16xi32>
            %ne3A_516 = arith.cmpi ne, %while3A_514, %ne3A_515 : vector<16xi32>
            %all_reduce_ffs3A = tpu.all_reduce %ne3A_516 {dim = 0 : i64, kind = #tpu.reduction_kind<find_first_set>} : vector<16xi1> -> vector<16xi32>
            %eq3A_517 = arith.cmpi eq, %iota3A_212, %all_reduce_ffs3A : vector<16xi32>
            %convert_element_type3A_518 = arith.extui %eq3A_517 : vector<16xi1> to vector<16xi32>
            %mul3A_519 = arith.muli %get3A_491, %convert_element_type3A_518 : vector<16xi32>
            %reduce_sum3A = arith.constant true
            %reduce_sum3A_520 = vector.broadcast %reduce_sum3A : i1 to vector<16xi1>
            %reduce_sum3A_521 = tpu.scan <sum>, %mul3A_519 masked %reduce_sum3A_520 : vector<16xi32>, vector<16xi1> -> vector<16xi32>
            %reduce_sum3A_522 = vector.extract %reduce_sum3A_521[15] : i32 from vector<16xi32>
            %mul3A_523 = arith.muli %get3A_496, %convert_element_type3A_518 : vector<16xi32>
            %reduce_sum3A_524 = arith.constant true
            %reduce_sum3A_525 = vector.broadcast %reduce_sum3A_524 : i1 to vector<16xi1>
            %reduce_sum3A_526 = tpu.scan <sum>, %mul3A_523 masked %reduce_sum3A_525 : vector<16xi32>, vector<16xi1> -> vector<16xi32>
            %reduce_sum3A_527 = vector.extract %reduce_sum3A_526[15] : i32 from vector<16xi32>
            %sub3A_528 = arith.subi %reduce_sum3A_522, %scan3A_439 : i32
            %broadcast_in_dim3A = vector.broadcast %sub3A_528 : i32 to vector<16xi32>
            %gather3A = tpu.vector_load_idx %arg11[%iota3A_212, %broadcast_in_dim3A] : memref<32x512xf32, #tpu.memory_space<vmem>>[vector<16xi32>, vector<16xi32>], vector<16xf32>,
            %add3A_529 = arith.constant 16 : i32
            %add3A_530 = vector.broadcast %add3A_529 : i32 to vector<16xi32>
            %add3A_531 = arith.addi %iota3A_212, %add3A_530 : vector<16xi32>
            %gather3A_532 = tpu.vector_load_idx %arg11[%add3A_531, %broadcast_in_dim3A] : memref<32x512xf32, #tpu.memory_space<vmem>>[vector<16xi32>, vector<16xi32>], vector<16xf32>,
            %get3A_533 = arith.constant 1 : i32
            %get3A_534 = arith.index_cast %get3A_533 : i32 to index
            %get3A_535 = memref.load %arg19[%get3A_534] : memref<72xi32, #tpu.memory_space<smem>>
            %mul3A_536 = arith.constant 32 : i32
            %mul3A_537 = arith.muli %get3A_535, %mul3A_536 : i32
            %swap3A_538 = arith.index_cast %mul3A_537 : i32 to index
            %swap3A_539 = tpu.vector_load %arg16[%swap3A_538] {strides = array<i32>} : memref<32768xf32, #tpu.memory_space<vmem>>, vector<16xf32>,
            tpu.vector_store %arg16[%swap3A_538], %gather3A {strides = array<i32>} : memref<32768xf32, #tpu.memory_space<vmem>>, vector<16xf32>,
            %mul3A_540 = arith.constant 32 : i32
            %mul3A_541 = arith.muli %get3A_535, %mul3A_540 : i32
            %add3A_542 = arith.constant 16 : i32
            %add3A_543 = arith.addi %mul3A_541, %add3A_542 : i32
            %swap3A_544 = arith.index_cast %add3A_543 : i32 to index
            %swap3A_545 = tpu.vector_load %arg16[%swap3A_544] {strides = array<i32>} : memref<32768xf32, #tpu.memory_space<vmem>>, vector<16xf32>,
            tpu.vector_store %arg16[%swap3A_544], %gather3A_532 {strides = array<i32>} : memref<32768xf32, #tpu.memory_space<vmem>>, vector<16xf32>,
            %mul3A_546 = arith.constant 32 : i32
            %mul3A_547 = arith.muli %get3A_535, %mul3A_546 : i32
            %mul3A_548 = arith.constant 32 : i32
            %mul3A_549 = arith.muli %reduce_sum3A_527, %mul3A_548 : i32
            %dma_start3A_550 = tpu.memref_slice %arg16[%mul3A_547] : memref<32768xf32, #tpu.memory_space<vmem>> -> memref<32xf32, #tpu.memory_space<vmem>>
            %dma_start3A_551 = tpu.memref_slice %arg9[%mul3A_549] : memref<524288xf32, #tpu.memory_space<hbm>> -> memref<32xf32, #tpu.memory_space<hbm>>
            %dma_start3A_552 = tpu.memref_slice %arg9[%mul3A_549] : memref<524288xf32, #tpu.memory_space<hbm>> -> memref<32xf32, #tpu.memory_space<hbm>>
            %dma_start3A_553 = tpu.memref_slice %arg16[%mul3A_547] : memref<32768xf32, #tpu.memory_space<vmem>> -> memref<32xf32, #tpu.memory_space<vmem>>
            tpu.enqueue_dma source(%dma_start3A_553 : memref<32xf32, #tpu.memory_space<vmem>>) target(%dma_start3A_552 : memref<32xf32, #tpu.memory_space<hbm>>) target_semaphore(%arg23 : memref<!tpu.dma_semaphore, #tpu.memory_space<semaphore_mem>>)
            %add3A_554 = arith.constant 1 : i32
            %add3A_555 = arith.addi %get3A_535, %add3A_554 : i32
            %swap3A_556 = arith.constant 1 : i32
            %swap3A_557 = arith.index_cast %swap3A_556 : i32 to index
            %swap3A_558 = memref.load %arg19[%swap3A_557] : memref<72xi32, #tpu.memory_space<smem>>
            memref.store %add3A_555, %arg19[%swap3A_557] : memref<72xi32, #tpu.memory_space<smem>>
            %sub3A_559 = arith.constant 1 : i32
            %sub3A_560 = vector.broadcast %sub3A_559 : i32 to vector<16xi32>
            %sub3A_561 = arith.subi %sub3A_560, %convert_element_type3A_518 : vector<16xi32>
            %mul3A_562 = arith.muli %while3A_514, %sub3A_561 : vector<16xi32>
            scf.yield %mul3A_562 : vector<16xi32>
          }
        } else {
        }
      }
      %scan3A_444 = arith.constant 10 : i32
      %run_scoped3A_445 = arith.constant 99328 : i32
      "tpu.region"() ({
        %run_scoped3A_486 = tpu.sem_alloc : memref<!tpu.dma_semaphore, #tpu.memory_space<semaphore_mem>>
        %dma_start3A_487 = arith.constant 0 : i32
        %dma_start3A_488 = arith.constant 0 : i32
        %dma_start3A_489 = tpu.memref_slice %arg11[%dma_start3A_487, %dma_start3A_488] : memref<32x512xf32, #tpu.memory_space<vmem>> -> memref<32x512xf32, #tpu.memory_space<vmem>>
        %dma_start3A_490 = arith.constant 0 : i32
        %dma_start3A_491 = tpu.memref_slice %arg5[%dma_start3A_490, %run_scoped3A_445] : memref<32x100000xf32, #tpu.memory_space<hbm>> -> memref<32x512xf32, #tpu.memory_space<hbm>>
        %dma_start3A_492 = arith.constant 0 : i32
        %dma_start3A_493 = arith.constant 0 : i32
        %dma_start3A_494 = tpu.memref_slice %arg11[%dma_start3A_492, %dma_start3A_493] : memref<32x512xf32, #tpu.memory_space<vmem>> -> memref<32x512xf32, #tpu.memory_space<vmem>>
        %dma_start3A_495 = arith.constant 0 : i32
        %dma_start3A_496 = tpu.memref_slice %arg5[%dma_start3A_495, %run_scoped3A_445] : memref<32x100000xf32, #tpu.memory_space<hbm>> -> memref<32x512xf32, #tpu.memory_space<hbm>>
        tpu.enqueue_dma source(%dma_start3A_496 : memref<32x512xf32, #tpu.memory_space<hbm>>) target(%dma_start3A_494 : memref<32x512xf32, #tpu.memory_space<vmem>>) target_semaphore(%run_scoped3A_486 : memref<!tpu.dma_semaphore, #tpu.memory_space<semaphore_mem>>)
        %dma_wait3A_497 = arith.constant 0 : i32
        %dma_wait3A_498 = arith.constant 0 : i32
        %dma_wait3A_499 = tpu.memref_slice %arg11[%dma_wait3A_497, %dma_wait3A_498] : memref<32x512xf32, #tpu.memory_space<vmem>> -> memref<32x512xf32, #tpu.memory_space<vmem>>
        %dma_wait3A_500 = arith.constant 0 : i32
        %dma_wait3A_501 = tpu.memref_slice %arg5[%dma_wait3A_500, %run_scoped3A_445] : memref<32x100000xf32, #tpu.memory_space<hbm>> -> memref<32x512xf32, #tpu.memory_space<hbm>>
        %dma_wait3A_502 = arith.constant 0 : i32
        %dma_wait3A_503 = arith.constant 0 : i32
        %dma_wait3A_504 = tpu.memref_slice %arg11[%dma_wait3A_502, %dma_wait3A_503] : memref<32x512xf32, #tpu.memory_space<vmem>> -> memref<32x512xf32, #tpu.memory_space<vmem>>
        %dma_wait3A_505 = arith.constant 0 : i32
        %dma_wait3A_506 = tpu.memref_slice %arg5[%dma_wait3A_505, %run_scoped3A_445] : memref<32x100000xf32, #tpu.memory_space<hbm>> -> memref<32x512xf32, #tpu.memory_space<hbm>>
        tpu.wait_dma2 semaphore(%run_scoped3A_486 : memref<!tpu.dma_semaphore, #tpu.memory_space<semaphore_mem>>) src(%dma_wait3A_506 : memref<32x512xf32, #tpu.memory_space<hbm>>) dst(%dma_wait3A_504 : memref<32x512xf32, #tpu.memory_space<vmem>>)
        tpu.yield
      }) : () -> ()
      %sub3A_446 = arith.constant 99328 : i32
      %sub3A_447 = arith.subi %sub3A_446, %mul3A_217 : i32
      %shift_right_arithmetic3A_448 = arith.constant 9 : i32
      %shift_right_arithmetic3A_449 = arith.shrsi %sub3A_447, %shift_right_arithmetic3A_448 : i32
      %mul3A_450 = arith.constant 160 : i32
      %mul3A_451 = arith.muli %shift_right_arithmetic3A_449, %mul3A_450 : i32
      %scan3A_452 = arith.constant 0 : i32
      %scan3A_453 = arith.constant 99328 : i32
      %scan3A_454 = arith.constant 0 : i32
      %scan3A_455 = arith.constant 10 : i32
      %scan3A_456 = arith.addi %scan3A_454, %scan3A_455 : i32
      %scan3A_457 = arith.constant 1 : i32
      scf.for %scan3A_486 = %scan3A_454 to %scan3A_456 step %scan3A_457  : i32 {
        %mul3A_487 = arith.constant 16 : i32
        %mul3A_488 = arith.muli %scan3A_486, %mul3A_487 : i32
        %add3A_489 = arith.addi %mul3A_451, %mul3A_488 : i32
        %get3A_490 = arith.index_cast %add3A_489 : i32 to index
        %get3A_491 = tpu.vector_load %arg14[%get3A_490] {strides = array<i32>} : memref<3072xi32, #tpu.memory_space<vmem>>, vector<16xi32>,
        %mul3A_492 = arith.constant 16 : i32
        %mul3A_493 = arith.muli %scan3A_486, %mul3A_492 : i32
        %add3A_494 = arith.addi %mul3A_451, %mul3A_493 : i32
        %get3A_495 = arith.index_cast %add3A_494 : i32 to index
        %get3A_496 = tpu.vector_load %arg15[%get3A_495] {strides = array<i32>} : memref<3072xi32, #tpu.memory_space<vmem>>, vector<16xi32>,
        %ge3A = vector.broadcast %scan3A_453 : i32 to vector<16xi32>
        %ge3A_497 = arith.cmpi sge, %get3A_491, %ge3A : vector<16xi32>
        %add3A_498 = arith.constant 512 : i32
        %add3A_499 = arith.addi %scan3A_453, %add3A_498 : i32
        %lt3A = vector.broadcast %add3A_499 : i32 to vector<16xi32>
        %lt3A_500 = arith.cmpi slt, %get3A_491, %lt3A : vector<16xi32>
        %and3A = arith.andi %ge3A_497, %lt3A_500 : vector<16xi1>
        %convert_element_type3A_501 = arith.extui %and3A : vector<16xi1> to vector<16xi32>
        %reduce_max3A = arith.constant true
        %reduce_max3A_502 = vector.broadcast %reduce_max3A : i1 to vector<16xi1>
        %reduce_max3A_503 = arith.constant -2147483648 : i32
        %reduce_max3A_504 = vector.broadcast %reduce_max3A_503 : i32 to vector<16xi32>
        %reduce_max3A_505 = arith.xori %convert_element_type3A_501, %reduce_max3A_504 : vector<16xi32>
        %reduce_max3A_506 = tpu.scan <max>, %reduce_max3A_505 masked %reduce_max3A_502 : vector<16xi32>, vector<16xi1> -> vector<16xi32>
        %reduce_max3A_507 = arith.xori %reduce_max3A_506, %reduce_max3A_504 : vector<16xi32>
        %reduce_max3A_508 = vector.extract %reduce_max3A_507[15] : i32 from vector<16xi32>
        %gt3A = arith.constant 0 : i32
        %gt3A_509 = arith.cmpi sgt, %reduce_max3A_508, %gt3A : i32
        %convert_element_type3A_510 = arith.extui %gt3A_509 : i1 to i32
        %cond3A_511 = arith.constant 0 : i32
        %cond3A_512 = arith.cmpi ne, %convert_element_type3A_510, %cond3A_511 : i32
        scf.if %cond3A_512 {
          %while3A_513 = scf.while (%while3A_514 = %convert_element_type3A_501) : (vector<16xi32>) -> vector<16xi32> {
            %reduce_max3A_515 = arith.constant true
            %reduce_max3A_516 = vector.broadcast %reduce_max3A_515 : i1 to vector<16xi1>
            %reduce_max3A_517 = arith.constant -2147483648 : i32
            %reduce_max3A_518 = vector.broadcast %reduce_max3A_517 : i32 to vector<16xi32>
            %reduce_max3A_519 = arith.xori %while3A_514, %reduce_max3A_518 : vector<16xi32>
            %reduce_max3A_520 = tpu.scan <max>, %reduce_max3A_519 masked %reduce_max3A_516 : vector<16xi32>, vector<16xi1> -> vector<16xi32>
            %reduce_max3A_521 = arith.xori %reduce_max3A_520, %reduce_max3A_518 : vector<16xi32>
            %reduce_max3A_522 = vector.extract %reduce_max3A_521[15] : i32 from vector<16xi32>
            %gt3A_523 = arith.constant 0 : i32
            %gt3A_524 = arith.cmpi sgt, %reduce_max3A_522, %gt3A_523 : i32
            scf.condition(%gt3A_524) %while3A_514 : vector<16xi32>
          } do {
          ^bb0(%while3A_514: vector<16xi32>):
            %ne3A = arith.constant 0 : i32
            %ne3A_515 = vector.broadcast %ne3A : i32 to vector<16xi32>
            %ne3A_516 = arith.cmpi ne, %while3A_514, %ne3A_515 : vector<16xi32>
            %all_reduce_ffs3A = tpu.all_reduce %ne3A_516 {dim = 0 : i64, kind = #tpu.reduction_kind<find_first_set>} : vector<16xi1> -> vector<16xi32>
            %eq3A_517 = arith.cmpi eq, %iota3A_212, %all_reduce_ffs3A : vector<16xi32>
            %convert_element_type3A_518 = arith.extui %eq3A_517 : vector<16xi1> to vector<16xi32>
            %mul3A_519 = arith.muli %get3A_491, %convert_element_type3A_518 : vector<16xi32>
            %reduce_sum3A = arith.constant true
            %reduce_sum3A_520 = vector.broadcast %reduce_sum3A : i1 to vector<16xi1>
            %reduce_sum3A_521 = tpu.scan <sum>, %mul3A_519 masked %reduce_sum3A_520 : vector<16xi32>, vector<16xi1> -> vector<16xi32>
            %reduce_sum3A_522 = vector.extract %reduce_sum3A_521[15] : i32 from vector<16xi32>
            %mul3A_523 = arith.muli %get3A_496, %convert_element_type3A_518 : vector<16xi32>
            %reduce_sum3A_524 = arith.constant true
            %reduce_sum3A_525 = vector.broadcast %reduce_sum3A_524 : i1 to vector<16xi1>
            %reduce_sum3A_526 = tpu.scan <sum>, %mul3A_523 masked %reduce_sum3A_525 : vector<16xi32>, vector<16xi1> -> vector<16xi32>
            %reduce_sum3A_527 = vector.extract %reduce_sum3A_526[15] : i32 from vector<16xi32>
            %sub3A_528 = arith.subi %reduce_sum3A_522, %scan3A_453 : i32
            %broadcast_in_dim3A = vector.broadcast %sub3A_528 : i32 to vector<16xi32>
            %gather3A = tpu.vector_load_idx %arg11[%iota3A_212, %broadcast_in_dim3A] : memref<32x512xf32, #tpu.memory_space<vmem>>[vector<16xi32>, vector<16xi32>], vector<16xf32>,
            %add3A_529 = arith.constant 16 : i32
            %add3A_530 = vector.broadcast %add3A_529 : i32 to vector<16xi32>
            %add3A_531 = arith.addi %iota3A_212, %add3A_530 : vector<16xi32>
            %gather3A_532 = tpu.vector_load_idx %arg11[%add3A_531, %broadcast_in_dim3A] : memref<32x512xf32, #tpu.memory_space<vmem>>[vector<16xi32>, vector<16xi32>], vector<16xf32>,
            %get3A_533 = arith.constant 1 : i32
            %get3A_534 = arith.index_cast %get3A_533 : i32 to index
            %get3A_535 = memref.load %arg19[%get3A_534] : memref<72xi32, #tpu.memory_space<smem>>
            %mul3A_536 = arith.constant 32 : i32
            %mul3A_537 = arith.muli %get3A_535, %mul3A_536 : i32
            %swap3A_538 = arith.index_cast %mul3A_537 : i32 to index
            %swap3A_539 = tpu.vector_load %arg16[%swap3A_538] {strides = array<i32>} : memref<32768xf32, #tpu.memory_space<vmem>>, vector<16xf32>,
            tpu.vector_store %arg16[%swap3A_538], %gather3A {strides = array<i32>} : memref<32768xf32, #tpu.memory_space<vmem>>, vector<16xf32>,
            %mul3A_540 = arith.constant 32 : i32
            %mul3A_541 = arith.muli %get3A_535, %mul3A_540 : i32
            %add3A_542 = arith.constant 16 : i32
            %add3A_543 = arith.addi %mul3A_541, %add3A_542 : i32
            %swap3A_544 = arith.index_cast %add3A_543 : i32 to index
            %swap3A_545 = tpu.vector_load %arg16[%swap3A_544] {strides = array<i32>} : memref<32768xf32, #tpu.memory_space<vmem>>, vector<16xf32>,
            tpu.vector_store %arg16[%swap3A_544], %gather3A_532 {strides = array<i32>} : memref<32768xf32, #tpu.memory_space<vmem>>, vector<16xf32>,
            %mul3A_546 = arith.constant 32 : i32
            %mul3A_547 = arith.muli %get3A_535, %mul3A_546 : i32
            %mul3A_548 = arith.constant 32 : i32
            %mul3A_549 = arith.muli %reduce_sum3A_527, %mul3A_548 : i32
            %dma_start3A_550 = tpu.memref_slice %arg16[%mul3A_547] : memref<32768xf32, #tpu.memory_space<vmem>> -> memref<32xf32, #tpu.memory_space<vmem>>
            %dma_start3A_551 = tpu.memref_slice %arg9[%mul3A_549] : memref<524288xf32, #tpu.memory_space<hbm>> -> memref<32xf32, #tpu.memory_space<hbm>>
            %dma_start3A_552 = tpu.memref_slice %arg9[%mul3A_549] : memref<524288xf32, #tpu.memory_space<hbm>> -> memref<32xf32, #tpu.memory_space<hbm>>
            %dma_start3A_553 = tpu.memref_slice %arg16[%mul3A_547] : memref<32768xf32, #tpu.memory_space<vmem>> -> memref<32xf32, #tpu.memory_space<vmem>>
            tpu.enqueue_dma source(%dma_start3A_553 : memref<32xf32, #tpu.memory_space<vmem>>) target(%dma_start3A_552 : memref<32xf32, #tpu.memory_space<hbm>>) target_semaphore(%arg23 : memref<!tpu.dma_semaphore, #tpu.memory_space<semaphore_mem>>)
            %add3A_554 = arith.constant 1 : i32
            %add3A_555 = arith.addi %get3A_535, %add3A_554 : i32
            %swap3A_556 = arith.constant 1 : i32
            %swap3A_557 = arith.index_cast %swap3A_556 : i32 to index
            %swap3A_558 = memref.load %arg19[%swap3A_557] : memref<72xi32, #tpu.memory_space<smem>>
            memref.store %add3A_555, %arg19[%swap3A_557] : memref<72xi32, #tpu.memory_space<smem>>
            %sub3A_559 = arith.constant 1 : i32
            %sub3A_560 = vector.broadcast %sub3A_559 : i32 to vector<16xi32>
            %sub3A_561 = arith.subi %sub3A_560, %convert_element_type3A_518 : vector<16xi32>
            %mul3A_562 = arith.muli %while3A_514, %sub3A_561 : vector<16xi32>
            scf.yield %mul3A_562 : vector<16xi32>
          }
        } else {
        }
      }
      %scan3A_458 = arith.constant 10 : i32
      %run_scoped3A_459 = arith.constant 99840 : i32
      "tpu.region"() ({
        %run_scoped3A_486 = tpu.sem_alloc : memref<!tpu.dma_semaphore, #tpu.memory_space<semaphore_mem>>
        %dma_start3A_487 = arith.constant 0 : i32
        %dma_start3A_488 = arith.constant 0 : i32
        %dma_start3A_489 = tpu.memref_slice %arg11[%dma_start3A_487, %dma_start3A_488] : memref<32x512xf32, #tpu.memory_space<vmem>> -> memref<32x128xf32, #tpu.memory_space<vmem>>
        %dma_start3A_490 = arith.constant 0 : i32
        %dma_start3A_491 = tpu.memref_slice %arg5[%dma_start3A_490, %run_scoped3A_459] : memref<32x100000xf32, #tpu.memory_space<hbm>> -> memref<32x128xf32, #tpu.memory_space<hbm>>
        %dma_start3A_492 = arith.constant 0 : i32
        %dma_start3A_493 = arith.constant 0 : i32
        %dma_start3A_494 = tpu.memref_slice %arg11[%dma_start3A_492, %dma_start3A_493] : memref<32x512xf32, #tpu.memory_space<vmem>> -> memref<32x128xf32, #tpu.memory_space<vmem>>
        %dma_start3A_495 = arith.constant 0 : i32
        %dma_start3A_496 = tpu.memref_slice %arg5[%dma_start3A_495, %run_scoped3A_459] : memref<32x100000xf32, #tpu.memory_space<hbm>> -> memref<32x128xf32, #tpu.memory_space<hbm>>
        tpu.enqueue_dma source(%dma_start3A_496 : memref<32x128xf32, #tpu.memory_space<hbm>>) target(%dma_start3A_494 : memref<32x128xf32, #tpu.memory_space<vmem>>) target_semaphore(%run_scoped3A_486 : memref<!tpu.dma_semaphore, #tpu.memory_space<semaphore_mem>>)
        %dma_wait3A_497 = arith.constant 0 : i32
        %dma_wait3A_498 = arith.constant 0 : i32
        %dma_wait3A_499 = tpu.memref_slice %arg11[%dma_wait3A_497, %dma_wait3A_498] : memref<32x512xf32, #tpu.memory_space<vmem>> -> memref<32x128xf32, #tpu.memory_space<vmem>>
        %dma_wait3A_500 = arith.constant 0 : i32
        %dma_wait3A_501 = tpu.memref_slice %arg5[%dma_wait3A_500, %run_scoped3A_459] : memref<32x100000xf32, #tpu.memory_space<hbm>> -> memref<32x128xf32, #tpu.memory_space<hbm>>
        %dma_wait3A_502 = arith.constant 0 : i32
        %dma_wait3A_503 = arith.constant 0 : i32
        %dma_wait3A_504 = tpu.memref_slice %arg11[%dma_wait3A_502, %dma_wait3A_503] : memref<32x512xf32, #tpu.memory_space<vmem>> -> memref<32x128xf32, #tpu.memory_space<vmem>>
        %dma_wait3A_505 = arith.constant 0 : i32
        %dma_wait3A_506 = tpu.memref_slice %arg5[%dma_wait3A_505, %run_scoped3A_459] : memref<32x100000xf32, #tpu.memory_space<hbm>> -> memref<32x128xf32, #tpu.memory_space<hbm>>
        tpu.wait_dma2 semaphore(%run_scoped3A_486 : memref<!tpu.dma_semaphore, #tpu.memory_space<semaphore_mem>>) src(%dma_wait3A_506 : memref<32x128xf32, #tpu.memory_space<hbm>>) dst(%dma_wait3A_504 : memref<32x128xf32, #tpu.memory_space<vmem>>)
        tpu.yield
      }) : () -> ()
      %sub3A_460 = arith.constant 99840 : i32
      %sub3A_461 = arith.subi %sub3A_460, %mul3A_217 : i32
      %shift_right_arithmetic3A_462 = arith.constant 9 : i32
      %shift_right_arithmetic3A_463 = arith.shrsi %sub3A_461, %shift_right_arithmetic3A_462 : i32
      %mul3A_464 = arith.constant 160 : i32
      %mul3A_465 = arith.muli %shift_right_arithmetic3A_463, %mul3A_464 : i32
      %scan3A_466 = arith.constant 0 : i32
      %scan3A_467 = arith.constant 99840 : i32
      %scan3A_468 = arith.constant 0 : i32
      %scan3A_469 = arith.constant 10 : i32
      %scan3A_470 = arith.addi %scan3A_468, %scan3A_469 : i32
      %scan3A_471 = arith.constant 1 : i32
      scf.for %scan3A_486 = %scan3A_468 to %scan3A_470 step %scan3A_471  : i32 {
        %mul3A_487 = arith.constant 16 : i32
        %mul3A_488 = arith.muli %scan3A_486, %mul3A_487 : i32
        %add3A_489 = arith.addi %mul3A_465, %mul3A_488 : i32
        %get3A_490 = arith.index_cast %add3A_489 : i32 to index
        %get3A_491 = tpu.vector_load %arg14[%get3A_490] {strides = array<i32>} : memref<3072xi32, #tpu.memory_space<vmem>>, vector<16xi32>,
        %mul3A_492 = arith.constant 16 : i32
        %mul3A_493 = arith.muli %scan3A_486, %mul3A_492 : i32
        %add3A_494 = arith.addi %mul3A_465, %mul3A_493 : i32
        %get3A_495 = arith.index_cast %add3A_494 : i32 to index
        %get3A_496 = tpu.vector_load %arg15[%get3A_495] {strides = array<i32>} : memref<3072xi32, #tpu.memory_space<vmem>>, vector<16xi32>,
        %ge3A = vector.broadcast %scan3A_467 : i32 to vector<16xi32>
        %ge3A_497 = arith.cmpi sge, %get3A_491, %ge3A : vector<16xi32>
        %add3A_498 = arith.constant 128 : i32
        %add3A_499 = arith.addi %scan3A_467, %add3A_498 : i32
        %lt3A = vector.broadcast %add3A_499 : i32 to vector<16xi32>
        %lt3A_500 = arith.cmpi slt, %get3A_491, %lt3A : vector<16xi32>
        %and3A = arith.andi %ge3A_497, %lt3A_500 : vector<16xi1>
        %convert_element_type3A_501 = arith.extui %and3A : vector<16xi1> to vector<16xi32>
        %reduce_max3A = arith.constant true
        %reduce_max3A_502 = vector.broadcast %reduce_max3A : i1 to vector<16xi1>
        %reduce_max3A_503 = arith.constant -2147483648 : i32
        %reduce_max3A_504 = vector.broadcast %reduce_max3A_503 : i32 to vector<16xi32>
        %reduce_max3A_505 = arith.xori %convert_element_type3A_501, %reduce_max3A_504 : vector<16xi32>
        %reduce_max3A_506 = tpu.scan <max>, %reduce_max3A_505 masked %reduce_max3A_502 : vector<16xi32>, vector<16xi1> -> vector<16xi32>
        %reduce_max3A_507 = arith.xori %reduce_max3A_506, %reduce_max3A_504 : vector<16xi32>
        %reduce_max3A_508 = vector.extract %reduce_max3A_507[15] : i32 from vector<16xi32>
        %gt3A = arith.constant 0 : i32
        %gt3A_509 = arith.cmpi sgt, %reduce_max3A_508, %gt3A : i32
        %convert_element_type3A_510 = arith.extui %gt3A_509 : i1 to i32
        %cond3A_511 = arith.constant 0 : i32
        %cond3A_512 = arith.cmpi ne, %convert_element_type3A_510, %cond3A_511 : i32
        scf.if %cond3A_512 {
          %while3A_513 = scf.while (%while3A_514 = %convert_element_type3A_501) : (vector<16xi32>) -> vector<16xi32> {
            %reduce_max3A_515 = arith.constant true
            %reduce_max3A_516 = vector.broadcast %reduce_max3A_515 : i1 to vector<16xi1>
            %reduce_max3A_517 = arith.constant -2147483648 : i32
            %reduce_max3A_518 = vector.broadcast %reduce_max3A_517 : i32 to vector<16xi32>
            %reduce_max3A_519 = arith.xori %while3A_514, %reduce_max3A_518 : vector<16xi32>
            %reduce_max3A_520 = tpu.scan <max>, %reduce_max3A_519 masked %reduce_max3A_516 : vector<16xi32>, vector<16xi1> -> vector<16xi32>
            %reduce_max3A_521 = arith.xori %reduce_max3A_520, %reduce_max3A_518 : vector<16xi32>
            %reduce_max3A_522 = vector.extract %reduce_max3A_521[15] : i32 from vector<16xi32>
            %gt3A_523 = arith.constant 0 : i32
            %gt3A_524 = arith.cmpi sgt, %reduce_max3A_522, %gt3A_523 : i32
            scf.condition(%gt3A_524) %while3A_514 : vector<16xi32>
          } do {
          ^bb0(%while3A_514: vector<16xi32>):
            %ne3A = arith.constant 0 : i32
            %ne3A_515 = vector.broadcast %ne3A : i32 to vector<16xi32>
            %ne3A_516 = arith.cmpi ne, %while3A_514, %ne3A_515 : vector<16xi32>
            %all_reduce_ffs3A = tpu.all_reduce %ne3A_516 {dim = 0 : i64, kind = #tpu.reduction_kind<find_first_set>} : vector<16xi1> -> vector<16xi32>
            %eq3A_517 = arith.cmpi eq, %iota3A_212, %all_reduce_ffs3A : vector<16xi32>
            %convert_element_type3A_518 = arith.extui %eq3A_517 : vector<16xi1> to vector<16xi32>
            %mul3A_519 = arith.muli %get3A_491, %convert_element_type3A_518 : vector<16xi32>
            %reduce_sum3A = arith.constant true
            %reduce_sum3A_520 = vector.broadcast %reduce_sum3A : i1 to vector<16xi1>
            %reduce_sum3A_521 = tpu.scan <sum>, %mul3A_519 masked %reduce_sum3A_520 : vector<16xi32>, vector<16xi1> -> vector<16xi32>
            %reduce_sum3A_522 = vector.extract %reduce_sum3A_521[15] : i32 from vector<16xi32>
            %mul3A_523 = arith.muli %get3A_496, %convert_element_type3A_518 : vector<16xi32>
            %reduce_sum3A_524 = arith.constant true
            %reduce_sum3A_525 = vector.broadcast %reduce_sum3A_524 : i1 to vector<16xi1>
            %reduce_sum3A_526 = tpu.scan <sum>, %mul3A_523 masked %reduce_sum3A_525 : vector<16xi32>, vector<16xi1> -> vector<16xi32>
            %reduce_sum3A_527 = vector.extract %reduce_sum3A_526[15] : i32 from vector<16xi32>
            %sub3A_528 = arith.subi %reduce_sum3A_522, %scan3A_467 : i32
            %broadcast_in_dim3A = vector.broadcast %sub3A_528 : i32 to vector<16xi32>
            %gather3A = tpu.vector_load_idx %arg11[%iota3A_212, %broadcast_in_dim3A] : memref<32x512xf32, #tpu.memory_space<vmem>>[vector<16xi32>, vector<16xi32>], vector<16xf32>,
            %add3A_529 = arith.constant 16 : i32
            %add3A_530 = vector.broadcast %add3A_529 : i32 to vector<16xi32>
            %add3A_531 = arith.addi %iota3A_212, %add3A_530 : vector<16xi32>
            %gather3A_532 = tpu.vector_load_idx %arg11[%add3A_531, %broadcast_in_dim3A] : memref<32x512xf32, #tpu.memory_space<vmem>>[vector<16xi32>, vector<16xi32>], vector<16xf32>,
            %get3A_533 = arith.constant 1 : i32
            %get3A_534 = arith.index_cast %get3A_533 : i32 to index
            %get3A_535 = memref.load %arg19[%get3A_534] : memref<72xi32, #tpu.memory_space<smem>>
            %mul3A_536 = arith.constant 32 : i32
            %mul3A_537 = arith.muli %get3A_535, %mul3A_536 : i32
            %swap3A_538 = arith.index_cast %mul3A_537 : i32 to index
            %swap3A_539 = tpu.vector_load %arg16[%swap3A_538] {strides = array<i32>} : memref<32768xf32, #tpu.memory_space<vmem>>, vector<16xf32>,
            tpu.vector_store %arg16[%swap3A_538], %gather3A {strides = array<i32>} : memref<32768xf32, #tpu.memory_space<vmem>>, vector<16xf32>,
            %mul3A_540 = arith.constant 32 : i32
            %mul3A_541 = arith.muli %get3A_535, %mul3A_540 : i32
            %add3A_542 = arith.constant 16 : i32
            %add3A_543 = arith.addi %mul3A_541, %add3A_542 : i32
            %swap3A_544 = arith.index_cast %add3A_543 : i32 to index
            %swap3A_545 = tpu.vector_load %arg16[%swap3A_544] {strides = array<i32>} : memref<32768xf32, #tpu.memory_space<vmem>>, vector<16xf32>,
            tpu.vector_store %arg16[%swap3A_544], %gather3A_532 {strides = array<i32>} : memref<32768xf32, #tpu.memory_space<vmem>>, vector<16xf32>,
            %mul3A_546 = arith.constant 32 : i32
            %mul3A_547 = arith.muli %get3A_535, %mul3A_546 : i32
            %mul3A_548 = arith.constant 32 : i32
            %mul3A_549 = arith.muli %reduce_sum3A_527, %mul3A_548 : i32
            %dma_start3A_550 = tpu.memref_slice %arg16[%mul3A_547] : memref<32768xf32, #tpu.memory_space<vmem>> -> memref<32xf32, #tpu.memory_space<vmem>>
            %dma_start3A_551 = tpu.memref_slice %arg9[%mul3A_549] : memref<524288xf32, #tpu.memory_space<hbm>> -> memref<32xf32, #tpu.memory_space<hbm>>
            %dma_start3A_552 = tpu.memref_slice %arg9[%mul3A_549] : memref<524288xf32, #tpu.memory_space<hbm>> -> memref<32xf32, #tpu.memory_space<hbm>>
            %dma_start3A_553 = tpu.memref_slice %arg16[%mul3A_547] : memref<32768xf32, #tpu.memory_space<vmem>> -> memref<32xf32, #tpu.memory_space<vmem>>
            tpu.enqueue_dma source(%dma_start3A_553 : memref<32xf32, #tpu.memory_space<vmem>>) target(%dma_start3A_552 : memref<32xf32, #tpu.memory_space<hbm>>) target_semaphore(%arg23 : memref<!tpu.dma_semaphore, #tpu.memory_space<semaphore_mem>>)
            %add3A_554 = arith.constant 1 : i32
            %add3A_555 = arith.addi %get3A_535, %add3A_554 : i32
            %swap3A_556 = arith.constant 1 : i32
            %swap3A_557 = arith.index_cast %swap3A_556 : i32 to index
            %swap3A_558 = memref.load %arg19[%swap3A_557] : memref<72xi32, #tpu.memory_space<smem>>
            memref.store %add3A_555, %arg19[%swap3A_557] : memref<72xi32, #tpu.memory_space<smem>>
            %sub3A_559 = arith.constant 1 : i32
            %sub3A_560 = vector.broadcast %sub3A_559 : i32 to vector<16xi32>
            %sub3A_561 = arith.subi %sub3A_560, %convert_element_type3A_518 : vector<16xi32>
            %mul3A_562 = arith.muli %while3A_514, %sub3A_561 : vector<16xi32>
            scf.yield %mul3A_562 : vector<16xi32>
          }
        } else {
        }
      }
      %scan3A_472 = arith.constant 10 : i32
      "tpu.region"() ({
        %run_scoped3A_486 = tpu.sem_alloc : memref<!tpu.dma_semaphore, #tpu.memory_space<semaphore_mem>>
        tpu.enqueue_dma source(%arg7 : memref<32x32xf32, #tpu.memory_space<hbm>>) target(%arg18 : memref<32x32xf32, #tpu.memory_space<vmem>>) target_semaphore(%run_scoped3A_486 : memref<!tpu.dma_semaphore, #tpu.memory_space<semaphore_mem>>)
        tpu.wait_dma2 semaphore(%run_scoped3A_486 : memref<!tpu.dma_semaphore, #tpu.memory_space<semaphore_mem>>) src(%arg7 : memref<32x32xf32, #tpu.memory_space<hbm>>) dst(%arg18 : memref<32x32xf32, #tpu.memory_space<vmem>>)
        tpu.yield
      }) : () -> ()
      %sub3A_473 = arith.constant 99968 : i32
      %sub3A_474 = arith.subi %sub3A_473, %mul3A_217 : i32
      %shift_right_arithmetic3A_475 = arith.constant 9 : i32
      %shift_right_arithmetic3A_476 = arith.shrsi %sub3A_474, %shift_right_arithmetic3A_475 : i32
      %mul3A_477 = arith.constant 160 : i32
      %mul3A_478 = arith.muli %shift_right_arithmetic3A_476, %mul3A_477 : i32
      %scan3A_479 = arith.constant 0 : i32
      %scan3A_480 = arith.constant 99968 : i32
      %scan3A_481 = arith.constant 0 : i32
      %scan3A_482 = arith.constant 10 : i32
      %scan3A_483 = arith.addi %scan3A_481, %scan3A_482 : i32
      %scan3A_484 = arith.constant 1 : i32
      scf.for %scan3A_486 = %scan3A_481 to %scan3A_483 step %scan3A_484  : i32 {
        %mul3A_487 = arith.constant 16 : i32
        %mul3A_488 = arith.muli %scan3A_486, %mul3A_487 : i32
        %add3A_489 = arith.addi %mul3A_478, %mul3A_488 : i32
        %get3A_490 = arith.index_cast %add3A_489 : i32 to index
        %get3A_491 = tpu.vector_load %arg14[%get3A_490] {strides = array<i32>} : memref<3072xi32, #tpu.memory_space<vmem>>, vector<16xi32>,
        %mul3A_492 = arith.constant 16 : i32
        %mul3A_493 = arith.muli %scan3A_486, %mul3A_492 : i32
        %add3A_494 = arith.addi %mul3A_478, %mul3A_493 : i32
        %get3A_495 = arith.index_cast %add3A_494 : i32 to index
        %get3A_496 = tpu.vector_load %arg15[%get3A_495] {strides = array<i32>} : memref<3072xi32, #tpu.memory_space<vmem>>, vector<16xi32>,
        %ge3A = vector.broadcast %scan3A_480 : i32 to vector<16xi32>
        %ge3A_497 = arith.cmpi sge, %get3A_491, %ge3A : vector<16xi32>
        %add3A_498 = arith.constant 32 : i32
        %add3A_499 = arith.addi %scan3A_480, %add3A_498 : i32
        %lt3A = vector.broadcast %add3A_499 : i32 to vector<16xi32>
        %lt3A_500 = arith.cmpi slt, %get3A_491, %lt3A : vector<16xi32>
        %and3A = arith.andi %ge3A_497, %lt3A_500 : vector<16xi1>
        %convert_element_type3A_501 = arith.extui %and3A : vector<16xi1> to vector<16xi32>
        %reduce_max3A = arith.constant true
        %reduce_max3A_502 = vector.broadcast %reduce_max3A : i1 to vector<16xi1>
        %reduce_max3A_503 = arith.constant -2147483648 : i32
        %reduce_max3A_504 = vector.broadcast %reduce_max3A_503 : i32 to vector<16xi32>
        %reduce_max3A_505 = arith.xori %convert_element_type3A_501, %reduce_max3A_504 : vector<16xi32>
        %reduce_max3A_506 = tpu.scan <max>, %reduce_max3A_505 masked %reduce_max3A_502 : vector<16xi32>, vector<16xi1> -> vector<16xi32>
        %reduce_max3A_507 = arith.xori %reduce_max3A_506, %reduce_max3A_504 : vector<16xi32>
        %reduce_max3A_508 = vector.extract %reduce_max3A_507[15] : i32 from vector<16xi32>
        %gt3A = arith.constant 0 : i32
        %gt3A_509 = arith.cmpi sgt, %reduce_max3A_508, %gt3A : i32
        %convert_element_type3A_510 = arith.extui %gt3A_509 : i1 to i32
        %cond3A_511 = arith.constant 0 : i32
        %cond3A_512 = arith.cmpi ne, %convert_element_type3A_510, %cond3A_511 : i32
        scf.if %cond3A_512 {
          %while3A_513 = scf.while (%while3A_514 = %convert_element_type3A_501) : (vector<16xi32>) -> vector<16xi32> {
            %reduce_max3A_515 = arith.constant true
            %reduce_max3A_516 = vector.broadcast %reduce_max3A_515 : i1 to vector<16xi1>
            %reduce_max3A_517 = arith.constant -2147483648 : i32
            %reduce_max3A_518 = vector.broadcast %reduce_max3A_517 : i32 to vector<16xi32>
            %reduce_max3A_519 = arith.xori %while3A_514, %reduce_max3A_518 : vector<16xi32>
            %reduce_max3A_520 = tpu.scan <max>, %reduce_max3A_519 masked %reduce_max3A_516 : vector<16xi32>, vector<16xi1> -> vector<16xi32>
            %reduce_max3A_521 = arith.xori %reduce_max3A_520, %reduce_max3A_518 : vector<16xi32>
            %reduce_max3A_522 = vector.extract %reduce_max3A_521[15] : i32 from vector<16xi32>
            %gt3A_523 = arith.constant 0 : i32
            %gt3A_524 = arith.cmpi sgt, %reduce_max3A_522, %gt3A_523 : i32
            scf.condition(%gt3A_524) %while3A_514 : vector<16xi32>
          } do {
          ^bb0(%while3A_514: vector<16xi32>):
            %ne3A = arith.constant 0 : i32
            %ne3A_515 = vector.broadcast %ne3A : i32 to vector<16xi32>
            %ne3A_516 = arith.cmpi ne, %while3A_514, %ne3A_515 : vector<16xi32>
            %all_reduce_ffs3A = tpu.all_reduce %ne3A_516 {dim = 0 : i64, kind = #tpu.reduction_kind<find_first_set>} : vector<16xi1> -> vector<16xi32>
            %eq3A_517 = arith.cmpi eq, %iota3A_212, %all_reduce_ffs3A : vector<16xi32>
            %convert_element_type3A_518 = arith.extui %eq3A_517 : vector<16xi1> to vector<16xi32>
            %mul3A_519 = arith.muli %get3A_491, %convert_element_type3A_518 : vector<16xi32>
            %reduce_sum3A = arith.constant true
            %reduce_sum3A_520 = vector.broadcast %reduce_sum3A : i1 to vector<16xi1>
            %reduce_sum3A_521 = tpu.scan <sum>, %mul3A_519 masked %reduce_sum3A_520 : vector<16xi32>, vector<16xi1> -> vector<16xi32>
            %reduce_sum3A_522 = vector.extract %reduce_sum3A_521[15] : i32 from vector<16xi32>
            %mul3A_523 = arith.muli %get3A_496, %convert_element_type3A_518 : vector<16xi32>
            %reduce_sum3A_524 = arith.constant true
            %reduce_sum3A_525 = vector.broadcast %reduce_sum3A_524 : i1 to vector<16xi1>
            %reduce_sum3A_526 = tpu.scan <sum>, %mul3A_523 masked %reduce_sum3A_525 : vector<16xi32>, vector<16xi1> -> vector<16xi32>
            %reduce_sum3A_527 = vector.extract %reduce_sum3A_526[15] : i32 from vector<16xi32>
            %sub3A_528 = arith.subi %reduce_sum3A_522, %scan3A_480 : i32
            %broadcast_in_dim3A = vector.broadcast %sub3A_528 : i32 to vector<16xi32>
            %gather3A = tpu.vector_load_idx %arg18[%iota3A_212, %broadcast_in_dim3A] : memref<32x32xf32, #tpu.memory_space<vmem>>[vector<16xi32>, vector<16xi32>], vector<16xf32>,
            %add3A_529 = arith.constant 16 : i32
            %add3A_530 = vector.broadcast %add3A_529 : i32 to vector<16xi32>
            %add3A_531 = arith.addi %iota3A_212, %add3A_530 : vector<16xi32>
            %gather3A_532 = tpu.vector_load_idx %arg18[%add3A_531, %broadcast_in_dim3A] : memref<32x32xf32, #tpu.memory_space<vmem>>[vector<16xi32>, vector<16xi32>], vector<16xf32>,
            %get3A_533 = arith.constant 1 : i32
            %get3A_534 = arith.index_cast %get3A_533 : i32 to index
            %get3A_535 = memref.load %arg19[%get3A_534] : memref<72xi32, #tpu.memory_space<smem>>
            %mul3A_536 = arith.constant 32 : i32
            %mul3A_537 = arith.muli %get3A_535, %mul3A_536 : i32
            %swap3A_538 = arith.index_cast %mul3A_537 : i32 to index
            %swap3A_539 = tpu.vector_load %arg16[%swap3A_538] {strides = array<i32>} : memref<32768xf32, #tpu.memory_space<vmem>>, vector<16xf32>,
            tpu.vector_store %arg16[%swap3A_538], %gather3A {strides = array<i32>} : memref<32768xf32, #tpu.memory_space<vmem>>, vector<16xf32>,
            %mul3A_540 = arith.constant 32 : i32
            %mul3A_541 = arith.muli %get3A_535, %mul3A_540 : i32
            %add3A_542 = arith.constant 16 : i32
            %add3A_543 = arith.addi %mul3A_541, %add3A_542 : i32
            %swap3A_544 = arith.index_cast %add3A_543 : i32 to index
            %swap3A_545 = tpu.vector_load %arg16[%swap3A_544] {strides = array<i32>} : memref<32768xf32, #tpu.memory_space<vmem>>, vector<16xf32>,
            tpu.vector_store %arg16[%swap3A_544], %gather3A_532 {strides = array<i32>} : memref<32768xf32, #tpu.memory_space<vmem>>, vector<16xf32>,
            %mul3A_546 = arith.constant 32 : i32
            %mul3A_547 = arith.muli %get3A_535, %mul3A_546 : i32
            %mul3A_548 = arith.constant 32 : i32
            %mul3A_549 = arith.muli %reduce_sum3A_527, %mul3A_548 : i32
            %dma_start3A_550 = tpu.memref_slice %arg16[%mul3A_547] : memref<32768xf32, #tpu.memory_space<vmem>> -> memref<32xf32, #tpu.memory_space<vmem>>
            %dma_start3A_551 = tpu.memref_slice %arg9[%mul3A_549] : memref<524288xf32, #tpu.memory_space<hbm>> -> memref<32xf32, #tpu.memory_space<hbm>>
            %dma_start3A_552 = tpu.memref_slice %arg9[%mul3A_549] : memref<524288xf32, #tpu.memory_space<hbm>> -> memref<32xf32, #tpu.memory_space<hbm>>
            %dma_start3A_553 = tpu.memref_slice %arg16[%mul3A_547] : memref<32768xf32, #tpu.memory_space<vmem>> -> memref<32xf32, #tpu.memory_space<vmem>>
            tpu.enqueue_dma source(%dma_start3A_553 : memref<32xf32, #tpu.memory_space<vmem>>) target(%dma_start3A_552 : memref<32xf32, #tpu.memory_space<hbm>>) target_semaphore(%arg23 : memref<!tpu.dma_semaphore, #tpu.memory_space<semaphore_mem>>)
            %add3A_554 = arith.constant 1 : i32
            %add3A_555 = arith.addi %get3A_535, %add3A_554 : i32
            %swap3A_556 = arith.constant 1 : i32
            %swap3A_557 = arith.index_cast %swap3A_556 : i32 to index
            %swap3A_558 = memref.load %arg19[%swap3A_557] : memref<72xi32, #tpu.memory_space<smem>>
            memref.store %add3A_555, %arg19[%swap3A_557] : memref<72xi32, #tpu.memory_space<smem>>
            %sub3A_559 = arith.constant 1 : i32
            %sub3A_560 = vector.broadcast %sub3A_559 : i32 to vector<16xi32>
            %sub3A_561 = arith.subi %sub3A_560, %convert_element_type3A_518 : vector<16xi32>
            %mul3A_562 = arith.muli %while3A_514, %sub3A_561 : vector<16xi32>
            scf.yield %mul3A_562 : vector<16xi32>
          }
        } else {
        }
      }
      %scan3A_485 = arith.constant 10 : i32
    } else {
    }
    %get3A_405 = arith.constant 1 : i32
    %get3A_406 = arith.index_cast %get3A_405 : i32 to index
    %get3A_407 = memref.load %arg19[%get3A_406] : memref<72xi32, #tpu.memory_space<smem>>
    %while3A_408 = arith.constant 0 : i32
    %while3A_409 = arith.constant 0 : i32
    %while3A_410 = arith.subi %get3A_407, %while3A_409 : i32
    %while3A_411 = arith.addi %while3A_409, %while3A_410 : i32
    %while3A_412 = arith.constant 1 : i32
    %while3A_413 = arith.divsi %while3A_410, %while3A_412 : i32
    %while3A_414 = arith.muli %while3A_413, %while3A_412 : i32
    %while3A_415 = arith.addi %while3A_409, %while3A_414 : i32
    %while3A_416 = arith.constant 1 : i32
    scf.for %while3A_418 = %while3A_409 to %while3A_415 step %while3A_416  : i32 {
      %dma_wait3A_419 = arith.constant 0 : i32
      %dma_wait3A_420 = tpu.memref_slice %arg16[%dma_wait3A_419] : memref<32768xf32, #tpu.memory_space<vmem>> -> memref<32xf32, #tpu.memory_space<vmem>>
      %dma_wait3A_421 = arith.constant 0 : i32
      %dma_wait3A_422 = tpu.memref_slice %arg9[%dma_wait3A_421] : memref<524288xf32, #tpu.memory_space<hbm>> -> memref<32xf32, #tpu.memory_space<hbm>>
      %dma_wait3A_423 = arith.constant 0 : i32
      %dma_wait3A_424 = tpu.memref_slice %arg16[%dma_wait3A_423] : memref<32768xf32, #tpu.memory_space<vmem>> -> memref<32xf32, #tpu.memory_space<vmem>>
      %dma_wait3A_425 = arith.constant 0 : i32
      %dma_wait3A_426 = tpu.memref_slice %arg9[%dma_wait3A_425] : memref<524288xf32, #tpu.memory_space<hbm>> -> memref<32xf32, #tpu.memory_space<hbm>>
      tpu.wait_dma2 semaphore(%arg23 : memref<!tpu.dma_semaphore, #tpu.memory_space<semaphore_mem>>) src(%dma_wait3A_426 : memref<32xf32, #tpu.memory_space<hbm>>) dst(%dma_wait3A_424 : memref<32xf32, #tpu.memory_space<vmem>>)
    }
    %while3A_417 = arith.constant 1 : i32
    scf.for %while3A_418 = %while3A_415 to %while3A_411 step %while3A_417  : i32 {
      %dma_wait3A_419 = arith.constant 0 : i32
      %dma_wait3A_420 = tpu.memref_slice %arg16[%dma_wait3A_419] : memref<32768xf32, #tpu.memory_space<vmem>> -> memref<32xf32, #tpu.memory_space<vmem>>
      %dma_wait3A_421 = arith.constant 0 : i32
      %dma_wait3A_422 = tpu.memref_slice %arg9[%dma_wait3A_421] : memref<524288xf32, #tpu.memory_space<hbm>> -> memref<32xf32, #tpu.memory_space<hbm>>
      %dma_wait3A_423 = arith.constant 0 : i32
      %dma_wait3A_424 = tpu.memref_slice %arg16[%dma_wait3A_423] : memref<32768xf32, #tpu.memory_space<vmem>> -> memref<32xf32, #tpu.memory_space<vmem>>
      %dma_wait3A_425 = arith.constant 0 : i32
      %dma_wait3A_426 = tpu.memref_slice %arg9[%dma_wait3A_425] : memref<524288xf32, #tpu.memory_space<hbm>> -> memref<32xf32, #tpu.memory_space<hbm>>
      tpu.wait_dma2 semaphore(%arg23 : memref<!tpu.dma_semaphore, #tpu.memory_space<semaphore_mem>>) src(%dma_wait3A_426 : memref<32xf32, #tpu.memory_space<hbm>>) dst(%dma_wait3A_424 : memref<32xf32, #tpu.memory_space<vmem>>)
    }
    return
  }
}

module attributes {stable_mosaic.version = 14 : i64} {
  func.func @_l1_body(%arg0: i32, %arg1: memref<32x16384xf32, #tpu.memory_space<vmem>>, %arg2: memref<1x1xf32, #tpu.memory_space<smem>>) attributes {dimension_semantics = [#tpu.dimension_semantics<arbitrary>], iteration_bounds = array<i64: 62>, scalar_prefetch = 0 : i64, scratch_operands = 0 : i64, tpu.core_type = #tpu.core_type<tc>, window_params = [{transform_indices = @transform_0, window_bounds = array<i64: 32, 16384>}, {transform_indices = @transform_1, window_bounds = array<i64: 1, 1>}]} {
    %eq3A = arith.constant 0 : i32
    %eq3A_0 = arith.cmpi eq, %arg0, %eq3A : i32
    %convert_element_type3A = arith.extui %eq3A_0 : i1 to i32
    %cond3A = arith.constant 0 : i32
    %cond3A_1 = arith.cmpi ne, %convert_element_type3A, %cond3A : i32
    scf.if %cond3A_1 {
      %swap3A_16 = arith.constant 0.000000e+00 : f32
      %swap3A_17 = arith.constant 0 : index
      %swap3A_18 = arith.constant 0 : index
      %swap3A_19 = memref.load %arg2[%swap3A_17, %swap3A_18] : memref<1x1xf32, #tpu.memory_space<smem>>
      memref.store %swap3A_16, %arg2[%swap3A_17, %swap3A_18] : memref<1x1xf32, #tpu.memory_space<smem>>
    } else {
    }
    %get3A = arith.constant 0 : index
    %get3A_2 = arith.constant 0 : index
    %get3A_3 = vector.load %arg1[%get3A, %get3A_2] : memref<32x16384xf32, #tpu.memory_space<vmem>>, vector<32x16384xf32>
    %iota3A = tpu.iota {dimensions = array<i32: 1>} : vector<32x16384xi32>
    %mul3A = arith.constant 16384 : i32
    %mul3A_4 = arith.muli %arg0, %mul3A : i32
    %sub3A = arith.constant 1000000 : i32
    %sub3A_5 = arith.subi %sub3A, %mul3A_4 : i32
    %lt3A = vector.broadcast %sub3A_5 : i32 to vector<32x16384xi32>
    %lt3A_6 = arith.cmpi slt, %iota3A, %lt3A : vector<32x16384xi32>
    %abs3A = math.absf %get3A_3 : vector<32x16384xf32>
    %jit3A = arith.constant 0.000000e+00 : f32
    %broadcast_in_dim3A = vector.broadcast %jit3A : f32 to vector<32x16384xf32>
    %select_n3A = arith.select %lt3A_6, %abs3A, %broadcast_in_dim3A : vector<32x16384xi1>, vector<32x16384xf32>
    %get3A_7 = arith.constant 0 : index
    %get3A_8 = arith.constant 0 : index
    %get3A_9 = memref.load %arg2[%get3A_7, %get3A_8] : memref<1x1xf32, #tpu.memory_space<smem>>
    %reduce_sum3A = vector.shape_cast %select_n3A : vector<32x16384xf32> to vector<1x32x16384xf32>
    %reduce_sum3A_10 = arith.constant dense<0.000000e+00> : vector<1xf32>
    %reduce_sum3A_11 = vector.multi_reduction <add>, %reduce_sum3A, %reduce_sum3A_10 [1, 2] : vector<1x32x16384xf32> to vector<1xf32>
    %reduce_sum3A_12 = vector.shape_cast %reduce_sum3A_11 : vector<1xf32> to vector<1x1x1xf32>
    %reduce_sum3A_13 = vector.extract %reduce_sum3A_12[0, 0, 0] : f32 from vector<1x1x1xf32>
    %add3A = arith.addf %get3A_9, %reduce_sum3A_13 : f32
    %swap3A = arith.constant 0 : index
    %swap3A_14 = arith.constant 0 : index
    %swap3A_15 = memref.load %arg2[%swap3A, %swap3A_14] : memref<1x1xf32, #tpu.memory_space<smem>>
    memref.store %add3A, %arg2[%swap3A, %swap3A_14] : memref<1x1xf32, #tpu.memory_space<smem>>
    return
  }
  func.func @transform_0(%arg0: i32) -> (i32, i32) {
    %c0_i32 = arith.constant 0 : i32
    %c0_i32_0 = arith.constant 0 : i32
    return %c0_i32, %arg0 : i32, i32
  }
  func.func @transform_1(%arg0: i32) -> (i32, i32) {
    %c0_i32 = arith.constant 0 : i32
    %c0_i32_0 = arith.constant 0 : i32
    %c0_i32_1 = arith.constant 0 : i32
    return %c0_i32, %c0_i32_0 : i32, i32
  }
}

module attributes {stable_mosaic.version = 14 : i64} {
  func.func @_l1_body(%arg0: i32, %arg1: memref<32x16384xf32, #tpu.memory_space<vmem>>, %arg2: memref<1x1xf32, #tpu.memory_space<smem>>) attributes {dimension_semantics = [#tpu.dimension_semantics<arbitrary>], iteration_bounds = array<i64: 7>, scalar_prefetch = 0 : i64, scratch_operands = 0 : i64, tpu.core_type = #tpu.core_type<tc>, window_params = [{transform_indices = @transform_0, window_bounds = array<i64: 32, 16384>}, {transform_indices = @transform_1, window_bounds = array<i64: 1, 1>}]} {
    %eq3A = arith.constant 0 : i32
    %eq3A_0 = arith.cmpi eq, %arg0, %eq3A : i32
    %convert_element_type3A = arith.extui %eq3A_0 : i1 to i32
    %cond3A = arith.constant 0 : i32
    %cond3A_1 = arith.cmpi ne, %convert_element_type3A, %cond3A : i32
    scf.if %cond3A_1 {
      %swap3A_16 = arith.constant 0.000000e+00 : f32
      %swap3A_17 = arith.constant 0 : index
      %swap3A_18 = arith.constant 0 : index
      %swap3A_19 = memref.load %arg2[%swap3A_17, %swap3A_18] : memref<1x1xf32, #tpu.memory_space<smem>>
      memref.store %swap3A_16, %arg2[%swap3A_17, %swap3A_18] : memref<1x1xf32, #tpu.memory_space<smem>>
    } else {
    }
    %get3A = arith.constant 0 : index
    %get3A_2 = arith.constant 0 : index
    %get3A_3 = vector.load %arg1[%get3A, %get3A_2] : memref<32x16384xf32, #tpu.memory_space<vmem>>, vector<32x16384xf32>
    %iota3A = tpu.iota {dimensions = array<i32: 1>} : vector<32x16384xi32>
    %mul3A = arith.constant 16384 : i32
    %mul3A_4 = arith.muli %arg0, %mul3A : i32
    %sub3A = arith.constant 100000 : i32
    %sub3A_5 = arith.subi %sub3A, %mul3A_4 : i32
    %lt3A = vector.broadcast %sub3A_5 : i32 to vector<32x16384xi32>
    %lt3A_6 = arith.cmpi slt, %iota3A, %lt3A : vector<32x16384xi32>
    %abs3A = math.absf %get3A_3 : vector<32x16384xf32>
    %jit3A = arith.constant 0.000000e+00 : f32
    %broadcast_in_dim3A = vector.broadcast %jit3A : f32 to vector<32x16384xf32>
    %select_n3A = arith.select %lt3A_6, %abs3A, %broadcast_in_dim3A : vector<32x16384xi1>, vector<32x16384xf32>
    %get3A_7 = arith.constant 0 : index
    %get3A_8 = arith.constant 0 : index
    %get3A_9 = memref.load %arg2[%get3A_7, %get3A_8] : memref<1x1xf32, #tpu.memory_space<smem>>
    %reduce_sum3A = vector.shape_cast %select_n3A : vector<32x16384xf32> to vector<1x32x16384xf32>
    %reduce_sum3A_10 = arith.constant dense<0.000000e+00> : vector<1xf32>
    %reduce_sum3A_11 = vector.multi_reduction <add>, %reduce_sum3A, %reduce_sum3A_10 [1, 2] : vector<1x32x16384xf32> to vector<1xf32>
    %reduce_sum3A_12 = vector.shape_cast %reduce_sum3A_11 : vector<1xf32> to vector<1x1x1xf32>
    %reduce_sum3A_13 = vector.extract %reduce_sum3A_12[0, 0, 0] : f32 from vector<1x1x1xf32>
    %add3A = arith.addf %get3A_9, %reduce_sum3A_13 : f32
    %swap3A = arith.constant 0 : index
    %swap3A_14 = arith.constant 0 : index
    %swap3A_15 = memref.load %arg2[%swap3A, %swap3A_14] : memref<1x1xf32, #tpu.memory_space<smem>>
    memref.store %add3A, %arg2[%swap3A, %swap3A_14] : memref<1x1xf32, #tpu.memory_space<smem>>
    return
  }
  func.func @transform_0(%arg0: i32) -> (i32, i32) {
    %c0_i32 = arith.constant 0 : i32
    %c0_i32_0 = arith.constant 0 : i32
    return %c0_i32, %arg0 : i32, i32
  }
  func.func @transform_1(%arg0: i32) -> (i32, i32) {
    %c0_i32 = arith.constant 0 : i32
    %c0_i32_0 = arith.constant 0 : i32
    %c0_i32_1 = arith.constant 0 : i32
    return %c0_i32, %c0_i32_0 : i32, i32
  }
}

</mosaic_0001>

<sc_bundles>
// kernel: kernel.6.cloned.1.call-start
scs
__scs_entry_jumppad:
0x0: {  	(pc) =	sbr.rel $0x88, $3  }
0x1: {  	(tag) =	ssettag $0x0;
	lr =	simm.s32 $0x1  }
0x2: {  	[smem:$0x3F9D] =	sst lr;
	_ =	strace $0xD0000000  }
0x3: {  	_ = 	snop  }
0x4: {  	_ = 	snop  }
0x5: {  	_ = 	snop  }
0x6: {  	_ = 	snop  }
0x7: {  	_ = 	snop  }
__scs_overlays_trampoline_lowered:
0x8: {  	[smem:$0x3FAC] =	sst s0  }
0x9: {  	[smem:$0x3FAD] =	sst s1  }
0xa: {  	[smem:$0x3FAE] =	sst s2  }
0xb: {  	[smem:$0x3FAF] =	sst s3  }
0xc: {  	[smem:$0x3FB0] =	sst s4  }
0xd: {  	[smem:$0x3FB1] =	sst s5  }
0xe: {  	[smem:$0x3FB2] =	sst s6  }
0xf: {  	[smem:$0x3FB3] =	sst s7  }
0x10: {  	[smem:$0x3FB4] =	sst s8  }
0x11: {  	[smem:$0x3FB5] =	sst s9;
	s0 =	simm.s32 @!p0 $0x0  }
0x12: {  	s1 =	sld [smem:$0x3F9B];
	s0 =	simm.s32 @p0 $0x1  }
0x13: {  	[smem:$0x3FB6] =	sst s0;
	s0 =	simm.s32 @!p1 $0x0  }
0x14: {  	s2 =	sld [smem:$0x3F9A];
	s0 =	simm.s32 @p1 $0x1  }
0x15: {  	[smem:$0x3FB7] =	sst s0;
	s0 =	simm.s32 @!p2 $0x0  }
0x16: {  	s3 =	sld [smem:$0x3FDB];
	s0 =	simm.s32 @p2 $0x1  }
0x17: {  	s4 =	simm.s32 $0x1BF5;
	[smem:$0x3FB9] =	sst s0  }
0x18: {  	s0 =	sld [smem:$0x3F9C];
	_ =	swait.ge [sflag:s4], $0x0  }
0x19: {  	s7 =	sld [smem:$0x3F9D]  }
0x1a: {  	s8 =	sadd.s32 $0xFFFFE003, lr  }
0x1b: {  	s9 =	sadd.s32 $0xFFFFFEF7, lr;
	s5 =	simm.s32 $0xFFFFFFFF;
	p2 =	slt.u32 s8, $0xFFFFF086  }
0x1c: {  	p1 =	slt.u32 s9, $0xF7A;
	s5 =	simm.s32 @!p2 $0x0  }
0x1d: {  	s5 =	simm.s32 @p1 $0x1;
	p0 =	seq.s32 s7, s2  }
0x1e: {  	s7 =	smul.u32 @!p0 $0xF7A, s2;
	p2 =	seq.s32 @!p0 s5, $0x0  }
0x1f: {  	s9 =	smul.u32 $0xF7A, s1;
	s8 =	simm.s32 @!p0 $0x1BF5;
	p2 =	por !p2, p0  }
0x20: {  	[sflag:s8] =	ssyncset.s32 @!p0 $0xFFFFF086;
	s6 =	sadd.s32 @!p0 s3, s7;
	s7 =	simm.s32 @!p0 $0x108  }
0x21: {  	s3 =	sadd.s32 s3, s9;
	s6 =	sadd.s32 @!p0 $0x88, s6;
	s7 =	simm.s32 @p2 $0x1082  }
0x22: {  	[simem:s7], [sflag:s8] =	dma.local @!p0 [hbm:s6], $0xF7A  }
0x23: {  	s9 =	sor.u32 $0xD0000000, s2;
	s6 =	simm.s32 $0x108;
	_ =	swait.ge @!p0 [sflag:s8], $0x0  }
0x24: {  	s3 =	sadd.s32 $0x88, s3;
	s6 =	simm.s32 @!p1 $0x1082;
	[sflag:s4] =	ssyncset.s32 $0xFFFFF086  }
0x25: {  	[simem:s6], [sflag:s4] =	dma.local [hbm:s3], $0xF7A  }
0x26: {  	[smem:$0x3F9D] =	sst s1;
	(tag) =	ssettag s2;
	_ =	strace s9  }
0x27: {  	s1 =	sld [smem:$0x3FAD]  }
0x28: {  	s2 =	sld [smem:$0x3FAE]  }
0x29: {  	s4 =	sld [smem:$0x3FB0]  }
0x2a: {  	p0 =	seq.s32 s5, $0x0;
	s5 =	sld [smem:$0x3FB1]  }
0x2b: {  	s6 =	sld [smem:$0x3FB2]  }
0x2c: {  	s7 =	sld [smem:$0x3FB3]  }
0x2d: {  	s3 =	simm.s32 $0x108;
	s8 =	sld [smem:$0x3FB4]  }
0x2e: {  	s3 =	simm.s32 @!p0 $0x1082;
	s9 =	sld [smem:$0x3FB5]  }
0x2f: {  	lr =	sadd.s32 s0, s3;
	s0 =	sld [smem:$0x3FAC]  }
0x30: {  	s3 =	sld [smem:$0x3FAF]  }
0x31: {  	[smem:$0x3FB8] =	sst s10  }
0x32: {  	s10 =	sld [smem:$0x3FB6];
	_ =	sdelay $0x3  }
0x33: {  	p0 =	seq.s32 s10, $0x1;
	s10 =	sld [smem:$0x3FB8];
	_ =	sdelay $0x3  }
0x34: {  	[smem:$0x3FB8] =	sst s10  }
0x35: {  	s10 =	sld [smem:$0x3FB7];
	_ =	sdelay $0x3  }
0x36: {  	p1 =	seq.s32 s10, $0x1;
	s10 =	sld [smem:$0x3FB8];
	_ =	sdelay $0x3  }
0x37: {  	[smem:$0x3FB8] =	sst s10  }
0x38: {  	s10 =	sld [smem:$0x3FB9]  }
0x39: {  	_ = 	snop;
	(pc) =	sbr.ind lr, $3  }
0x3a: {  	_ = 	snop  }
0x3b: {  	_ = 	snop  }
0x3c: {  	p2 =	seq.s32 s10, $0x1;
	s10 =	sld [smem:$0x3FB8]  }
0x3d: {  	_ =	shalt  }
0x3e: {  	_ =	shalt  }
0x3f: {  	_ =	shalt  }
0x40: {  	_ =	shalt  }
0x41: {  	_ =	shalt  }
0x42: {  	_ =	shalt  }
0x43: {  	_ =	shalt  }
0x44: {  	_ =	shalt  }
0x45: {  	_ =	shalt  }
0x46: {  	_ =	shalt  }
0x47: {  	_ =	shalt  }
0x48: {  	_ =	shalt  }
0x49: {  	_ =	shalt  }
0x4a: {  	_ =	shalt  }
0x4b: {  	_ =	shalt  }
0x4c: {  	_ =	shalt  }
0x4d: {  	_ =	shalt  }
0x4e: {  	_ =	shalt  }
0x4f: {  	_ =	shalt  }
0x50: {  	_ =	shalt  }
0x51: {  	_ =	shalt  }
0x52: {  	_ =	shalt  }
0x53: {  	_ =	shalt  }
0x54: {  	_ =	shalt  }
0x55: {  	_ =	shalt  }
0x56: {  	_ =	shalt  }
0x57: {  	_ =	shalt  }
0x58: {  	_ =	shalt  }
0x59: {  	_ =	shalt  }
0x5a: {  	_ =	shalt  }
0x5b: {  	_ =	shalt  }
0x5c: {  	_ =	shalt  }
0x5d: {  	_ =	shalt  }
0x5e: {  	_ =	shalt  }
0x5f: {  	_ =	shalt  }
0x60: {  	_ =	shalt  }
0x61: {  	_ =	shalt  }
0x62: {  	_ =	shalt  }
0x63: {  	_ =	shalt  }
0x64: {  	_ =	shalt  }
0x65: {  	_ =	shalt  }
0x66: {  	_ =	shalt  }
0x67: {  	_ =	shalt  }
0x68: {  	_ =	shalt  }
0x69: {  	_ =	shalt  }
0x6a: {  	_ =	shalt  }
0x6b: {  	_ =	shalt  }
0x6c: {  	_ =	shalt  }
0x6d: {  	_ =	shalt  }
0x6e: {  	_ =	shalt  }
0x6f: {  	_ =	shalt  }
0x70: {  	_ =	shalt  }
0x71: {  	_ =	shalt  }
0x72: {  	_ =	shalt  }
0x73: {  	_ =	shalt  }
0x74: {  	_ =	shalt  }
0x75: {  	_ =	shalt  }
0x76: {  	_ =	shalt  }
0x77: {  	_ =	shalt  }
0x78: {  	_ =	shalt  }
0x79: {  	_ =	shalt  }
0x7a: {  	_ =	shalt  }
0x7b: {  	_ =	shalt  }
0x7c: {  	_ =	shalt  }
0x7d: {  	_ =	shalt  }
0x7e: {  	_ =	shalt  }
0x7f: {  	_ =	shalt  }
0x80: {  	_ =	shalt  }
0x81: {  	_ =	shalt  }
0x82: {  	_ =	shalt  }
0x83: {  	_ =	shalt  }
0x84: {  	_ =	shalt  }
0x85: {  	_ =	shalt  }
0x86: {  	_ =	shalt  }
0x87: {  	_ =	shalt  }
.Lfunc_end0:
.L_simem_size_0:
called_computation_lowered:
.L_overlay_start_0:
0x88: {  	s2 =	sld [smem:$0x3FD9]  }
0x89: {  	s3 =	sld [smem:$0x3FFE];
	_ =	sdelay $0x1  }
0x8a: {  	s1 =	srdreg.scid  }
0x8b: {  	s0 =	sand.u32 $0x1, s1  }
0x8c: {  	s14 =	sshll.u32 s0, $0xA;
	s2 =	sadd.s32 s3, s2  }
0x8d: {  	s2 =	sadd.s32 s2, s14  }
0x8e: {  	[smem:$0x3FC4] =	sst s2  }
0x8f: {  	_ = 	snop  }
0x90: {  	s2 =	sld [smem:$0x3FC9]  }
0x91: {  	s15 =	sld [smem:$0x3FD0]  }
0x92: {  	s4 =	sld [smem:$0x3FC8]  }
0x93: {  	s5 =	sld [smem:$0x3FC7]  }
0x94: {  	s7 =	simm.s32 $0xA;
	s8 =	simm.s32 $0x10;
	s6 =	sld [smem:$0x3FC6]  }
0x95: {  	[smem:s8], [sflag:s7] =	dma.local [hbm:s15], $0x1  }
0x96: {  	_ =	swait.eq [sflag:s7], $0x1  }
0x97: {  	[sflag:s7] =	ssyncset.done $0x0  }
0x98: {  	[sflag:s7] =	ssyncadd.s32 $0xFFFFFFFF  }
0x99: {  	s16 =	sld [smem:$0x10];
	(tm) =	ssettm $0x1  }
0x9a: {  	s17 =	sld [smem:$0x3FFB];
	_ =	sdelay $0x3  }
0x9b: {  	_ =	strace s17  }
0x9c: {  	s7 =	sld [smem:$0x3FFC];
	_ =	sdelay $0x3  }
0x9d: {  	_ =	strace s7  }
0x9e: {  	s7 =	sld [smem:$0x3FFD];
	_ =	sdelay $0x3  }
0x9f: {  	_ =	strace s7  }
0xa0: {  	_ =	strace $0x8FFFFFFF  }
0xa1: {  	s18 =	sld [smem:$0x3FDB];
	_ =	sdelay $0x1  }
0xa2: {  	s19 =	simm.s32 $_scs_section_size  }
0xa3: {  	s9 =	simm.s32 $_size__tile_overlayer_lowered;
	s10 =	simm.s32 $_tile_overlayer_lowered  }
0xa4: {  	s22 =	simm.s32 $0x1BFF;
	s21 =	sshll.u32 s10, $0x1;
	s7 =	sadd.s32 s19, s18  }
0xa5: {  	s11 =	simm.s32 $0x0;
	s20 =	sshll.u32 s9, $0x1;
	s9 =	sadd.s32 s21, s7  }
0xa6: {  	[timem:s11], [sflag:s22] =	dma.local [hbm:s9], s20  }
0xa7: {  	_ =	swait.ge [sflag:s22], s20  }
0xa8: {  	s8 =	ssub.s32 $0x0, s20;
	[sflag:s22] =	ssyncset.done $0x0  }
0xa9: {  	[sflag:s22] =	ssyncadd.s32 s8;
	_ =	sdelay $0x1  }
0xaa: {  	s23 =	simm.s32 $0x1B8B  }
0xab: {  	_ =	swait.ge [sflag:s23], $0x1  }
0xac: {  	[sflag:s23] =	ssyncset.done $0x0  }
0xad: {  	s25 =	simm.s32 $0x1B8E;
	s24 =	sld [smem:$0x3FFE];
	[sflag:s23] =	ssyncadd.s32 $0xFFFFFFFF  }
0xae: {  	s26 =	simm.s32 $execute0_lowered;
	[smem:$0x3FD2] =	sst s25  }
0xaf: {  	s9 =	sshll.u32 s26, $0x1;
	_ =	strace $0x80000046;
	[dreg:$0x1] =	wrdreg $0xFFFFFFFF  }
0xb0: {  	s28 =	simm.s32 $_size_execute0_lowered;
	s7 =	sadd.s32 s7, s9;
	[dreg:$0x0] =	wrdreg $0x0  }
0xb1: {  	s9 =	sshll.u32 s28, $0x1;
	[dreg:$0x2] =	wrdreg s7  }
0xb2: {  	[dreg:$0x3] =	wrdreg s9  }
0xb3: {  	[dreg:$0x4] =	wrdreg $0xC0  }
0xb4: {  	_ =	task [dreg:s11], $0x5FFFF  }
0xb5: {  	[dreg:$0x1] =	wrdreg $0xFFFFFFFF  }
0xb6: {  	[dreg:$0x0] =	wrdreg $0x60  }
0xb7: {  	[dreg:$0x2] =	wrdreg s2  }
0xb8: {  	[dreg:$0x3] =	wrdreg s4  }
0xb9: {  	[dreg:$0x4] =	wrdreg s5  }
0xba: {  	[dreg:$0x5] =	wrdreg s6  }
0xbb: {  	[dreg:$0x6] =	wrdreg s16  }
0xbc: {  	[dreg:$0x7] =	wrdreg s24  }
0xbd: {  	[dreg:$0x8] =	wrdreg $0x9  }
0xbe: {  	_ =	task.clear_ibuf [dreg:s11], $0x9FFFF;
	_ =	strace $0x90000046  }
0xbf: {  	s29 =	simm.s32 $0x9;
	_ =	strace $0x80000048  }
0xc0: {  	_ =	swait.ge [sflag:s29], $0x1  }
0xc1: {  	[sflag:s29] =	ssyncadd.s32 $0xFFFFFFFF  }
0xc2: {  	_ =	strace $0x90000048  }
0xc3: {  	_ =	sfence  }
0xc4: {  	s30 =	sld [smem:$0x0];
	_ =	sdelay $0x2  }
0xc5: {  	s31 =	sshll.u32 s1, $0xD;
	s1 =	sshrl.u32 s1, $0x2  }
0xc6: {  	s3 =	sand.u32 $0x4000, s31;
	s1 =	sadd.s32 s1, s30  }
0xc7: {  	s0 =	sor.u32 s3, s0;
	s1 =	sshll.u32 s1, $0x11  }
0xc8: {  	s0 =	sor.u32 s1, s0  }
0xc9: {  	s0 =	sadd.s32 $0x8F2B, s0  }
0xca: {  	[sflag:s0] =	ssyncadd.remote.s32 $0x1  }
0xcb: {  	_ =	sfence.sel $0xFFFF  }
0xcc: {  	[dreg:$0x0] =	wrdreg $0xFFFFFFFF;
	(pc) =	sbr.abs _section_cstart, $3  }
0xcd: {  	[dreg:$0x1] =	wrdreg $0xFFFFFFFF  }
0xce: {  	_ =	task.clear_ibuf [dreg:s11], $0x2FFFF;
	_ =	strace $0x9FFFFFFF  }
0xcf: {  	(tm) =	ssettm $0x7FFFFFFF  }
tec
execute0_lowered:
.L_overlay_start_1:
0x0: {  	(tag) =	ssettag $0x1  }
0x1: {  	s3 =	rddreg [dreg:$0x2]  }
0x2: {  	s0 =	rddreg [dreg:$0x3]  }
0x3: {  	s1 =	rddreg [dreg:$0x5]  }
0x4: {  	s2 =	srdreg.scid;
	s4 =	stileid.u32  }
0x5: {  	s6 =	simm.s32 $0x0;
	s2 =	sand.u32 $0x1, s2;
	s4 =	sshll.u32 s4, $0x1  }
0x6: {  	[smem:$0x7FF] =	sst s6;
	s5 =	sadd.s32 $0x1C00, s1;
	s9 =	sadd.s32 $0x1E00, s1  }
0x7: {  	s16 =	sadd.s32 $0x18000, s0;
	_ =	strace $0x80000047;
	[dreg:$0x7] =	wrdreg s5  }
0x8: {  	s10 =	sadd.s32 $0x11E00, s1;
	s17 =	sadd.s32 $0x18200, s0;
	[dreg:$0xe] =	wrdreg s16  }
0x9: {  	s18 =	sadd.s32 $0x18400, s0;
	s4 =	sor.u32 s2, s4;
	[dreg:$0xf] =	wrdreg s17  }
0xa: {  	s1 =	sadd.s32 $0xF4000, s3;
	[dreg:$0x10] =	wrdreg s18;
	s8 =	smul.u32 $0x3D000, s4  }
0xb: {  	s2 =	ssub.s32 $0x2, s2;
	[dreg:$0x1d] =	wrdreg s1  }
0xc: {  	s24 =	sshrl.u32 s2, $0x1;
	s30 =	smul.u32 $0x6000, s4;
	s31 =	sadd.s32 $0x3000, s8  }
0xd: {  	s25 =	ssub.s32 s2, s24;
	s15 =	sadd.s32 $0x4000, s8;
	[dreg:$0xa] =	wrdreg s31  }
0xe: {  	s28 =	sshrl.u32 s8, $0x3;
	s8 =	sadd.s32 $0x5000, s8;
	[dreg:$0xb] =	wrdreg s15  }
0xf: {  	s5 =	sshrl.u32 s30, $0x3;
	s20 =	smax.u32 s25, $0x1;
	[dreg:$0xc] =	wrdreg s8  }
0x10: {  	s5 =	sadd.s32 s0, s5;
	s0 =	sadd.s32 $0x18600, s0;
	[dreg:$0x13] =	wrdreg s20  }
0x11: {  	s14 =	sadd.s32 s3, s28;
	[dreg:$0x11] =	wrdreg s0  }
0x12: {  	[dreg:$0x8] =	wrdreg s14  }
0x13: {  	s13 =	sadd.s32 $0xF4280, s14;
	[dreg:$0xd] =	wrdreg s5  }
0x14: {  	s19 =	sadd.s32 $0x1E8500, s14;
	[dreg:$0x9] =	wrdreg s13  }
0x15: {  	s21 =	sadd.s32 $0x2DC780, s14;
	[dreg:$0x12] =	wrdreg s19  }
0x16: {  	s22 =	sadd.s32 $0x1E8700, s14;
	[dreg:$0x14] =	wrdreg s21  }
0x17: {  	s7 =	smul.u32 $0x7A00, s4;
	s23 =	sadd.s32 $0x200, s14;
	[dreg:$0x15] =	wrdreg s22  }
0x18: {  	s24 =	sadd.s32 $0x2DC980, s14;
	[dreg:$0x16] =	wrdreg s23  }
0x19: {  	s26 =	sadd.s32 $0x7A00, s7;
	s25 =	sadd.s32 $0xF4480, s14;
	[dreg:$0x17] =	wrdreg s24  }
0x1a: {  	s12 =	smov.u32 s26;
	v1 =	vmov s26;
	s26 =	sadd.s32 $0x400, s14;
	[dreg:$0x18] =	wrdreg s25  }
0x1b: {  	s28 =	sadd.s32 $0x1E8900, s14;
	[dreg:$0x19] =	wrdreg s26  }
0x1c: {  	s30 =	sadd.s32 $0xF4680, s14;
	[dreg:$0x1a] =	wrdreg s28  }
0x1d: {  	s31 =	sadd.s32 $0x2DCB80, s14;
	[dreg:$0x1b] =	wrdreg s30  }
0x1e: {  	s1 =	simm.s32 $0xF000;
	s2 =	sadd.s32 $0x18700, s5;
	[dreg:$0x1c] =	wrdreg s31  }
0x1f: {  	s11 =	smul.u32 $0xC00, s4;
	s8 =	sadd.s32 $0x49500, s5;
	[dreg:$0x1e] =	wrdreg s2  }
0x20: {  	p0 =	seq.s32 s4, $0x1F;
	s14 =	sadd.s32 $0x31000, s5;
	[smem:$0x7EB] =	sst s8  }
0x21: {  	s29 =	sadd.s32 $0x7800, s7;
	s15 =	sadd.s32 $0x49700, s5;
	[smem:$0x7EE] =	sst s14  }
0x22: {  	v6 =	vimm.s32 $0x3FFFFFFF;
	s12 =	simm.s32 @p0 $0xF4240;
	s16 =	sadd.s32 $0x400, s5;
	[smem:$0x7EF] =	sst s15  }
0x23: {  	v7 =	vimm.s32 $0x0;
	v8 =	vimm.s32 $0x1380;
	vm0 =	vcmask $0x300;
	s17 =	sadd.s32 $0x18B00, s5;
	s18 =	sadd.s32 $0x31200, s5;
	[smem:$0x7F0] =	sst s16  }
0x24: {  	v9 =	vimm.s32 $0x3380;
	vm1 =	vcmask $0x704;
	vm15 =	vcmask $0xB08;
	s20 =	sadd.s32 $0x18D00, s5;
	s0 =	simm.s32 $0x4;
	[smem:$0x7F1] =	sst s17  }
0x25: {  	vm4 =	vcmask $0xF0C;
	vm5 =	vcmask $0x1310;
	s13 =	sadd.s32 $0xC00, s11;
	v0 =	vmov s12;
	s12 =	sadd.s32 $0x200, s5;
	[smem:$0x7F2] =	sst s18  }
0x26: {  	vm6 =	vcmask $0x1714;
	v8 =	vsel vm0, $0x0, v8;
	v9 =	vsel vm0, $0x2000, v9;
	s19 =	sadd.s32 $0x49900, s5;
	s30 =	sadd.s32 $0x600, s5;
	[smem:$0x7F4] =	sst s20  }
0x27: {  	vm7 =	vcmask $0x1B18;
	v8 =	vsel vm1, $0x80, v8;
	v9 =	vsel vm1, $0x2080, v9;
	s21 =	sadd.s32 $0x31400, s5;
	s22 =	sadd.s32 $0x49B00, s5;
	[smem:$0x7EC] =	sst s12  }
0x28: {  	vm8 =	vcmask $0x1F1C;
	v8 =	vsel vm15, $0x100, v8;
	v9 =	vsel vm15, $0x2100, v9;
	s23 =	sadd.s32 $0xA00, s5;
	s24 =	sadd.s32 $0x19100, s5;
	[smem:$0x7F3] =	sst s19  }
0x29: {  	vm9 =	vcmask $0x2320;
	v8 =	vsel vm4, $0x180, v8;
	v9 =	vsel vm4, $0x2180, v9;
	s25 =	sadd.s32 $0x31800, s5;
	s26 =	sadd.s32 $0x49F00, s5;
	[smem:$0x7F5] =	sst s21  }
0x2a: {  	vm10 =	vcmask $0x2724;
	v8 =	vsel vm5, $0x200, v8;
	v9 =	vsel vm5, $0x2200, v9;
	s31 =	sadd.s32 $0x800, s5;
	s28 =	sadd.s32 $0x18F00, s5;
	[smem:$0x7F6] =	sst s22  }
0x2b: {  	vm11 =	vcmask $0x2B28;
	v8 =	vsel vm6, $0x280, v8;
	v9 =	vsel vm6, $0x2280, v9;
	s20 =	sadd.s32 $0x49D00, s5;
	s17 =	simm.s32 $0xD000;
	[smem:$0x7F7] =	sst s23  }
0x2c: {  	vm12 =	vcmask $0x2F2C;
	v8 =	vsel vm7, $0x300, v8;
	v9 =	vsel vm7, $0x2300, v9;
	s16 =	simm.s32 $0x2;
	s14 =	simm.s32 $0x3;
	[smem:$0x7F8] =	sst s24  }
0x2d: {  	vm13 =	vcmask $0x3330;
	v8 =	vsel vm8, $0x380, v8;
	v9 =	vsel vm8, $0x2380, v9;
	s15 =	simm.s32 $0x19800;
	s13 =	simm.s32 @p0 $0x186A0;
	[smem:$0x7F9] =	sst s25  }
0x2e: {  	vm14 =	vcmask $0x3734;
	p0 =	sne.s32 s4, $0x1F;
	s4 =	sadd.s32 $0x30E00, s5;
	[smem:$0x7FA] =	sst s26;
	v8 =	vsel vm9, $0x1000, v8;
	v9 =	vsel vm9, $0x3000, v9  }
0x2f: {  	vm15 =	vcmask $0x3B38;
	[smem:$0x7FB] =	sst s28;
	s19 =	sadd.s32 $0x31600, s5;
	s26 =	simm.s32 $0x5;
	v8 =	vsel vm10, $0x1080, v8;
	v9 =	vsel vm10, $0x3080, v9  }
.Ltmp0:
0x30: {  	v3 =	vmov s7;
	s25 =	simm.s32 $0x8000;
	s12 =	simm.s32 $0xC000;
	v8 =	vsel vm11, $0x1100, v8;
	v9 =	vsel vm11, $0x3100, v9;
	(pc) =	sbr.rel .LBB2_1-.Ltmp0, $4  }
0x31: {  	v5 =	vmov s11;
	s21 =	simm.s32 $0xE000;
	s22 =	simm.s32 $0x10000;
	[smem:$0x7FC] =	sst s30;
	v8 =	vsel vm12, $0x1180, v8;
	v9 =	vsel vm12, $0x3180, v9  }
0x32: {  	v4 =	vmov s29;
	s23 =	simm.s32 $0x10C00;
	s24 =	simm.s32 $0x1;
	[smem:$0x7FD] =	sst s31;
	v8 =	vsel vm13, $0x1200, v8;
	v9 =	vsel vm13, $0x3200, v9  }
0x33: {  	v2 =	vmov s13;
	[dreg:$0x1f] =	wrdreg s4;
	s13 =	sadd.s32 $0x18900, s5;
	s4 =	simm.s32 $0x1A800;
	v10 =	vsel vm14, $0x1280, v8;
	v11 =	vsel vm14, $0x3280, v9  }
0x34: {  	s5 =	simm.s32 $0x0;
	[smem:$0x7ED] =	sst s13;
	s13 =	simm.s32 $0x4000;
	v8 =	vlaneseq.u32;
	v9 =	vsel vm15, $0x1300, v10;
	v10 =	vsel vm15, $0x3300, v11  }
.LBB2_85:
0x35: {  	[sflag:s0] =	ssyncadd.s32 $0xFFFFFFE0  }
.LBB2_86:
0x36: {  	s5 =	sadd.s32 $0x1, s5;
	s2 =	rddreg [dreg:$0x13]  }
0x37: {  	p1 =	sne.s32 s5, s2  }
.Ltmp1:
0x38: {  	_ = 	snop;
	(pc) =	sbr.rel @!p1 .LBB2_87-.Ltmp1, $1  }
0x39: {  	_ =	sdelay $0x3  }
.LBB2_1:
0x3a: {  	[smem:$0x7EA] =	sst s5  }
0x3b: {  	s2 =	rddreg [dreg:$0x0]  }
0x3c: {  	[tilespmem:s6], [sflag:$0x5] =	stream.linear.gather [hbm4b:s2+s6], $0x4000, $0x38;
	[tilespmem:$0x1B800] =	vst v63  }
0x3d: {  	_ =	swait.ge [sflag:s26], $0x4000  }
0x3e: {  	[sflag:s26] =	ssyncset.done $0x0  }
0x3f: {  	[sflag:s26] =	ssyncadd.s32 $0xFFFFC000  }
0x40: {  	s5 =	simm.s32 $0x0;
	[smem:$0x0] =	sst s6  }
0x41: {  	s2 =	simm.s32 $0x4;
	s26 =	simm.s32 $0x0;
	[smem:$0x1] =	sst s6  }
.LBB2_2:
0x42: {  	p1 =	sne.s32 s2, $0xFC  }
0x43: {  	[smem:s5+$0x8] =	sst s26;
	s5 =	smov.u32 s2;
	s2 =	sadd.s32 $0x4, s2  }
.Ltmp2:
0x44: {  	(pc) =	sbr.rel @p1 .LBB2_2-.Ltmp2, $2  }
0x45: {  	_ =	sdelay $0x2  }
0x46: {  	s26 =	simm.s32 $0x0;
	s5 =	sshra.s32 s5, $0x2  }
0x47: {  	[smem:s5+$0x8] =	sst s26;
	s2 =	simm.s32 $0x40;
	s5 =	simm.s32 $0x0  }
.LBB2_4:
0x48: {  	p1 =	sne.s32 s2, $0x2FC0;
	[tilespmem:s5+$0x10000] =	vst v6;
	s5 =	smov.u32 s2;
	s2 =	sadd.s32 $0x40, s2  }
.Ltmp3:
0x49: {  	(pc) =	sbr.rel @p1 .LBB2_4-.Ltmp3, $2  }
0x4a: {  	_ =	sdelay $0x2  }
0x4b: {  	s5 =	sshra.s32 s5, $0x2  }
0x4c: {  	[tilespmem:s5+$0x10000] =	vst v6;
	s2 =	simm.s32 $0x0;
	s8 =	rddreg [dreg:$0x8]  }
0x4d: {  	[tilespmem:s13], [sflag:$0x1] =	stream.linear.gather [hbm4b:s8+s2], $0x1000, $0x38;
	[tilespmem:$0x1B800] =	vst v63  }
0x4e: {  	s18 =	rddreg [dreg:$0x9];
	s8 =	simm.s32 $0x5000  }
0x4f: {  	[tilespmem:s8], [sflag:$0x1] =	stream.linear.gather [hbm4b:s18+s2], $0x1000, $0x38;
	[tilespmem:$0x1B800] =	vst v63  }
0x50: {  	s26 =	rddreg [dreg:$0x12];
	s28 =	simm.s32 $0x6000  }
0x51: {  	[tilespmem:s28], [sflag:$0x1] =	stream.linear.gather [hbm4b:s26+s2], $0x1000, $0x38;
	[tilespmem:$0x1B800] =	vst v63  }
0x52: {  	s30 =	rddreg [dreg:$0x14];
	s31 =	simm.s32 $0x7000  }
0x53: {  	[tilespmem:s31], [sflag:$0x1] =	stream.linear.gather [hbm4b:s30+s2], $0x1000, $0x38;
	[tilespmem:$0x1B800] =	vst v63  }
0x54: {  	s18 =	rddreg [dreg:$0x16]  }
0x55: {  	[tilespmem:s25], [sflag:$0x2] =	stream.linear.gather [hbm4b:s18+s2], $0x1000, $0x38;
	[tilespmem:$0x1B800] =	vst v63  }
0x56: {  	s26 =	rddreg [dreg:$0x18];
	s28 =	simm.s32 $0x9000  }
0x57: {  	[tilespmem:s28], [sflag:$0x2] =	stream.linear.gather [hbm4b:s26+s2], $0x1000, $0x38;
	[tilespmem:$0x1B800] =	vst v63  }
0x58: {  	s30 =	rddreg [dreg:$0x15];
	s31 =	simm.s32 $0xA000  }
0x59: {  	[tilespmem:s31], [sflag:$0x2] =	stream.linear.gather [hbm4b:s30+s2], $0x1000, $0x38;
	[tilespmem:$0x1B800] =	vst v63  }
0x5a: {  	s8 =	rddreg [dreg:$0x17];
	s18 =	simm.s32 $0xB000  }
0x5b: {  	[tilespmem:s18], [sflag:$0x2] =	stream.linear.gather [hbm4b:s8+s2], $0x1000, $0x38;
	[tilespmem:$0x1B800] =	vst v63  }
0x5c: {  	s26 =	rddreg [dreg:$0x19]  }
0x5d: {  	[tilespmem:s12], [sflag:$0x3] =	stream.linear.gather [hbm4b:s26+s2], $0x1000, $0x38;
	[tilespmem:$0x1B800] =	vst v63  }
0x5e: {  	s28 =	rddreg [dreg:$0x1b]  }
0x5f: {  	[tilespmem:s17], [sflag:$0x3] =	stream.linear.gather [hbm4b:s28+s2], $0x1000, $0x38;
	[tilespmem:$0x1B800] =	vst v63  }
.Ltmp4:
0x60: {  	_ = 	snop;
	(pc) =	sbr.rel .LBB2_6-.Ltmp4, $4  }
0x61: {  	s30 =	rddreg [dreg:$0x1a]  }
0x62: {  	[tilespmem:s21], [sflag:$0x3] =	stream.linear.gather [hbm4b:s30+s2], $0x1000, $0x38;
	[tilespmem:$0x1B800] =	vst v63  }
0x63: {  	s31 =	rddreg [dreg:$0x1c]  }
0x64: {  	[tilespmem:s1], [sflag:$0x3] =	stream.linear.gather [hbm4b:s31+s2], $0x1000, $0x38;
	[tilespmem:$0x1B800] =	vst v63  }
.LBB2_8:
0x65: {  	s2 =	sadd.s32 $0x1, s2  }
0x66: {  	p1 =	sne.s32 s2, $0x400  }
.Ltmp5:
0x67: {  	_ = 	snop;
	(pc) =	sbr.rel @!p1 .LBB2_9-.Ltmp5, $2  }
0x68: {  	_ =	sdelay $0x2  }
0x69: {  	s5 =	simm.s32 $0x0  }
.LBB2_6:
0x6a: {  	s5 =	sshll.u32 s2, $0x4  }
0x6b: {  	v11 =	vld [tilespmem:s5+$0x0];
	_ =	sdelay $0x4  }
0x6c: {  	vm0 =	vge.s32 v11, v3;
	vm1 =	vlt.s32 v11, v0  }
0x6d: {  	vm0 =	vmand vm0, vm1  }
0x6e: {  	v12 =	vsel vm0, $0x1, v7  }
0x6f: {  	v13 =	vor.u32 $0x80000000, v12  }
0x70: {  	(xrf0) =	vmax.scan.msk.u32 $0xffff, v13;
	_ =	sdelay $0x5  }
0x71: {  	v13, _, _ =	vpop (xrf0)  }
0x72: {  	(v2sf) =	vpush v13, $0xF;
	_ =	sdelay $0xe  }
0x73: {  	s26 =	spop (v2sf)  }
0x74: {  	p1 =	slt.u32 s26, $0x80000001  }
.Ltmp6:
0x75: {  	_ = 	snop;
	(pc) =	sbr.rel @p1 .LBB2_8-.Ltmp6, $1  }
0x76: {  	_ =	sdelay $0x3  }
.LBB2_7:
0x77: {  	vm0 =	vne.s32 v12, $0x0  }
0x78: {  	v13 =	vmctz.xlane vm0;
	_ =	sdelay $0x1  }
0x79: {  	vm0 =	veq.s32 v13, v8  }
0x7a: {  	v14 =	vnsel vm0, $0x0, v11  }
0x7b: {  	(xrf0) =	vadd.scan.msk.s32 $0xffff, v14;
	_ =	sdelay $0x4  }
0x7c: {  	v13 =	vxor.u32 $0x80000000, v13;
	v12 =	vsel vm0, $0x0, v12  }
0x7d: {  	v14, _, _ =	vpop (xrf0);
	(xrf0) =	vmax.scan.msk.u32 $0xffff, v13;
	v13 =	vor.u32 $0x80000000, v12  }
0x7e: {  	(v2sf) =	vpush v14, $0xF;
	(xrf0) =	vmax.scan.msk.u32 $0xffff, v13;
	_ =	sdelay $0x4  }
0x7f: {  	v13, _, _ =	vpop (xrf0)  }
0x80: {  	(v2sf) =	vpush v13, $0xF;
	v13, _, _ =	vpop (xrf0)  }
0x81: {  	(v2sf) =	vpush v13, $0xF;
	_ =	sdelay $0x7  }
0x82: {  	s26 =	spop (v2sf)  }
0x83: {  	s26 =	ssub.s32 s26, s7  }
0x84: {  	s26 =	sshra.s32 s26, $0x9  }
0x85: {  	s28 =	sld [smem:s26+$0x8]  }
0x86: {  	s30 =	smul.u32 $0x30, s26;
	_ =	sdelay $0x1  }
0x87: {  	s30 =	sadd.s32 s28, s30;
	s31 =	spop (v2sf)  }
0x88: {  	v13 =	vmov s30;
	s30 =	sadd.s32 s31, s5;
	s31 =	spop (v2sf)  }
0x89: {  	p1 =	sgt.u32 s31, $0x80000000  }
.Ltmp7:
0x8a: {  	_ = 	snop;
	(pc) =	sbr.rel @p1 .LBB2_7-.Ltmp7, $4  }
0x8b: {  	v14 =	vbroadcast v14, $0xF  }
0x8c: {  	s30 =	sadd.s32 $0x80000000, s30  }
0x8d: {  	s28 =	sadd.s32 $0x1, s28;
	[tilespmem:v13+s22+$0x0] =	vst.idx.msk $0x1, v14;
	v14 =	vmov s30  }
0x8e: {  	[smem:s26+$0x8] =	sst s28;
	[tilespmem:v13+s23+$0x0] =	vst.idx.msk $0x1, v14  }
.Ltmp8:
0x8f: {  	_ = 	snop;
	(pc) =	sbr.rel .LBB2_8-.Ltmp8, $1  }
0x90: {  	_ =	sdelay $0x3  }
.LBB2_22:
0x91: {  	s8 =	rddreg [dreg:$0xc]  }
0x92: {  	s2 =	sadd.s32 s2, s8  }
0x93: {  	s2 =	sshrl.u32 s2, $0x3  }
0x94: {  	s2 =	sadd.s32 s3, s2  }
0x95: {  	[tilespmem:s12], [sflag:$0x3] =	stream.linear.gather [hbm4b:s2+s6], $0x1000, $0x38;
	[tilespmem:$0x1B800] =	vst v63  }
0x96: {  	s30 =	sadd.s32 $0xF4280, s2  }
0x97: {  	[tilespmem:s17], [sflag:$0x3] =	stream.linear.gather [hbm4b:s30+s6], $0x1000, $0x38;
	[tilespmem:$0x1B800] =	vst v63  }
0x98: {  	s31 =	sadd.s32 $0x1E8500, s2  }
0x99: {  	[tilespmem:s21], [sflag:$0x3] =	stream.linear.gather [hbm4b:s31+s6], $0x1000, $0x38;
	[tilespmem:$0x1B800] =	vst v63  }
0x9a: {  	s5 =	sadd.s32 $0x1, s5;
	s2 =	sadd.s32 $0x2DC780, s2  }
0x9b: {  	[tilespmem:s1], [sflag:$0x3] =	stream.linear.gather [hbm4b:s2+s6], $0x1000, $0x38;
	[tilespmem:$0x1B800] =	vst v63  }
.LBB2_9:
0x9c: {  	s26 =	smul.u32 $0x600, s5  }
.Ltmp9:
0x9d: {  	_ = 	snop;
	(pc) =	sbr.rel .LBB2_10-.Ltmp9, $4  }
0x9e: {  	s28 =	sshrl.u32 s26, $0x9  }
0x9f: {  	_ =	swait.ge [sflag:s24], $0x4000;
	s2 =	sadd.s32 s7, s26;
	s28 =	smul.u32 $0x30, s28  }
0xa0: {  	[sflag:s24] =	ssyncset.done $0x0;
	s30 =	sadd.s32 $0x200, s2  }
0xa1: {  	[sflag:s24] =	ssyncadd.s32 $0xFFFFC000;
	v11 =	vmov s2;
	v12 =	vmov s30;
	v13 =	vmov s28;
	s28 =	simm.s32 $0x0  }
.LBB2_12:
0xa2: {  	s28 =	sadd.s32 $0x1, s28  }
0xa3: {  	p1 =	sne.s32 s28, $0x3  }
.Ltmp10:
0xa4: {  	_ = 	snop;
	(pc) =	sbr.rel @!p1 .LBB2_13-.Ltmp10, $1  }
0xa5: {  	_ =	sdelay $0x3  }
.LBB2_10:
0xa6: {  	_ =	sdelay $0x2  }
0xa7: {  	s30 =	sshll.u32 s28, $0x4  }
0xa8: {  	v14 =	vld.idx.msk [tilespmem:v13+s30+$0x10000 ss:$0x1], $0xffff;
	_ =	sdelay $0x4  }
0xa9: {  	vm0 =	vge.s32 v14, v11;
	vm1 =	vlt.s32 v14, v12  }
0xaa: {  	vm0 =	vmand vm0, vm1  }
0xab: {  	v15 =	vsel vm0, $0x1, v7  }
0xac: {  	v16 =	vor.u32 $0x80000000, v15  }
0xad: {  	(xrf0) =	vmax.scan.msk.u32 $0xffff, v16;
	_ =	sdelay $0x5  }
0xae: {  	v16, _, _ =	vpop (xrf0)  }
0xaf: {  	(v2sf) =	vpush v16, $0xF;
	_ =	sdelay $0xe  }
0xb0: {  	s31 =	spop (v2sf)  }
0xb1: {  	p1 =	slt.u32 s31, $0x80000001  }
.Ltmp11:
0xb2: {  	_ = 	snop;
	(pc) =	sbr.rel @p1 .LBB2_12-.Ltmp11, $2  }
0xb3: {  	_ =	sdelay $0x2  }
0xb4: {  	v16 =	vld.idx.msk [tilespmem:v13+s30+$0x10C00 ss:$0x1], $0xffff  }
.LBB2_11:
0xb5: {  	vm0 =	vne.s32 v15, $0x0  }
0xb6: {  	v17 =	vmctz.xlane vm0;
	_ =	sdelay $0x1  }
0xb7: {  	vm0 =	veq.s32 v17, v8  }
0xb8: {  	v17 =	vnsel vm0, $0x0, v14  }
0xb9: {  	(xrf0) =	vadd.scan.msk.s32 $0xffff, v17;
	_ =	sdelay $0x5  }
0xba: {  	v17, _, _ =	vpop (xrf0)  }
0xbb: {  	(v2sf) =	vpush v17, $0xF;
	_ =	sdelay $0x5  }
0xbc: {  	v17 =	vnsel vm0, $0x0, v16  }
0xbd: {  	(xrf0) =	vadd.scan.msk.s32 $0xffff, v17;
	_ =	sdelay $0x1  }
0xbe: {  	v15 =	vsel vm0, $0x0, v15  }
0xbf: {  	v17 =	vor.u32 $0x80000000, v15;
	_ =	sdelay $0x1  }
0xc0: {  	(xrf0) =	vmax.scan.msk.u32 $0xffff, v17  }
0xc1: {  	v17, _, _ =	vpop (xrf0)  }
0xc2: {  	(v2sf) =	vpush v17, $0xF  }
0xc3: {  	s30 =	spop (v2sf)  }
0xc4: {  	s30 =	ssub.s32 s30, s2  }
0xc5: {  	v17 =	vmov s30  }
0xc6: {  	v19, _, _ =	vpop (xrf0);
	v18 =	vshll.u32 v17, $0x3  }
0xc7: {  	(v2sf) =	vpush v19, $0xF;
	v17 =	vand.u32 $0x7F, v17;
	v18 =	vand.u32 $0xFFFFFC00, v18  }
0xc8: {  	v17 =	vor.u32 v17, v18  }
0xc9: {  	v18 =	vadd.s32 v9, v17  }
0xca: {  	v17 =	vadd.s32 v10, v17;
	_ =	sdelay $0x3  }
0xcb: {  	s18 =	sld [smem:$0x1];
	v18 =	vld.idx.msk [tilespmem:v18+s13+$0x0], $0xffff  }
0xcc: {  	v17 =	vld.idx.msk [tilespmem:v17+s13+$0x0], $0xffff;
	_ =	sdelay $0x1  }
0xcd: {  	s8 =	sshll.u32 s18, $0x7;
	s31 =	spop (v2sf)  }
0xce: {  	s8 =	sshra.s32 s8, $0x2;
	s31 =	sshll.u32 s31, $0x2  }
0xcf: {  	s31 =	sand.u32 $0x1FFFFFFC, s31;
	[tilespmem:s8+$0x11800] =	vst v18  }
0xd0: {  	s31 =	sadd.s32 s9, s31;
	[tilespmem:s8+$0x11810] =	vst v17;
	s8 =	sadd.s32 $0x11800, s8  }
0xd1: {  	[hbm4b:s31+s6] =	stream.linear.scatter [tilespmem:s8], [sflag:$0x4], $0x20, $0x38;
	[tilespmem:$0x1B800] =	vst v63  }
0xd2: {  	s31 =	spop (v2sf)  }
0xd3: {  	p1 =	sgt.u32 s31, $0x80000000  }
.Ltmp12:
0xd4: {  	_ = 	snop;
	(pc) =	sbr.rel @p1 .LBB2_11-.Ltmp12, $3  }
0xd5: {  	_ =	sdelay $0x1  }
0xd6: {  	s30 =	sadd.s32 $0x1, s18  }
0xd7: {  	[smem:$0x1] =	sst s30  }
.Ltmp13:
0xd8: {  	_ = 	snop;
	(pc) =	sbr.rel .LBB2_12-.Ltmp13, $1  }
0xd9: {  	_ =	sdelay $0x3  }
.LBB2_13:
0xda: {  	s2 =	smul.u32 $0x3000, s5  }
0xdb: {  	s8 =	rddreg [dreg:$0xa]  }
0xdc: {  	s8 =	sadd.s32 s2, s8  }
0xdd: {  	s8 =	sshrl.u32 s8, $0x3  }
0xde: {  	s28 =	simm.s32 $0x0;
	s8 =	sadd.s32 s3, s8  }
0xdf: {  	[tilespmem:s13], [sflag:$0x1] =	stream.linear.gather [hbm4b:s8+s28], $0x1000, $0x38;
	[tilespmem:$0x1B800] =	vst v63  }
0xe0: {  	s18 =	simm.s32 $0x5000;
	s30 =	sadd.s32 $0xF4280, s8  }
0xe1: {  	[tilespmem:s18], [sflag:$0x1] =	stream.linear.gather [hbm4b:s30+s28], $0x1000, $0x38;
	[tilespmem:$0x1B800] =	vst v63  }
0xe2: {  	s31 =	simm.s32 $0x6000;
	s30 =	sadd.s32 $0x1E8500, s8  }
0xe3: {  	[tilespmem:s31], [sflag:$0x1] =	stream.linear.gather [hbm4b:s30+s28], $0x1000, $0x38;
	[tilespmem:$0x1B800] =	vst v63  }
0xe4: {  	s8 =	sadd.s32 $0x2DC780, s8;
	s31 =	simm.s32 $0x7000  }
0xe5: {  	[tilespmem:s31], [sflag:$0x1] =	stream.linear.gather [hbm4b:s8+s28], $0x1000, $0x38;
	[tilespmem:$0x1B800] =	vst v63  }
.Ltmp14:
0xe6: {  	s18 =	sadd.s32 $0x200, s26;
	(pc) =	sbr.rel .LBB2_14-.Ltmp14, $4  }
0xe7: {  	s31 =	sshrl.u32 s18, $0x9  }
0xe8: {  	s30 =	sadd.s32 s7, s18;
	_ =	swait.ge [sflag:s16], $0x4000;
	s8 =	smul.u32 $0x30, s31  }
0xe9: {  	s18 =	sadd.s32 $0x200, s30;
	[sflag:s16] =	ssyncset.done $0x0  }
0xea: {  	v11 =	vmov s30;
	v12 =	vmov s18;
	[sflag:s16] =	ssyncadd.s32 $0xFFFFC000;
	v13 =	vmov s8  }
.LBB2_16:
0xeb: {  	s28 =	sadd.s32 $0x1, s28  }
0xec: {  	p1 =	sne.s32 s28, $0x3  }
.Ltmp15:
0xed: {  	_ = 	snop;
	(pc) =	sbr.rel @!p1 .LBB2_17-.Ltmp15, $1  }
0xee: {  	_ =	sdelay $0x3  }
.LBB2_14:
0xef: {  	_ =	sdelay $0x2  }
0xf0: {  	s8 =	sshll.u32 s28, $0x4  }
0xf1: {  	v14 =	vld.idx.msk [tilespmem:v13+s8+$0x10000 ss:$0x1], $0xffff;
	_ =	sdelay $0x4  }
0xf2: {  	vm0 =	vge.s32 v14, v11;
	vm1 =	vlt.s32 v14, v12  }
0xf3: {  	vm0 =	vmand vm0, vm1  }
0xf4: {  	v15 =	vsel vm0, $0x1, v7  }
0xf5: {  	v16 =	vor.u32 $0x80000000, v15  }
0xf6: {  	(xrf0) =	vmax.scan.msk.u32 $0xffff, v16;
	_ =	sdelay $0x5  }
0xf7: {  	v16, _, _ =	vpop (xrf0)  }
0xf8: {  	(v2sf) =	vpush v16, $0xF;
	_ =	sdelay $0xe  }
0xf9: {  	s31 =	spop (v2sf)  }
0xfa: {  	p1 =	slt.u32 s31, $0x80000001  }
.Ltmp16:
0xfb: {  	_ = 	snop;
	(pc) =	sbr.rel @p1 .LBB2_16-.Ltmp16, $2  }
0xfc: {  	_ =	sdelay $0x2  }
0xfd: {  	v16 =	vld.idx.msk [tilespmem:v13+s8+$0x10C00 ss:$0x1], $0xffff  }
.LBB2_15:
0xfe: {  	vm0 =	vne.s32 v15, $0x0  }
0xff: {  	v17 =	vmctz.xlane vm0;
	_ =	sdelay $0x1  }
0x100: {  	vm0 =	veq.s32 v17, v8  }
0x101: {  	v17 =	vnsel vm0, $0x0, v14  }
0x102: {  	(xrf0) =	vadd.scan.msk.s32 $0xffff, v17;
	_ =	sdelay $0x5  }
0x103: {  	v17, _, _ =	vpop (xrf0)  }
0x104: {  	(v2sf) =	vpush v17, $0xF;
	_ =	sdelay $0x5  }
0x105: {  	v17 =	vnsel vm0, $0x0, v16  }
0x106: {  	(xrf0) =	vadd.scan.msk.s32 $0xffff, v17;
	_ =	sdelay $0x1  }
0x107: {  	v15 =	vsel vm0, $0x0, v15  }
0x108: {  	v17 =	vor.u32 $0x80000000, v15;
	_ =	sdelay $0x1  }
0x109: {  	(xrf0) =	vmax.scan.msk.u32 $0xffff, v17  }
0x10a: {  	v17, _, _ =	vpop (xrf0)  }
0x10b: {  	(v2sf) =	vpush v17, $0xF  }
0x10c: {  	s8 =	spop (v2sf)  }
0x10d: {  	s8 =	ssub.s32 s8, s30  }
0x10e: {  	v17 =	vmov s8  }
0x10f: {  	v19, _, _ =	vpop (xrf0);
	v18 =	vshll.u32 v17, $0x3  }
0x110: {  	(v2sf) =	vpush v19, $0xF;
	v17 =	vand.u32 $0x7F, v17;
	v18 =	vand.u32 $0xFFFFFC00, v18  }
0x111: {  	v17 =	vor.u32 v17, v18  }
0x112: {  	v18 =	vadd.s32 v9, v17  }
0x113: {  	v17 =	vadd.s32 v10, v17;
	_ =	sdelay $0x3  }
0x114: {  	s8 =	sld [smem:$0x1];
	v18 =	vld.idx.msk [tilespmem:v18+s25+$0x0], $0xffff  }
0x115: {  	v17 =	vld.idx.msk [tilespmem:v17+s25+$0x0], $0xffff;
	_ =	sdelay $0x1  }
0x116: {  	s18 =	sshll.u32 s8, $0x7;
	s31 =	spop (v2sf)  }
0x117: {  	s18 =	sshra.s32 s18, $0x2;
	s31 =	sshll.u32 s31, $0x2  }
0x118: {  	s31 =	sand.u32 $0x1FFFFFFC, s31;
	[tilespmem:s18+$0x11800] =	vst v18  }
0x119: {  	s31 =	sadd.s32 s9, s31;
	[tilespmem:s18+$0x11810] =	vst v17;
	s18 =	sadd.s32 $0x11800, s18  }
0x11a: {  	[hbm4b:s31+s6] =	stream.linear.scatter [tilespmem:s18], [sflag:$0x4], $0x20, $0x38;
	[tilespmem:$0x1B800] =	vst v63  }
0x11b: {  	s31 =	spop (v2sf)  }
0x11c: {  	p1 =	sgt.u32 s31, $0x80000000  }
.Ltmp17:
0x11d: {  	_ = 	snop;
	(pc) =	sbr.rel @p1 .LBB2_15-.Ltmp17, $3  }
0x11e: {  	_ =	sdelay $0x1  }
0x11f: {  	s8 =	sadd.s32 $0x1, s8  }
0x120: {  	[smem:$0x1] =	sst s8  }
.Ltmp18:
0x121: {  	_ = 	snop;
	(pc) =	sbr.rel .LBB2_16-.Ltmp18, $1  }
0x122: {  	_ =	sdelay $0x3  }
.LBB2_17:
0x123: {  	p1 =	seq.s32 s5, $0x13;
	s8 =	rddreg [dreg:$0xb]  }
0x124: {  	s8 =	sadd.s32 @!p1 s2, s8  }
0x125: {  	s8 =	sshrl.u32 @!p1 s8, $0x3  }
0x126: {  	s18 =	simm.s32 @!p1 $0x0;
	s28 =	simm.s32 @!p1 $0x8000;
	s8 =	sadd.s32 @!p1 s3, s8  }
0x127: {  	[tilespmem:s28], [sflag:$0x2] =	stream.linear.gather @!p1 [hbm4b:s8+s18], $0x1000, $0x38;
	[tilespmem:$0x1B800] =	vst v63  }
0x128: {  	s30 =	simm.s32 @!p1 $0x9000;
	s28 =	sadd.s32 @!p1 $0xF4280, s8  }
0x129: {  	[tilespmem:s30], [sflag:$0x2] =	stream.linear.gather @!p1 [hbm4b:s28+s18], $0x1000, $0x38;
	[tilespmem:$0x1B800] =	vst v63  }
0x12a: {  	s28 =	sadd.s32 @!p1 $0x1E8500, s8;
	s30 =	simm.s32 @!p1 $0xA000  }
0x12b: {  	[tilespmem:s30], [sflag:$0x2] =	stream.linear.gather @!p1 [hbm4b:s28+s18], $0x1000, $0x38;
	[tilespmem:$0x1B800] =	vst v63  }
0x12c: {  	s8 =	sadd.s32 @!p1 $0x2DC780, s8;
	s30 =	sadd.s32 $0x400, s26  }
.Ltmp19:
0x12d: {  	s28 =	simm.s32 @!p1 $0xB000;
	s31 =	sshrl.u32 s30, $0x9;
	(pc) =	sbr.rel .LBB2_18-.Ltmp19, $4  }
0x12e: {  	[tilespmem:s28], [sflag:$0x2] =	stream.linear.gather @!p1 [hbm4b:s8+s18], $0x1000, $0x38;
	[tilespmem:$0x1B800] =	vst v63  }
0x12f: {  	s26 =	sadd.s32 s7, s30;
	s30 =	smul.u32 $0x30, s31;
	_ =	swait.ge [sflag:s14], $0x4000  }
0x130: {  	s31 =	sadd.s32 $0x200, s26;
	[sflag:s14] =	ssyncset.done $0x0  }
0x131: {  	v11 =	vmov s26;
	s28 =	simm.s32 $0x0;
	v12 =	vmov s31;
	v13 =	vmov s30;
	[sflag:s14] =	ssyncadd.s32 $0xFFFFC000  }
.LBB2_20:
0x132: {  	s28 =	sadd.s32 $0x1, s28  }
0x133: {  	p2 =	sne.s32 s28, $0x3  }
.Ltmp20:
0x134: {  	_ = 	snop;
	(pc) =	sbr.rel @!p2 .LBB2_21-.Ltmp20, $1  }
0x135: {  	_ =	sdelay $0x3  }
.LBB2_18:
0x136: {  	_ =	sdelay $0x2  }
0x137: {  	s8 =	sshll.u32 s28, $0x4  }
0x138: {  	v14 =	vld.idx.msk [tilespmem:v13+s8+$0x10000 ss:$0x1], $0xffff;
	_ =	sdelay $0x4  }
0x139: {  	vm0 =	vge.s32 v14, v11;
	vm1 =	vlt.s32 v14, v12  }
0x13a: {  	vm0 =	vmand vm0, vm1  }
0x13b: {  	v15 =	vsel vm0, $0x1, v7  }
0x13c: {  	v16 =	vor.u32 $0x80000000, v15  }
0x13d: {  	(xrf0) =	vmax.scan.msk.u32 $0xffff, v16;
	_ =	sdelay $0x5  }
0x13e: {  	v16, _, _ =	vpop (xrf0)  }
0x13f: {  	(v2sf) =	vpush v16, $0xF;
	_ =	sdelay $0xe  }
0x140: {  	s18 =	spop (v2sf)  }
0x141: {  	p2 =	slt.u32 s18, $0x80000001  }
.Ltmp21:
0x142: {  	_ = 	snop;
	(pc) =	sbr.rel @p2 .LBB2_20-.Ltmp21, $2  }
0x143: {  	_ =	sdelay $0x2  }
0x144: {  	v16 =	vld.idx.msk [tilespmem:v13+s8+$0x10C00 ss:$0x1], $0xffff  }
.LBB2_19:
0x145: {  	vm0 =	vne.s32 v15, $0x0  }
0x146: {  	v17 =	vmctz.xlane vm0;
	_ =	sdelay $0x1  }
0x147: {  	vm0 =	veq.s32 v17, v8  }
0x148: {  	v17 =	vnsel vm0, $0x0, v14  }
0x149: {  	(xrf0) =	vadd.scan.msk.s32 $0xffff, v17;
	_ =	sdelay $0x5  }
0x14a: {  	v17, _, _ =	vpop (xrf0)  }
0x14b: {  	(v2sf) =	vpush v17, $0xF;
	_ =	sdelay $0x5  }
0x14c: {  	v15 =	vsel vm0, $0x0, v15;
	v17 =	vnsel vm0, $0x0, v16  }
0x14d: {  	(xrf0) =	vadd.scan.msk.s32 $0xffff, v17;
	v17 =	vor.u32 $0x80000000, v15  }
0x14e: {  	(xrf0) =	vmax.scan.msk.u32 $0xffff, v17;
	_ =	sdelay $0x4  }
0x14f: {  	v17, _, _ =	vpop (xrf0)  }
0x150: {  	(v2sf) =	vpush v17, $0xF;
	v19, _, _ =	vpop (xrf0)  }
0x151: {  	s8 =	spop (v2sf);
	(v2sf) =	vpush v19, $0xF;
	_ =	sdelay $0x3  }
0x152: {  	s8 =	ssub.s32 s8, s26  }
0x153: {  	v17 =	vmov s8  }
0x154: {  	v18 =	vshll.u32 v17, $0x3  }
0x155: {  	v17 =	vand.u32 $0x7F, v17;
	v18 =	vand.u32 $0xFFFFFC00, v18  }
0x156: {  	v17 =	vor.u32 v17, v18  }
0x157: {  	v18 =	vadd.s32 v9, v17  }
0x158: {  	v17 =	vadd.s32 v10, v17;
	_ =	sdelay $0x3  }
0x159: {  	s8 =	sld [smem:$0x1];
	s18 =	spop (v2sf);
	v18 =	vld.idx.msk [tilespmem:v18+s12+$0x0], $0xffff  }
0x15a: {  	v17 =	vld.idx.msk [tilespmem:v17+s12+$0x0], $0xffff;
	s31 =	spop (v2sf)  }
0x15b: {  	p2 =	sgt.u32 s31, $0x80000000  }
.Ltmp22:
0x15c: {  	s30 =	sshll.u32 s8, $0x7;
	(pc) =	sbr.rel @p2 .LBB2_19-.Ltmp22, $4  }
0x15d: {  	s30 =	sshra.s32 s30, $0x2;
	s18 =	sshll.u32 s18, $0x2  }
0x15e: {  	s8 =	sadd.s32 $0x1, s8;
	s18 =	sand.u32 $0x1FFFFFFC, s18;
	[tilespmem:s30+$0x11800] =	vst v18  }
0x15f: {  	[smem:$0x1] =	sst s8;
	s18 =	sadd.s32 s9, s18;
	[tilespmem:s30+$0x11810] =	vst v17;
	s30 =	sadd.s32 $0x11800, s30  }
0x160: {  	[hbm4b:s18+s6] =	stream.linear.scatter [tilespmem:s30], [sflag:$0x4], $0x20, $0x38;
	[tilespmem:$0x1B800] =	vst v63  }
.Ltmp23:
0x161: {  	_ = 	snop;
	(pc) =	sbr.rel .LBB2_20-.Ltmp23, $1  }
0x162: {  	_ =	sdelay $0x3  }
.LBB2_21:
.Ltmp24:
0x163: {  	(pc) =	sbr.rel @!p1 .LBB2_22-.Ltmp24, $1  }
0x164: {  	_ =	sdelay $0x3  }
.Ltmp25:
0x165: {  	(pc) =	sbr.rel .LBB2_24-.Ltmp25, $4  }
0x166: {  	_ = 	snop  }
0x167: {  	_ =	swait.ge [sflag:s24], $0x4000  }
0x168: {  	s2 =	simm.s32 $0x0;
	[sflag:s24] =	ssyncset.done $0x0  }
0x169: {  	s26 =	simm.s32 $0x5;
	s30 =	sld [smem:$0x7FC];
	[sflag:s24] =	ssyncadd.s32 $0xFFFFC000  }
.LBB2_26:
0x16a: {  	s2 =	sadd.s32 $0x1, s2  }
0x16b: {  	p1 =	sne.s32 s2, $0x3  }
.Ltmp26:
0x16c: {  	_ = 	snop;
	(pc) =	sbr.rel @!p1 .LBB2_27-.Ltmp26, $1  }
0x16d: {  	_ =	sdelay $0x3  }
.LBB2_24:
0x16e: {  	s5 =	sshll.u32 s2, $0x4  }
0x16f: {  	v11 =	vld [tilespmem:s5+$0x10B40];
	_ =	sdelay $0x4  }
0x170: {  	vm0 =	vge.s32 v11, v4;
	vm1 =	vlt.s32 v11, v1  }
0x171: {  	vm0 =	vmand vm0, vm1  }
0x172: {  	v12 =	vsel vm0, $0x1, v7  }
0x173: {  	v13 =	vor.u32 $0x80000000, v12  }
0x174: {  	(xrf0) =	vmax.scan.msk.u32 $0xffff, v13;
	_ =	sdelay $0x5  }
0x175: {  	v13, _, _ =	vpop (xrf0)  }
0x176: {  	(v2sf) =	vpush v13, $0xF;
	_ =	sdelay $0xe  }
0x177: {  	s8 =	spop (v2sf)  }
0x178: {  	p1 =	slt.u32 s8, $0x80000001  }
.Ltmp27:
0x179: {  	_ = 	snop;
	(pc) =	sbr.rel @p1 .LBB2_26-.Ltmp27, $2  }
0x17a: {  	_ =	sdelay $0x2  }
0x17b: {  	v13 =	vld [tilespmem:s5+$0x11740]  }
.LBB2_25:
0x17c: {  	vm0 =	vne.s32 v12, $0x0  }
0x17d: {  	v14 =	vmctz.xlane vm0;
	_ =	sdelay $0x1  }
0x17e: {  	vm0 =	veq.s32 v14, v8  }
0x17f: {  	v14 =	vnsel vm0, $0x0, v11  }
0x180: {  	(xrf0) =	vadd.scan.msk.s32 $0xffff, v14;
	_ =	sdelay $0x5  }
0x181: {  	v14, _, _ =	vpop (xrf0)  }
0x182: {  	(v2sf) =	vpush v14, $0xF;
	_ =	sdelay $0x5  }
0x183: {  	v12 =	vsel vm0, $0x0, v12;
	v14 =	vnsel vm0, $0x0, v13  }
0x184: {  	(xrf0) =	vadd.scan.msk.s32 $0xffff, v14;
	v14 =	vor.u32 $0x80000000, v12  }
0x185: {  	(xrf0) =	vmax.scan.msk.u32 $0xffff, v14;
	_ =	sdelay $0x4  }
0x186: {  	v14, _, _ =	vpop (xrf0)  }
0x187: {  	(v2sf) =	vpush v14, $0xF;
	v16, _, _ =	vpop (xrf0)  }
0x188: {  	s5 =	spop (v2sf);
	(v2sf) =	vpush v16, $0xF;
	_ =	sdelay $0x3  }
0x189: {  	s5 =	ssub.s32 s5, s29  }
0x18a: {  	v14 =	vmov s5  }
0x18b: {  	v15 =	vshll.u32 v14, $0x3  }
0x18c: {  	v14 =	vand.u32 $0x7F, v14;
	v15 =	vand.u32 $0xFFFFFC00, v15  }
0x18d: {  	v14 =	vor.u32 v14, v15  }
0x18e: {  	v15 =	vadd.s32 v9, v14  }
0x18f: {  	v14 =	vadd.s32 v10, v14;
	_ =	sdelay $0x3  }
0x190: {  	s28 =	sld [smem:$0x1];
	s8 =	spop (v2sf);
	v15 =	vld.idx.msk [tilespmem:v15+s13+$0x0], $0xffff  }
0x191: {  	v14 =	vld.idx.msk [tilespmem:v14+s13+$0x0], $0xffff;
	s31 =	spop (v2sf)  }
0x192: {  	p1 =	sgt.u32 s31, $0x80000000  }
.Ltmp28:
0x193: {  	s18 =	sshll.u32 s28, $0x7;
	(pc) =	sbr.rel @p1 .LBB2_25-.Ltmp28, $4  }
0x194: {  	s18 =	sshra.s32 s18, $0x2;
	s8 =	sshll.u32 s8, $0x2  }
0x195: {  	s5 =	sadd.s32 $0x1, s28;
	s8 =	sand.u32 $0x1FFFFFFC, s8;
	[tilespmem:s18+$0x11800] =	vst v15  }
0x196: {  	[smem:$0x1] =	sst s5;
	s8 =	sadd.s32 s9, s8;
	[tilespmem:s18+$0x11810] =	vst v14;
	s18 =	sadd.s32 $0x11800, s18  }
0x197: {  	[hbm4b:s8+s6] =	stream.linear.scatter [tilespmem:s18], [sflag:$0x4], $0x20, $0x38;
	[tilespmem:$0x1B800] =	vst v63  }
.Ltmp29:
0x198: {  	_ = 	snop;
	(pc) =	sbr.rel .LBB2_26-.Ltmp29, $1  }
0x199: {  	_ =	sdelay $0x3  }
.LBB2_27:
.Ltmp30:
0x19a: {  	(pc) =	sbr.rel @p0 .LBB2_36-.Ltmp30, $2  }
0x19b: {  	_ =	sdelay $0x2  }
0x19c: {  	s31 =	sld [smem:$0x7FD]  }
0x19d: {  	s2 =	rddreg [dreg:$0x1d]  }
.Ltmp31:
0x19e: {  	s5 =	simm.s32 $0x1000;
	s8 =	simm.s32 $0x7A1400;
	(pc) =	sbr.rel .LBB2_29-.Ltmp31, $4  }
0x19f: {  	[tilespmem:s13], [sflag:$0x5] =	stream.strided.gather [hbm4b:s2+s5], $0x4000, s8, s5, $0x38;
	[tilespmem:$0x1B800] =	vst v63  }
0x1a0: {  	_ =	swait.ge [sflag:s26], $0x4000  }
0x1a1: {  	[sflag:s26] =	ssyncset.done $0x0  }
0x1a2: {  	s2 =	simm.s32 $0x0;
	[sflag:s26] =	ssyncadd.s32 $0xFFFFC000  }
.LBB2_31:
0x1a3: {  	s2 =	sadd.s32 $0x1, s2  }
0x1a4: {  	p1 =	sne.s32 s2, $0x3  }
.Ltmp32:
0x1a5: {  	_ = 	snop;
	(pc) =	sbr.rel @!p1 .LBB2_32-.Ltmp32, $1  }
0x1a6: {  	_ =	sdelay $0x3  }
.LBB2_29:
0x1a7: {  	s5 =	sshll.u32 s2, $0x4  }
0x1a8: {  	v11 =	vld [tilespmem:s5+$0x10B70];
	_ =	sdelay $0x4  }
0x1a9: {  	v12 =	vand.u32 $0xFFFFFE00, v11  }
0x1aa: {  	vm0 =	veq.s32 v12, $0xF4000  }
0x1ab: {  	v12 =	vsel vm0, $0x1, v7  }
0x1ac: {  	v13 =	vor.u32 $0x80000000, v12  }
0x1ad: {  	(xrf0) =	vmax.scan.msk.u32 $0xffff, v13;
	_ =	sdelay $0x5  }
0x1ae: {  	v13, _, _ =	vpop (xrf0)  }
0x1af: {  	(v2sf) =	vpush v13, $0xF;
	_ =	sdelay $0xe  }
0x1b0: {  	s8 =	spop (v2sf)  }
0x1b1: {  	p1 =	slt.u32 s8, $0x80000001  }
.Ltmp33:
0x1b2: {  	_ = 	snop;
	(pc) =	sbr.rel @p1 .LBB2_31-.Ltmp33, $2  }
0x1b3: {  	_ =	sdelay $0x2  }
0x1b4: {  	v13 =	vld [tilespmem:s5+$0x11770]  }
.LBB2_30:
0x1b5: {  	vm0 =	vne.s32 v12, $0x0  }
0x1b6: {  	v14 =	vmctz.xlane vm0;
	_ =	sdelay $0x1  }
0x1b7: {  	vm0 =	veq.s32 v14, v8  }
0x1b8: {  	v14 =	vnsel vm0, $0x0, v11  }
0x1b9: {  	(xrf0) =	vadd.scan.msk.s32 $0xffff, v14;
	_ =	sdelay $0x5  }
0x1ba: {  	v14, _, _ =	vpop (xrf0)  }
0x1bb: {  	(v2sf) =	vpush v14, $0xF;
	_ =	sdelay $0x5  }
0x1bc: {  	v12 =	vsel vm0, $0x0, v12;
	v14 =	vnsel vm0, $0x0, v13  }
0x1bd: {  	(xrf0) =	vadd.scan.msk.s32 $0xffff, v14;
	v14 =	vor.u32 $0x80000000, v12  }
0x1be: {  	(xrf0) =	vmax.scan.msk.u32 $0xffff, v14;
	_ =	sdelay $0x4  }
0x1bf: {  	v14, _, _ =	vpop (xrf0)  }
0x1c0: {  	(v2sf) =	vpush v14, $0xF;
	v16, _, _ =	vpop (xrf0)  }
0x1c1: {  	s5 =	spop (v2sf);
	(v2sf) =	vpush v16, $0xF;
	_ =	sdelay $0x3  }
0x1c2: {  	s5 =	sadd.s32 $0xFFF0C000, s5  }
0x1c3: {  	v14 =	vmov s5  }
0x1c4: {  	v15 =	vshll.u32 v14, $0x3  }
0x1c5: {  	v14 =	vand.u32 $0x7F, v14;
	v15 =	vand.u32 $0xFFFFFC00, v15  }
0x1c6: {  	v14 =	vor.u32 v14, v15  }
0x1c7: {  	v15 =	vadd.s32 v9, v14  }
0x1c8: {  	v14 =	vadd.s32 v10, v14;
	_ =	sdelay $0x3  }
0x1c9: {  	s5 =	sld [smem:$0x1];
	s8 =	spop (v2sf);
	v15 =	vld.idx.msk [tilespmem:v15+s13+$0x0], $0xffff  }
0x1ca: {  	v14 =	vld.idx.msk [tilespmem:v14+s13+$0x0], $0xffff;
	s28 =	spop (v2sf)  }
0x1cb: {  	p1 =	sgt.u32 s28, $0x80000000  }
.Ltmp34:
0x1cc: {  	s18 =	sshll.u32 s5, $0x7;
	(pc) =	sbr.rel @p1 .LBB2_30-.Ltmp34, $4  }
0x1cd: {  	s18 =	sshra.s32 s18, $0x2;
	s8 =	sshll.u32 s8, $0x2  }
0x1ce: {  	s5 =	sadd.s32 $0x1, s5;
	s8 =	sand.u32 $0x1FFFFFFC, s8;
	[tilespmem:s18+$0x11800] =	vst v15  }
0x1cf: {  	[smem:$0x1] =	sst s5;
	s8 =	sadd.s32 s9, s8;
	[tilespmem:s18+$0x11810] =	vst v14;
	s18 =	sadd.s32 $0x11800, s18  }
0x1d0: {  	[hbm4b:s8+s6] =	stream.linear.scatter [tilespmem:s18], [sflag:$0x4], $0x20, $0x38;
	[tilespmem:$0x1B800] =	vst v63  }
.Ltmp35:
0x1d1: {  	_ = 	snop;
	(pc) =	sbr.rel .LBB2_31-.Ltmp35, $1  }
0x1d2: {  	_ =	sdelay $0x3  }
.LBB2_32:
.Ltmp36:
0x1d3: {  	s2 =	simm.s32 $0x0;
	s5 =	rddreg [dreg:$0x4];
	(pc) =	sbr.rel .LBB2_33-.Ltmp36, $4  }
0x1d4: {  	[tilespmem:s15], [sflag:$0x5] =	stream.linear.gather [hbm4b:s5+s2], $0x1000, $0x38;
	[tilespmem:$0x1B800] =	vst v63  }
0x1d5: {  	_ =	swait.ge [sflag:s26], $0x1000  }
0x1d6: {  	[sflag:s26] =	ssyncset.done $0x0  }
0x1d7: {  	[sflag:s26] =	ssyncadd.s32 $0xFFFFF000  }
.LBB2_35:
0x1d8: {  	s2 =	sadd.s32 $0x1, s2  }
0x1d9: {  	p1 =	sne.s32 s2, $0x3  }
.Ltmp37:
0x1da: {  	_ = 	snop;
	(pc) =	sbr.rel @!p1 .LBB2_36-.Ltmp37, $1  }
0x1db: {  	_ =	sdelay $0x3  }
.LBB2_33:
0x1dc: {  	s5 =	sshll.u32 s2, $0x4  }
0x1dd: {  	v11 =	vld [tilespmem:s5+$0x10BA0];
	_ =	sdelay $0x4  }
0x1de: {  	v12 =	vand.u32 $0xFFFFFFC0, v11  }
0x1df: {  	vm0 =	veq.s32 v12, $0xF4200  }
0x1e0: {  	v12 =	vsel vm0, $0x1, v7  }
0x1e1: {  	v13 =	vor.u32 $0x80000000, v12  }
0x1e2: {  	(xrf0) =	vmax.scan.msk.u32 $0xffff, v13;
	_ =	sdelay $0x5  }
0x1e3: {  	v13, _, _ =	vpop (xrf0)  }
0x1e4: {  	(v2sf) =	vpush v13, $0xF;
	_ =	sdelay $0xe  }
0x1e5: {  	s8 =	spop (v2sf)  }
0x1e6: {  	p1 =	slt.u32 s8, $0x80000001  }
.Ltmp38:
0x1e7: {  	_ = 	snop;
	(pc) =	sbr.rel @p1 .LBB2_35-.Ltmp38, $2  }
0x1e8: {  	_ =	sdelay $0x2  }
0x1e9: {  	v13 =	vld [tilespmem:s5+$0x117A0]  }
.LBB2_34:
0x1ea: {  	vm0 =	vne.s32 v12, $0x0  }
0x1eb: {  	v14 =	vmctz.xlane vm0;
	_ =	sdelay $0x1  }
0x1ec: {  	vm0 =	veq.s32 v14, v8  }
0x1ed: {  	v14 =	vnsel vm0, $0x0, v11  }
0x1ee: {  	(xrf0) =	vadd.scan.msk.s32 $0xffff, v14;
	_ =	sdelay $0x5  }
0x1ef: {  	v14, _, _ =	vpop (xrf0)  }
0x1f0: {  	(v2sf) =	vpush v14, $0xF;
	_ =	sdelay $0x5  }
0x1f1: {  	v12 =	vsel vm0, $0x0, v12;
	v14 =	vnsel vm0, $0x0, v13  }
0x1f2: {  	(xrf0) =	vadd.scan.msk.s32 $0xffff, v14;
	v14 =	vor.u32 $0x80000000, v12  }
0x1f3: {  	(xrf0) =	vmax.scan.msk.u32 $0xffff, v14;
	_ =	sdelay $0x4  }
0x1f4: {  	v14, _, _ =	vpop (xrf0)  }
0x1f5: {  	(v2sf) =	vpush v14, $0xF;
	v14, _, _ =	vpop (xrf0)  }
0x1f6: {  	s5 =	spop (v2sf);
	(v2sf) =	vpush v14, $0xF;
	_ =	sdelay $0x6  }
0x1f7: {  	v15 =	vmul.u32 $0x80, v8  }
0x1f8: {  	s5 =	sadd.s32 $0xFFF0BE00, s5  }
0x1f9: {  	v14 =	vadd.s32 s5, v15;
	v15 =	vor.u32 $0x800, v15  }
0x1fa: {  	v15 =	vadd.s32 s5, v15;
	_ =	sdelay $0x3  }
0x1fb: {  	s5 =	sld [smem:$0x1];
	v14 =	vld.idx.msk [tilespmem:v14+s15+$0x0], $0xffff;
	s8 =	spop (v2sf)  }
0x1fc: {  	v15 =	vld.idx.msk [tilespmem:v15+s15+$0x0], $0xffff;
	s28 =	spop (v2sf)  }
0x1fd: {  	p1 =	sgt.u32 s28, $0x80000000  }
.Ltmp39:
0x1fe: {  	s18 =	sshll.u32 s5, $0x7;
	(pc) =	sbr.rel @p1 .LBB2_34-.Ltmp39, $4  }
0x1ff: {  	s18 =	sshra.s32 s18, $0x2;
	s8 =	sshll.u32 s8, $0x2  }
0x200: {  	s5 =	sadd.s32 $0x1, s5;
	s8 =	sand.u32 $0x1FFFFFFC, s8;
	[tilespmem:s18+$0x11800] =	vst v14  }
0x201: {  	[smem:$0x1] =	sst s5;
	s8 =	sadd.s32 s9, s8;
	[tilespmem:s18+$0x11810] =	vst v15;
	s18 =	sadd.s32 $0x11800, s18  }
0x202: {  	[hbm4b:s8+s6] =	stream.linear.scatter [tilespmem:s18], [sflag:$0x4], $0x20, $0x38;
	[tilespmem:$0x1B800] =	vst v63  }
.Ltmp40:
0x203: {  	_ = 	snop;
	(pc) =	sbr.rel .LBB2_35-.Ltmp40, $1  }
0x204: {  	_ =	sdelay $0x3  }
.LBB2_36:
0x205: {  	s2 =	sld [smem:$0x1];
	_ =	sdelay $0x2  }
0x206: {  	p1 =	slt.s32 s2, $0x1  }
.Ltmp41:
0x207: {  	_ = 	snop;
	(pc) =	sbr.rel @p1 .LBB2_40-.Ltmp41, $1  }
0x208: {  	_ =	sdelay $0x3  }
0x209: {  	p1 =	sne.s32 s2, $0x1  }
.Ltmp42:
0x20a: {  	_ = 	snop;
	(pc) =	sbr.rel @!p1 .LBB2_39-.Ltmp42, $3  }
0x20b: {  	_ =	sdelay $0x1  }
0x20c: {  	_ =	swait.ge [sflag:s0], $0x20  }
0x20d: {  	s2 =	sadd.s32 $0xFFFFFFFF, s2;
	[sflag:s0] =	ssyncset.done $0x0  }
.LBB2_38:
0x20e: {  	p1 =	sne.s32 s2, $0x1;
	s2 =	sadd.s32 $0xFFFFFFFF, s2;
	[sflag:s0] =	ssyncadd.s32 $0xFFFFFFE0  }
.Ltmp43:
0x20f: {  	(pc) =	sbr.rel @p1 .LBB2_38-.Ltmp43, $3  }
0x210: {  	_ =	sdelay $0x1  }
0x211: {  	_ =	swait.ge [sflag:s0], $0x20  }
0x212: {  	[sflag:s0] =	ssyncset.done $0x0  }
.LBB2_39:
0x213: {  	[sflag:s0] =	ssyncadd.s32 $0xFFFFFFE0  }
.LBB2_40:
0x214: {  	s2 =	simm.s32 $0x0;
	s5 =	rddreg [dreg:$0x1]  }
0x215: {  	[tilespmem:s2], [sflag:$0x5] =	stream.linear.gather [hbm4b:s5+s2], $0x4000, $0x38;
	[tilespmem:$0x1B800] =	vst v63  }
0x216: {  	_ =	swait.ge [sflag:s26], $0x4000  }
0x217: {  	[sflag:s26] =	ssyncset.done $0x0  }
0x218: {  	[sflag:s26] =	ssyncadd.s32 $0xFFFFC000  }
0x219: {  	[smem:$0x0] =	sst s2  }
0x21a: {  	[smem:$0x8] =	sst s2  }
0x21b: {  	[smem:$0x1] =	sst s2  }
0x21c: {  	[smem:$0x9] =	sst s2  }
0x21d: {  	[smem:$0xA] =	sst s2  }
0x21e: {  	[smem:$0xB] =	sst s2  }
0x21f: {  	[smem:$0xC] =	sst s2  }
0x220: {  	[smem:$0xD] =	sst s2  }
0x221: {  	[smem:$0xE] =	sst s2  }
0x222: {  	[smem:$0xF] =	sst s2  }
0x223: {  	[smem:$0x10] =	sst s2  }
0x224: {  	s5 =	simm.s32 $0x0;
	[smem:$0x11] =	sst s2;
	s2 =	simm.s32 $0x40  }
.LBB2_41:
0x225: {  	p1 =	sne.s32 s2, $0x18C0;
	[tilespmem:s5+$0x10000] =	vst v6;
	s5 =	smov.u32 s2;
	s2 =	sadd.s32 $0x40, s2  }
.Ltmp44:
0x226: {  	(pc) =	sbr.rel @p1 .LBB2_41-.Ltmp44, $2  }
0x227: {  	_ =	sdelay $0x2  }
0x228: {  	s5 =	sshra.s32 s5, $0x2  }
0x229: {  	s26 =	rddreg [dreg:$0xd]  }
0x22a: {  	[tilespmem:s5+$0x10000] =	vst v6;
	s2 =	simm.s32 $0x0;
	s28 =	rddreg [dreg:$0x1e]  }
0x22b: {  	[tilespmem:s13], [sflag:$0x1] =	stream.linear.gather [hbm4b:s26+s2], $0x1000, $0x38;
	[tilespmem:$0x1B800] =	vst v63  }
0x22c: {  	s8 =	simm.s32 $0x5000;
	s26 =	sld [smem:$0x7EB]  }
0x22d: {  	[tilespmem:s8], [sflag:$0x1] =	stream.linear.gather [hbm4b:s28+s2], $0x1000, $0x38;
	[tilespmem:$0x1B800] =	vst v63  }
0x22e: {  	s18 =	simm.s32 $0x6000;
	s8 =	rddreg [dreg:$0x1f]  }
0x22f: {  	[tilespmem:s18], [sflag:$0x1] =	stream.linear.gather [hbm4b:s8+s2], $0x1000, $0x38;
	[tilespmem:$0x1B800] =	vst v63  }
0x230: {  	s28 =	simm.s32 $0x7000;
	s18 =	sld [smem:$0x7EC]  }
0x231: {  	[tilespmem:s28], [sflag:$0x1] =	stream.linear.gather [hbm4b:s26+s2], $0x1000, $0x38;
	[tilespmem:$0x1B800] =	vst v63  }
0x232: {  	s26 =	sld [smem:$0x7ED]  }
0x233: {  	[tilespmem:s25], [sflag:$0x2] =	stream.linear.gather [hbm4b:s18+s2], $0x1000, $0x38;
	[tilespmem:$0x1B800] =	vst v63  }
0x234: {  	s8 =	sld [smem:$0x7EE];
	s28 =	simm.s32 $0x9000  }
0x235: {  	[tilespmem:s28], [sflag:$0x2] =	stream.linear.gather [hbm4b:s26+s2], $0x1000, $0x38;
	[tilespmem:$0x1B800] =	vst v63  }
0x236: {  	s18 =	simm.s32 $0xA000;
	s26 =	sld [smem:$0x7EF]  }
0x237: {  	[tilespmem:s18], [sflag:$0x2] =	stream.linear.gather [hbm4b:s8+s2], $0x1000, $0x38;
	[tilespmem:$0x1B800] =	vst v63  }
0x238: {  	s28 =	simm.s32 $0xB000;
	s8 =	sld [smem:$0x7F0]  }
0x239: {  	[tilespmem:s28], [sflag:$0x2] =	stream.linear.gather [hbm4b:s26+s2], $0x1000, $0x38;
	[tilespmem:$0x1B800] =	vst v63  }
0x23a: {  	s18 =	sld [smem:$0x7F1]  }
0x23b: {  	[tilespmem:s12], [sflag:$0x3] =	stream.linear.gather [hbm4b:s8+s2], $0x1000, $0x38;
	[tilespmem:$0x1B800] =	vst v63  }
0x23c: {  	s26 =	sld [smem:$0x7F2]  }
0x23d: {  	[tilespmem:s17], [sflag:$0x3] =	stream.linear.gather [hbm4b:s18+s2], $0x1000, $0x38;
	[tilespmem:$0x1B800] =	vst v63  }
.Ltmp45:
0x23e: {  	_ = 	snop;
	(pc) =	sbr.rel .LBB2_43-.Ltmp45, $4  }
0x23f: {  	s28 =	sld [smem:$0x7F3]  }
0x240: {  	[tilespmem:s21], [sflag:$0x3] =	stream.linear.gather [hbm4b:s26+s2], $0x1000, $0x38;
	[tilespmem:$0x1B800] =	vst v63  }
0x241: {  	_ = 	snop  }
0x242: {  	[tilespmem:s1], [sflag:$0x3] =	stream.linear.gather [hbm4b:s28+s2], $0x1000, $0x38;
	[tilespmem:$0x1B800] =	vst v63  }
.LBB2_45:
0x243: {  	s2 =	sadd.s32 $0x1, s2  }
0x244: {  	p1 =	sne.s32 s2, $0x400  }
.Ltmp46:
0x245: {  	_ = 	snop;
	(pc) =	sbr.rel @!p1 .LBB2_46-.Ltmp46, $1  }
0x246: {  	_ =	sdelay $0x3  }
.LBB2_43:
0x247: {  	s5 =	sshll.u32 s2, $0x4  }
0x248: {  	v11 =	vld [tilespmem:s5+$0x0];
	_ =	sdelay $0x4  }
0x249: {  	vm0 =	vge.s32 v11, v5;
	vm1 =	vlt.s32 v11, v2  }
0x24a: {  	vm0 =	vmand vm0, vm1  }
0x24b: {  	v12 =	vsel vm0, $0x1, v7  }
0x24c: {  	v13 =	vor.u32 $0x80000000, v12  }
0x24d: {  	(xrf0) =	vmax.scan.msk.u32 $0xffff, v13;
	_ =	sdelay $0x5  }
0x24e: {  	v13, _, _ =	vpop (xrf0)  }
0x24f: {  	(v2sf) =	vpush v13, $0xF;
	_ =	sdelay $0xe  }
0x250: {  	s8 =	spop (v2sf)  }
0x251: {  	p1 =	slt.u32 s8, $0x80000001  }
.Ltmp47:
0x252: {  	_ = 	snop;
	(pc) =	sbr.rel @p1 .LBB2_45-.Ltmp47, $1  }
0x253: {  	_ =	sdelay $0x3  }
.LBB2_44:
0x254: {  	vm0 =	vne.s32 v12, $0x0  }
0x255: {  	v13 =	vmctz.xlane vm0;
	_ =	sdelay $0x1  }
0x256: {  	vm0 =	veq.s32 v13, v8  }
0x257: {  	v14 =	vnsel vm0, $0x0, v11  }
0x258: {  	(xrf0) =	vadd.scan.msk.s32 $0xffff, v14;
	_ =	sdelay $0x4  }
0x259: {  	v13 =	vxor.u32 $0x80000000, v13;
	v12 =	vsel vm0, $0x0, v12  }
0x25a: {  	v14, _, _ =	vpop (xrf0);
	(xrf0) =	vmax.scan.msk.u32 $0xffff, v13;
	v13 =	vor.u32 $0x80000000, v12  }
0x25b: {  	(v2sf) =	vpush v14, $0xF;
	(xrf0) =	vmax.scan.msk.u32 $0xffff, v13;
	_ =	sdelay $0x4  }
0x25c: {  	v13, _, _ =	vpop (xrf0)  }
0x25d: {  	(v2sf) =	vpush v13, $0xF;
	v13, _, _ =	vpop (xrf0)  }
0x25e: {  	(v2sf) =	vpush v13, $0xF;
	_ =	sdelay $0x7  }
0x25f: {  	s8 =	spop (v2sf)  }
0x260: {  	s8 =	ssub.s32 s8, s11  }
0x261: {  	s8 =	sshra.s32 s8, $0x9  }
0x262: {  	s18 =	sld [smem:s8+$0x8]  }
0x263: {  	s26 =	smul.u32 $0xA0, s8;
	_ =	sdelay $0x1  }
0x264: {  	s26 =	sadd.s32 s18, s26;
	s28 =	spop (v2sf)  }
0x265: {  	v13 =	vmov s26;
	s26 =	sadd.s32 s28, s5;
	s28 =	spop (v2sf)  }
0x266: {  	p1 =	sgt.u32 s28, $0x80000000  }
.Ltmp48:
0x267: {  	_ = 	snop;
	(pc) =	sbr.rel @p1 .LBB2_44-.Ltmp48, $4  }
0x268: {  	v14 =	vbroadcast v14, $0xF  }
0x269: {  	s26 =	sadd.s32 $0x80000000, s26  }
0x26a: {  	s18 =	sadd.s32 $0x1, s18;
	[tilespmem:v13+s22+$0x0] =	vst.idx.msk $0x1, v14;
	v14 =	vmov s26  }
0x26b: {  	[smem:s8+$0x8] =	sst s18;
	[tilespmem:v13+s23+$0x0] =	vst.idx.msk $0x1, v14  }
.Ltmp49:
0x26c: {  	_ = 	snop;
	(pc) =	sbr.rel .LBB2_45-.Ltmp49, $1  }
0x26d: {  	_ =	sdelay $0x3  }
.LBB2_46:
0x26e: {  	s2 =	simm.s32 $0x0;
	p1 =	por $0x1, $0x1  }
.LBB2_47:
.Ltmp50:
0x26f: {  	(pc) =	sbr.rel .LBB2_48-.Ltmp50, $4  }
0x270: {  	s8 =	sshrl.u32 s2, $0x9  }
0x271: {  	_ =	swait.ge [sflag:s24], $0x4000;
	s5 =	sadd.s32 s11, s2;
	s8 =	smul.u32 $0xA0, s8  }
0x272: {  	[sflag:s24] =	ssyncset.done $0x0;
	s18 =	sadd.s32 $0x200, s5  }
0x273: {  	s26 =	simm.s32 $0x0;
	v11 =	vmov s5;
	[sflag:s24] =	ssyncadd.s32 $0xFFFFC000;
	v12 =	vmov s18;
	v13 =	vmov s8  }
.LBB2_50:
0x274: {  	s26 =	sadd.s32 $0x1, s26  }
0x275: {  	p2 =	sne.s32 s26, $0xA  }
.Ltmp51:
0x276: {  	_ = 	snop;
	(pc) =	sbr.rel @!p2 .LBB2_51-.Ltmp51, $1  }
0x277: {  	_ =	sdelay $0x3  }
.LBB2_48:
0x278: {  	_ =	sdelay $0x2  }
0x279: {  	s8 =	sshll.u32 s26, $0x4  }
0x27a: {  	v14 =	vld.idx.msk [tilespmem:v13+s8+$0x10000 ss:$0x1], $0xffff;
	_ =	sdelay $0x4  }
0x27b: {  	vm0 =	vge.s32 v14, v11;
	vm1 =	vlt.s32 v14, v12  }
0x27c: {  	vm0 =	vmand vm0, vm1  }
0x27d: {  	v15 =	vsel vm0, $0x1, v7  }
0x27e: {  	v16 =	vor.u32 $0x80000000, v15  }
0x27f: {  	(xrf0) =	vmax.scan.msk.u32 $0xffff, v16;
	_ =	sdelay $0x5  }
0x280: {  	v16, _, _ =	vpop (xrf0)  }
0x281: {  	(v2sf) =	vpush v16, $0xF;
	_ =	sdelay $0xe  }
0x282: {  	s18 =	spop (v2sf)  }
0x283: {  	p2 =	slt.u32 s18, $0x80000001  }
.Ltmp52:
0x284: {  	_ = 	snop;
	(pc) =	sbr.rel @p2 .LBB2_50-.Ltmp52, $2  }
0x285: {  	_ =	sdelay $0x2  }
0x286: {  	v16 =	vld.idx.msk [tilespmem:v13+s8+$0x10C00 ss:$0x1], $0xffff  }
.LBB2_49:
0x287: {  	vm0 =	vne.s32 v15, $0x0  }
0x288: {  	v17 =	vmctz.xlane vm0;
	_ =	sdelay $0x1  }
0x289: {  	vm0 =	veq.s32 v17, v8  }
0x28a: {  	v17 =	vnsel vm0, $0x0, v14  }
0x28b: {  	(xrf0) =	vadd.scan.msk.s32 $0xffff, v17;
	_ =	sdelay $0x5  }
0x28c: {  	v17, _, _ =	vpop (xrf0)  }
0x28d: {  	(v2sf) =	vpush v17, $0xF;
	_ =	sdelay $0x5  }
0x28e: {  	v17 =	vnsel vm0, $0x0, v16  }
0x28f: {  	(xrf0) =	vadd.scan.msk.s32 $0xffff, v17;
	_ =	sdelay $0x1  }
0x290: {  	v15 =	vsel vm0, $0x0, v15  }
0x291: {  	v17 =	vor.u32 $0x80000000, v15;
	_ =	sdelay $0x1  }
0x292: {  	(xrf0) =	vmax.scan.msk.u32 $0xffff, v17  }
0x293: {  	v17, _, _ =	vpop (xrf0)  }
0x294: {  	(v2sf) =	vpush v17, $0xF  }
0x295: {  	s8 =	spop (v2sf)  }
0x296: {  	s8 =	ssub.s32 s8, s5  }
0x297: {  	v17 =	vmov s8  }
0x298: {  	v19, _, _ =	vpop (xrf0);
	v18 =	vshll.u32 v17, $0x3  }
0x299: {  	(v2sf) =	vpush v19, $0xF;
	v17 =	vand.u32 $0x7F, v17;
	v18 =	vand.u32 $0xFFFFFC00, v18  }
0x29a: {  	v17 =	vor.u32 v17, v18  }
0x29b: {  	v18 =	vadd.s32 v9, v17  }
0x29c: {  	v17 =	vadd.s32 v10, v17;
	_ =	sdelay $0x3  }
0x29d: {  	s8 =	sld [smem:$0x1];
	v18 =	vld.idx.msk [tilespmem:v18+s13+$0x0], $0xffff  }
0x29e: {  	v17 =	vld.idx.msk [tilespmem:v17+s13+$0x0], $0xffff;
	_ =	sdelay $0x1  }
0x29f: {  	s28 =	sshll.u32 s8, $0x7;
	s18 =	spop (v2sf)  }
0x2a0: {  	s28 =	sshra.s32 s28, $0x2;
	s18 =	sshll.u32 s18, $0x2  }
0x2a1: {  	s18 =	sand.u32 $0x1FFFFFFC, s18;
	[tilespmem:s28+$0x11800] =	vst v18  }
0x2a2: {  	s18 =	sadd.s32 s10, s18;
	[tilespmem:s28+$0x11810] =	vst v17;
	s28 =	sadd.s32 $0x11800, s28  }
0x2a3: {  	[hbm4b:s18+s6] =	stream.linear.scatter [tilespmem:s28], [sflag:$0x4], $0x20, $0x38;
	[tilespmem:$0x1B800] =	vst v63  }
0x2a4: {  	s28 =	spop (v2sf)  }
0x2a5: {  	p2 =	sgt.u32 s28, $0x80000000  }
.Ltmp53:
0x2a6: {  	_ = 	snop;
	(pc) =	sbr.rel @p2 .LBB2_49-.Ltmp53, $3  }
0x2a7: {  	_ =	sdelay $0x1  }
0x2a8: {  	s8 =	sadd.s32 $0x1, s8  }
0x2a9: {  	[smem:$0x1] =	sst s8  }
.Ltmp54:
0x2aa: {  	_ = 	snop;
	(pc) =	sbr.rel .LBB2_50-.Ltmp54, $1  }
0x2ab: {  	_ =	sdelay $0x3  }
.LBB2_51:
0x2ac: {  	s5 =	simm.s32 @p1 $0x0;
	s8 =	simm.s32 @p1 $0x4000;
	s18 =	sld [smem:$0x7F4]  }
0x2ad: {  	[tilespmem:s8], [sflag:$0x1] =	stream.linear.gather @p1 [hbm4b:s30+s5], $0x1000, $0x38;
	[tilespmem:$0x1B800] =	vst v63  }
0x2ae: {  	s8 =	simm.s32 @p1 $0x5000  }
0x2af: {  	[tilespmem:s8], [sflag:$0x1] =	stream.linear.gather @p1 [hbm4b:s18+s5], $0x1000, $0x38;
	[tilespmem:$0x1B800] =	vst v63  }
0x2b0: {  	s18 =	sld [smem:$0x7F5];
	_ =	sdelay $0x1  }
0x2b1: {  	s8 =	simm.s32 @p1 $0x6000  }
0x2b2: {  	[tilespmem:s8], [sflag:$0x1] =	stream.linear.gather @p1 [hbm4b:s18+s5], $0x1000, $0x38;
	[tilespmem:$0x1B800] =	vst v63  }
0x2b3: {  	s18 =	sld [smem:$0x7F6];
	_ =	sdelay $0x1  }
0x2b4: {  	s8 =	simm.s32 @p1 $0x7000  }
0x2b5: {  	[tilespmem:s8], [sflag:$0x1] =	stream.linear.gather @p1 [hbm4b:s18+s5], $0x1000, $0x38;
	[tilespmem:$0x1B800] =	vst v63  }
.Ltmp55:
0x2b6: {  	s18 =	sadd.s32 $0x200, s2;
	(pc) =	sbr.rel .LBB2_52-.Ltmp55, $4  }
0x2b7: {  	s26 =	sshrl.u32 s18, $0x9  }
0x2b8: {  	_ =	swait.ge [sflag:s16], $0x4000;
	s5 =	sadd.s32 s11, s18;
	s8 =	smul.u32 $0xA0, s26  }
0x2b9: {  	[sflag:s16] =	ssyncset.done $0x0;
	s28 =	sadd.s32 $0x200, s5  }
0x2ba: {  	v11 =	vmov s5;
	s26 =	simm.s32 $0x0;
	[sflag:s16] =	ssyncadd.s32 $0xFFFFC000;
	v12 =	vmov s28;
	v13 =	vmov s8  }
.LBB2_54:
0x2bb: {  	s26 =	sadd.s32 $0x1, s26  }
0x2bc: {  	p2 =	sne.s32 s26, $0xA  }
.Ltmp56:
0x2bd: {  	_ = 	snop;
	(pc) =	sbr.rel @!p2 .LBB2_55-.Ltmp56, $1  }
0x2be: {  	_ =	sdelay $0x3  }
.LBB2_52:
0x2bf: {  	_ =	sdelay $0x2  }
0x2c0: {  	s8 =	sshll.u32 s26, $0x4  }
0x2c1: {  	v14 =	vld.idx.msk [tilespmem:v13+s8+$0x10000 ss:$0x1], $0xffff;
	_ =	sdelay $0x4  }
0x2c2: {  	vm0 =	vge.s32 v14, v11;
	vm1 =	vlt.s32 v14, v12  }
0x2c3: {  	vm0 =	vmand vm0, vm1  }
0x2c4: {  	v15 =	vsel vm0, $0x1, v7  }
0x2c5: {  	v16 =	vor.u32 $0x80000000, v15  }
0x2c6: {  	(xrf0) =	vmax.scan.msk.u32 $0xffff, v16;
	_ =	sdelay $0x5  }
0x2c7: {  	v16, _, _ =	vpop (xrf0)  }
0x2c8: {  	(v2sf) =	vpush v16, $0xF;
	_ =	sdelay $0xe  }
0x2c9: {  	s18 =	spop (v2sf)  }
0x2ca: {  	p2 =	slt.u32 s18, $0x80000001  }
.Ltmp57:
0x2cb: {  	_ = 	snop;
	(pc) =	sbr.rel @p2 .LBB2_54-.Ltmp57, $2  }
0x2cc: {  	_ =	sdelay $0x2  }
0x2cd: {  	v16 =	vld.idx.msk [tilespmem:v13+s8+$0x10C00 ss:$0x1], $0xffff  }
.LBB2_53:
0x2ce: {  	vm0 =	vne.s32 v15, $0x0  }
0x2cf: {  	v17 =	vmctz.xlane vm0;
	_ =	sdelay $0x1  }
0x2d0: {  	vm0 =	veq.s32 v17, v8  }
0x2d1: {  	v17 =	vnsel vm0, $0x0, v14  }
0x2d2: {  	(xrf0) =	vadd.scan.msk.s32 $0xffff, v17;
	_ =	sdelay $0x5  }
0x2d3: {  	v17, _, _ =	vpop (xrf0)  }
0x2d4: {  	(v2sf) =	vpush v17, $0xF;
	_ =	sdelay $0x5  }
0x2d5: {  	v17 =	vnsel vm0, $0x0, v16  }
0x2d6: {  	(xrf0) =	vadd.scan.msk.s32 $0xffff, v17;
	_ =	sdelay $0x1  }
0x2d7: {  	v15 =	vsel vm0, $0x0, v15  }
0x2d8: {  	v17 =	vor.u32 $0x80000000, v15;
	_ =	sdelay $0x1  }
0x2d9: {  	(xrf0) =	vmax.scan.msk.u32 $0xffff, v17  }
0x2da: {  	v17, _, _ =	vpop (xrf0)  }
0x2db: {  	(v2sf) =	vpush v17, $0xF  }
0x2dc: {  	s8 =	spop (v2sf)  }
0x2dd: {  	s8 =	ssub.s32 s8, s5  }
0x2de: {  	v17 =	vmov s8  }
0x2df: {  	v19, _, _ =	vpop (xrf0);
	v18 =	vshll.u32 v17, $0x3  }
0x2e0: {  	(v2sf) =	vpush v19, $0xF;
	v17 =	vand.u32 $0x7F, v17;
	v18 =	vand.u32 $0xFFFFFC00, v18  }
0x2e1: {  	v17 =	vor.u32 v17, v18  }
0x2e2: {  	v18 =	vadd.s32 v9, v17  }
0x2e3: {  	v17 =	vadd.s32 v10, v17;
	_ =	sdelay $0x3  }
0x2e4: {  	s8 =	sld [smem:$0x1];
	v18 =	vld.idx.msk [tilespmem:v18+s25+$0x0], $0xffff  }
0x2e5: {  	v17 =	vld.idx.msk [tilespmem:v17+s25+$0x0], $0xffff;
	_ =	sdelay $0x1  }
0x2e6: {  	s28 =	sshll.u32 s8, $0x7;
	s18 =	spop (v2sf)  }
0x2e7: {  	s28 =	sshra.s32 s28, $0x2;
	s18 =	sshll.u32 s18, $0x2  }
0x2e8: {  	s18 =	sand.u32 $0x1FFFFFFC, s18;
	[tilespmem:s28+$0x11800] =	vst v18  }
0x2e9: {  	s18 =	sadd.s32 s10, s18;
	[tilespmem:s28+$0x11810] =	vst v17;
	s28 =	sadd.s32 $0x11800, s28  }
0x2ea: {  	[hbm4b:s18+s6] =	stream.linear.scatter [tilespmem:s28], [sflag:$0x4], $0x20, $0x38;
	[tilespmem:$0x1B800] =	vst v63  }
0x2eb: {  	s28 =	spop (v2sf)  }
0x2ec: {  	p2 =	sgt.u32 s28, $0x80000000  }
.Ltmp58:
0x2ed: {  	_ = 	snop;
	(pc) =	sbr.rel @p2 .LBB2_53-.Ltmp58, $3  }
0x2ee: {  	_ =	sdelay $0x1  }
0x2ef: {  	s8 =	sadd.s32 $0x1, s8  }
0x2f0: {  	[smem:$0x1] =	sst s8  }
.Ltmp59:
0x2f1: {  	_ = 	snop;
	(pc) =	sbr.rel .LBB2_54-.Ltmp59, $1  }
0x2f2: {  	_ =	sdelay $0x3  }
.LBB2_55:
0x2f3: {  	s5 =	simm.s32 @p1 $0x0;
	s8 =	simm.s32 @p1 $0x8000;
	s18 =	sld [smem:$0x7FB]  }
0x2f4: {  	[tilespmem:s8], [sflag:$0x2] =	stream.linear.gather @p1 [hbm4b:s31+s5], $0x1000, $0x38;
	[tilespmem:$0x1B800] =	vst v63  }
0x2f5: {  	s8 =	simm.s32 @p1 $0x9000  }
0x2f6: {  	[tilespmem:s8], [sflag:$0x2] =	stream.linear.gather @p1 [hbm4b:s18+s5], $0x1000, $0x38;
	[tilespmem:$0x1B800] =	vst v63  }
0x2f7: {  	s2 =	sadd.s32 $0x400, s2;
	s8 =	simm.s32 @p1 $0xA000  }
0x2f8: {  	[tilespmem:s8], [sflag:$0x2] =	stream.linear.gather @p1 [hbm4b:s19+s5], $0x1000, $0x38;
	[tilespmem:$0x1B800] =	vst v63  }
.Ltmp60:
0x2f9: {  	s18 =	sshrl.u32 s2, $0x9;
	s8 =	simm.s32 @p1 $0xB000;
	(pc) =	sbr.rel .LBB2_56-.Ltmp60, $4  }
0x2fa: {  	[tilespmem:s8], [sflag:$0x2] =	stream.linear.gather @p1 [hbm4b:s20+s5], $0x1000, $0x38;
	[tilespmem:$0x1B800] =	vst v63  }
0x2fb: {  	s2 =	sadd.s32 s11, s2;
	s26 =	smul.u32 $0xA0, s18;
	_ =	swait.ge [sflag:s14], $0x4000  }
0x2fc: {  	s28 =	sadd.s32 $0x200, s2;
	[sflag:s14] =	ssyncset.done $0x0  }
0x2fd: {  	v11 =	vmov s2;
	v12 =	vmov s28;
	v13 =	vmov s26;
	s5 =	simm.s32 $0x0;
	[sflag:s14] =	ssyncadd.s32 $0xFFFFC000  }
.LBB2_58:
0x2fe: {  	s5 =	sadd.s32 $0x1, s5  }
0x2ff: {  	p2 =	sne.s32 s5, $0xA  }
.Ltmp61:
0x300: {  	_ = 	snop;
	(pc) =	sbr.rel @!p2 .LBB2_59-.Ltmp61, $1  }
0x301: {  	_ =	sdelay $0x3  }
.LBB2_56:
0x302: {  	_ =	sdelay $0x2  }
0x303: {  	s8 =	sshll.u32 s5, $0x4  }
0x304: {  	v14 =	vld.idx.msk [tilespmem:v13+s8+$0x10000 ss:$0x1], $0xffff;
	_ =	sdelay $0x4  }
0x305: {  	vm0 =	vge.s32 v14, v11;
	vm1 =	vlt.s32 v14, v12  }
0x306: {  	vm0 =	vmand vm0, vm1  }
0x307: {  	v15 =	vsel vm0, $0x1, v7  }
0x308: {  	v16 =	vor.u32 $0x80000000, v15  }
0x309: {  	(xrf0) =	vmax.scan.msk.u32 $0xffff, v16;
	_ =	sdelay $0x5  }
0x30a: {  	v16, _, _ =	vpop (xrf0)  }
0x30b: {  	(v2sf) =	vpush v16, $0xF;
	_ =	sdelay $0xe  }
0x30c: {  	s18 =	spop (v2sf)  }
0x30d: {  	p2 =	slt.u32 s18, $0x80000001  }
.Ltmp62:
0x30e: {  	_ = 	snop;
	(pc) =	sbr.rel @p2 .LBB2_58-.Ltmp62, $2  }
0x30f: {  	_ =	sdelay $0x2  }
0x310: {  	v16 =	vld.idx.msk [tilespmem:v13+s8+$0x10C00 ss:$0x1], $0xffff  }
.LBB2_57:
0x311: {  	vm0 =	vne.s32 v15, $0x0  }
0x312: {  	v17 =	vmctz.xlane vm0;
	_ =	sdelay $0x1  }
0x313: {  	vm0 =	veq.s32 v17, v8  }
0x314: {  	v17 =	vnsel vm0, $0x0, v14  }
0x315: {  	(xrf0) =	vadd.scan.msk.s32 $0xffff, v17;
	_ =	sdelay $0x5  }
0x316: {  	v17, _, _ =	vpop (xrf0)  }
0x317: {  	(v2sf) =	vpush v17, $0xF;
	_ =	sdelay $0x5  }
0x318: {  	v15 =	vsel vm0, $0x0, v15;
	v17 =	vnsel vm0, $0x0, v16  }
0x319: {  	(xrf0) =	vadd.scan.msk.s32 $0xffff, v17;
	v17 =	vor.u32 $0x80000000, v15  }
0x31a: {  	(xrf0) =	vmax.scan.msk.u32 $0xffff, v17;
	_ =	sdelay $0x4  }
0x31b: {  	v17, _, _ =	vpop (xrf0)  }
0x31c: {  	(v2sf) =	vpush v17, $0xF;
	v19, _, _ =	vpop (xrf0)  }
0x31d: {  	s8 =	spop (v2sf);
	(v2sf) =	vpush v19, $0xF;
	_ =	sdelay $0x3  }
0x31e: {  	s8 =	ssub.s32 s8, s2  }
0x31f: {  	v17 =	vmov s8  }
0x320: {  	v18 =	vshll.u32 v17, $0x3  }
0x321: {  	v17 =	vand.u32 $0x7F, v17;
	v18 =	vand.u32 $0xFFFFFC00, v18  }
0x322: {  	v17 =	vor.u32 v17, v18  }
0x323: {  	v18 =	vadd.s32 v9, v17  }
0x324: {  	v17 =	vadd.s32 v10, v17;
	_ =	sdelay $0x3  }
0x325: {  	s8 =	sld [smem:$0x1];
	s18 =	spop (v2sf);
	v18 =	vld.idx.msk [tilespmem:v18+s12+$0x0], $0xffff  }
0x326: {  	v17 =	vld.idx.msk [tilespmem:v17+s12+$0x0], $0xffff;
	s28 =	spop (v2sf)  }
0x327: {  	p2 =	sgt.u32 s28, $0x80000000  }
.Ltmp63:
0x328: {  	s26 =	sshll.u32 s8, $0x7;
	(pc) =	sbr.rel @p2 .LBB2_57-.Ltmp63, $4  }
0x329: {  	s26 =	sshra.s32 s26, $0x2;
	s18 =	sshll.u32 s18, $0x2  }
0x32a: {  	s8 =	sadd.s32 $0x1, s8;
	s18 =	sand.u32 $0x1FFFFFFC, s18;
	[tilespmem:s26+$0x11800] =	vst v18  }
0x32b: {  	[smem:$0x1] =	sst s8;
	s18 =	sadd.s32 s10, s18;
	[tilespmem:s26+$0x11810] =	vst v17;
	s26 =	sadd.s32 $0x11800, s26  }
0x32c: {  	[hbm4b:s18+s6] =	stream.linear.scatter [tilespmem:s26], [sflag:$0x4], $0x20, $0x38;
	[tilespmem:$0x1B800] =	vst v63  }
.Ltmp64:
0x32d: {  	_ = 	snop;
	(pc) =	sbr.rel .LBB2_58-.Ltmp64, $1  }
0x32e: {  	_ =	sdelay $0x3  }
.LBB2_59:
.Ltmp65:
0x32f: {  	(pc) =	sbr.rel @!p1 .LBB2_61-.Ltmp65, $1  }
0x330: {  	_ =	sdelay $0x3  }
0x331: {  	s2 =	sld [smem:$0x7F7];
	_ =	sdelay $0x1  }
0x332: {  	s18 =	sld [smem:$0x7F8]  }
0x333: {  	[tilespmem:s12], [sflag:$0x3] =	stream.linear.gather [hbm4b:s2+s6], $0x1000, $0x38;
	[tilespmem:$0x1B800] =	vst v63  }
0x334: {  	s26 =	sld [smem:$0x7F9]  }
0x335: {  	[tilespmem:s17], [sflag:$0x3] =	stream.linear.gather [hbm4b:s18+s6], $0x1000, $0x38;
	[tilespmem:$0x1B800] =	vst v63  }
.Ltmp66:
0x336: {  	_ = 	snop;
	(pc) =	sbr.rel .LBB2_47-.Ltmp66, $4  }
0x337: {  	s28 =	sld [smem:$0x7FA]  }
0x338: {  	[tilespmem:s21], [sflag:$0x3] =	stream.linear.gather [hbm4b:s26+s6], $0x1000, $0x38;
	[tilespmem:$0x1B800] =	vst v63  }
0x339: {  	p1 =	por $0x0, $0x0;
	s2 =	simm.s32 $0x600  }
0x33a: {  	[tilespmem:s1], [sflag:$0x3] =	stream.linear.gather [hbm4b:s28+s6], $0x1000, $0x38;
	[tilespmem:$0x1B800] =	vst v63  }
.LBB2_61:
.Ltmp67:
0x33b: {  	(pc) =	sbr.rel @p0 .LBB2_82-.Ltmp67, $2  }
0x33c: {  	_ =	sdelay $0x2  }
0x33d: {  	s26 =	simm.s32 $0x5  }
0x33e: {  	s2 =	rddreg [dreg:$0xe]  }
.Ltmp68:
0x33f: {  	s5 =	simm.s32 $0x1000;
	s8 =	simm.s32 $0xC3800;
	(pc) =	sbr.rel .LBB2_63-.Ltmp68, $4  }
0x340: {  	[tilespmem:s13], [sflag:$0x5] =	stream.strided.gather [hbm4b:s2+s5], $0x4000, s8, s5, $0x38;
	[tilespmem:$0x1B800] =	vst v63  }
0x341: {  	_ =	swait.ge [sflag:s26], $0x4000  }
0x342: {  	[sflag:s26] =	ssyncset.done $0x0  }
0x343: {  	s2 =	simm.s32 $0x0;
	[sflag:s26] =	ssyncadd.s32 $0xFFFFC000  }
.LBB2_65:
0x344: {  	s2 =	sadd.s32 $0x1, s2  }
0x345: {  	p1 =	sne.s32 s2, $0xA  }
.Ltmp69:
0x346: {  	_ = 	snop;
	(pc) =	sbr.rel @!p1 .LBB2_66-.Ltmp69, $1  }
0x347: {  	_ =	sdelay $0x3  }
.LBB2_63:
0x348: {  	s5 =	sshll.u32 s2, $0x4  }
0x349: {  	v11 =	vld [tilespmem:s5+$0x103C0];
	_ =	sdelay $0x4  }
0x34a: {  	v12 =	vand.u32 $0xFFFFFE00, v11  }
0x34b: {  	vm0 =	veq.s32 v12, $0x18000  }
0x34c: {  	v12 =	vsel vm0, $0x1, v7  }
0x34d: {  	v13 =	vor.u32 $0x80000000, v12  }
0x34e: {  	(xrf0) =	vmax.scan.msk.u32 $0xffff, v13;
	_ =	sdelay $0x5  }
0x34f: {  	v13, _, _ =	vpop (xrf0)  }
0x350: {  	(v2sf) =	vpush v13, $0xF;
	_ =	sdelay $0xe  }
0x351: {  	s8 =	spop (v2sf)  }
0x352: {  	p1 =	slt.u32 s8, $0x80000001  }
.Ltmp70:
0x353: {  	_ = 	snop;
	(pc) =	sbr.rel @p1 .LBB2_65-.Ltmp70, $2  }
0x354: {  	_ =	sdelay $0x2  }
0x355: {  	v13 =	vld [tilespmem:s5+$0x10FC0]  }
.LBB2_64:
0x356: {  	vm0 =	vne.s32 v12, $0x0  }
0x357: {  	v14 =	vmctz.xlane vm0;
	_ =	sdelay $0x1  }
0x358: {  	vm0 =	veq.s32 v14, v8  }
0x359: {  	v14 =	vnsel vm0, $0x0, v11  }
0x35a: {  	(xrf0) =	vadd.scan.msk.s32 $0xffff, v14;
	_ =	sdelay $0x5  }
0x35b: {  	v14, _, _ =	vpop (xrf0)  }
0x35c: {  	(v2sf) =	vpush v14, $0xF;
	_ =	sdelay $0x5  }
0x35d: {  	v12 =	vsel vm0, $0x0, v12;
	v14 =	vnsel vm0, $0x0, v13  }
0x35e: {  	(xrf0) =	vadd.scan.msk.s32 $0xffff, v14;
	v14 =	vor.u32 $0x80000000, v12  }
0x35f: {  	(xrf0) =	vmax.scan.msk.u32 $0xffff, v14;
	_ =	sdelay $0x4  }
0x360: {  	v14, _, _ =	vpop (xrf0)  }
0x361: {  	(v2sf) =	vpush v14, $0xF;
	v16, _, _ =	vpop (xrf0)  }
0x362: {  	s5 =	spop (v2sf);
	(v2sf) =	vpush v16, $0xF;
	_ =	sdelay $0x3  }
0x363: {  	s5 =	sadd.s32 $0xFFFE8000, s5  }
0x364: {  	v14 =	vmov s5  }
0x365: {  	v15 =	vshll.u32 v14, $0x3  }
0x366: {  	v14 =	vand.u32 $0x7F, v14;
	v15 =	vand.u32 $0xFFFFFC00, v15  }
0x367: {  	v14 =	vor.u32 v14, v15  }
0x368: {  	v15 =	vadd.s32 v9, v14  }
0x369: {  	v14 =	vadd.s32 v10, v14;
	_ =	sdelay $0x3  }
0x36a: {  	s30 =	sld [smem:$0x1];
	s8 =	spop (v2sf);
	v15 =	vld.idx.msk [tilespmem:v15+s13+$0x0], $0xffff  }
0x36b: {  	v14 =	vld.idx.msk [tilespmem:v14+s13+$0x0], $0xffff;
	s31 =	spop (v2sf)  }
0x36c: {  	p1 =	sgt.u32 s31, $0x80000000  }
.Ltmp71:
0x36d: {  	s18 =	sshll.u32 s30, $0x7;
	(pc) =	sbr.rel @p1 .LBB2_64-.Ltmp71, $4  }
0x36e: {  	s18 =	sshra.s32 s18, $0x2;
	s8 =	sshll.u32 s8, $0x2  }
0x36f: {  	s5 =	sadd.s32 $0x1, s30;
	s8 =	sand.u32 $0x1FFFFFFC, s8;
	[tilespmem:s18+$0x11800] =	vst v15  }
0x370: {  	[smem:$0x1] =	sst s5;
	s8 =	sadd.s32 s10, s8;
	[tilespmem:s18+$0x11810] =	vst v14;
	s18 =	sadd.s32 $0x11800, s18  }
0x371: {  	[hbm4b:s8+s6] =	stream.linear.scatter [tilespmem:s18], [sflag:$0x4], $0x20, $0x38;
	[tilespmem:$0x1B800] =	vst v63  }
.Ltmp72:
0x372: {  	_ = 	snop;
	(pc) =	sbr.rel .LBB2_65-.Ltmp72, $1  }
0x373: {  	_ =	sdelay $0x3  }
.LBB2_66:
0x374: {  	s2 =	rddreg [dreg:$0xf]  }
.Ltmp73:
0x375: {  	s5 =	simm.s32 $0x1000;
	s8 =	simm.s32 $0xC3800;
	(pc) =	sbr.rel .LBB2_67-.Ltmp73, $4  }
0x376: {  	[tilespmem:s13], [sflag:$0x5] =	stream.strided.gather [hbm4b:s2+s5], $0x4000, s8, s5, $0x38;
	[tilespmem:$0x1B800] =	vst v63  }
0x377: {  	_ =	swait.ge [sflag:s26], $0x4000  }
0x378: {  	[sflag:s26] =	ssyncset.done $0x0  }
0x379: {  	s2 =	simm.s32 $0x0;
	[sflag:s26] =	ssyncadd.s32 $0xFFFFC000  }
.LBB2_69:
0x37a: {  	s2 =	sadd.s32 $0x1, s2  }
0x37b: {  	p1 =	sne.s32 s2, $0xA  }
.Ltmp74:
0x37c: {  	_ = 	snop;
	(pc) =	sbr.rel @!p1 .LBB2_70-.Ltmp74, $1  }
0x37d: {  	_ =	sdelay $0x3  }
.LBB2_67:
0x37e: {  	s5 =	sshll.u32 s2, $0x4  }
0x37f: {  	v11 =	vld [tilespmem:s5+$0x10460];
	_ =	sdelay $0x4  }
0x380: {  	v12 =	vand.u32 $0xFFFFFE00, v11  }
0x381: {  	vm0 =	veq.s32 v12, $0x18200  }
0x382: {  	v12 =	vsel vm0, $0x1, v7  }
0x383: {  	v13 =	vor.u32 $0x80000000, v12  }
0x384: {  	(xrf0) =	vmax.scan.msk.u32 $0xffff, v13;
	_ =	sdelay $0x5  }
0x385: {  	v13, _, _ =	vpop (xrf0)  }
0x386: {  	(v2sf) =	vpush v13, $0xF;
	_ =	sdelay $0xe  }
0x387: {  	s8 =	spop (v2sf)  }
0x388: {  	p1 =	slt.u32 s8, $0x80000001  }
.Ltmp75:
0x389: {  	_ = 	snop;
	(pc) =	sbr.rel @p1 .LBB2_69-.Ltmp75, $2  }
0x38a: {  	_ =	sdelay $0x2  }
0x38b: {  	v13 =	vld [tilespmem:s5+$0x11060]  }
.LBB2_68:
0x38c: {  	vm0 =	vne.s32 v12, $0x0  }
0x38d: {  	v14 =	vmctz.xlane vm0;
	_ =	sdelay $0x1  }
0x38e: {  	vm0 =	veq.s32 v14, v8  }
0x38f: {  	v14 =	vnsel vm0, $0x0, v11  }
0x390: {  	(xrf0) =	vadd.scan.msk.s32 $0xffff, v14;
	_ =	sdelay $0x5  }
0x391: {  	v14, _, _ =	vpop (xrf0)  }
0x392: {  	(v2sf) =	vpush v14, $0xF;
	_ =	sdelay $0x5  }
0x393: {  	v12 =	vsel vm0, $0x0, v12;
	v14 =	vnsel vm0, $0x0, v13  }
0x394: {  	(xrf0) =	vadd.scan.msk.s32 $0xffff, v14;
	v14 =	vor.u32 $0x80000000, v12  }
0x395: {  	(xrf0) =	vmax.scan.msk.u32 $0xffff, v14;
	_ =	sdelay $0x4  }
0x396: {  	v14, _, _ =	vpop (xrf0)  }
0x397: {  	(v2sf) =	vpush v14, $0xF;
	v16, _, _ =	vpop (xrf0)  }
0x398: {  	s5 =	spop (v2sf);
	(v2sf) =	vpush v16, $0xF;
	_ =	sdelay $0x3  }
0x399: {  	s5 =	sadd.s32 $0xFFFE7E00, s5  }
0x39a: {  	v14 =	vmov s5  }
0x39b: {  	v15 =	vshll.u32 v14, $0x3  }
0x39c: {  	v14 =	vand.u32 $0x7F, v14;
	v15 =	vand.u32 $0xFFFFFC00, v15  }
0x39d: {  	v14 =	vor.u32 v14, v15  }
0x39e: {  	v15 =	vadd.s32 v9, v14  }
0x39f: {  	v14 =	vadd.s32 v10, v14;
	_ =	sdelay $0x3  }
0x3a0: {  	s30 =	sld [smem:$0x1];
	s8 =	spop (v2sf);
	v15 =	vld.idx.msk [tilespmem:v15+s13+$0x0], $0xffff  }
0x3a1: {  	v14 =	vld.idx.msk [tilespmem:v14+s13+$0x0], $0xffff;
	s31 =	spop (v2sf)  }
0x3a2: {  	p1 =	sgt.u32 s31, $0x80000000  }
.Ltmp76:
0x3a3: {  	s18 =	sshll.u32 s30, $0x7;
	(pc) =	sbr.rel @p1 .LBB2_68-.Ltmp76, $4  }
0x3a4: {  	s18 =	sshra.s32 s18, $0x2;
	s8 =	sshll.u32 s8, $0x2  }
0x3a5: {  	s5 =	sadd.s32 $0x1, s30;
	s8 =	sand.u32 $0x1FFFFFFC, s8;
	[tilespmem:s18+$0x11800] =	vst v15  }
0x3a6: {  	[smem:$0x1] =	sst s5;
	s8 =	sadd.s32 s10, s8;
	[tilespmem:s18+$0x11810] =	vst v14;
	s18 =	sadd.s32 $0x11800, s18  }
0x3a7: {  	[hbm4b:s8+s6] =	stream.linear.scatter [tilespmem:s18], [sflag:$0x4], $0x20, $0x38;
	[tilespmem:$0x1B800] =	vst v63  }
.Ltmp77:
0x3a8: {  	_ = 	snop;
	(pc) =	sbr.rel .LBB2_69-.Ltmp77, $1  }
0x3a9: {  	_ =	sdelay $0x3  }
.LBB2_70:
0x3aa: {  	s2 =	rddreg [dreg:$0x10]  }
.Ltmp78:
0x3ab: {  	s5 =	simm.s32 $0x1000;
	s8 =	simm.s32 $0xC3800;
	(pc) =	sbr.rel .LBB2_71-.Ltmp78, $4  }
0x3ac: {  	[tilespmem:s13], [sflag:$0x5] =	stream.strided.gather [hbm4b:s2+s5], $0x4000, s8, s5, $0x38;
	[tilespmem:$0x1B800] =	vst v63  }
0x3ad: {  	_ =	swait.ge [sflag:s26], $0x4000  }
0x3ae: {  	[sflag:s26] =	ssyncset.done $0x0  }
0x3af: {  	s2 =	simm.s32 $0x0;
	[sflag:s26] =	ssyncadd.s32 $0xFFFFC000  }
.LBB2_73:
0x3b0: {  	s2 =	sadd.s32 $0x1, s2  }
0x3b1: {  	p1 =	sne.s32 s2, $0xA  }
.Ltmp79:
0x3b2: {  	_ = 	snop;
	(pc) =	sbr.rel @!p1 .LBB2_74-.Ltmp79, $1  }
0x3b3: {  	_ =	sdelay $0x3  }
.LBB2_71:
0x3b4: {  	s5 =	sshll.u32 s2, $0x4  }
0x3b5: {  	v11 =	vld [tilespmem:s5+$0x10500];
	_ =	sdelay $0x4  }
0x3b6: {  	v12 =	vand.u32 $0xFFFFFE00, v11  }
0x3b7: {  	vm0 =	veq.s32 v12, $0x18400  }
0x3b8: {  	v12 =	vsel vm0, $0x1, v7  }
0x3b9: {  	v13 =	vor.u32 $0x80000000, v12  }
0x3ba: {  	(xrf0) =	vmax.scan.msk.u32 $0xffff, v13;
	_ =	sdelay $0x5  }
0x3bb: {  	v13, _, _ =	vpop (xrf0)  }
0x3bc: {  	(v2sf) =	vpush v13, $0xF;
	_ =	sdelay $0xe  }
0x3bd: {  	s8 =	spop (v2sf)  }
0x3be: {  	p1 =	slt.u32 s8, $0x80000001  }
.Ltmp80:
0x3bf: {  	_ = 	snop;
	(pc) =	sbr.rel @p1 .LBB2_73-.Ltmp80, $2  }
0x3c0: {  	_ =	sdelay $0x2  }
0x3c1: {  	v13 =	vld [tilespmem:s5+$0x11100]  }
.LBB2_72:
0x3c2: {  	vm0 =	vne.s32 v12, $0x0  }
0x3c3: {  	v14 =	vmctz.xlane vm0;
	_ =	sdelay $0x1  }
0x3c4: {  	vm0 =	veq.s32 v14, v8  }
0x3c5: {  	v14 =	vnsel vm0, $0x0, v11  }
0x3c6: {  	(xrf0) =	vadd.scan.msk.s32 $0xffff, v14;
	_ =	sdelay $0x5  }
0x3c7: {  	v14, _, _ =	vpop (xrf0)  }
0x3c8: {  	(v2sf) =	vpush v14, $0xF;
	_ =	sdelay $0x5  }
0x3c9: {  	v12 =	vsel vm0, $0x0, v12;
	v14 =	vnsel vm0, $0x0, v13  }
0x3ca: {  	(xrf0) =	vadd.scan.msk.s32 $0xffff, v14;
	v14 =	vor.u32 $0x80000000, v12  }
0x3cb: {  	(xrf0) =	vmax.scan.msk.u32 $0xffff, v14;
	_ =	sdelay $0x4  }
0x3cc: {  	v14, _, _ =	vpop (xrf0)  }
0x3cd: {  	(v2sf) =	vpush v14, $0xF;
	v16, _, _ =	vpop (xrf0)  }
0x3ce: {  	s5 =	spop (v2sf);
	(v2sf) =	vpush v16, $0xF;
	_ =	sdelay $0x3  }
0x3cf: {  	s5 =	sadd.s32 $0xFFFE7C00, s5  }
0x3d0: {  	v14 =	vmov s5  }
0x3d1: {  	v15 =	vshll.u32 v14, $0x3  }
0x3d2: {  	v14 =	vand.u32 $0x7F, v14;
	v15 =	vand.u32 $0xFFFFFC00, v15  }
0x3d3: {  	v14 =	vor.u32 v14, v15  }
0x3d4: {  	v15 =	vadd.s32 v9, v14  }
0x3d5: {  	v14 =	vadd.s32 v10, v14;
	_ =	sdelay $0x3  }
0x3d6: {  	s30 =	sld [smem:$0x1];
	s8 =	spop (v2sf);
	v15 =	vld.idx.msk [tilespmem:v15+s13+$0x0], $0xffff  }
0x3d7: {  	v14 =	vld.idx.msk [tilespmem:v14+s13+$0x0], $0xffff;
	s31 =	spop (v2sf)  }
0x3d8: {  	p1 =	sgt.u32 s31, $0x80000000  }
.Ltmp81:
0x3d9: {  	s18 =	sshll.u32 s30, $0x7;
	(pc) =	sbr.rel @p1 .LBB2_72-.Ltmp81, $4  }
0x3da: {  	s18 =	sshra.s32 s18, $0x2;
	s8 =	sshll.u32 s8, $0x2  }
0x3db: {  	s5 =	sadd.s32 $0x1, s30;
	s8 =	sand.u32 $0x1FFFFFFC, s8;
	[tilespmem:s18+$0x11800] =	vst v15  }
0x3dc: {  	[smem:$0x1] =	sst s5;
	s8 =	sadd.s32 s10, s8;
	[tilespmem:s18+$0x11810] =	vst v14;
	s18 =	sadd.s32 $0x11800, s18  }
0x3dd: {  	[hbm4b:s8+s6] =	stream.linear.scatter [tilespmem:s18], [sflag:$0x4], $0x20, $0x38;
	[tilespmem:$0x1B800] =	vst v63  }
.Ltmp82:
0x3de: {  	_ = 	snop;
	(pc) =	sbr.rel .LBB2_73-.Ltmp82, $1  }
0x3df: {  	_ =	sdelay $0x3  }
.LBB2_74:
0x3e0: {  	s2 =	simm.s32 $0x0;
	s8 =	rddreg [dreg:$0x11]  }
0x3e1: {  	[tilespmem:s13], [sflag:$0x5] =	stream.linear.gather [hbm4b:s8+s2], $0x400, $0x38;
	[tilespmem:$0x1B800] =	vst v63  }
0x3e2: {  	s18 =	simm.s32 $0x5000;
	s5 =	sadd.s32 $0x18700, s8  }
0x3e3: {  	[tilespmem:s18], [sflag:$0x5] =	stream.linear.gather [hbm4b:s5+s2], $0x400, $0x38;
	[tilespmem:$0x1B800] =	vst v63  }
0x3e4: {  	s28 =	simm.s32 $0x6000;
	s18 =	sadd.s32 $0x30E00, s8  }
0x3e5: {  	[tilespmem:s28], [sflag:$0x5] =	stream.linear.gather [hbm4b:s18+s2], $0x400, $0x38;
	[tilespmem:$0x1B800] =	vst v63  }
.Ltmp83:
0x3e6: {  	s31 =	simm.s32 $0x7000;
	s30 =	sadd.s32 $0x49500, s8;
	(pc) =	sbr.rel .LBB2_75-.Ltmp83, $4  }
0x3e7: {  	[tilespmem:s31], [sflag:$0x5] =	stream.linear.gather [hbm4b:s30+s2], $0x400, $0x38;
	[tilespmem:$0x1B800] =	vst v63  }
0x3e8: {  	_ =	swait.ge [sflag:s26], $0x1000  }
0x3e9: {  	[sflag:s26] =	ssyncset.done $0x0  }
0x3ea: {  	[sflag:s26] =	ssyncadd.s32 $0xFFFFF000  }
.LBB2_77:
0x3eb: {  	s2 =	sadd.s32 $0x1, s2  }
0x3ec: {  	p1 =	sne.s32 s2, $0xA  }
.Ltmp84:
0x3ed: {  	_ = 	snop;
	(pc) =	sbr.rel @!p1 .LBB2_78-.Ltmp84, $1  }
0x3ee: {  	_ =	sdelay $0x3  }
.LBB2_75:
0x3ef: {  	s5 =	sshll.u32 s2, $0x4  }
0x3f0: {  	v11 =	vld [tilespmem:s5+$0x105A0];
	_ =	sdelay $0x4  }
0x3f1: {  	v12 =	vand.u32 $0xFFFFFF80, v11  }
0x3f2: {  	vm0 =	veq.s32 v12, $0x18600  }
0x3f3: {  	v12 =	vsel vm0, $0x1, v7  }
0x3f4: {  	v13 =	vor.u32 $0x80000000, v12  }
0x3f5: {  	(xrf0) =	vmax.scan.msk.u32 $0xffff, v13;
	_ =	sdelay $0x5  }
0x3f6: {  	v13, _, _ =	vpop (xrf0)  }
0x3f7: {  	(v2sf) =	vpush v13, $0xF;
	_ =	sdelay $0xe  }
0x3f8: {  	s8 =	spop (v2sf)  }
0x3f9: {  	p1 =	slt.u32 s8, $0x80000001  }
.Ltmp85:
0x3fa: {  	_ = 	snop;
	(pc) =	sbr.rel @p1 .LBB2_77-.Ltmp85, $2  }
0x3fb: {  	_ =	sdelay $0x2  }
0x3fc: {  	v13 =	vld [tilespmem:s5+$0x111A0]  }
.LBB2_76:
0x3fd: {  	vm0 =	vne.s32 v12, $0x0  }
0x3fe: {  	v14 =	vmctz.xlane vm0;
	_ =	sdelay $0x1  }
0x3ff: {  	vm0 =	veq.s32 v14, v8  }
0x400: {  	v14 =	vnsel vm0, $0x0, v11  }
0x401: {  	(xrf0) =	vadd.scan.msk.s32 $0xffff, v14;
	_ =	sdelay $0x5  }
0x402: {  	v14, _, _ =	vpop (xrf0)  }
0x403: {  	(v2sf) =	vpush v14, $0xF;
	_ =	sdelay $0x5  }
0x404: {  	v12 =	vsel vm0, $0x0, v12;
	v14 =	vnsel vm0, $0x0, v13  }
0x405: {  	(xrf0) =	vadd.scan.msk.s32 $0xffff, v14;
	v14 =	vor.u32 $0x80000000, v12  }
0x406: {  	(xrf0) =	vmax.scan.msk.u32 $0xffff, v14;
	_ =	sdelay $0x4  }
0x407: {  	v14, _, _ =	vpop (xrf0)  }
0x408: {  	(v2sf) =	vpush v14, $0xF;
	v16, _, _ =	vpop (xrf0)  }
0x409: {  	s5 =	spop (v2sf);
	(v2sf) =	vpush v16, $0xF;
	_ =	sdelay $0x3  }
0x40a: {  	s5 =	sadd.s32 $0xFFFE7A00, s5  }
0x40b: {  	v14 =	vmov s5  }
0x40c: {  	v15 =	vshll.u32 v14, $0x3  }
0x40d: {  	v14 =	vand.u32 $0x7F, v14;
	v15 =	vand.u32 $0xFFFFFC00, v15  }
0x40e: {  	v14 =	vor.u32 v14, v15  }
0x40f: {  	v15 =	vadd.s32 v9, v14  }
0x410: {  	v14 =	vadd.s32 v10, v14;
	_ =	sdelay $0x3  }
0x411: {  	s30 =	sld [smem:$0x1];
	s8 =	spop (v2sf);
	v15 =	vld.idx.msk [tilespmem:v15+s13+$0x0], $0xffff  }
0x412: {  	v14 =	vld.idx.msk [tilespmem:v14+s13+$0x0], $0xffff;
	s31 =	spop (v2sf)  }
0x413: {  	p1 =	sgt.u32 s31, $0x80000000  }
.Ltmp86:
0x414: {  	s18 =	sshll.u32 s30, $0x7;
	(pc) =	sbr.rel @p1 .LBB2_76-.Ltmp86, $4  }
0x415: {  	s18 =	sshra.s32 s18, $0x2;
	s8 =	sshll.u32 s8, $0x2  }
0x416: {  	s5 =	sadd.s32 $0x1, s30;
	s8 =	sand.u32 $0x1FFFFFFC, s8;
	[tilespmem:s18+$0x11800] =	vst v15  }
0x417: {  	[smem:$0x1] =	sst s5;
	s8 =	sadd.s32 s10, s8;
	[tilespmem:s18+$0x11810] =	vst v14;
	s18 =	sadd.s32 $0x11800, s18  }
0x418: {  	[hbm4b:s8+s6] =	stream.linear.scatter [tilespmem:s18], [sflag:$0x4], $0x20, $0x38;
	[tilespmem:$0x1B800] =	vst v63  }
.Ltmp87:
0x419: {  	_ = 	snop;
	(pc) =	sbr.rel .LBB2_77-.Ltmp87, $1  }
0x41a: {  	_ =	sdelay $0x3  }
.LBB2_78:
.Ltmp88:
0x41b: {  	s2 =	simm.s32 $0x0;
	s5 =	rddreg [dreg:$0x7];
	(pc) =	sbr.rel .LBB2_79-.Ltmp88, $4  }
0x41c: {  	[tilespmem:s4], [sflag:$0x5] =	stream.linear.gather [hbm4b:s5+s2], $0x1000, $0x38;
	[tilespmem:$0x1B800] =	vst v63  }
0x41d: {  	_ =	swait.ge [sflag:s26], $0x1000  }
0x41e: {  	[sflag:s26] =	ssyncset.done $0x0  }
0x41f: {  	[sflag:s26] =	ssyncadd.s32 $0xFFFFF000  }
.LBB2_81:
0x420: {  	s2 =	sadd.s32 $0x1, s2  }
0x421: {  	p1 =	sne.s32 s2, $0xA  }
.Ltmp89:
0x422: {  	_ = 	snop;
	(pc) =	sbr.rel @!p1 .LBB2_82-.Ltmp89, $1  }
0x423: {  	_ =	sdelay $0x3  }
.LBB2_79:
0x424: {  	s5 =	sshll.u32 s2, $0x4  }
0x425: {  	v11 =	vld [tilespmem:s5+$0x105A0];
	_ =	sdelay $0x4  }
0x426: {  	v12 =	vand.u32 $0xFFFFFFE0, v11  }
0x427: {  	vm0 =	veq.s32 v12, $0x18680  }
0x428: {  	v12 =	vsel vm0, $0x1, v7  }
0x429: {  	v13 =	vor.u32 $0x80000000, v12  }
0x42a: {  	(xrf0) =	vmax.scan.msk.u32 $0xffff, v13;
	_ =	sdelay $0x5  }
0x42b: {  	v13, _, _ =	vpop (xrf0)  }
0x42c: {  	(v2sf) =	vpush v13, $0xF;
	_ =	sdelay $0xe  }
0x42d: {  	s8 =	spop (v2sf)  }
0x42e: {  	p1 =	slt.u32 s8, $0x80000001  }
.Ltmp90:
0x42f: {  	_ = 	snop;
	(pc) =	sbr.rel @p1 .LBB2_81-.Ltmp90, $2  }
0x430: {  	_ =	sdelay $0x2  }
0x431: {  	v13 =	vld [tilespmem:s5+$0x111A0]  }
.LBB2_80:
0x432: {  	vm0 =	vne.s32 v12, $0x0  }
0x433: {  	v14 =	vmctz.xlane vm0;
	_ =	sdelay $0x1  }
0x434: {  	vm0 =	veq.s32 v14, v8  }
0x435: {  	v14 =	vnsel vm0, $0x0, v11  }
0x436: {  	(xrf0) =	vadd.scan.msk.s32 $0xffff, v14;
	_ =	sdelay $0x5  }
0x437: {  	v14, _, _ =	vpop (xrf0)  }
0x438: {  	(v2sf) =	vpush v14, $0xF;
	_ =	sdelay $0x5  }
0x439: {  	v12 =	vsel vm0, $0x0, v12;
	v14 =	vnsel vm0, $0x0, v13  }
0x43a: {  	(xrf0) =	vadd.scan.msk.s32 $0xffff, v14;
	v14 =	vor.u32 $0x80000000, v12  }
0x43b: {  	(xrf0) =	vmax.scan.msk.u32 $0xffff, v14;
	_ =	sdelay $0x4  }
0x43c: {  	v14, _, _ =	vpop (xrf0)  }
0x43d: {  	(v2sf) =	vpush v14, $0xF;
	v14, _, _ =	vpop (xrf0)  }
0x43e: {  	s5 =	spop (v2sf);
	(v2sf) =	vpush v14, $0xF;
	_ =	sdelay $0x6  }
0x43f: {  	v15 =	vmul.u32 $0x80, v8  }
0x440: {  	s5 =	sadd.s32 $0xFFFE7980, s5  }
0x441: {  	v14 =	vadd.s32 s5, v15;
	v15 =	vor.u32 $0x800, v15  }
0x442: {  	v15 =	vadd.s32 s5, v15;
	_ =	sdelay $0x3  }
0x443: {  	s30 =	sld [smem:$0x1];
	v14 =	vld.idx.msk [tilespmem:v14+s4+$0x0], $0xffff;
	s8 =	spop (v2sf)  }
0x444: {  	v15 =	vld.idx.msk [tilespmem:v15+s4+$0x0], $0xffff;
	s31 =	spop (v2sf)  }
0x445: {  	p1 =	sgt.u32 s31, $0x80000000  }
.Ltmp91:
0x446: {  	s18 =	sshll.u32 s30, $0x7;
	(pc) =	sbr.rel @p1 .LBB2_80-.Ltmp91, $4  }
0x447: {  	s18 =	sshra.s32 s18, $0x2;
	s8 =	sshll.u32 s8, $0x2  }
0x448: {  	s5 =	sadd.s32 $0x1, s30;
	s8 =	sand.u32 $0x1FFFFFFC, s8;
	[tilespmem:s18+$0x11800] =	vst v14  }
0x449: {  	[smem:$0x1] =	sst s5;
	s8 =	sadd.s32 s10, s8;
	[tilespmem:s18+$0x11810] =	vst v15;
	s18 =	sadd.s32 $0x11800, s18  }
0x44a: {  	[hbm4b:s8+s6] =	stream.linear.scatter [tilespmem:s18], [sflag:$0x4], $0x20, $0x38;
	[tilespmem:$0x1B800] =	vst v63  }
.Ltmp92:
0x44b: {  	_ = 	snop;
	(pc) =	sbr.rel .LBB2_81-.Ltmp92, $1  }
0x44c: {  	_ =	sdelay $0x3  }
.LBB2_82:
0x44d: {  	s2 =	sld [smem:$0x1];
	_ =	sdelay $0x2  }
0x44e: {  	p1 =	slt.s32 s2, $0x1  }
.Ltmp93:
0x44f: {  	_ = 	snop;
	(pc) =	sbr.rel @p1 .LBB2_86-.Ltmp93, $2  }
0x450: {  	_ = 	snop  }
0x451: {  	s5 =	sld [smem:$0x7EA];
	_ =	sdelay $0x2  }
0x452: {  	p1 =	sne.s32 s2, $0x1  }
.Ltmp94:
0x453: {  	_ = 	snop;
	(pc) =	sbr.rel @!p1 .LBB2_85-.Ltmp94, $3  }
0x454: {  	_ =	sdelay $0x1  }
0x455: {  	_ =	swait.ge [sflag:s0], $0x20  }
0x456: {  	s2 =	sadd.s32 $0xFFFFFFFF, s2;
	[sflag:s0] =	ssyncset.done $0x0  }
.LBB2_84:
0x457: {  	p1 =	sne.s32 s2, $0x1;
	s2 =	sadd.s32 $0xFFFFFFFF, s2;
	[sflag:s0] =	ssyncadd.s32 $0xFFFFFFE0  }
.Ltmp95:
0x458: {  	(pc) =	sbr.rel @p1 .LBB2_84-.Ltmp95, $3  }
0x459: {  	_ =	sdelay $0x1  }
0x45a: {  	_ =	swait.ge [sflag:s0], $0x20  }
0x45b: {  	[sflag:s0] =	ssyncset.done $0x0  }
.Ltmp96:
0x45c: {  	_ = 	snop;
	(pc) =	sbr.rel .LBB2_85-.Ltmp96, $1  }
0x45d: {  	_ =	sdelay $0x3  }
.LBB2_87:
0x45e: {  	_ =	sfence.sel $0x180000  }
0x45f: {  	[bflag:$0x0] =	sbarrier.arrive $0xFFFF  }
0x460: {  	_ =	strace $0x90000047  }
0x461: {  	s0 =	stileid.u32;
	[bflag:$0x2] =	sbarrier.arrive $0xFFFF  }
0x462: {  	p0 =	sne.s32 s0, $0x0;
	s0 =	rddreg [dreg:$0x6]  }
0x463: {  	s0 =	sadd.s32 @!p0 $0x100000, s0  }
0x464: {  	[sflag:s0] =	ssyncadd.tile.s32 @!p0 $0x1;
	_ =	shalt  }
.Lfunc_end2:
_tile_overlayer_lowered:
.L_overlay_start_2:
0x465: {  	(tag) =	ssettag $0x2  }
0x466: {  	s0 =	rddreg [dreg:$0x0];
	s2 =	stileid.u32  }
0x467: {  	s1 =	rddreg [dreg:$0x1];
	p0 =	sne.s32 s2, $0x0  }
0x468: {  	s3 =	rddreg [dreg:$0x2];
	[bflag:$0x3] =	sbarrier.arrive $0xFFFF;
	s2 =	simm.s32 @!p0 $0x1C05  }
0x469: {  	[timem:s3], [sflag:s2] =	dma.local @!p0 [hbm:s0], s1  }
0x46a: {  	s0 =	simm.s32 @!p0 $0x5  }
0x46b: {  	_ =	swait.ge @!p0 [sflag:s0], s1  }
0x46c: {  	s1 =	ssub.s32 @!p0 $0x0, s1;
	[sflag:s0] =	ssyncset.done @!p0 $0x0  }
0x46d: {  	[sflag:s0] =	ssyncadd.s32 @!p0 s1  }
0x46e: {  	[bflag:$0x3] =	sbarrier.arrive $0xFFFF  }
0x46f: {  	_ =	shalt  }

// kernel: kernel.9.cloned.1.call-start
scs
__scs_entry_jumppad:
0x0: {  	(pc) =	sbr.rel $0x88, $3  }
0x1: {  	(tag) =	ssettag $0x0;
	lr =	simm.s32 $0x1  }
0x2: {  	[smem:$0x3F9D] =	sst lr;
	_ =	strace $0xD0000000  }
0x3: {  	_ = 	snop  }
0x4: {  	_ = 	snop  }
0x5: {  	_ = 	snop  }
0x6: {  	_ = 	snop  }
0x7: {  	_ = 	snop  }
__scs_overlays_trampoline_lowered:
0x8: {  	[smem:$0x3FAC] =	sst s0  }
0x9: {  	[smem:$0x3FAD] =	sst s1  }
0xa: {  	[smem:$0x3FAE] =	sst s2  }
0xb: {  	[smem:$0x3FAF] =	sst s3  }
0xc: {  	[smem:$0x3FB0] =	sst s4  }
0xd: {  	[smem:$0x3FB1] =	sst s5  }
0xe: {  	[smem:$0x3FB2] =	sst s6  }
0xf: {  	[smem:$0x3FB3] =	sst s7  }
0x10: {  	[smem:$0x3FB4] =	sst s8  }
0x11: {  	[smem:$0x3FB5] =	sst s9;
	s0 =	simm.s32 @!p0 $0x0  }
0x12: {  	s1 =	sld [smem:$0x3F9B];
	s0 =	simm.s32 @p0 $0x1  }
0x13: {  	[smem:$0x3FB6] =	sst s0;
	s0 =	simm.s32 @!p1 $0x0  }
0x14: {  	s2 =	sld [smem:$0x3F9A];
	s0 =	simm.s32 @p1 $0x1  }
0x15: {  	[smem:$0x3FB7] =	sst s0;
	s0 =	simm.s32 @!p2 $0x0  }
0x16: {  	s3 =	sld [smem:$0x3FDB];
	s0 =	simm.s32 @p2 $0x1  }
0x17: {  	s4 =	simm.s32 $0x1BF5;
	[smem:$0x3FB9] =	sst s0  }
0x18: {  	s0 =	sld [smem:$0x3F9C];
	_ =	swait.ge [sflag:s4], $0x0  }
0x19: {  	s7 =	sld [smem:$0x3F9D]  }
0x1a: {  	s8 =	sadd.s32 $0xFFFFE003, lr  }
0x1b: {  	s9 =	sadd.s32 $0xFFFFFEF7, lr;
	s5 =	simm.s32 $0xFFFFFFFF;
	p2 =	slt.u32 s8, $0xFFFFF086  }
0x1c: {  	p1 =	slt.u32 s9, $0xF7A;
	s5 =	simm.s32 @!p2 $0x0  }
0x1d: {  	s5 =	simm.s32 @p1 $0x1;
	p0 =	seq.s32 s7, s2  }
0x1e: {  	s7 =	smul.u32 @!p0 $0xF7A, s2;
	p2 =	seq.s32 @!p0 s5, $0x0  }
0x1f: {  	s9 =	smul.u32 $0xF7A, s1;
	s8 =	simm.s32 @!p0 $0x1BF5;
	p2 =	por !p2, p0  }
0x20: {  	[sflag:s8] =	ssyncset.s32 @!p0 $0xFFFFF086;
	s6 =	sadd.s32 @!p0 s3, s7;
	s7 =	simm.s32 @!p0 $0x108  }
0x21: {  	s3 =	sadd.s32 s3, s9;
	s6 =	sadd.s32 @!p0 $0x88, s6;
	s7 =	simm.s32 @p2 $0x1082  }
0x22: {  	[simem:s7], [sflag:s8] =	dma.local @!p0 [hbm:s6], $0xF7A  }
0x23: {  	s9 =	sor.u32 $0xD0000000, s2;
	s6 =	simm.s32 $0x108;
	_ =	swait.ge @!p0 [sflag:s8], $0x0  }
0x24: {  	s3 =	sadd.s32 $0x88, s3;
	s6 =	simm.s32 @!p1 $0x1082;
	[sflag:s4] =	ssyncset.s32 $0xFFFFF086  }
0x25: {  	[simem:s6], [sflag:s4] =	dma.local [hbm:s3], $0xF7A  }
0x26: {  	[smem:$0x3F9D] =	sst s1;
	(tag) =	ssettag s2;
	_ =	strace s9  }
0x27: {  	s1 =	sld [smem:$0x3FAD]  }
0x28: {  	s2 =	sld [smem:$0x3FAE]  }
0x29: {  	s4 =	sld [smem:$0x3FB0]  }
0x2a: {  	p0 =	seq.s32 s5, $0x0;
	s5 =	sld [smem:$0x3FB1]  }
0x2b: {  	s6 =	sld [smem:$0x3FB2]  }
0x2c: {  	s7 =	sld [smem:$0x3FB3]  }
0x2d: {  	s3 =	simm.s32 $0x108;
	s8 =	sld [smem:$0x3FB4]  }
0x2e: {  	s3 =	simm.s32 @!p0 $0x1082;
	s9 =	sld [smem:$0x3FB5]  }
0x2f: {  	lr =	sadd.s32 s0, s3;
	s0 =	sld [smem:$0x3FAC]  }
0x30: {  	s3 =	sld [smem:$0x3FAF]  }
0x31: {  	[smem:$0x3FB8] =	sst s10  }
0x32: {  	s10 =	sld [smem:$0x3FB6];
	_ =	sdelay $0x3  }
0x33: {  	p0 =	seq.s32 s10, $0x1;
	s10 =	sld [smem:$0x3FB8];
	_ =	sdelay $0x3  }
0x34: {  	[smem:$0x3FB8] =	sst s10  }
0x35: {  	s10 =	sld [smem:$0x3FB7];
	_ =	sdelay $0x3  }
0x36: {  	p1 =	seq.s32 s10, $0x1;
	s10 =	sld [smem:$0x3FB8];
	_ =	sdelay $0x3  }
0x37: {  	[smem:$0x3FB8] =	sst s10  }
0x38: {  	s10 =	sld [smem:$0x3FB9]  }
0x39: {  	_ = 	snop;
	(pc) =	sbr.ind lr, $3  }
0x3a: {  	_ = 	snop  }
0x3b: {  	_ = 	snop  }
0x3c: {  	p2 =	seq.s32 s10, $0x1;
	s10 =	sld [smem:$0x3FB8]  }
0x3d: {  	_ =	shalt  }
0x3e: {  	_ =	shalt  }
0x3f: {  	_ =	shalt  }
0x40: {  	_ =	shalt  }
0x41: {  	_ =	shalt  }
0x42: {  	_ =	shalt  }
0x43: {  	_ =	shalt  }
0x44: {  	_ =	shalt  }
0x45: {  	_ =	shalt  }
0x46: {  	_ =	shalt  }
0x47: {  	_ =	shalt  }
0x48: {  	_ =	shalt  }
0x49: {  	_ =	shalt  }
0x4a: {  	_ =	shalt  }
0x4b: {  	_ =	shalt  }
0x4c: {  	_ =	shalt  }
0x4d: {  	_ =	shalt  }
0x4e: {  	_ =	shalt  }
0x4f: {  	_ =	shalt  }
0x50: {  	_ =	shalt  }
0x51: {  	_ =	shalt  }
0x52: {  	_ =	shalt  }
0x53: {  	_ =	shalt  }
0x54: {  	_ =	shalt  }
0x55: {  	_ =	shalt  }
0x56: {  	_ =	shalt  }
0x57: {  	_ =	shalt  }
0x58: {  	_ =	shalt  }
0x59: {  	_ =	shalt  }
0x5a: {  	_ =	shalt  }
0x5b: {  	_ =	shalt  }
0x5c: {  	_ =	shalt  }
0x5d: {  	_ =	shalt  }
0x5e: {  	_ =	shalt  }
0x5f: {  	_ =	shalt  }
0x60: {  	_ =	shalt  }
0x61: {  	_ =	shalt  }
0x62: {  	_ =	shalt  }
0x63: {  	_ =	shalt  }
0x64: {  	_ =	shalt  }
0x65: {  	_ =	shalt  }
0x66: {  	_ =	shalt  }
0x67: {  	_ =	shalt  }
0x68: {  	_ =	shalt  }
0x69: {  	_ =	shalt  }
0x6a: {  	_ =	shalt  }
0x6b: {  	_ =	shalt  }
0x6c: {  	_ =	shalt  }
0x6d: {  	_ =	shalt  }
0x6e: {  	_ =	shalt  }
0x6f: {  	_ =	shalt  }
0x70: {  	_ =	shalt  }
0x71: {  	_ =	shalt  }
0x72: {  	_ =	shalt  }
0x73: {  	_ =	shalt  }
0x74: {  	_ =	shalt  }
0x75: {  	_ =	shalt  }
0x76: {  	_ =	shalt  }
0x77: {  	_ =	shalt  }
0x78: {  	_ =	shalt  }
0x79: {  	_ =	shalt  }
0x7a: {  	_ =	shalt  }
0x7b: {  	_ =	shalt  }
0x7c: {  	_ =	shalt  }
0x7d: {  	_ =	shalt  }
0x7e: {  	_ =	shalt  }
0x7f: {  	_ =	shalt  }
0x80: {  	_ =	shalt  }
0x81: {  	_ =	shalt  }
0x82: {  	_ =	shalt  }
0x83: {  	_ =	shalt  }
0x84: {  	_ =	shalt  }
0x85: {  	_ =	shalt  }
0x86: {  	_ =	shalt  }
0x87: {  	_ =	shalt  }
.Lfunc_end0:
.L_simem_size_0:
called_computation.1_lowered:
.L_overlay_start_0:
0x88: {  	s2 =	sld [smem:$0x3FD9]  }
0x89: {  	s3 =	sld [smem:$0x3FFE];
	_ =	sdelay $0x1  }
0x8a: {  	s1 =	srdreg.scid  }
0x8b: {  	s0 =	sand.u32 $0x1, s1  }
0x8c: {  	s14 =	sshll.u32 s0, $0xA;
	s2 =	sadd.s32 s3, s2  }
0x8d: {  	s2 =	sadd.s32 s2, s14  }
0x8e: {  	[smem:$0x3FC4] =	sst s2  }
0x8f: {  	_ = 	snop  }
0x90: {  	s2 =	sld [smem:$0x3FD0];
	_ =	sdelay $0x2  }
0x91: {  	s15 =	simm.s32 $0xA;
	s4 =	simm.s32 $0x10  }
0x92: {  	[smem:s4], [sflag:s15] =	dma.local [hbm:s2], $0x1  }
0x93: {  	_ =	swait.eq [sflag:s15], $0x1  }
0x94: {  	[sflag:s15] =	ssyncset.done $0x0  }
0x95: {  	[sflag:s15] =	ssyncadd.s32 $0xFFFFFFFF  }
0x96: {  	s16 =	sld [smem:$0x10];
	(tm) =	ssettm $0x1  }
0x97: {  	s17 =	sld [smem:$0x3FFB];
	_ =	sdelay $0x3  }
0x98: {  	_ =	strace s17  }
0x99: {  	s3 =	sld [smem:$0x3FFC];
	_ =	sdelay $0x3  }
0x9a: {  	_ =	strace s3  }
0x9b: {  	s3 =	sld [smem:$0x3FFD];
	_ =	sdelay $0x3  }
0x9c: {  	_ =	strace s3  }
0x9d: {  	_ =	strace $0x8FFFFFFF  }
0x9e: {  	s18 =	sld [smem:$0x3FDB];
	_ =	sdelay $0x1  }
0x9f: {  	s19 =	simm.s32 $_scs_section_size  }
0xa0: {  	s5 =	simm.s32 $_size__tile_overlayer_lowered;
	s6 =	simm.s32 $_tile_overlayer_lowered  }
0xa1: {  	s22 =	simm.s32 $0x1BFF;
	s21 =	sshll.u32 s6, $0x1;
	s3 =	sadd.s32 s19, s18  }
0xa2: {  	s7 =	simm.s32 $0x0;
	s20 =	sshll.u32 s5, $0x1;
	s5 =	sadd.s32 s21, s3  }
0xa3: {  	[timem:s7], [sflag:s22] =	dma.local [hbm:s5], s20  }
0xa4: {  	_ =	swait.ge [sflag:s22], s20  }
0xa5: {  	s4 =	ssub.s32 $0x0, s20;
	[sflag:s22] =	ssyncset.done $0x0  }
0xa6: {  	[sflag:s22] =	ssyncadd.s32 s4;
	_ =	sdelay $0x1  }
0xa7: {  	s23 =	simm.s32 $0x1B8B  }
0xa8: {  	_ =	swait.ge [sflag:s23], $0x1  }
0xa9: {  	[sflag:s23] =	ssyncset.done $0x0  }
0xaa: {  	s25 =	simm.s32 $0x1B8E;
	s24 =	sld [smem:$0x3FFE];
	[sflag:s23] =	ssyncadd.s32 $0xFFFFFFFF  }
0xab: {  	s26 =	simm.s32 $execute0_lowered;
	[smem:$0x3FD2] =	sst s25  }
0xac: {  	s5 =	sshll.u32 s26, $0x1;
	_ =	strace $0x80000049;
	[dreg:$0x1] =	wrdreg $0xFFFFFFFF  }
0xad: {  	s28 =	simm.s32 $_size_execute0_lowered;
	s3 =	sadd.s32 s3, s5;
	[dreg:$0x0] =	wrdreg $0x0  }
0xae: {  	s5 =	sshll.u32 s28, $0x1;
	[dreg:$0x2] =	wrdreg s3  }
0xaf: {  	[dreg:$0x3] =	wrdreg s5  }
0xb0: {  	[dreg:$0x4] =	wrdreg $0xC0  }
0xb1: {  	_ =	task [dreg:s7], $0x5FFFF  }
0xb2: {  	[dreg:$0x1] =	wrdreg $0xFFFFFFFF  }
0xb3: {  	[dreg:$0x0] =	wrdreg $0x60  }
0xb4: {  	[dreg:$0x2] =	wrdreg s24  }
0xb5: {  	[dreg:$0x3] =	wrdreg s16  }
0xb6: {  	[dreg:$0x4] =	wrdreg $0x9  }
0xb7: {  	_ =	task.clear_ibuf [dreg:s7], $0x5FFFF;
	_ =	strace $0x90000049  }
0xb8: {  	s29 =	simm.s32 $0x9;
	_ =	strace $0x8000004B  }
0xb9: {  	_ =	swait.ge [sflag:s29], $0x1  }
0xba: {  	[sflag:s29] =	ssyncadd.s32 $0xFFFFFFFF  }
0xbb: {  	_ =	strace $0x9000004B  }
0xbc: {  	_ =	sfence  }
0xbd: {  	s30 =	sld [smem:$0x0];
	_ =	sdelay $0x2  }
0xbe: {  	s31 =	sshll.u32 s1, $0xD;
	s1 =	sshrl.u32 s1, $0x2  }
0xbf: {  	s3 =	sand.u32 $0x4000, s31;
	s1 =	sadd.s32 s1, s30  }
0xc0: {  	s0 =	sor.u32 s3, s0;
	s1 =	sshll.u32 s1, $0x11  }
0xc1: {  	s0 =	sor.u32 s1, s0  }
0xc2: {  	s0 =	sadd.s32 $0x8F2B, s0  }
0xc3: {  	[sflag:s0] =	ssyncadd.remote.s32 $0x1  }
0xc4: {  	_ =	sfence.sel $0xFFFF  }
0xc5: {  	[dreg:$0x0] =	wrdreg $0xFFFFFFFF;
	(pc) =	sbr.abs _section_cstart, $3  }
0xc6: {  	[dreg:$0x1] =	wrdreg $0xFFFFFFFF  }
0xc7: {  	_ =	task.clear_ibuf [dreg:s7], $0x2FFFF;
	_ =	strace $0x9FFFFFFF  }
0xc8: {  	(tm) =	ssettm $0x7FFFFFFF  }
0xc9: {  	_ =	shalt  }
tec
execute0_lowered:
.L_overlay_start_1:
0x0: {  	(tag) =	ssettag $0x1  }
0x1: {  	s3 =	rddreg [dreg:$0x0]  }
0x2: {  	s5 =	rddreg [dreg:$0x1]  }
0x3: {  	s2 =	srdreg.scid;
	s1 =	stileid.u32  }
0x4: {  	s0 =	rddreg [dreg:$0x2];
	s9 =	simm.s32 $0x8000;
	s10 =	simm.s32 $0x0  }
0x5: {  	s4 =	sand.u32 $0x1, s2;
	s6 =	sshll.u32 s1, $0x1;
	s2 =	simm.s32 $0x0  }
0x6: {  	s6 =	sor.u32 s4, s6;
	s4 =	ssub.s32 $0x2, s4;
	[smem:$0x7FF] =	sst s2  }
0x7: {  	s7 =	sshll.u32 s6, $0xB;
	s8 =	sshrl.u32 s4, $0x1;
	_ =	strace $0x8000004A  }
0x8: {  	v0 =	vlaneseq.u32;
	s6 =	sshll.u32 s6, $0x6;
	s7 =	sadd.s32 s7, s3;
	s8 =	ssub.s32 s4, s8  }
0x9: {  	v0 =	vmul.u32 $0x20, v0;
	s5 =	sadd.s32 s5, s6;
	s3 =	sadd.s32 $0x1E00, s7;
	s4 =	sadd.s32 $0x11E00, s7  }
0xa: {  	s6 =	smax.u32 s8, $0x1;
	s7 =	simm.s32 $0x1;
	s8 =	simm.s32 $0x4000  }
.LBB2_1:
0xb: {  	[tilespmem:s2], [sflag:$0x1] =	stream.linear.gather [hbm4b:s3+s2], $0x4000, $0x38;
	[tilespmem:$0x8200] =	vst v63  }
0xc: {  	v1 =	vmov s2;
	_ =	swait.ge [sflag:s7], $0x4000  }
0xd: {  	v1 =	vshll.u32 v1, $0x5;
	[sflag:s7] =	ssyncset.done $0x0  }
0xe: {  	v1 =	vor.u32 v0, v1;
	[sflag:s7] =	ssyncadd.s32 $0xFFFFC000  }
0xf: {  	[tilespmem:s8], [sflag:$0x1] =	stream.linear.gather [hbm4b:s4+s2], $0x4000, $0x38;
	[tilespmem:$0x8200] =	vst v63  }
0x10: {  	v2 =	vor.u32 $0x1, v1;
	_ =	swait.ge [sflag:s7], $0x4000  }
0x11: {  	[sflag:s7] =	ssyncset.done $0x0  }
0x12: {  	v3 =	vor.u32 $0x2, v1;
	[sflag:s7] =	ssyncadd.s32 $0xFFFFC000  }
0x13: {  	v4 =	vld.idx.msk [tilespmem:v1+s8+$0x0], $0xffff  }
0x14: {  	v6 =	vor.u32 $0x3, v1;
	v5 =	vld.idx.msk [tilespmem:v1+s2+$0x0], $0xffff  }
0x15: {  	v7 =	vld.idx.msk [tilespmem:v2+s2+$0x0], $0xffff  }
0x16: {  	v8 =	vor.u32 $0x4, v1;
	v2 =	vld.idx.msk [tilespmem:v2+s8+$0x0], $0xffff  }
0x17: {  	v9 =	vld.idx.msk [tilespmem:v3+s2+$0x0], $0xffff  }
0x18: {  	v10 =	vor.u32 $0x5, v1;
	v3 =	vld.idx.msk [tilespmem:v3+s8+$0x0], $0xffff  }
0x19: {  	v11 =	vld.idx.msk [tilespmem:v6+s2+$0x0], $0xffff;
	v4 =	vmul.f32 v4, v5  }
0x1a: {  	v41 =	vor.u32 $0x6, v1;
	v40 =	vld.idx.msk [tilespmem:v6+s8+$0x0], $0xffff  }
0x1b: {  	v12 =	vld.idx.msk [tilespmem:v8+s2+$0x0], $0xffff;
	v2 =	vmul.f32 v2, v7;
	v4 =	vadd.f32 $0.0e+00, v4  }
0x1c: {  	v43 =	vor.u32 $0x7, v1;
	v42 =	vld.idx.msk [tilespmem:v8+s8+$0x0], $0xffff  }
0x1d: {  	v13 =	vld.idx.msk [tilespmem:v10+s2+$0x0], $0xffff;
	v3 =	vmul.f32 v3, v9;
	v2 =	vadd.f32 v2, v4  }
0x1e: {  	v45 =	vor.u32 $0x8, v1;
	v44 =	vld.idx.msk [tilespmem:v10+s8+$0x0], $0xffff  }
0x1f: {  	v46 =	vld.idx.msk [tilespmem:v41+s2+$0x0], $0xffff;
	v2 =	vadd.f32 v3, v2;
	v3 =	vmul.f32 v40, v11  }
0x20: {  	v48 =	vor.u32 $0x9, v1;
	v47 =	vld.idx.msk [tilespmem:v41+s8+$0x0], $0xffff  }
0x21: {  	v49 =	vld.idx.msk [tilespmem:v43+s2+$0x0], $0xffff;
	v2 =	vadd.f32 v3, v2;
	v3 =	vmul.f32 v42, v12  }
0x22: {  	v51 =	vor.u32 $0xA, v1;
	v50 =	vld.idx.msk [tilespmem:v43+s8+$0x0], $0xffff  }
0x23: {  	v52 =	vld.idx.msk [tilespmem:v45+s2+$0x0], $0xffff;
	v2 =	vadd.f32 v3, v2;
	v3 =	vmul.f32 v44, v13  }
0x24: {  	v54 =	vor.u32 $0xB, v1;
	v53 =	vld.idx.msk [tilespmem:v45+s8+$0x0], $0xffff  }
0x25: {  	v55 =	vld.idx.msk [tilespmem:v48+s2+$0x0], $0xffff;
	v2 =	vadd.f32 v3, v2;
	v3 =	vmul.f32 v47, v46  }
0x26: {  	v57 =	vor.u32 $0xC, v1;
	v56 =	vld.idx.msk [tilespmem:v48+s8+$0x0], $0xffff  }
0x27: {  	v58 =	vld.idx.msk [tilespmem:v51+s2+$0x0], $0xffff;
	v2 =	vadd.f32 v3, v2;
	v3 =	vmul.f32 v50, v49  }
0x28: {  	v60 =	vor.u32 $0xD, v1;
	v59 =	vld.idx.msk [tilespmem:v51+s8+$0x0], $0xffff  }
0x29: {  	v61 =	vld.idx.msk [tilespmem:v54+s2+$0x0], $0xffff;
	v2 =	vadd.f32 v3, v2;
	v3 =	vmul.f32 v53, v52  }
0x2a: {  	v63 =	vor.u32 $0xE, v1;
	v62 =	vld.idx.msk [tilespmem:v54+s8+$0x0], $0xffff  }
0x2b: {  	v16 =	vld.idx.msk [tilespmem:v57+s2+$0x0], $0xffff;
	v2 =	vadd.f32 v3, v2;
	v3 =	vmul.f32 v56, v55  }
0x2c: {  	v18 =	vor.u32 $0xF, v1;
	v17 =	vld.idx.msk [tilespmem:v57+s8+$0x0], $0xffff  }
0x2d: {  	v19 =	vld.idx.msk [tilespmem:v60+s2+$0x0], $0xffff;
	v2 =	vadd.f32 v3, v2;
	v3 =	vmul.f32 v59, v58  }
0x2e: {  	v21 =	vor.u32 $0x10, v1;
	v20 =	vld.idx.msk [tilespmem:v60+s8+$0x0], $0xffff  }
0x2f: {  	v22 =	vld.idx.msk [tilespmem:v63+s2+$0x0], $0xffff;
	v2 =	vadd.f32 v3, v2;
	v3 =	vmul.f32 v62, v61  }
0x30: {  	v24 =	vor.u32 $0x11, v1;
	v23 =	vld.idx.msk [tilespmem:v63+s8+$0x0], $0xffff  }
0x31: {  	v25 =	vld.idx.msk [tilespmem:v18+s2+$0x0], $0xffff;
	v2 =	vadd.f32 v3, v2;
	v3 =	vmul.f32 v17, v16  }
0x32: {  	v27 =	vor.u32 $0x12, v1;
	v26 =	vld.idx.msk [tilespmem:v18+s8+$0x0], $0xffff  }
0x33: {  	v28 =	vld.idx.msk [tilespmem:v21+s2+$0x0], $0xffff;
	v2 =	vadd.f32 v3, v2;
	v3 =	vmul.f32 v20, v19  }
0x34: {  	v30 =	vor.u32 $0x13, v1;
	v29 =	vld.idx.msk [tilespmem:v21+s8+$0x0], $0xffff  }
0x35: {  	v31 =	vld.idx.msk [tilespmem:v24+s2+$0x0], $0xffff;
	v2 =	vadd.f32 v3, v2;
	v3 =	vmul.f32 v23, v22  }
0x36: {  	v33 =	vor.u32 $0x14, v1;
	v32 =	vld.idx.msk [tilespmem:v24+s8+$0x0], $0xffff  }
0x37: {  	v34 =	vld.idx.msk [tilespmem:v27+s2+$0x0], $0xffff;
	v2 =	vadd.f32 v3, v2;
	v3 =	vmul.f32 v26, v25  }
0x38: {  	v36 =	vor.u32 $0x15, v1;
	v35 =	vld.idx.msk [tilespmem:v27+s8+$0x0], $0xffff  }
0x39: {  	v37 =	vld.idx.msk [tilespmem:v30+s2+$0x0], $0xffff;
	v2 =	vadd.f32 v3, v2;
	v3 =	vmul.f32 v29, v28  }
0x3a: {  	v39 =	vor.u32 $0x16, v1;
	v38 =	vld.idx.msk [tilespmem:v30+s8+$0x0], $0xffff  }
0x3b: {  	v41 =	vld.idx.msk [tilespmem:v33+s8+$0x0], $0xffff;
	v2 =	vadd.f32 v3, v2;
	v3 =	vmul.f32 v32, v31  }
0x3c: {  	v40 =	vld.idx.msk [tilespmem:v33+s2+$0x0], $0xffff;
	v42 =	vor.u32 $0x17, v1  }
0x3d: {  	v43 =	vld.idx.msk [tilespmem:v36+s2+$0x0], $0xffff;
	v2 =	vadd.f32 v3, v2;
	v3 =	vmul.f32 v35, v34  }
0x3e: {  	v45 =	vor.u32 $0x18, v1;
	v44 =	vld.idx.msk [tilespmem:v36+s8+$0x0], $0xffff  }
0x3f: {  	v46 =	vld.idx.msk [tilespmem:v39+s2+$0x0], $0xffff;
	v2 =	vadd.f32 v3, v2;
	v3 =	vmul.f32 v38, v37  }
0x40: {  	v48 =	vor.u32 $0x19, v1;
	v47 =	vld.idx.msk [tilespmem:v39+s8+$0x0], $0xffff  }
0x41: {  	v49 =	vld.idx.msk [tilespmem:v42+s2+$0x0], $0xffff;
	v2 =	vadd.f32 v3, v2;
	v3 =	vmul.f32 v41, v40  }
0x42: {  	v51 =	vor.u32 $0x1A, v1;
	v50 =	vld.idx.msk [tilespmem:v42+s8+$0x0], $0xffff  }
0x43: {  	v52 =	vld.idx.msk [tilespmem:v45+s2+$0x0], $0xffff;
	v2 =	vadd.f32 v3, v2;
	v3 =	vmul.f32 v44, v43  }
0x44: {  	v54 =	vor.u32 $0x1B, v1;
	v53 =	vld.idx.msk [tilespmem:v45+s8+$0x0], $0xffff  }
0x45: {  	v55 =	vld.idx.msk [tilespmem:v48+s2+$0x0], $0xffff;
	v2 =	vadd.f32 v3, v2;
	v3 =	vmul.f32 v47, v46  }
0x46: {  	v57 =	vor.u32 $0x1C, v1;
	v56 =	vld.idx.msk [tilespmem:v48+s8+$0x0], $0xffff  }
0x47: {  	v58 =	vld.idx.msk [tilespmem:v51+s2+$0x0], $0xffff;
	v2 =	vadd.f32 v3, v2;
	v3 =	vmul.f32 v50, v49  }
0x48: {  	v60 =	vor.u32 $0x1D, v1;
	v59 =	vld.idx.msk [tilespmem:v51+s8+$0x0], $0xffff  }
0x49: {  	v61 =	vld.idx.msk [tilespmem:v54+s2+$0x0], $0xffff;
	v2 =	vadd.f32 v3, v2;
	v3 =	vmul.f32 v53, v52  }
0x4a: {  	v63 =	vor.u32 $0x1E, v1;
	v62 =	vld.idx.msk [tilespmem:v54+s8+$0x0], $0xffff  }
0x4b: {  	v16 =	vld.idx.msk [tilespmem:v57+s2+$0x0], $0xffff;
	v2 =	vadd.f32 v3, v2;
	v3 =	vmul.f32 v56, v55  }
0x4c: {  	v1 =	vor.u32 $0x1F, v1;
	v17 =	vld.idx.msk [tilespmem:v57+s8+$0x0], $0xffff  }
0x4d: {  	v18 =	vld.idx.msk [tilespmem:v60+s2+$0x0], $0xffff;
	v2 =	vadd.f32 v3, v2;
	v3 =	vmul.f32 v59, v58  }
0x4e: {  	v19 =	vld.idx.msk [tilespmem:v60+s8+$0x0], $0xffff  }
0x4f: {  	v21 =	vld.idx.msk [tilespmem:v63+s8+$0x0], $0xffff;
	v2 =	vadd.f32 v3, v2;
	v3 =	vmul.f32 v62, v61  }
0x50: {  	v20 =	vld.idx.msk [tilespmem:v63+s2+$0x0], $0xffff  }
0x51: {  	v22 =	vld.idx.msk [tilespmem:v1+s2+$0x0], $0xffff;
	v2 =	vadd.f32 v3, v2;
	v3 =	vmul.f32 v17, v16  }
0x52: {  	v1 =	vld.idx.msk [tilespmem:v1+s8+$0x0], $0xffff  }
0x53: {  	v2 =	vadd.f32 v3, v2;
	v3 =	vmul.f32 v19, v18;
	_ =	sdelay $0x1  }
0x54: {  	v2 =	vadd.f32 v3, v2;
	v3 =	vmul.f32 v21, v20;
	_ =	sdelay $0x1  }
0x55: {  	v1 =	vmul.f32 v1, v22;
	v2 =	vadd.f32 v3, v2;
	_ =	sdelay $0x1  }
0x56: {  	v1 =	vadd.f32 v1, v2;
	_ =	sdelay $0x1  }
0x57: {  	v1 =	vxor.u32 $0x80000000, v1  }
0x58: {  	v1 =	vmin.f32 v1, $8.000000000e+01  }
0x59: {  	v1 =	vmul.f32 $1.442695020e+00, v1;
	_ =	sdelay $0x1  }
0x5a: {  	(erf) = vpow2.f32 v1;
	_ =	sdelay $0x8  }
0x5b: {  	v1 =	vpop (erf)  }
0x5c: {  	v1 =	vadd.f32 $1.000000000e+00, v1;
	_ =	sdelay $0x1  }
0x5d: {  	(erf) = vrcp.f32 v1;
	_ =	sdelay $0x2  }
0x5e: {  	s11 =	simm.s32 $0x10  }
0x5f: {  	v1 =	vmov s11  }
0x60: {  	v1 =	vshll.u32 v1, $0x5  }
0x61: {  	v1 =	vor.u32 v0, v1;
	_ =	sdelay $0x1  }
0x62: {  	v2 =	vor.u32 $0x1, v1  }
0x63: {  	v3 =	vpop (erf)  }
0x64: {  	v23 =	vor.u32 $0x2, v1;
	[tilespmem:s9+$0x0] =	vst v3  }
0x65: {  	v3 =	vld.idx.msk [tilespmem:v1+s8+$0x0], $0xffff  }
0x66: {  	v25 =	vor.u32 $0x3, v1;
	v24 =	vld.idx.msk [tilespmem:v1+s2+$0x0], $0xffff  }
0x67: {  	v26 =	vld.idx.msk [tilespmem:v2+s2+$0x0], $0xffff  }
0x68: {  	v27 =	vor.u32 $0x4, v1;
	v2 =	vld.idx.msk [tilespmem:v2+s8+$0x0], $0xffff  }
0x69: {  	v28 =	vld.idx.msk [tilespmem:v23+s2+$0x0], $0xffff  }
0x6a: {  	v29 =	vor.u32 $0x5, v1;
	v4 =	vld.idx.msk [tilespmem:v23+s8+$0x0], $0xffff  }
0x6b: {  	v30 =	vld.idx.msk [tilespmem:v25+s2+$0x0], $0xffff;
	v3 =	vmul.f32 v3, v24  }
0x6c: {  	v32 =	vor.u32 $0x6, v1;
	v31 =	vld.idx.msk [tilespmem:v25+s8+$0x0], $0xffff  }
0x6d: {  	v33 =	vld.idx.msk [tilespmem:v27+s2+$0x0], $0xffff;
	v2 =	vmul.f32 v2, v26;
	v3 =	vadd.f32 $0.0e+00, v3  }
0x6e: {  	v35 =	vor.u32 $0x7, v1;
	v34 =	vld.idx.msk [tilespmem:v27+s8+$0x0], $0xffff  }
0x6f: {  	v36 =	vld.idx.msk [tilespmem:v29+s2+$0x0], $0xffff;
	v2 =	vadd.f32 v2, v3;
	v3 =	vmul.f32 v4, v28  }
0x70: {  	v38 =	vor.u32 $0x8, v1;
	v37 =	vld.idx.msk [tilespmem:v29+s8+$0x0], $0xffff  }
0x71: {  	v39 =	vld.idx.msk [tilespmem:v32+s2+$0x0], $0xffff;
	v2 =	vadd.f32 v3, v2;
	v3 =	vmul.f32 v31, v30  }
0x72: {  	v41 =	vor.u32 $0x9, v1;
	v40 =	vld.idx.msk [tilespmem:v32+s8+$0x0], $0xffff  }
0x73: {  	v42 =	vld.idx.msk [tilespmem:v35+s2+$0x0], $0xffff;
	v2 =	vadd.f32 v3, v2;
	v3 =	vmul.f32 v34, v33  }
0x74: {  	v44 =	vor.u32 $0xA, v1;
	v43 =	vld.idx.msk [tilespmem:v35+s8+$0x0], $0xffff  }
0x75: {  	v45 =	vld.idx.msk [tilespmem:v38+s2+$0x0], $0xffff;
	v2 =	vadd.f32 v3, v2;
	v3 =	vmul.f32 v37, v36  }
0x76: {  	v47 =	vor.u32 $0xB, v1;
	v46 =	vld.idx.msk [tilespmem:v38+s8+$0x0], $0xffff  }
0x77: {  	v48 =	vld.idx.msk [tilespmem:v41+s2+$0x0], $0xffff;
	v2 =	vadd.f32 v3, v2;
	v3 =	vmul.f32 v40, v39  }
0x78: {  	v50 =	vor.u32 $0xC, v1;
	v49 =	vld.idx.msk [tilespmem:v41+s8+$0x0], $0xffff  }
0x79: {  	v51 =	vld.idx.msk [tilespmem:v44+s2+$0x0], $0xffff;
	v2 =	vadd.f32 v3, v2;
	v3 =	vmul.f32 v43, v42  }
0x7a: {  	v53 =	vor.u32 $0xD, v1;
	v52 =	vld.idx.msk [tilespmem:v44+s8+$0x0], $0xffff  }
0x7b: {  	v54 =	vld.idx.msk [tilespmem:v47+s2+$0x0], $0xffff;
	v2 =	vadd.f32 v3, v2;
	v3 =	vmul.f32 v46, v45  }
0x7c: {  	v56 =	vor.u32 $0xE, v1;
	v55 =	vld.idx.msk [tilespmem:v47+s8+$0x0], $0xffff  }
0x7d: {  	v57 =	vld.idx.msk [tilespmem:v50+s2+$0x0], $0xffff;
	v2 =	vadd.f32 v3, v2;
	v3 =	vmul.f32 v49, v48  }
0x7e: {  	v59 =	vor.u32 $0xF, v1;
	v58 =	vld.idx.msk [tilespmem:v50+s8+$0x0], $0xffff  }
0x7f: {  	v60 =	vld.idx.msk [tilespmem:v53+s2+$0x0], $0xffff;
	v2 =	vadd.f32 v3, v2;
	v3 =	vmul.f32 v52, v51  }
0x80: {  	v62 =	vor.u32 $0x10, v1;
	v61 =	vld.idx.msk [tilespmem:v53+s8+$0x0], $0xffff  }
0x81: {  	v63 =	vld.idx.msk [tilespmem:v56+s2+$0x0], $0xffff;
	v2 =	vadd.f32 v3, v2;
	v3 =	vmul.f32 v55, v54  }
0x82: {  	v17 =	vor.u32 $0x11, v1;
	v16 =	vld.idx.msk [tilespmem:v56+s8+$0x0], $0xffff  }
0x83: {  	v18 =	vld.idx.msk [tilespmem:v59+s2+$0x0], $0xffff;
	v2 =	vadd.f32 v3, v2;
	v3 =	vmul.f32 v58, v57  }
0x84: {  	v20 =	vor.u32 $0x12, v1;
	v19 =	vld.idx.msk [tilespmem:v59+s8+$0x0], $0xffff  }
0x85: {  	v21 =	vld.idx.msk [tilespmem:v62+s2+$0x0], $0xffff;
	v2 =	vadd.f32 v3, v2;
	v3 =	vmul.f32 v61, v60  }
0x86: {  	v22 =	vld.idx.msk [tilespmem:v62+s8+$0x0], $0xffff;
	v23 =	vor.u32 $0x13, v1  }
0x87: {  	v25 =	vld.idx.msk [tilespmem:v17+s8+$0x0], $0xffff;
	v2 =	vadd.f32 v3, v2;
	v3 =	vmul.f32 v16, v63  }
0x88: {  	v24 =	vld.idx.msk [tilespmem:v17+s2+$0x0], $0xffff;
	v26 =	vor.u32 $0x14, v1  }
0x89: {  	v27 =	vld.idx.msk [tilespmem:v20+s2+$0x0], $0xffff;
	v2 =	vadd.f32 v3, v2;
	v3 =	vmul.f32 v19, v18  }
0x8a: {  	v29 =	vor.u32 $0x15, v1;
	v28 =	vld.idx.msk [tilespmem:v20+s8+$0x0], $0xffff  }
0x8b: {  	v30 =	vld.idx.msk [tilespmem:v23+s2+$0x0], $0xffff;
	v2 =	vadd.f32 v3, v2;
	v3 =	vmul.f32 v22, v21  }
0x8c: {  	v32 =	vor.u32 $0x16, v1;
	v31 =	vld.idx.msk [tilespmem:v23+s8+$0x0], $0xffff  }
0x8d: {  	v33 =	vld.idx.msk [tilespmem:v26+s2+$0x0], $0xffff;
	v2 =	vadd.f32 v3, v2;
	v3 =	vmul.f32 v25, v24  }
0x8e: {  	v35 =	vor.u32 $0x17, v1;
	v34 =	vld.idx.msk [tilespmem:v26+s8+$0x0], $0xffff  }
0x8f: {  	v36 =	vld.idx.msk [tilespmem:v29+s2+$0x0], $0xffff;
	v2 =	vadd.f32 v3, v2;
	v3 =	vmul.f32 v28, v27  }
0x90: {  	v38 =	vor.u32 $0x18, v1;
	v37 =	vld.idx.msk [tilespmem:v29+s8+$0x0], $0xffff  }
0x91: {  	v39 =	vld.idx.msk [tilespmem:v32+s2+$0x0], $0xffff;
	v2 =	vadd.f32 v3, v2;
	v3 =	vmul.f32 v31, v30  }
0x92: {  	v41 =	vor.u32 $0x19, v1;
	v40 =	vld.idx.msk [tilespmem:v32+s8+$0x0], $0xffff  }
0x93: {  	v42 =	vld.idx.msk [tilespmem:v35+s2+$0x0], $0xffff;
	v2 =	vadd.f32 v3, v2;
	v3 =	vmul.f32 v34, v33  }
0x94: {  	v44 =	vor.u32 $0x1A, v1;
	v43 =	vld.idx.msk [tilespmem:v35+s8+$0x0], $0xffff  }
0x95: {  	v45 =	vld.idx.msk [tilespmem:v38+s2+$0x0], $0xffff;
	v2 =	vadd.f32 v3, v2;
	v3 =	vmul.f32 v37, v36  }
0x96: {  	v47 =	vor.u32 $0x1B, v1;
	v46 =	vld.idx.msk [tilespmem:v38+s8+$0x0], $0xffff  }
0x97: {  	v48 =	vld.idx.msk [tilespmem:v41+s2+$0x0], $0xffff;
	v2 =	vadd.f32 v3, v2;
	v3 =	vmul.f32 v40, v39  }
0x98: {  	v50 =	vor.u32 $0x1C, v1;
	v49 =	vld.idx.msk [tilespmem:v41+s8+$0x0], $0xffff  }
0x99: {  	v51 =	vld.idx.msk [tilespmem:v44+s2+$0x0], $0xffff;
	v2 =	vadd.f32 v3, v2;
	v3 =	vmul.f32 v43, v42  }
0x9a: {  	v53 =	vor.u32 $0x1D, v1;
	v52 =	vld.idx.msk [tilespmem:v44+s8+$0x0], $0xffff  }
0x9b: {  	v54 =	vld.idx.msk [tilespmem:v47+s2+$0x0], $0xffff;
	v2 =	vadd.f32 v3, v2;
	v3 =	vmul.f32 v46, v45  }
0x9c: {  	v56 =	vor.u32 $0x1E, v1;
	v55 =	vld.idx.msk [tilespmem:v47+s8+$0x0], $0xffff  }
0x9d: {  	v57 =	vld.idx.msk [tilespmem:v50+s2+$0x0], $0xffff;
	v2 =	vadd.f32 v3, v2;
	v3 =	vmul.f32 v49, v48  }
0x9e: {  	v1 =	vor.u32 $0x1F, v1;
	v58 =	vld.idx.msk [tilespmem:v50+s8+$0x0], $0xffff  }
0x9f: {  	v59 =	vld.idx.msk [tilespmem:v53+s2+$0x0], $0xffff;
	v2 =	vadd.f32 v3, v2;
	v3 =	vmul.f32 v52, v51  }
0xa0: {  	v60 =	vld.idx.msk [tilespmem:v53+s8+$0x0], $0xffff  }
0xa1: {  	v62 =	vld.idx.msk [tilespmem:v56+s8+$0x0], $0xffff;
	v2 =	vadd.f32 v3, v2;
	v3 =	vmul.f32 v55, v54  }
0xa2: {  	v61 =	vld.idx.msk [tilespmem:v56+s2+$0x0], $0xffff  }
0xa3: {  	v63 =	vld.idx.msk [tilespmem:v1+s2+$0x0], $0xffff;
	v2 =	vadd.f32 v3, v2;
	v3 =	vmul.f32 v58, v57  }
0xa4: {  	v1 =	vld.idx.msk [tilespmem:v1+s8+$0x0], $0xffff  }
0xa5: {  	v2 =	vadd.f32 v3, v2;
	v3 =	vmul.f32 v60, v59;
	_ =	sdelay $0x1  }
0xa6: {  	v2 =	vadd.f32 v3, v2;
	v3 =	vmul.f32 v62, v61;
	_ =	sdelay $0x1  }
0xa7: {  	v1 =	vmul.f32 v1, v63;
	v2 =	vadd.f32 v3, v2;
	_ =	sdelay $0x1  }
0xa8: {  	v1 =	vadd.f32 v1, v2;
	_ =	sdelay $0x1  }
0xa9: {  	v1 =	vxor.u32 $0x80000000, v1  }
0xaa: {  	v1 =	vmin.f32 v1, $8.000000000e+01  }
0xab: {  	v1 =	vmul.f32 $1.442695020e+00, v1;
	_ =	sdelay $0x1  }
0xac: {  	(erf) = vpow2.f32 v1;
	_ =	sdelay $0x8  }
0xad: {  	v1 =	vpop (erf)  }
0xae: {  	v1 =	vadd.f32 $1.000000000e+00, v1;
	_ =	sdelay $0x1  }
0xaf: {  	(erf) = vrcp.f32 v1;
	_ =	sdelay $0x2  }
0xb0: {  	s31 =	simm.s32 $0x20  }
0xb1: {  	v2 =	vmov s31  }
0xb2: {  	s12 =	simm.s32 $0x30;
	s11 =	simm.s32 $0x8000;
	v1 =	vshll.u32 v2, $0x5  }
.LBB2_2:
0xb3: {  	p0 =	sne.s32 s12, $0x1F0;
	v1 =	vor.u32 v0, v1;
	_ =	sdelay $0x1  }
0xb4: {  	v2 =	vor.u32 $0x1, v1  }
0xb5: {  	s11 =	sadd.s32 $0x10, s11;
	v3 =	vpop (erf)  }
0xb6: {  	v4 =	vor.u32 $0x2, v1;
	[tilespmem:s11+$0x0] =	vst v3  }
0xb7: {  	v3 =	vld.idx.msk [tilespmem:v1+s8+$0x0], $0xffff  }
0xb8: {  	v6 =	vor.u32 $0x3, v1;
	v5 =	vld.idx.msk [tilespmem:v1+s2+$0x0], $0xffff  }
0xb9: {  	v7 =	vld.idx.msk [tilespmem:v2+s2+$0x0], $0xffff  }
0xba: {  	v8 =	vor.u32 $0x4, v1;
	v2 =	vld.idx.msk [tilespmem:v2+s8+$0x0], $0xffff  }
0xbb: {  	v9 =	vld.idx.msk [tilespmem:v4+s2+$0x0], $0xffff  }
0xbc: {  	v10 =	vor.u32 $0x5, v1;
	v4 =	vld.idx.msk [tilespmem:v4+s8+$0x0], $0xffff  }
0xbd: {  	v11 =	vld.idx.msk [tilespmem:v6+s2+$0x0], $0xffff  }
0xbe: {  	v3 =	vmul.f32 v3, v5;
	v5 =	vld.idx.msk [tilespmem:v6+s8+$0x0], $0xffff;
	v6 =	vor.u32 $0x6, v1  }
0xbf: {  	v12 =	vld.idx.msk [tilespmem:v8+s2+$0x0], $0xffff  }
0xc0: {  	v3 =	vadd.f32 $0.0e+00, v3;
	v2 =	vmul.f32 v2, v7;
	v7 =	vld.idx.msk [tilespmem:v8+s8+$0x0], $0xffff;
	v8 =	vor.u32 $0x7, v1  }
0xc1: {  	v13 =	vld.idx.msk [tilespmem:v10+s2+$0x0], $0xffff  }
0xc2: {  	v2 =	vadd.f32 v2, v3;
	v3 =	vmul.f32 v4, v9;
	v9 =	vor.u32 $0x8, v1;
	v4 =	vld.idx.msk [tilespmem:v10+s8+$0x0], $0xffff  }
0xc3: {  	v10 =	vld.idx.msk [tilespmem:v6+s2+$0x0], $0xffff  }
0xc4: {  	v2 =	vadd.f32 v3, v2;
	v3 =	vmul.f32 v5, v11;
	v5 =	vld.idx.msk [tilespmem:v6+s8+$0x0], $0xffff;
	v6 =	vor.u32 $0x9, v1  }
0xc5: {  	v11 =	vld.idx.msk [tilespmem:v8+s2+$0x0], $0xffff  }
0xc6: {  	v2 =	vadd.f32 v3, v2;
	v3 =	vmul.f32 v7, v12;
	v7 =	vld.idx.msk [tilespmem:v8+s8+$0x0], $0xffff;
	v8 =	vor.u32 $0xA, v1  }
0xc7: {  	v12 =	vld.idx.msk [tilespmem:v9+s2+$0x0], $0xffff  }
0xc8: {  	v2 =	vadd.f32 v3, v2;
	v3 =	vmul.f32 v4, v13;
	v4 =	vld.idx.msk [tilespmem:v9+s8+$0x0], $0xffff;
	v9 =	vor.u32 $0xB, v1  }
0xc9: {  	v13 =	vld.idx.msk [tilespmem:v6+s2+$0x0], $0xffff  }
0xca: {  	v2 =	vadd.f32 v3, v2;
	v3 =	vmul.f32 v5, v10;
	v5 =	vld.idx.msk [tilespmem:v6+s8+$0x0], $0xffff;
	v6 =	vor.u32 $0xC, v1  }
0xcb: {  	v10 =	vld.idx.msk [tilespmem:v8+s2+$0x0], $0xffff  }
0xcc: {  	v2 =	vadd.f32 v3, v2;
	v3 =	vmul.f32 v7, v11;
	v7 =	vld.idx.msk [tilespmem:v8+s8+$0x0], $0xffff;
	v8 =	vor.u32 $0xD, v1  }
0xcd: {  	v11 =	vld.idx.msk [tilespmem:v9+s2+$0x0], $0xffff  }
0xce: {  	v2 =	vadd.f32 v3, v2;
	v3 =	vmul.f32 v4, v12;
	v4 =	vld.idx.msk [tilespmem:v9+s8+$0x0], $0xffff;
	v9 =	vor.u32 $0xE, v1  }
0xcf: {  	v12 =	vld.idx.msk [tilespmem:v6+s2+$0x0], $0xffff  }
0xd0: {  	v2 =	vadd.f32 v3, v2;
	v3 =	vmul.f32 v5, v13;
	v5 =	vld.idx.msk [tilespmem:v6+s8+$0x0], $0xffff;
	v6 =	vor.u32 $0xF, v1  }
0xd1: {  	v13 =	vld.idx.msk [tilespmem:v8+s2+$0x0], $0xffff  }
0xd2: {  	v2 =	vadd.f32 v3, v2;
	v3 =	vmul.f32 v7, v10;
	v7 =	vld.idx.msk [tilespmem:v8+s8+$0x0], $0xffff;
	v8 =	vor.u32 $0x10, v1  }
0xd3: {  	v10 =	vld.idx.msk [tilespmem:v9+s2+$0x0], $0xffff  }
0xd4: {  	v2 =	vadd.f32 v3, v2;
	v3 =	vmul.f32 v4, v11;
	v4 =	vld.idx.msk [tilespmem:v9+s8+$0x0], $0xffff;
	v9 =	vor.u32 $0x11, v1  }
0xd5: {  	v11 =	vld.idx.msk [tilespmem:v6+s2+$0x0], $0xffff  }
0xd6: {  	v2 =	vadd.f32 v3, v2;
	v3 =	vmul.f32 v5, v12;
	v5 =	vld.idx.msk [tilespmem:v6+s8+$0x0], $0xffff;
	v6 =	vor.u32 $0x12, v1  }
0xd7: {  	v12 =	vld.idx.msk [tilespmem:v8+s2+$0x0], $0xffff  }
0xd8: {  	v2 =	vadd.f32 v3, v2;
	v3 =	vmul.f32 v7, v13;
	v7 =	vld.idx.msk [tilespmem:v8+s8+$0x0], $0xffff;
	v8 =	vor.u32 $0x13, v1  }
0xd9: {  	v13 =	vld.idx.msk [tilespmem:v9+s2+$0x0], $0xffff  }
0xda: {  	v2 =	vadd.f32 v3, v2;
	v3 =	vmul.f32 v4, v10;
	v4 =	vld.idx.msk [tilespmem:v9+s8+$0x0], $0xffff;
	v9 =	vor.u32 $0x14, v1  }
0xdb: {  	v10 =	vld.idx.msk [tilespmem:v6+s2+$0x0], $0xffff  }
0xdc: {  	v2 =	vadd.f32 v3, v2;
	v3 =	vmul.f32 v5, v11;
	v5 =	vld.idx.msk [tilespmem:v6+s8+$0x0], $0xffff;
	v6 =	vor.u32 $0x15, v1  }
0xdd: {  	v11 =	vld.idx.msk [tilespmem:v8+s2+$0x0], $0xffff  }
0xde: {  	v2 =	vadd.f32 v3, v2;
	v3 =	vmul.f32 v7, v12;
	v7 =	vld.idx.msk [tilespmem:v8+s8+$0x0], $0xffff;
	v8 =	vor.u32 $0x16, v1  }
0xdf: {  	v12 =	vld.idx.msk [tilespmem:v9+s2+$0x0], $0xffff  }
0xe0: {  	v2 =	vadd.f32 v3, v2;
	v3 =	vmul.f32 v4, v13;
	v4 =	vld.idx.msk [tilespmem:v9+s8+$0x0], $0xffff;
	v9 =	vor.u32 $0x17, v1  }
0xe1: {  	v13 =	vld.idx.msk [tilespmem:v6+s2+$0x0], $0xffff  }
0xe2: {  	v2 =	vadd.f32 v3, v2;
	v3 =	vmul.f32 v5, v10;
	v5 =	vld.idx.msk [tilespmem:v6+s8+$0x0], $0xffff;
	v6 =	vor.u32 $0x18, v1  }
0xe3: {  	v10 =	vld.idx.msk [tilespmem:v8+s2+$0x0], $0xffff  }
0xe4: {  	v2 =	vadd.f32 v3, v2;
	v3 =	vmul.f32 v7, v11;
	v7 =	vld.idx.msk [tilespmem:v8+s8+$0x0], $0xffff;
	v8 =	vor.u32 $0x19, v1  }
0xe5: {  	v11 =	vld.idx.msk [tilespmem:v9+s2+$0x0], $0xffff  }
0xe6: {  	v2 =	vadd.f32 v3, v2;
	v3 =	vmul.f32 v4, v12;
	v4 =	vld.idx.msk [tilespmem:v9+s8+$0x0], $0xffff;
	v9 =	vor.u32 $0x1A, v1  }
0xe7: {  	v12 =	vld.idx.msk [tilespmem:v6+s2+$0x0], $0xffff  }
0xe8: {  	v2 =	vadd.f32 v3, v2;
	v3 =	vmul.f32 v5, v13;
	v5 =	vld.idx.msk [tilespmem:v6+s8+$0x0], $0xffff;
	v6 =	vor.u32 $0x1B, v1  }
0xe9: {  	v13 =	vld.idx.msk [tilespmem:v8+s2+$0x0], $0xffff  }
0xea: {  	v2 =	vadd.f32 v3, v2;
	v3 =	vmul.f32 v7, v10;
	v7 =	vld.idx.msk [tilespmem:v8+s8+$0x0], $0xffff;
	v8 =	vor.u32 $0x1C, v1  }
0xeb: {  	v10 =	vld.idx.msk [tilespmem:v9+s2+$0x0], $0xffff  }
0xec: {  	v2 =	vadd.f32 v3, v2;
	v3 =	vmul.f32 v4, v11;
	v4 =	vld.idx.msk [tilespmem:v9+s8+$0x0], $0xffff;
	v9 =	vor.u32 $0x1D, v1  }
0xed: {  	v11 =	vld.idx.msk [tilespmem:v6+s2+$0x0], $0xffff  }
0xee: {  	v2 =	vadd.f32 v3, v2;
	v3 =	vmul.f32 v5, v12;
	v5 =	vld.idx.msk [tilespmem:v6+s8+$0x0], $0xffff;
	v6 =	vor.u32 $0x1E, v1  }
0xef: {  	v12 =	vld.idx.msk [tilespmem:v8+s2+$0x0], $0xffff  }
0xf0: {  	v1 =	vor.u32 $0x1F, v1;
	v2 =	vadd.f32 v3, v2;
	v3 =	vmul.f32 v7, v13;
	v7 =	vld.idx.msk [tilespmem:v8+s8+$0x0], $0xffff  }
0xf1: {  	v8 =	vld.idx.msk [tilespmem:v9+s2+$0x0], $0xffff  }
0xf2: {  	v2 =	vadd.f32 v3, v2;
	v3 =	vmul.f32 v4, v10;
	v4 =	vld.idx.msk [tilespmem:v9+s8+$0x0], $0xffff  }
0xf3: {  	v9 =	vld.idx.msk [tilespmem:v6+s2+$0x0], $0xffff  }
0xf4: {  	v2 =	vadd.f32 v3, v2;
	v3 =	vmul.f32 v5, v11;
	v5 =	vld.idx.msk [tilespmem:v6+s8+$0x0], $0xffff  }
0xf5: {  	v6 =	vld.idx.msk [tilespmem:v1+s2+$0x0], $0xffff  }
0xf6: {  	v2 =	vadd.f32 v3, v2;
	v3 =	vmul.f32 v7, v12;
	v1 =	vld.idx.msk [tilespmem:v1+s8+$0x0], $0xffff;
	_ =	sdelay $0x1  }
0xf7: {  	v2 =	vadd.f32 v3, v2;
	v3 =	vmul.f32 v4, v8;
	_ =	sdelay $0x1  }
0xf8: {  	v2 =	vadd.f32 v3, v2;
	v3 =	vmul.f32 v5, v9;
	_ =	sdelay $0x1  }
0xf9: {  	v2 =	vadd.f32 v3, v2;
	v1 =	vmul.f32 v1, v6;
	_ =	sdelay $0x1  }
0xfa: {  	v1 =	vadd.f32 v1, v2;
	_ =	sdelay $0x1  }
0xfb: {  	v1 =	vxor.u32 $0x80000000, v1  }
0xfc: {  	v1 =	vmin.f32 v1, $8.000000000e+01  }
0xfd: {  	v1 =	vmul.f32 $1.442695020e+00, v1;
	_ =	sdelay $0x1  }
0xfe: {  	(erf) = vpow2.f32 v1;
	_ =	sdelay $0x8  }
0xff: {  	v1 =	vpop (erf)  }
0x100: {  	v1 =	vadd.f32 $1.000000000e+00, v1;
	_ =	sdelay $0x1  }
0x101: {  	(erf) = vrcp.f32 v1  }
.Ltmp0:
0x102: {  	(pc) =	sbr.rel @p0 .LBB2_2-.Ltmp0, $3  }
0x103: {  	_ =	sdelay $0x1  }
0x104: {  	v1 =	vmov s12  }
0x105: {  	s12 =	sadd.s32 $0x10, s12;
	v1 =	vshll.u32 v1, $0x5  }
0x106: {  	v1 =	vor.u32 v0, v1;
	_ =	sdelay $0x1  }
0x107: {  	v2 =	vor.u32 $0x1, v1  }
0x108: {  	s11 =	sadd.s32 $0x10, s11;
	v3 =	vpop (erf)  }
0x109: {  	v4 =	vor.u32 $0x2, v1;
	[tilespmem:s11+$0x0] =	vst v3  }
0x10a: {  	v3 =	vld.idx.msk [tilespmem:v1+s8+$0x0], $0xffff  }
0x10b: {  	v6 =	vor.u32 $0x3, v1;
	v5 =	vld.idx.msk [tilespmem:v1+s2+$0x0], $0xffff  }
0x10c: {  	v7 =	vld.idx.msk [tilespmem:v2+s2+$0x0], $0xffff  }
0x10d: {  	v8 =	vor.u32 $0x4, v1;
	v2 =	vld.idx.msk [tilespmem:v2+s8+$0x0], $0xffff  }
0x10e: {  	v9 =	vld.idx.msk [tilespmem:v4+s2+$0x0], $0xffff  }
0x10f: {  	v10 =	vor.u32 $0x5, v1;
	v4 =	vld.idx.msk [tilespmem:v4+s8+$0x0], $0xffff  }
0x110: {  	v11 =	vld.idx.msk [tilespmem:v6+s2+$0x0], $0xffff;
	v3 =	vmul.f32 v3, v5  }
0x111: {  	v34 =	vor.u32 $0x6, v1;
	v33 =	vld.idx.msk [tilespmem:v6+s8+$0x0], $0xffff  }
0x112: {  	v12 =	vld.idx.msk [tilespmem:v8+s2+$0x0], $0xffff;
	v2 =	vmul.f32 v2, v7;
	v3 =	vadd.f32 $0.0e+00, v3  }
0x113: {  	v36 =	vor.u32 $0x7, v1;
	v35 =	vld.idx.msk [tilespmem:v8+s8+$0x0], $0xffff  }
0x114: {  	v13 =	vld.idx.msk [tilespmem:v10+s2+$0x0], $0xffff;
	v2 =	vadd.f32 v2, v3;
	v3 =	vmul.f32 v4, v9  }
0x115: {  	v38 =	vor.u32 $0x8, v1;
	v37 =	vld.idx.msk [tilespmem:v10+s8+$0x0], $0xffff  }
0x116: {  	v39 =	vld.idx.msk [tilespmem:v34+s2+$0x0], $0xffff;
	v2 =	vadd.f32 v3, v2;
	v3 =	vmul.f32 v33, v11  }
0x117: {  	v41 =	vor.u32 $0x9, v1;
	v40 =	vld.idx.msk [tilespmem:v34+s8+$0x0], $0xffff  }
0x118: {  	v42 =	vld.idx.msk [tilespmem:v36+s2+$0x0], $0xffff;
	v2 =	vadd.f32 v3, v2;
	v3 =	vmul.f32 v35, v12  }
0x119: {  	v44 =	vor.u32 $0xA, v1;
	v43 =	vld.idx.msk [tilespmem:v36+s8+$0x0], $0xffff  }
0x11a: {  	v45 =	vld.idx.msk [tilespmem:v38+s2+$0x0], $0xffff;
	v2 =	vadd.f32 v3, v2;
	v3 =	vmul.f32 v37, v13  }
0x11b: {  	v47 =	vor.u32 $0xB, v1;
	v46 =	vld.idx.msk [tilespmem:v38+s8+$0x0], $0xffff  }
0x11c: {  	v48 =	vld.idx.msk [tilespmem:v41+s2+$0x0], $0xffff;
	v2 =	vadd.f32 v3, v2;
	v3 =	vmul.f32 v40, v39  }
0x11d: {  	v50 =	vor.u32 $0xC, v1;
	v49 =	vld.idx.msk [tilespmem:v41+s8+$0x0], $0xffff  }
0x11e: {  	v51 =	vld.idx.msk [tilespmem:v44+s2+$0x0], $0xffff;
	v2 =	vadd.f32 v3, v2;
	v3 =	vmul.f32 v43, v42  }
0x11f: {  	v53 =	vor.u32 $0xD, v1;
	v52 =	vld.idx.msk [tilespmem:v44+s8+$0x0], $0xffff  }
0x120: {  	v54 =	vld.idx.msk [tilespmem:v47+s2+$0x0], $0xffff;
	v2 =	vadd.f32 v3, v2;
	v3 =	vmul.f32 v46, v45  }
0x121: {  	v56 =	vor.u32 $0xE, v1;
	v55 =	vld.idx.msk [tilespmem:v47+s8+$0x0], $0xffff  }
0x122: {  	v57 =	vld.idx.msk [tilespmem:v50+s2+$0x0], $0xffff;
	v2 =	vadd.f32 v3, v2;
	v3 =	vmul.f32 v49, v48  }
0x123: {  	v59 =	vor.u32 $0xF, v1;
	v58 =	vld.idx.msk [tilespmem:v50+s8+$0x0], $0xffff  }
0x124: {  	v60 =	vld.idx.msk [tilespmem:v53+s2+$0x0], $0xffff;
	v2 =	vadd.f32 v3, v2;
	v3 =	vmul.f32 v52, v51  }
0x125: {  	v62 =	vor.u32 $0x10, v1;
	v61 =	vld.idx.msk [tilespmem:v53+s8+$0x0], $0xffff  }
0x126: {  	v63 =	vld.idx.msk [tilespmem:v56+s2+$0x0], $0xffff;
	v2 =	vadd.f32 v3, v2;
	v3 =	vmul.f32 v55, v54  }
0x127: {  	v17 =	vor.u32 $0x11, v1;
	v16 =	vld.idx.msk [tilespmem:v56+s8+$0x0], $0xffff  }
0x128: {  	v18 =	vld.idx.msk [tilespmem:v59+s2+$0x0], $0xffff;
	v2 =	vadd.f32 v3, v2;
	v3 =	vmul.f32 v58, v57  }
0x129: {  	v20 =	vor.u32 $0x12, v1;
	v19 =	vld.idx.msk [tilespmem:v59+s8+$0x0], $0xffff  }
0x12a: {  	v21 =	vld.idx.msk [tilespmem:v62+s2+$0x0], $0xffff;
	v2 =	vadd.f32 v3, v2;
	v3 =	vmul.f32 v61, v60  }
0x12b: {  	v23 =	vor.u32 $0x13, v1;
	v22 =	vld.idx.msk [tilespmem:v62+s8+$0x0], $0xffff  }
0x12c: {  	v24 =	vld.idx.msk [tilespmem:v17+s2+$0x0], $0xffff;
	v2 =	vadd.f32 v3, v2;
	v3 =	vmul.f32 v16, v63  }
0x12d: {  	v26 =	vor.u32 $0x14, v1;
	v25 =	vld.idx.msk [tilespmem:v17+s8+$0x0], $0xffff  }
0x12e: {  	v27 =	vld.idx.msk [tilespmem:v20+s2+$0x0], $0xffff;
	v2 =	vadd.f32 v3, v2;
	v3 =	vmul.f32 v19, v18  }
0x12f: {  	v29 =	vor.u32 $0x15, v1;
	v28 =	vld.idx.msk [tilespmem:v20+s8+$0x0], $0xffff  }
0x130: {  	v30 =	vld.idx.msk [tilespmem:v23+s2+$0x0], $0xffff;
	v2 =	vadd.f32 v3, v2;
	v3 =	vmul.f32 v22, v21  }
0x131: {  	v32 =	vor.u32 $0x16, v1;
	v31 =	vld.idx.msk [tilespmem:v23+s8+$0x0], $0xffff  }
0x132: {  	v34 =	vld.idx.msk [tilespmem:v26+s8+$0x0], $0xffff;
	v2 =	vadd.f32 v3, v2;
	v3 =	vmul.f32 v25, v24  }
0x133: {  	v33 =	vld.idx.msk [tilespmem:v26+s2+$0x0], $0xffff;
	v35 =	vor.u32 $0x17, v1  }
0x134: {  	v36 =	vld.idx.msk [tilespmem:v29+s2+$0x0], $0xffff;
	v2 =	vadd.f32 v3, v2;
	v3 =	vmul.f32 v28, v27  }
0x135: {  	v38 =	vor.u32 $0x18, v1;
	v37 =	vld.idx.msk [tilespmem:v29+s8+$0x0], $0xffff  }
0x136: {  	v39 =	vld.idx.msk [tilespmem:v32+s2+$0x0], $0xffff;
	v2 =	vadd.f32 v3, v2;
	v3 =	vmul.f32 v31, v30  }
0x137: {  	v41 =	vor.u32 $0x19, v1;
	v40 =	vld.idx.msk [tilespmem:v32+s8+$0x0], $0xffff  }
0x138: {  	v42 =	vld.idx.msk [tilespmem:v35+s2+$0x0], $0xffff;
	v2 =	vadd.f32 v3, v2;
	v3 =	vmul.f32 v34, v33  }
0x139: {  	v44 =	vor.u32 $0x1A, v1;
	v43 =	vld.idx.msk [tilespmem:v35+s8+$0x0], $0xffff  }
0x13a: {  	v45 =	vld.idx.msk [tilespmem:v38+s2+$0x0], $0xffff;
	v2 =	vadd.f32 v3, v2;
	v3 =	vmul.f32 v37, v36  }
0x13b: {  	v47 =	vor.u32 $0x1B, v1;
	v46 =	vld.idx.msk [tilespmem:v38+s8+$0x0], $0xffff  }
0x13c: {  	v48 =	vld.idx.msk [tilespmem:v41+s2+$0x0], $0xffff;
	v2 =	vadd.f32 v3, v2;
	v3 =	vmul.f32 v40, v39  }
0x13d: {  	v50 =	vor.u32 $0x1C, v1;
	v49 =	vld.idx.msk [tilespmem:v41+s8+$0x0], $0xffff  }
0x13e: {  	v51 =	vld.idx.msk [tilespmem:v44+s2+$0x0], $0xffff;
	v2 =	vadd.f32 v3, v2;
	v3 =	vmul.f32 v43, v42  }
0x13f: {  	v53 =	vor.u32 $0x1D, v1;
	v52 =	vld.idx.msk [tilespmem:v44+s8+$0x0], $0xffff  }
0x140: {  	v54 =	vld.idx.msk [tilespmem:v47+s2+$0x0], $0xffff;
	v2 =	vadd.f32 v3, v2;
	v3 =	vmul.f32 v46, v45  }
0x141: {  	v56 =	vor.u32 $0x1E, v1;
	v55 =	vld.idx.msk [tilespmem:v47+s8+$0x0], $0xffff  }
0x142: {  	v57 =	vld.idx.msk [tilespmem:v50+s2+$0x0], $0xffff;
	v2 =	vadd.f32 v3, v2;
	v3 =	vmul.f32 v49, v48  }
0x143: {  	v1 =	vor.u32 $0x1F, v1;
	v58 =	vld.idx.msk [tilespmem:v50+s8+$0x0], $0xffff  }
0x144: {  	v59 =	vld.idx.msk [tilespmem:v53+s2+$0x0], $0xffff;
	v2 =	vadd.f32 v3, v2;
	v3 =	vmul.f32 v52, v51  }
0x145: {  	v60 =	vld.idx.msk [tilespmem:v53+s8+$0x0], $0xffff  }
0x146: {  	v62 =	vld.idx.msk [tilespmem:v56+s8+$0x0], $0xffff;
	v2 =	vadd.f32 v3, v2;
	v3 =	vmul.f32 v55, v54  }
0x147: {  	v61 =	vld.idx.msk [tilespmem:v56+s2+$0x0], $0xffff  }
0x148: {  	v63 =	vld.idx.msk [tilespmem:v1+s2+$0x0], $0xffff;
	v2 =	vadd.f32 v3, v2;
	v3 =	vmul.f32 v58, v57  }
0x149: {  	v1 =	vld.idx.msk [tilespmem:v1+s8+$0x0], $0xffff  }
0x14a: {  	v2 =	vadd.f32 v3, v2;
	v3 =	vmul.f32 v60, v59;
	_ =	sdelay $0x1  }
0x14b: {  	v2 =	vadd.f32 v3, v2;
	v3 =	vmul.f32 v62, v61;
	_ =	sdelay $0x1  }
0x14c: {  	v1 =	vmul.f32 v1, v63;
	v2 =	vadd.f32 v3, v2;
	_ =	sdelay $0x1  }
0x14d: {  	v1 =	vadd.f32 v1, v2;
	_ =	sdelay $0x1  }
0x14e: {  	v1 =	vxor.u32 $0x80000000, v1  }
0x14f: {  	v1 =	vmin.f32 v1, $8.000000000e+01  }
0x150: {  	v1 =	vmul.f32 $1.442695020e+00, v1;
	_ =	sdelay $0x1  }
0x151: {  	(erf) = vpow2.f32 v1;
	_ =	sdelay $0x8  }
0x152: {  	v1 =	vpop (erf)  }
0x153: {  	v1 =	vadd.f32 $1.000000000e+00, v1;
	_ =	sdelay $0x1  }
0x154: {  	(erf) = vrcp.f32 v1;
	_ =	sdelay $0x7  }
0x155: {  	s10 =	sadd.s32 $0x1, s10  }
0x156: {  	p0 =	sne.s32 s10, s6;
	s11 =	sadd.s32 $0x10, s11;
	v1 =	vpop (erf)  }
.Ltmp1:
0x157: {  	[tilespmem:s11+$0x0] =	vst v1;
	(pc) =	sbr.rel @p0 .LBB2_1-.Ltmp1, $4  }
0x158: {  	[hbm4b:s5+s2] =	stream.linear.scatter [tilespmem:s9], [sflag:$0x1], $0x200, $0x38;
	[tilespmem:$0x8200] =	vst v63  }
0x159: {  	_ =	swait.ge [sflag:s7], $0x200  }
0x15a: {  	[sflag:s7] =	ssyncset.done $0x0  }
0x15b: {  	[sflag:s7] =	ssyncadd.s32 $0xFFFFFE00  }
0x15c: {  	_ =	sfence.sel $0x180000  }
0x15d: {  	[bflag:$0x0] =	sbarrier.arrive $0xFFFF  }
0x15e: {  	p0 =	sne.s32 s1, $0x0;
	_ =	strace $0x9000004A  }
0x15f: {  	s0 =	sadd.s32 @!p0 $0x100000, s0;
	[bflag:$0x2] =	sbarrier.arrive $0xFFFF  }
0x160: {  	[sflag:s0] =	ssyncadd.tile.s32 @!p0 $0x1;
	_ =	shalt  }
.Lfunc_end2:
_tile_overlayer_lowered:
.L_overlay_start_2:
0x161: {  	(tag) =	ssettag $0x2  }
0x162: {  	s0 =	rddreg [dreg:$0x0];
	s2 =	stileid.u32  }
0x163: {  	s1 =	rddreg [dreg:$0x1];
	p0 =	sne.s32 s2, $0x0  }
0x164: {  	s3 =	rddreg [dreg:$0x2];
	[bflag:$0x3] =	sbarrier.arrive $0xFFFF;
	s2 =	simm.s32 @!p0 $0x1C01  }
0x165: {  	[timem:s3], [sflag:s2] =	dma.local @!p0 [hbm:s0], s1  }
0x166: {  	s0 =	simm.s32 @!p0 $0x1  }
0x167: {  	_ =	swait.ge @!p0 [sflag:s0], s1  }
0x168: {  	s1 =	ssub.s32 @!p0 $0x0, s1;
	[sflag:s0] =	ssyncset.done @!p0 $0x0  }
0x169: {  	[sflag:s0] =	ssyncadd.s32 @!p0 s1  }
0x16a: {  	[bflag:$0x3] =	sbarrier.arrive $0xFFFF  }
0x16b: {  	_ =	shalt  }

</sc_bundles>
